<compile_context>
chip_gen: v7x
topology: tpu7x:2x2x1
jax: 0.10.2.dev20260603
libtpu: 0.0.44.dev20260713+nightly
codegen_flags: <defaults>
</compile_context>

<pallas_src>
import jax
import jax.numpy as jnp
from jax import lax
from jax.experimental import pallas as pl
from jax.experimental.pallas import tpu as pltpu
from jax.experimental.pallas import tpu_sc as plsc

N = 10000
E = 320000
D = 128
DH = D // 2
NC = 2
NS = 16
NPAD = 10240
CW = 16

NBUF = 4
NIDX = 8
GLA = 3
SDR = 1
ILA = 5

CHUNK1, STEPS1 = 96, 216
CHUNK2, STEPS2 = 128, 160
EPAD1 = NS * STEPS1 * CHUNK1
EPAD2 = NS * STEPS2 * CHUNK2


def _make_sc_body(with_counts, CHUNK, STEPS):
    def body(feat_hbm, src_hbm, dst_hbm, aggp_hbm, *rest):
        if with_counts:
            (cntp_hbm, acc, table, cnt, src_idx, dst_idx, rows, ones_v,
             *sems) = rest
        else:
            (acc, table, src_idx, dst_idx, rows, ones_v, *sems) = rest
        sem_g = sems[0:NBUF]
        sem_s = sems[NBUF:2 * NBUF]
        sem_o = sems[2 * NBUF:3 * NBUF]
        sem_i = sems[3 * NBUF:3 * NBUF + NIDX]

        cid = lax.axis_index("c")
        sid = lax.axis_index("s")

        def zrow(i, _):
            r = i // (DH // 16)
            c = i % (DH // 16)
            rows[0, r, pl.ds(c * 16, 16)] = jnp.zeros((16,), jnp.float32)
            return 0
        lax.fori_loop(0, CHUNK * (DH // 16), zrow, 0)

        if with_counts:
            def zcnt(i, _):
                ones_v[i, :] = jnp.zeros((16,), jnp.float32)
                return 0
            lax.fori_loop(0, CHUNK, zcnt, 0)

        rows_per_tile = NPAD // NS
        row0 = sid * rows_per_tile
        nfull = rows_per_tile // CHUNK
        rem = rows_per_tile % CHUNK

        def zacc(k, _):
            pltpu.sync_copy(rows.at[0], acc.at[pl.ds(row0 + k * CHUNK, CHUNK)])
            if with_counts:
                pltpu.sync_copy(ones_v,
                                cnt.at[pl.ds(row0 + k * CHUNK, CHUNK)])
            return 0
        lax.fori_loop(0, nfull, zacc, 0)
        if rem:
            pltpu.sync_copy(rows.at[0, pl.ds(0, rem)],
                            acc.at[pl.ds(row0 + nfull * CHUNK, rem)])
            if with_counts:
                pltpu.sync_copy(ones_v.at[pl.ds(0, rem)],
                                cnt.at[pl.ds(row0 + nfull * CHUNK, rem)])

        if with_counts:
            def onesfill(i, _):
                ones_v[i, :] = jnp.ones((16,), jnp.float32)
                return 0
            lax.fori_loop(0, CHUNK, onesfill, 0)

        trows = N // NS
        pltpu.sync_copy(
            feat_hbm.at[pl.ds(cid * N + sid * trows, trows)],
            table.at[pl.ds(sid * trows, trows)])
        plsc.subcore_barrier()

        ebase = sid * (STEPS * CHUNK)

        def src_slice(j):
            return src_hbm.at[pl.ds(ebase + j * CHUNK, CHUNK)]

        def dst_slice(j):
            return dst_hbm.at[pl.ds(ebase + j * CHUNK, CHUNK)]

        def idx_load(j, s):
            pltpu.async_copy(src_slice(j), src_idx.at[s], sem_i[s])
            pltpu.async_copy(dst_slice(j), dst_idx.at[s], sem_i[s])

        def idx_wait(j, s):
            pltpu.make_async_copy(src_slice(j), src_idx.at[s],
                                  sem_i[s]).wait()
            pltpu.make_async_copy(dst_slice(j), dst_idx.at[s],
                                  sem_i[s]).wait()

        def gather_start(isl, rsl):
            pltpu.async_copy(table.at[src_idx.at[isl]], rows.at[rsl],
                             sem_g[rsl])

        def gather_wait(isl, rsl):
            pltpu.make_async_copy(table.at[src_idx.at[isl]], rows.at[rsl],
                                  sem_g[rsl]).wait()

        def scat_wait(isl, rsl):
            pltpu.make_async_copy(rows.at[rsl], acc.at[dst_idx.at[isl]],
                                  sem_s[rsl]).wait()

        def ones_wait(isl, rsl):
            pltpu.make_async_copy(ones_v, cnt.at[dst_idx.at[isl]],
                                  sem_o[rsl]).wait()

        for k in range(ILA):
            idx_load(k, k % NIDX)
        for k in range(GLA):
            idx_wait(k, k % NIDX)
            gather_start(k % NIDX, k % NBUF)

        def visit(j, v):
            rs = v % NBUF
            ns = (v + GLA) % NBUF
            is_j = v % NIDX
            is_g = (v + GLA) % NIDX
            is_d = (v + NIDX - SDR) % NIDX
            is_n = (v + ILA) % NIDX

            gather_wait(is_j, rs)
            pltpu.async_copy(rows.at[rs], acc.at[dst_idx.at[is_j]],
                             sem_s[rs], add=True)

            if with_counts:
                @pl.when(cid == v % 2)
                def _():
                    pltpu.async_copy(ones_v, cnt.at[dst_idx.at[is_j]],
                                     sem_o[rs], add=True)

            @pl.when(j >= SDR)
            def _():
                scat_wait(is_d, ns)

                if with_counts:
                    @pl.when(cid == (v + SDR) % 2)
                    def _():
                        ones_wait(is_d, ns)

            @pl.when(j + ILA < STEPS)
            def _():
                idx_load(j + ILA, is_n)

            @pl.when(j + GLA < STEPS)
            def _():
                idx_wait(j + GLA, is_g)
                gather_start(is_g, ns)

        def outer(G, _):
            for v in range(NIDX):
                visit(NIDX * G + v, v)
            return 0
        lax.fori_loop(0, STEPS // NIDX, outer, 0)

        for k in range(STEPS - SDR, STEPS):
            scat_wait(k % NIDX, k % NBUF)
            if with_counts:
                @pl.when(cid == k % 2)
                def _():
                    ones_wait(k % NIDX, k % NBUF)

        plsc.subcore_barrier()

        pltpu.sync_copy(acc.at[pl.ds(row0, rows_per_tile)],
                        aggp_hbm.at[cid, pl.ds(row0, rows_per_tile)])
        if with_counts:
            pltpu.sync_copy(cnt.at[pl.ds(row0, rows_per_tile)],
                            cntp_hbm.at[cid, pl.ds(row0, rows_per_tile)])

    return body


def _make_sc_agg(with_counts, CHUNK, STEPS):
    if with_counts:
        out_type = [jax.ShapeDtypeStruct((NC, NPAD, DH), jnp.float32),
                    jax.ShapeDtypeStruct((NC, NPAD, CW), jnp.float32)]
    else:
        out_type = jax.ShapeDtypeStruct((NC, NPAD, DH), jnp.float32)
    scratch = [
        pltpu.VMEM_SHARED((NPAD, DH), jnp.float32),
        pltpu.VMEM_SHARED((N, DH), jnp.float32),
    ]
    if with_counts:
        scratch.append(pltpu.VMEM_SHARED((NPAD, CW), jnp.float32))
    scratch += [
        pltpu.VMEM((NIDX, CHUNK), jnp.int32),
        pltpu.VMEM((NIDX, CHUNK), jnp.int32),
        pltpu.VMEM((NBUF, CHUNK, DH), jnp.float32),
        pltpu.VMEM((CHUNK, CW), jnp.float32),
    ] + [pltpu.SemaphoreType.DMA] * (3 * NBUF + NIDX)
    return pl.kernel(
        _make_sc_body(with_counts, CHUNK, STEPS),
        out_type=out_type,
        mesh=plsc.VectorSubcoreMesh(core_axis_name="c",
                                    subcore_axis_name="s"),
        scratch_types=scratch,
        compiler_params=pltpu.CompilerParams(use_tc_tiling_on_sc=False),
    )


_sc_agg_cnt = _make_sc_agg(True, CHUNK1, STEPS1)
_sc_agg_nocnt = _make_sc_agg(False, CHUNK2, STEPS2)


R = 1000


def _tc_layer_body(aggp_ref, cntp_ref, x_ref, wlT_ref, wrT_ref, bl_ref,
                   whT_ref, bh_ref, h_ref, hs_ref, o_ref):
    agg = jnp.concatenate([aggp_ref[0], aggp_ref[1]], axis=1)
    cnt = cntp_ref[0, :, 0:1] + cntp_ref[1, :, 0:1]
    mean = agg * (1.0 / jnp.maximum(cnt, 1.0))
    h = (jnp.dot(mean, wlT_ref[...], preferred_element_type=jnp.float32)
         + jnp.dot(x_ref[...], wrT_ref[...], preferred_element_type=jnp.float32)
         + bl_ref[...])
    h = jnp.maximum(h, 0.0)
    h_ref[...] = h
    hs_ref[0] = h[:, :DH]
    hs_ref[1] = h[:, DH:]
    o_ref[...] = (jnp.dot(h, whT_ref[...], preferred_element_type=jnp.float32)
                  + bh_ref[...])


_tc_layer = pl.pallas_call(
    _tc_layer_body,
    grid=(N // R,),
    in_specs=[
        pl.BlockSpec((NC, R, DH), lambda i: (0, i, 0)),
        pl.BlockSpec((NC, R, CW), lambda i: (0, i, 0)),
        pl.BlockSpec((R, D), lambda i: (i, 0)),
        pl.BlockSpec((D, D), lambda i: (0, 0)),
        pl.BlockSpec((D, D), lambda i: (0, 0)),
        pl.BlockSpec((1, D), lambda i: (0, 0)),
        pl.BlockSpec((D, 1), lambda i: (0, 0)),
        pl.BlockSpec((1, 1), lambda i: (0, 0)),
    ],
    out_specs=[
        pl.BlockSpec((R, D), lambda i: (i, 0)),
        pl.BlockSpec((NC, R, DH), lambda i: (0, i, 0)),
        pl.BlockSpec((R, 1), lambda i: (i, 0)),
    ],
    out_shape=[
        jax.ShapeDtypeStruct((N, D), jnp.float32),
        jax.ShapeDtypeStruct((NC, N, DH), jnp.float32),
        jax.ShapeDtypeStruct((N, 1), jnp.float32),
    ],
)


def kernel(x, edge_index, W1_l, b1_l, W1_r, W2_l, b2_l, W2_r, W_head, b_head):
    src = edge_index[0].astype(jnp.int32)
    dst = edge_index[1].astype(jnp.int32)

    def pad_to(a, n, fill):
        return jnp.concatenate([a, jnp.full((n - E,), fill, jnp.int32)])

    src1 = pad_to(src, EPAD1, 0)
    dst1 = pad_to(dst, EPAD1, NPAD - 1)
    src2 = pad_to(src, EPAD2, 0)
    dst2 = pad_to(dst, EPAD2, NPAD - 1)

    xs = jnp.concatenate([x[:, :DH], x[:, DH:]], axis=0)

    w_head_T = W_head.T
    b_head_c = b_head.reshape(1, 1)

    aggp1, cntp = _sc_agg_cnt(xs, src1, dst1)
    h1, h1s, _ = _tc_layer(aggp1, cntp, x, W1_l.T, W1_r.T, b1_l.reshape(1, D),
                           w_head_T, b_head_c)
    aggp2 = _sc_agg_nocnt(h1s.reshape(NC * N, DH), src2, dst2)
    h2, _, oc = _tc_layer(aggp2, cntp, h1, W2_l.T, W2_r.T, b2_l.reshape(1, D),
                          w_head_T, b_head_c)
    return (oc[:, 0], h2)

# --- scband reference (transcript-rebuilt; emitter-appended) ---
"""Pipeline reference for scband-social-trust-graph-sage-2963527434318 (READ-ONLY COPY).

The authoritative reference and input builder live on the scoring server;
editing this copy changes nothing except your own understanding.
"""

import jax, jax.numpy as jnp
import numpy as np

N_NODES = 10000
N_EDGES = 320000
D_IN = 128
D_HID = 128


def _sage_conv(x, edge_index, W_l, b_l, W_r, num_nodes):
    # PyG SAGEConv (aggr='mean'): out = lin_l(mean_j x_j) + lin_r(x_i)
    src = edge_index[0]
    dst = edge_index[1]
    msg = x[src]  # gather source node features per edge
    agg = jax.ops.segment_sum(msg, dst, num_segments=num_nodes)
    cnt = jax.ops.segment_sum(jnp.ones((edge_index.shape[1],), x.dtype), dst, num_segments=num_nodes)
    mean = agg / jnp.clip(cnt, 1.0)[:, None]
    return mean @ W_l.T + b_l + x @ W_r.T


def setup_inputs(seed: int = 0) -> dict:
    key = jax.random.key(seed)
    ks = jax.random.split(key, 10)
    x = jax.random.normal(ks[0], (N_NODES, D_IN), dtype=jnp.float32)
    edge_index = jax.random.randint(ks[1], (2, N_EDGES), 0, N_NODES, dtype=jnp.int64)
    s1 = 1.0 / np.sqrt(D_IN)
    s2 = 1.0 / np.sqrt(D_HID)
    W1_l = jax.random.uniform(ks[2], (D_HID, D_IN), jnp.float32, -s1, s1)
    b1_l = jax.random.uniform(ks[3], (D_HID,), jnp.float32, -s1, s1)
    W1_r = jax.random.uniform(ks[4], (D_HID, D_IN), jnp.float32, -s1, s1)
    W2_l = jax.random.uniform(ks[5], (D_HID, D_HID), jnp.float32, -s2, s2)
    b2_l = jax.random.uniform(ks[6], (D_HID,), jnp.float32, -s2, s2)
    W2_r = jax.random.uniform(ks[7], (D_HID, D_HID), jnp.float32, -s2, s2)
    W_head = jax.random.uniform(ks[8], (1, D_HID), jnp.float32, -s2, s2)
    b_head = jax.random.uniform(ks[9], (1,), jnp.float32, -s2, s2)
    return {"x": x, "edge_index": edge_index, "W1_l": W1_l, "b1_l": b1_l, "W1_r": W1_r,
            "W2_l": W2_l, "b2_l": b2_l, "W2_r": W2_r, "W_head": W_head, "b_head": b_head}


def reference(x, edge_index, W1_l, b1_l, W1_r, W2_l, b2_l, W2_r, W_head, b_head):
    h = _sage_conv(x, edge_index, W1_l, b1_l, W1_r, N_NODES)
    h = jax.nn.relu(h)
    h = _sage_conv(h, edge_index, W2_l, b2_l, W2_r, N_NODES)
    h = jax.nn.relu(h)
    out = (h @ W_head.T + b_head).squeeze(-1)
    return (out, h)

if __name__ == "__main__":
    import jax
    _d = setup_inputs()
    print(jax.jit(kernel)(*tuple(_d.values())))

</pallas_src>

<mosaic_0001>
#map = affine_map<(d0, d1) -> (0, 0)>
#map1 = affine_map<(d0, d1) -> (0)>
#map2 = affine_map<(d0, d1) -> (0, 0, 0)>
module attributes {stable_mosaic.version = 14 : i64} {
  func.func @body(%arg0: i32, %arg1: i32, %arg2: memref<20000x64xf32, #tpu.memory_space<hbm>>, %arg3: memref<327680xi32, #tpu.memory_space<hbm>>, %arg4: memref<327680xi32, #tpu.memory_space<hbm>>, %arg5: memref<2x10240x64xf32, #tpu.memory_space<hbm>>, %arg6: memref<10240x64xf32, #tpu.memory_space<vmem_shared>>, %arg7: memref<10000x64xf32, #tpu.memory_space<vmem_shared>>, %arg8: memref<8x128xi32, #tpu.memory_space<vmem>>, %arg9: memref<8x128xi32, #tpu.memory_space<vmem>>, %arg10: memref<4x128x64xf32, #tpu.memory_space<vmem>>, %arg11: memref<128x16xf32, #tpu.memory_space<vmem>>, %arg12: memref<!tpu.dma_semaphore, #tpu.memory_space<semaphore_mem>>, %arg13: memref<!tpu.dma_semaphore, #tpu.memory_space<semaphore_mem>>, %arg14: memref<!tpu.dma_semaphore, #tpu.memory_space<semaphore_mem>>, %arg15: memref<!tpu.dma_semaphore, #tpu.memory_space<semaphore_mem>>, %arg16: memref<!tpu.dma_semaphore, #tpu.memory_space<semaphore_mem>>, %arg17: memref<!tpu.dma_semaphore, #tpu.memory_space<semaphore_mem>>, %arg18: memref<!tpu.dma_semaphore, #tpu.memory_space<semaphore_mem>>, %arg19: memref<!tpu.dma_semaphore, #tpu.memory_space<semaphore_mem>>, %arg20: memref<!tpu.dma_semaphore, #tpu.memory_space<semaphore_mem>>, %arg21: memref<!tpu.dma_semaphore, #tpu.memory_space<semaphore_mem>>, %arg22: memref<!tpu.dma_semaphore, #tpu.memory_space<semaphore_mem>>, %arg23: memref<!tpu.dma_semaphore, #tpu.memory_space<semaphore_mem>>, %arg24: memref<!tpu.dma_semaphore, #tpu.memory_space<semaphore_mem>>, %arg25: memref<!tpu.dma_semaphore, #tpu.memory_space<semaphore_mem>>, %arg26: memref<!tpu.dma_semaphore, #tpu.memory_space<semaphore_mem>>, %arg27: memref<!tpu.dma_semaphore, #tpu.memory_space<semaphore_mem>>, %arg28: memref<!tpu.dma_semaphore, #tpu.memory_space<semaphore_mem>>, %arg29: memref<!tpu.dma_semaphore, #tpu.memory_space<semaphore_mem>>, %arg30: memref<!tpu.dma_semaphore, #tpu.memory_space<semaphore_mem>>, %arg31: memref<!tpu.dma_semaphore, #tpu.memory_space<semaphore_mem>>) attributes {dimension_semantics = [#tpu.dimension_semantics<core_parallel>, #tpu.dimension_semantics<subcore_parallel>], iteration_bounds = array<i64: 2, 16>, scalar_prefetch = 0 : i64, scratch_operands = 26 : i64, tpu.core_type = #tpu.core_type<sc_vector_subcore>, window_params = [{transform_indices = #map}, {transform_indices = #map1}, {transform_indices = #map1}, {transform_indices = #map2}]} {
    %scan3A = arith.constant 0 : i32
    %scan3A_0 = arith.constant 0 : i32
    %scan3A_1 = arith.constant 512 : i32
    %scan3A_2 = arith.addi %scan3A_0, %scan3A_1 : i32
    %scan3A_3 = arith.constant 1 : i32
    %scan3A_4 = scf.for %scan3A_252 = %scan3A_0 to %scan3A_2 step %scan3A_3 iter_args(%scan3A_253 = %scan3A) -> (i32)  : i32 {
      %jit3A = arith.constant 4 : i32
      %div3A = arith.divsi %scan3A_252, %jit3A : i32
      %sign3A = arith.constant 0 : i32
      %sign3A_254 = arith.cmpi sgt, %scan3A_252, %sign3A : i32
      %sign3A_255 = arith.extui %sign3A_254 : i1 to i32
      %sign3A_256 = arith.constant 0 : i32
      %sign3A_257 = arith.cmpi slt, %scan3A_252, %sign3A_256 : i32
      %sign3A_258 = arith.extui %sign3A_257 : i1 to i32
      %sign3A_259 = arith.subi %sign3A_255, %sign3A_258 : i32
      %sign3A_260 = arith.constant 0 : i32
      %sign3A_261 = arith.cmpi sgt, %jit3A, %sign3A_260 : i32
      %sign3A_262 = arith.extui %sign3A_261 : i1 to i32
      %sign3A_263 = arith.constant 0 : i32
      %sign3A_264 = arith.cmpi slt, %jit3A, %sign3A_263 : i32
      %sign3A_265 = arith.extui %sign3A_264 : i1 to i32
      %sign3A_266 = arith.subi %sign3A_262, %sign3A_265 : i32
      %ne3A = arith.cmpi ne, %sign3A_259, %sign3A_266 : i32
      %rem3A = arith.remsi %scan3A_252, %jit3A : i32
      %ne3A_267 = arith.constant 0 : i32
      %ne3A_268 = arith.cmpi ne, %rem3A, %ne3A_267 : i32
      %and3A = arith.andi %ne3A, %ne3A_268 : i1
      %sub3A = arith.constant 1 : i32
      %sub3A_269 = arith.subi %div3A, %sub3A : i32
      %select_n3A = arith.select %and3A, %sub3A_269, %div3A : i32
      %jit3A_270 = arith.constant 4 : i32
      %eq3A = arith.constant 0 : i32
      %eq3A_271 = arith.cmpi eq, %jit3A_270, %eq3A : i32
      %jit3A_272 = arith.constant 1 : i32
      %select_n3A_273 = arith.select %eq3A_271, %jit3A_272, %jit3A_270 : i32
      %rem3A_274 = arith.remsi %scan3A_252, %select_n3A_273 : i32
      %ne3A_275 = arith.constant 0 : i32
      %ne3A_276 = arith.cmpi ne, %rem3A_274, %ne3A_275 : i32
      %lt3A = arith.constant 0 : i32
      %lt3A_277 = arith.cmpi slt, %rem3A_274, %lt3A : i32
      %lt3A_278 = arith.constant 0 : i32
      %lt3A_279 = arith.cmpi slt, %select_n3A_273, %lt3A_278 : i32
      %ne3A_280 = arith.xori %lt3A_277, %lt3A_279 : i1
      %and3A_281 = arith.andi %ne3A_280, %ne3A_276 : i1
      %add3A_282 = arith.addi %rem3A_274, %select_n3A_273 : i32
      %select_n3A_283 = arith.select %and3A_281, %add3A_282, %rem3A_274 : i32
      %broadcast_in_dim3A = arith.constant 0.000000e+00 : f32
      %broadcast_in_dim3A_284 = vector.broadcast %broadcast_in_dim3A : f32 to vector<16xf32>
      %mul3A_285 = arith.constant 16 : i32
      %mul3A_286 = arith.muli %select_n3A_283, %mul3A_285 : i32
      %swap3A = arith.constant 0 : i32
      %swap3A_287 = arith.index_cast %swap3A : i32 to index
      %swap3A_288 = arith.index_cast %select_n3A : i32 to index
      %swap3A_289 = arith.index_cast %mul3A_286 : i32 to index
      %swap3A_290 = tpu.vector_load %arg10[%swap3A_287, %swap3A_288, %swap3A_289] {strides = array<i32>} : memref<4x128x64xf32, #tpu.memory_space<vmem>>, vector<1x1x16xf32>,
      %swap3A_291 = vector.shape_cast %swap3A_290 : vector<1x1x16xf32> to vector<16xf32>
      %swap3A_292 = vector.shape_cast %broadcast_in_dim3A_284 : vector<16xf32> to vector<1x1x16xf32>
      tpu.vector_store %arg10[%swap3A_287, %swap3A_288, %swap3A_289], %swap3A_292 {strides = array<i32>} : memref<4x128x64xf32, #tpu.memory_space<vmem>>, vector<1x1x16xf32>,
      %scan3A_293 = arith.constant 0 : i32
      scf.yield %scan3A_293 : i32
    }
    %scan3A_5 = arith.constant 512 : i32
    %mul3A = arith.constant 640 : i32
    %mul3A_6 = arith.muli %arg1, %mul3A : i32
    %scan3A_7 = arith.constant 0 : i32
    %scan3A_8 = arith.constant 0 : i32
    %scan3A_9 = arith.constant 5 : i32
    %scan3A_10 = arith.addi %scan3A_8, %scan3A_9 : i32
    %scan3A_11 = arith.constant 1 : i32
    %scan3A_12 = scf.for %scan3A_252 = %scan3A_8 to %scan3A_10 step %scan3A_11 iter_args(%scan3A_253 = %scan3A_7) -> (i32)  : i32 {
      %mul3A_254 = arith.constant 128 : i32
      %mul3A_255 = arith.muli %scan3A_252, %mul3A_254 : i32
      %add3A_256 = arith.addi %mul3A_6, %mul3A_255 : i32
      %run_scoped3A = arith.constant 0 : i32
      "tpu.region"() ({
        %run_scoped3A_258 = tpu.sem_alloc : memref<!tpu.dma_semaphore, #tpu.memory_space<semaphore_mem>>
        %dma_start3A_259 = arith.constant 0 : i32
        %dma_start3A_260 = arith.constant 0 : i32
        %dma_start3A_261 = tpu.memref_slice %arg10[%run_scoped3A, %dma_start3A_259, %dma_start3A_260] : memref<4x128x64xf32, #tpu.memory_space<vmem>> -> memref<1x128x64xf32, #tpu.memory_space<vmem>>
        %dma_start3A_262 = tpu.memref_squeeze %dma_start3A_261 : memref<1x128x64xf32, #tpu.memory_space<vmem>> -> memref<128x64xf32, #tpu.memory_space<vmem>>
        %dma_start3A_263 = arith.constant 0 : i32
        %dma_start3A_264 = tpu.memref_slice %arg6[%add3A_256, %dma_start3A_263] : memref<10240x64xf32, #tpu.memory_space<vmem_shared>> -> memref<128x64xf32, #tpu.memory_space<vmem_shared>>
        %dma_start3A_265 = arith.constant 0 : i32
        %dma_start3A_266 = tpu.memref_slice %arg6[%add3A_256, %dma_start3A_265] : memref<10240x64xf32, #tpu.memory_space<vmem_shared>> -> memref<128x64xf32, #tpu.memory_space<vmem_shared>>
        %dma_start3A_267 = arith.constant 0 : i32
        %dma_start3A_268 = arith.constant 0 : i32
        %dma_start3A_269 = tpu.memref_slice %arg10[%run_scoped3A, %dma_start3A_267, %dma_start3A_268] : memref<4x128x64xf32, #tpu.memory_space<vmem>> -> memref<1x128x64xf32, #tpu.memory_space<vmem>>
        %dma_start3A_270 = tpu.memref_squeeze %dma_start3A_269 : memref<1x128x64xf32, #tpu.memory_space<vmem>> -> memref<128x64xf32, #tpu.memory_space<vmem>>
        tpu.enqueue_dma source(%dma_start3A_270 : memref<128x64xf32, #tpu.memory_space<vmem>>) target(%dma_start3A_266 : memref<128x64xf32, #tpu.memory_space<vmem_shared>>) target_semaphore(%run_scoped3A_258 : memref<!tpu.dma_semaphore, #tpu.memory_space<semaphore_mem>>)
        %dma_wait3A_271 = arith.constant 0 : i32
        %dma_wait3A_272 = arith.constant 0 : i32
        %dma_wait3A_273 = tpu.memref_slice %arg10[%run_scoped3A, %dma_wait3A_271, %dma_wait3A_272] : memref<4x128x64xf32, #tpu.memory_space<vmem>> -> memref<1x128x64xf32, #tpu.memory_space<vmem>>
        %dma_wait3A_274 = tpu.memref_squeeze %dma_wait3A_273 : memref<1x128x64xf32, #tpu.memory_space<vmem>> -> memref<128x64xf32, #tpu.memory_space<vmem>>
        %dma_wait3A_275 = arith.constant 0 : i32
        %dma_wait3A_276 = tpu.memref_slice %arg6[%add3A_256, %dma_wait3A_275] : memref<10240x64xf32, #tpu.memory_space<vmem_shared>> -> memref<128x64xf32, #tpu.memory_space<vmem_shared>>
        %dma_wait3A_277 = arith.constant 0 : i32
        %dma_wait3A_278 = tpu.memref_slice %arg6[%add3A_256, %dma_wait3A_277] : memref<10240x64xf32, #tpu.memory_space<vmem_shared>> -> memref<128x64xf32, #tpu.memory_space<vmem_shared>>
        %dma_wait3A_279 = arith.constant 0 : i32
        %dma_wait3A_280 = arith.constant 0 : i32
        %dma_wait3A_281 = tpu.memref_slice %arg10[%run_scoped3A, %dma_wait3A_279, %dma_wait3A_280] : memref<4x128x64xf32, #tpu.memory_space<vmem>> -> memref<1x128x64xf32, #tpu.memory_space<vmem>>
        %dma_wait3A_282 = tpu.memref_squeeze %dma_wait3A_281 : memref<1x128x64xf32, #tpu.memory_space<vmem>> -> memref<128x64xf32, #tpu.memory_space<vmem>>
        tpu.wait_dma2 semaphore(%run_scoped3A_258 : memref<!tpu.dma_semaphore, #tpu.memory_space<semaphore_mem>>) src(%dma_wait3A_282 : memref<128x64xf32, #tpu.memory_space<vmem>>) dst(%dma_wait3A_278 : memref<128x64xf32, #tpu.memory_space<vmem_shared>>)
        tpu.yield
      }) : () -> ()
      %scan3A_257 = arith.constant 0 : i32
      scf.yield %scan3A_257 : i32
    }
    %scan3A_13 = arith.constant 5 : i32
    %mul3A_14 = arith.constant 10000 : i32
    %mul3A_15 = arith.muli %arg0, %mul3A_14 : i32
    %mul3A_16 = arith.constant 625 : i32
    %mul3A_17 = arith.muli %arg1, %mul3A_16 : i32
    %add3A = arith.addi %mul3A_15, %mul3A_17 : i32
    %mul3A_18 = arith.constant 625 : i32
    %mul3A_19 = arith.muli %arg1, %mul3A_18 : i32
    "tpu.region"() ({
      %run_scoped3A = tpu.sem_alloc : memref<!tpu.dma_semaphore, #tpu.memory_space<semaphore_mem>>
      %dma_start3A_252 = arith.constant 0 : i32
      %dma_start3A_253 = tpu.memref_slice %arg7[%mul3A_19, %dma_start3A_252] : memref<10000x64xf32, #tpu.memory_space<vmem_shared>> -> memref<625x64xf32, #tpu.memory_space<vmem_shared>>
      %dma_start3A_254 = arith.constant 0 : i32
      %dma_start3A_255 = tpu.memref_slice %arg2[%add3A, %dma_start3A_254] : memref<20000x64xf32, #tpu.memory_space<hbm>> -> memref<625x64xf32, #tpu.memory_space<hbm>>
      tpu.enqueue_dma source(%dma_start3A_255 : memref<625x64xf32, #tpu.memory_space<hbm>>) target(%dma_start3A_253 : memref<625x64xf32, #tpu.memory_space<vmem_shared>>) target_semaphore(%run_scoped3A : memref<!tpu.dma_semaphore, #tpu.memory_space<semaphore_mem>>)
      %dma_wait3A_256 = arith.constant 0 : i32
      %dma_wait3A_257 = tpu.memref_slice %arg7[%mul3A_19, %dma_wait3A_256] : memref<10000x64xf32, #tpu.memory_space<vmem_shared>> -> memref<625x64xf32, #tpu.memory_space<vmem_shared>>
      %dma_wait3A_258 = arith.constant 0 : i32
      %dma_wait3A_259 = tpu.memref_slice %arg2[%add3A, %dma_wait3A_258] : memref<20000x64xf32, #tpu.memory_space<hbm>> -> memref<625x64xf32, #tpu.memory_space<hbm>>
      tpu.wait_dma2 semaphore(%run_scoped3A : memref<!tpu.dma_semaphore, #tpu.memory_space<semaphore_mem>>) src(%dma_wait3A_259 : memref<625x64xf32, #tpu.memory_space<hbm>>) dst(%dma_wait3A_257 : memref<625x64xf32, #tpu.memory_space<vmem_shared>>)
      tpu.yield
    }) : () -> ()
    %barrier3A = arith.constant 0 : index
    tpu.barrier barrier_id(%barrier3A)
    %mul3A_20 = arith.constant 20480 : i32
    %mul3A_21 = arith.muli %arg1, %mul3A_20 : i32
    %add3A_22 = arith.constant 0 : i32
    %add3A_23 = arith.addi %mul3A_21, %add3A_22 : i32
    %dma_start3A = arith.constant 0 : i32
    %dma_start3A_24 = arith.constant 0 : i32
    %dma_start3A_25 = tpu.memref_slice %arg8[%dma_start3A, %dma_start3A_24] : memref<8x128xi32, #tpu.memory_space<vmem>> -> memref<1x128xi32, #tpu.memory_space<vmem>>
    %dma_start3A_26 = tpu.memref_squeeze %dma_start3A_25 : memref<1x128xi32, #tpu.memory_space<vmem>> -> memref<128xi32, #tpu.memory_space<vmem>>
    %dma_start3A_27 = tpu.memref_slice %arg3[%add3A_23] : memref<327680xi32, #tpu.memory_space<hbm>> -> memref<128xi32, #tpu.memory_space<hbm>>
    %dma_start3A_28 = arith.constant 0 : i32
    %dma_start3A_29 = tpu.memref_slice %arg8[%dma_start3A, %dma_start3A_28] : memref<8x128xi32, #tpu.memory_space<vmem>> -> memref<1x128xi32, #tpu.memory_space<vmem>>
    %dma_start3A_30 = tpu.memref_squeeze %dma_start3A_29 : memref<1x128xi32, #tpu.memory_space<vmem>> -> memref<128xi32, #tpu.memory_space<vmem>>
    %dma_start3A_31 = tpu.memref_slice %arg3[%add3A_23] : memref<327680xi32, #tpu.memory_space<hbm>> -> memref<128xi32, #tpu.memory_space<hbm>>
    tpu.enqueue_dma source(%dma_start3A_31 : memref<128xi32, #tpu.memory_space<hbm>>) target(%dma_start3A_30 : memref<128xi32, #tpu.memory_space<vmem>>) target_semaphore(%arg24 : memref<!tpu.dma_semaphore, #tpu.memory_space<semaphore_mem>>)
    %add3A_32 = arith.constant 0 : i32
    %add3A_33 = arith.addi %mul3A_21, %add3A_32 : i32
    %dma_start3A_34 = arith.constant 0 : i32
    %dma_start3A_35 = arith.constant 0 : i32
    %dma_start3A_36 = tpu.memref_slice %arg9[%dma_start3A_34, %dma_start3A_35] : memref<8x128xi32, #tpu.memory_space<vmem>> -> memref<1x128xi32, #tpu.memory_space<vmem>>
    %dma_start3A_37 = tpu.memref_squeeze %dma_start3A_36 : memref<1x128xi32, #tpu.memory_space<vmem>> -> memref<128xi32, #tpu.memory_space<vmem>>
    %dma_start3A_38 = tpu.memref_slice %arg4[%add3A_33] : memref<327680xi32, #tpu.memory_space<hbm>> -> memref<128xi32, #tpu.memory_space<hbm>>
    %dma_start3A_39 = arith.constant 0 : i32
    %dma_start3A_40 = tpu.memref_slice %arg9[%dma_start3A_34, %dma_start3A_39] : memref<8x128xi32, #tpu.memory_space<vmem>> -> memref<1x128xi32, #tpu.memory_space<vmem>>
    %dma_start3A_41 = tpu.memref_squeeze %dma_start3A_40 : memref<1x128xi32, #tpu.memory_space<vmem>> -> memref<128xi32, #tpu.memory_space<vmem>>
    %dma_start3A_42 = tpu.memref_slice %arg4[%add3A_33] : memref<327680xi32, #tpu.memory_space<hbm>> -> memref<128xi32, #tpu.memory_space<hbm>>
    tpu.enqueue_dma source(%dma_start3A_42 : memref<128xi32, #tpu.memory_space<hbm>>) target(%dma_start3A_41 : memref<128xi32, #tpu.memory_space<vmem>>) target_semaphore(%arg24 : memref<!tpu.dma_semaphore, #tpu.memory_space<semaphore_mem>>)
    %add3A_43 = arith.constant 128 : i32
    %add3A_44 = arith.addi %mul3A_21, %add3A_43 : i32
    %dma_start3A_45 = arith.constant 1 : i32
    %dma_start3A_46 = arith.constant 0 : i32
    %dma_start3A_47 = tpu.memref_slice %arg8[%dma_start3A_45, %dma_start3A_46] : memref<8x128xi32, #tpu.memory_space<vmem>> -> memref<1x128xi32, #tpu.memory_space<vmem>>
    %dma_start3A_48 = tpu.memref_squeeze %dma_start3A_47 : memref<1x128xi32, #tpu.memory_space<vmem>> -> memref<128xi32, #tpu.memory_space<vmem>>
    %dma_start3A_49 = tpu.memref_slice %arg3[%add3A_44] : memref<327680xi32, #tpu.memory_space<hbm>> -> memref<128xi32, #tpu.memory_space<hbm>>
    %dma_start3A_50 = arith.constant 0 : i32
    %dma_start3A_51 = tpu.memref_slice %arg8[%dma_start3A_45, %dma_start3A_50] : memref<8x128xi32, #tpu.memory_space<vmem>> -> memref<1x128xi32, #tpu.memory_space<vmem>>
    %dma_start3A_52 = tpu.memref_squeeze %dma_start3A_51 : memref<1x128xi32, #tpu.memory_space<vmem>> -> memref<128xi32, #tpu.memory_space<vmem>>
    %dma_start3A_53 = tpu.memref_slice %arg3[%add3A_44] : memref<327680xi32, #tpu.memory_space<hbm>> -> memref<128xi32, #tpu.memory_space<hbm>>
    tpu.enqueue_dma source(%dma_start3A_53 : memref<128xi32, #tpu.memory_space<hbm>>) target(%dma_start3A_52 : memref<128xi32, #tpu.memory_space<vmem>>) target_semaphore(%arg25 : memref<!tpu.dma_semaphore, #tpu.memory_space<semaphore_mem>>)
    %add3A_54 = arith.constant 128 : i32
    %add3A_55 = arith.addi %mul3A_21, %add3A_54 : i32
    %dma_start3A_56 = arith.constant 1 : i32
    %dma_start3A_57 = arith.constant 0 : i32
    %dma_start3A_58 = tpu.memref_slice %arg9[%dma_start3A_56, %dma_start3A_57] : memref<8x128xi32, #tpu.memory_space<vmem>> -> memref<1x128xi32, #tpu.memory_space<vmem>>
    %dma_start3A_59 = tpu.memref_squeeze %dma_start3A_58 : memref<1x128xi32, #tpu.memory_space<vmem>> -> memref<128xi32, #tpu.memory_space<vmem>>
    %dma_start3A_60 = tpu.memref_slice %arg4[%add3A_55] : memref<327680xi32, #tpu.memory_space<hbm>> -> memref<128xi32, #tpu.memory_space<hbm>>
    %dma_start3A_61 = arith.constant 0 : i32
    %dma_start3A_62 = tpu.memref_slice %arg9[%dma_start3A_56, %dma_start3A_61] : memref<8x128xi32, #tpu.memory_space<vmem>> -> memref<1x128xi32, #tpu.memory_space<vmem>>
    %dma_start3A_63 = tpu.memref_squeeze %dma_start3A_62 : memref<1x128xi32, #tpu.memory_space<vmem>> -> memref<128xi32, #tpu.memory_space<vmem>>
    %dma_start3A_64 = tpu.memref_slice %arg4[%add3A_55] : memref<327680xi32, #tpu.memory_space<hbm>> -> memref<128xi32, #tpu.memory_space<hbm>>
    tpu.enqueue_dma source(%dma_start3A_64 : memref<128xi32, #tpu.memory_space<hbm>>) target(%dma_start3A_63 : memref<128xi32, #tpu.memory_space<vmem>>) target_semaphore(%arg25 : memref<!tpu.dma_semaphore, #tpu.memory_space<semaphore_mem>>)
    %add3A_65 = arith.constant 256 : i32
    %add3A_66 = arith.addi %mul3A_21, %add3A_65 : i32
    %dma_start3A_67 = arith.constant 2 : i32
    %dma_start3A_68 = arith.constant 0 : i32
    %dma_start3A_69 = tpu.memref_slice %arg8[%dma_start3A_67, %dma_start3A_68] : memref<8x128xi32, #tpu.memory_space<vmem>> -> memref<1x128xi32, #tpu.memory_space<vmem>>
    %dma_start3A_70 = tpu.memref_squeeze %dma_start3A_69 : memref<1x128xi32, #tpu.memory_space<vmem>> -> memref<128xi32, #tpu.memory_space<vmem>>
    %dma_start3A_71 = tpu.memref_slice %arg3[%add3A_66] : memref<327680xi32, #tpu.memory_space<hbm>> -> memref<128xi32, #tpu.memory_space<hbm>>
    %dma_start3A_72 = arith.constant 0 : i32
    %dma_start3A_73 = tpu.memref_slice %arg8[%dma_start3A_67, %dma_start3A_72] : memref<8x128xi32, #tpu.memory_space<vmem>> -> memref<1x128xi32, #tpu.memory_space<vmem>>
    %dma_start3A_74 = tpu.memref_squeeze %dma_start3A_73 : memref<1x128xi32, #tpu.memory_space<vmem>> -> memref<128xi32, #tpu.memory_space<vmem>>
    %dma_start3A_75 = tpu.memref_slice %arg3[%add3A_66] : memref<327680xi32, #tpu.memory_space<hbm>> -> memref<128xi32, #tpu.memory_space<hbm>>
    tpu.enqueue_dma source(%dma_start3A_75 : memref<128xi32, #tpu.memory_space<hbm>>) target(%dma_start3A_74 : memref<128xi32, #tpu.memory_space<vmem>>) target_semaphore(%arg26 : memref<!tpu.dma_semaphore, #tpu.memory_space<semaphore_mem>>)
    %add3A_76 = arith.constant 256 : i32
    %add3A_77 = arith.addi %mul3A_21, %add3A_76 : i32
    %dma_start3A_78 = arith.constant 2 : i32
    %dma_start3A_79 = arith.constant 0 : i32
    %dma_start3A_80 = tpu.memref_slice %arg9[%dma_start3A_78, %dma_start3A_79] : memref<8x128xi32, #tpu.memory_space<vmem>> -> memref<1x128xi32, #tpu.memory_space<vmem>>
    %dma_start3A_81 = tpu.memref_squeeze %dma_start3A_80 : memref<1x128xi32, #tpu.memory_space<vmem>> -> memref<128xi32, #tpu.memory_space<vmem>>
    %dma_start3A_82 = tpu.memref_slice %arg4[%add3A_77] : memref<327680xi32, #tpu.memory_space<hbm>> -> memref<128xi32, #tpu.memory_space<hbm>>
    %dma_start3A_83 = arith.constant 0 : i32
    %dma_start3A_84 = tpu.memref_slice %arg9[%dma_start3A_78, %dma_start3A_83] : memref<8x128xi32, #tpu.memory_space<vmem>> -> memref<1x128xi32, #tpu.memory_space<vmem>>
    %dma_start3A_85 = tpu.memref_squeeze %dma_start3A_84 : memref<1x128xi32, #tpu.memory_space<vmem>> -> memref<128xi32, #tpu.memory_space<vmem>>
    %dma_start3A_86 = tpu.memref_slice %arg4[%add3A_77] : memref<327680xi32, #tpu.memory_space<hbm>> -> memref<128xi32, #tpu.memory_space<hbm>>
    tpu.enqueue_dma source(%dma_start3A_86 : memref<128xi32, #tpu.memory_space<hbm>>) target(%dma_start3A_85 : memref<128xi32, #tpu.memory_space<vmem>>) target_semaphore(%arg26 : memref<!tpu.dma_semaphore, #tpu.memory_space<semaphore_mem>>)
    %add3A_87 = arith.constant 384 : i32
    %add3A_88 = arith.addi %mul3A_21, %add3A_87 : i32
    %dma_start3A_89 = arith.constant 3 : i32
    %dma_start3A_90 = arith.constant 0 : i32
    %dma_start3A_91 = tpu.memref_slice %arg8[%dma_start3A_89, %dma_start3A_90] : memref<8x128xi32, #tpu.memory_space<vmem>> -> memref<1x128xi32, #tpu.memory_space<vmem>>
    %dma_start3A_92 = tpu.memref_squeeze %dma_start3A_91 : memref<1x128xi32, #tpu.memory_space<vmem>> -> memref<128xi32, #tpu.memory_space<vmem>>
    %dma_start3A_93 = tpu.memref_slice %arg3[%add3A_88] : memref<327680xi32, #tpu.memory_space<hbm>> -> memref<128xi32, #tpu.memory_space<hbm>>
    %dma_start3A_94 = arith.constant 0 : i32
    %dma_start3A_95 = tpu.memref_slice %arg8[%dma_start3A_89, %dma_start3A_94] : memref<8x128xi32, #tpu.memory_space<vmem>> -> memref<1x128xi32, #tpu.memory_space<vmem>>
    %dma_start3A_96 = tpu.memref_squeeze %dma_start3A_95 : memref<1x128xi32, #tpu.memory_space<vmem>> -> memref<128xi32, #tpu.memory_space<vmem>>
    %dma_start3A_97 = tpu.memref_slice %arg3[%add3A_88] : memref<327680xi32, #tpu.memory_space<hbm>> -> memref<128xi32, #tpu.memory_space<hbm>>
    tpu.enqueue_dma source(%dma_start3A_97 : memref<128xi32, #tpu.memory_space<hbm>>) target(%dma_start3A_96 : memref<128xi32, #tpu.memory_space<vmem>>) target_semaphore(%arg27 : memref<!tpu.dma_semaphore, #tpu.memory_space<semaphore_mem>>)
    %add3A_98 = arith.constant 384 : i32
    %add3A_99 = arith.addi %mul3A_21, %add3A_98 : i32
    %dma_start3A_100 = arith.constant 3 : i32
    %dma_start3A_101 = arith.constant 0 : i32
    %dma_start3A_102 = tpu.memref_slice %arg9[%dma_start3A_100, %dma_start3A_101] : memref<8x128xi32, #tpu.memory_space<vmem>> -> memref<1x128xi32, #tpu.memory_space<vmem>>
    %dma_start3A_103 = tpu.memref_squeeze %dma_start3A_102 : memref<1x128xi32, #tpu.memory_space<vmem>> -> memref<128xi32, #tpu.memory_space<vmem>>
    %dma_start3A_104 = tpu.memref_slice %arg4[%add3A_99] : memref<327680xi32, #tpu.memory_space<hbm>> -> memref<128xi32, #tpu.memory_space<hbm>>
    %dma_start3A_105 = arith.constant 0 : i32
    %dma_start3A_106 = tpu.memref_slice %arg9[%dma_start3A_100, %dma_start3A_105] : memref<8x128xi32, #tpu.memory_space<vmem>> -> memref<1x128xi32, #tpu.memory_space<vmem>>
    %dma_start3A_107 = tpu.memref_squeeze %dma_start3A_106 : memref<1x128xi32, #tpu.memory_space<vmem>> -> memref<128xi32, #tpu.memory_space<vmem>>
    %dma_start3A_108 = tpu.memref_slice %arg4[%add3A_99] : memref<327680xi32, #tpu.memory_space<hbm>> -> memref<128xi32, #tpu.memory_space<hbm>>
    tpu.enqueue_dma source(%dma_start3A_108 : memref<128xi32, #tpu.memory_space<hbm>>) target(%dma_start3A_107 : memref<128xi32, #tpu.memory_space<vmem>>) target_semaphore(%arg27 : memref<!tpu.dma_semaphore, #tpu.memory_space<semaphore_mem>>)
    %add3A_109 = arith.constant 512 : i32
    %add3A_110 = arith.addi %mul3A_21, %add3A_109 : i32
    %dma_start3A_111 = arith.constant 4 : i32
    %dma_start3A_112 = arith.constant 0 : i32
    %dma_start3A_113 = tpu.memref_slice %arg8[%dma_start3A_111, %dma_start3A_112] : memref<8x128xi32, #tpu.memory_space<vmem>> -> memref<1x128xi32, #tpu.memory_space<vmem>>
    %dma_start3A_114 = tpu.memref_squeeze %dma_start3A_113 : memref<1x128xi32, #tpu.memory_space<vmem>> -> memref<128xi32, #tpu.memory_space<vmem>>
    %dma_start3A_115 = tpu.memref_slice %arg3[%add3A_110] : memref<327680xi32, #tpu.memory_space<hbm>> -> memref<128xi32, #tpu.memory_space<hbm>>
    %dma_start3A_116 = arith.constant 0 : i32
    %dma_start3A_117 = tpu.memref_slice %arg8[%dma_start3A_111, %dma_start3A_116] : memref<8x128xi32, #tpu.memory_space<vmem>> -> memref<1x128xi32, #tpu.memory_space<vmem>>
    %dma_start3A_118 = tpu.memref_squeeze %dma_start3A_117 : memref<1x128xi32, #tpu.memory_space<vmem>> -> memref<128xi32, #tpu.memory_space<vmem>>
    %dma_start3A_119 = tpu.memref_slice %arg3[%add3A_110] : memref<327680xi32, #tpu.memory_space<hbm>> -> memref<128xi32, #tpu.memory_space<hbm>>
    tpu.enqueue_dma source(%dma_start3A_119 : memref<128xi32, #tpu.memory_space<hbm>>) target(%dma_start3A_118 : memref<128xi32, #tpu.memory_space<vmem>>) target_semaphore(%arg28 : memref<!tpu.dma_semaphore, #tpu.memory_space<semaphore_mem>>)
    %add3A_120 = arith.constant 512 : i32
    %add3A_121 = arith.addi %mul3A_21, %add3A_120 : i32
    %dma_start3A_122 = arith.constant 4 : i32
    %dma_start3A_123 = arith.constant 0 : i32
    %dma_start3A_124 = tpu.memref_slice %arg9[%dma_start3A_122, %dma_start3A_123] : memref<8x128xi32, #tpu.memory_space<vmem>> -> memref<1x128xi32, #tpu.memory_space<vmem>>
    %dma_start3A_125 = tpu.memref_squeeze %dma_start3A_124 : memref<1x128xi32, #tpu.memory_space<vmem>> -> memref<128xi32, #tpu.memory_space<vmem>>
    %dma_start3A_126 = tpu.memref_slice %arg4[%add3A_121] : memref<327680xi32, #tpu.memory_space<hbm>> -> memref<128xi32, #tpu.memory_space<hbm>>
    %dma_start3A_127 = arith.constant 0 : i32
    %dma_start3A_128 = tpu.memref_slice %arg9[%dma_start3A_122, %dma_start3A_127] : memref<8x128xi32, #tpu.memory_space<vmem>> -> memref<1x128xi32, #tpu.memory_space<vmem>>
    %dma_start3A_129 = tpu.memref_squeeze %dma_start3A_128 : memref<1x128xi32, #tpu.memory_space<vmem>> -> memref<128xi32, #tpu.memory_space<vmem>>
    %dma_start3A_130 = tpu.memref_slice %arg4[%add3A_121] : memref<327680xi32, #tpu.memory_space<hbm>> -> memref<128xi32, #tpu.memory_space<hbm>>
    tpu.enqueue_dma source(%dma_start3A_130 : memref<128xi32, #tpu.memory_space<hbm>>) target(%dma_start3A_129 : memref<128xi32, #tpu.memory_space<vmem>>) target_semaphore(%arg28 : memref<!tpu.dma_semaphore, #tpu.memory_space<semaphore_mem>>)
    %add3A_131 = arith.constant 0 : i32
    %add3A_132 = arith.addi %mul3A_21, %add3A_131 : i32
    %dma_wait3A = arith.constant 0 : i32
    %dma_wait3A_133 = arith.constant 0 : i32
    %dma_wait3A_134 = tpu.memref_slice %arg8[%dma_wait3A, %dma_wait3A_133] : memref<8x128xi32, #tpu.memory_space<vmem>> -> memref<1x128xi32, #tpu.memory_space<vmem>>
    %dma_wait3A_135 = tpu.memref_squeeze %dma_wait3A_134 : memref<1x128xi32, #tpu.memory_space<vmem>> -> memref<128xi32, #tpu.memory_space<vmem>>
    %dma_wait3A_136 = tpu.memref_slice %arg3[%add3A_132] : memref<327680xi32, #tpu.memory_space<hbm>> -> memref<128xi32, #tpu.memory_space<hbm>>
    %dma_wait3A_137 = arith.constant 0 : i32
    %dma_wait3A_138 = tpu.memref_slice %arg8[%dma_wait3A, %dma_wait3A_137] : memref<8x128xi32, #tpu.memory_space<vmem>> -> memref<1x128xi32, #tpu.memory_space<vmem>>
    %dma_wait3A_139 = tpu.memref_squeeze %dma_wait3A_138 : memref<1x128xi32, #tpu.memory_space<vmem>> -> memref<128xi32, #tpu.memory_space<vmem>>
    %dma_wait3A_140 = tpu.memref_slice %arg3[%add3A_132] : memref<327680xi32, #tpu.memory_space<hbm>> -> memref<128xi32, #tpu.memory_space<hbm>>
    tpu.wait_dma2 semaphore(%arg24 : memref<!tpu.dma_semaphore, #tpu.memory_space<semaphore_mem>>) src(%dma_wait3A_140 : memref<128xi32, #tpu.memory_space<hbm>>) dst(%dma_wait3A_139 : memref<128xi32, #tpu.memory_space<vmem>>)
    %add3A_141 = arith.constant 0 : i32
    %add3A_142 = arith.addi %mul3A_21, %add3A_141 : i32
    %dma_wait3A_143 = arith.constant 0 : i32
    %dma_wait3A_144 = arith.constant 0 : i32
    %dma_wait3A_145 = tpu.memref_slice %arg9[%dma_wait3A_143, %dma_wait3A_144] : memref<8x128xi32, #tpu.memory_space<vmem>> -> memref<1x128xi32, #tpu.memory_space<vmem>>
    %dma_wait3A_146 = tpu.memref_squeeze %dma_wait3A_145 : memref<1x128xi32, #tpu.memory_space<vmem>> -> memref<128xi32, #tpu.memory_space<vmem>>
    %dma_wait3A_147 = tpu.memref_slice %arg4[%add3A_142] : memref<327680xi32, #tpu.memory_space<hbm>> -> memref<128xi32, #tpu.memory_space<hbm>>
    %dma_wait3A_148 = arith.constant 0 : i32
    %dma_wait3A_149 = tpu.memref_slice %arg9[%dma_wait3A_143, %dma_wait3A_148] : memref<8x128xi32, #tpu.memory_space<vmem>> -> memref<1x128xi32, #tpu.memory_space<vmem>>
    %dma_wait3A_150 = tpu.memref_squeeze %dma_wait3A_149 : memref<1x128xi32, #tpu.memory_space<vmem>> -> memref<128xi32, #tpu.memory_space<vmem>>
    %dma_wait3A_151 = tpu.memref_slice %arg4[%add3A_142] : memref<327680xi32, #tpu.memory_space<hbm>> -> memref<128xi32, #tpu.memory_space<hbm>>
    tpu.wait_dma2 semaphore(%arg24 : memref<!tpu.dma_semaphore, #tpu.memory_space<semaphore_mem>>) src(%dma_wait3A_151 : memref<128xi32, #tpu.memory_space<hbm>>) dst(%dma_wait3A_150 : memref<128xi32, #tpu.memory_space<vmem>>)
    %dma_start3A_152 = arith.constant 0 : i32
    %dma_start3A_153 = arith.constant 0 : i32
    %dma_start3A_154 = arith.constant 0 : i32
    %dma_start3A_155 = arith.constant 0 : i32
    %dma_start3A_156 = tpu.memref_slice %arg10[%dma_start3A_153, %dma_start3A_154, %dma_start3A_155] : memref<4x128x64xf32, #tpu.memory_space<vmem>> -> memref<1x128x64xf32, #tpu.memory_space<vmem>>
    %dma_start3A_157 = tpu.memref_squeeze %dma_start3A_156 : memref<1x128x64xf32, #tpu.memory_space<vmem>> -> memref<128x64xf32, #tpu.memory_space<vmem>>
    %dma_start3A_158 = arith.constant 0 : i32
    %dma_start3A_159 = tpu.memref_slice %arg8[%dma_start3A_152, %dma_start3A_158] : memref<8x128xi32, #tpu.memory_space<vmem>> -> memref<1x128xi32, #tpu.memory_space<vmem>>
    %dma_start3A_160 = tpu.memref_squeeze %dma_start3A_159 : memref<1x128xi32, #tpu.memory_space<vmem>> -> memref<128xi32, #tpu.memory_space<vmem>>
    %dma_start3A_161 = arith.constant 0 : i32
    %dma_start3A_162 = arith.constant 0 : i32
    %dma_start3A_163 = tpu.memref_slice %arg7[%dma_start3A_161, %dma_start3A_162] : memref<10000x64xf32, #tpu.memory_space<vmem_shared>> -> memref<10000x64xf32, #tpu.memory_space<vmem_shared>>
    tpu.enqueue_indirect_dma source(%dma_start3A_163 : memref<10000x64xf32, #tpu.memory_space<vmem_shared>>) target(%dma_start3A_157 : memref<128x64xf32, #tpu.memory_space<vmem>>) offsets(%dma_start3A_160 : memref<128xi32, #tpu.memory_space<vmem>>) semaphore(%arg12 : memref<!tpu.dma_semaphore, #tpu.memory_space<semaphore_mem>>)
    %add3A_164 = arith.constant 128 : i32
    %add3A_165 = arith.addi %mul3A_21, %add3A_164 : i32
    %dma_wait3A_166 = arith.constant 1 : i32
    %dma_wait3A_167 = arith.constant 0 : i32
    %dma_wait3A_168 = tpu.memref_slice %arg8[%dma_wait3A_166, %dma_wait3A_167] : memref<8x128xi32, #tpu.memory_space<vmem>> -> memref<1x128xi32, #tpu.memory_space<vmem>>
    %dma_wait3A_169 = tpu.memref_squeeze %dma_wait3A_168 : memref<1x128xi32, #tpu.memory_space<vmem>> -> memref<128xi32, #tpu.memory_space<vmem>>
    %dma_wait3A_170 = tpu.memref_slice %arg3[%add3A_165] : memref<327680xi32, #tpu.memory_space<hbm>> -> memref<128xi32, #tpu.memory_space<hbm>>
    %dma_wait3A_171 = arith.constant 0 : i32
    %dma_wait3A_172 = tpu.memref_slice %arg8[%dma_wait3A_166, %dma_wait3A_171] : memref<8x128xi32, #tpu.memory_space<vmem>> -> memref<1x128xi32, #tpu.memory_space<vmem>>
    %dma_wait3A_173 = tpu.memref_squeeze %dma_wait3A_172 : memref<1x128xi32, #tpu.memory_space<vmem>> -> memref<128xi32, #tpu.memory_space<vmem>>
    %dma_wait3A_174 = tpu.memref_slice %arg3[%add3A_165] : memref<327680xi32, #tpu.memory_space<hbm>> -> memref<128xi32, #tpu.memory_space<hbm>>
    tpu.wait_dma2 semaphore(%arg25 : memref<!tpu.dma_semaphore, #tpu.memory_space<semaphore_mem>>) src(%dma_wait3A_174 : memref<128xi32, #tpu.memory_space<hbm>>) dst(%dma_wait3A_173 : memref<128xi32, #tpu.memory_space<vmem>>)
    %add3A_175 = arith.constant 128 : i32
    %add3A_176 = arith.addi %mul3A_21, %add3A_175 : i32
    %dma_wait3A_177 = arith.constant 1 : i32
    %dma_wait3A_178 = arith.constant 0 : i32
    %dma_wait3A_179 = tpu.memref_slice %arg9[%dma_wait3A_177, %dma_wait3A_178] : memref<8x128xi32, #tpu.memory_space<vmem>> -> memref<1x128xi32, #tpu.memory_space<vmem>>
    %dma_wait3A_180 = tpu.memref_squeeze %dma_wait3A_179 : memref<1x128xi32, #tpu.memory_space<vmem>> -> memref<128xi32, #tpu.memory_space<vmem>>
    %dma_wait3A_181 = tpu.memref_slice %arg4[%add3A_176] : memref<327680xi32, #tpu.memory_space<hbm>> -> memref<128xi32, #tpu.memory_space<hbm>>
    %dma_wait3A_182 = arith.constant 0 : i32
    %dma_wait3A_183 = tpu.memref_slice %arg9[%dma_wait3A_177, %dma_wait3A_182] : memref<8x128xi32, #tpu.memory_space<vmem>> -> memref<1x128xi32, #tpu.memory_space<vmem>>
    %dma_wait3A_184 = tpu.memref_squeeze %dma_wait3A_183 : memref<1x128xi32, #tpu.memory_space<vmem>> -> memref<128xi32, #tpu.memory_space<vmem>>
    %dma_wait3A_185 = tpu.memref_slice %arg4[%add3A_176] : memref<327680xi32, #tpu.memory_space<hbm>> -> memref<128xi32, #tpu.memory_space<hbm>>
    tpu.wait_dma2 semaphore(%arg25 : memref<!tpu.dma_semaphore, #tpu.memory_space<semaphore_mem>>) src(%dma_wait3A_185 : memref<128xi32, #tpu.memory_space<hbm>>) dst(%dma_wait3A_184 : memref<128xi32, #tpu.memory_space<vmem>>)
    %dma_start3A_186 = arith.constant 1 : i32
    %dma_start3A_187 = arith.constant 1 : i32
    %dma_start3A_188 = arith.constant 0 : i32
    %dma_start3A_189 = arith.constant 0 : i32
    %dma_start3A_190 = tpu.memref_slice %arg10[%dma_start3A_187, %dma_start3A_188, %dma_start3A_189] : memref<4x128x64xf32, #tpu.memory_space<vmem>> -> memref<1x128x64xf32, #tpu.memory_space<vmem>>
    %dma_start3A_191 = tpu.memref_squeeze %dma_start3A_190 : memref<1x128x64xf32, #tpu.memory_space<vmem>> -> memref<128x64xf32, #tpu.memory_space<vmem>>
    %dma_start3A_192 = arith.constant 0 : i32
    %dma_start3A_193 = tpu.memref_slice %arg8[%dma_start3A_186, %dma_start3A_192] : memref<8x128xi32, #tpu.memory_space<vmem>> -> memref<1x128xi32, #tpu.memory_space<vmem>>
    %dma_start3A_194 = tpu.memref_squeeze %dma_start3A_193 : memref<1x128xi32, #tpu.memory_space<vmem>> -> memref<128xi32, #tpu.memory_space<vmem>>
    %dma_start3A_195 = arith.constant 0 : i32
    %dma_start3A_196 = arith.constant 0 : i32
    %dma_start3A_197 = tpu.memref_slice %arg7[%dma_start3A_195, %dma_start3A_196] : memref<10000x64xf32, #tpu.memory_space<vmem_shared>> -> memref<10000x64xf32, #tpu.memory_space<vmem_shared>>
    tpu.enqueue_indirect_dma source(%dma_start3A_197 : memref<10000x64xf32, #tpu.memory_space<vmem_shared>>) target(%dma_start3A_191 : memref<128x64xf32, #tpu.memory_space<vmem>>) offsets(%dma_start3A_194 : memref<128xi32, #tpu.memory_space<vmem>>) semaphore(%arg13 : memref<!tpu.dma_semaphore, #tpu.memory_space<semaphore_mem>>)
    %add3A_198 = arith.constant 256 : i32
    %add3A_199 = arith.addi %mul3A_21, %add3A_198 : i32
    %dma_wait3A_200 = arith.constant 2 : i32
    %dma_wait3A_201 = arith.constant 0 : i32
    %dma_wait3A_202 = tpu.memref_slice %arg8[%dma_wait3A_200, %dma_wait3A_201] : memref<8x128xi32, #tpu.memory_space<vmem>> -> memref<1x128xi32, #tpu.memory_space<vmem>>
    %dma_wait3A_203 = tpu.memref_squeeze %dma_wait3A_202 : memref<1x128xi32, #tpu.memory_space<vmem>> -> memref<128xi32, #tpu.memory_space<vmem>>
    %dma_wait3A_204 = tpu.memref_slice %arg3[%add3A_199] : memref<327680xi32, #tpu.memory_space<hbm>> -> memref<128xi32, #tpu.memory_space<hbm>>
    %dma_wait3A_205 = arith.constant 0 : i32
    %dma_wait3A_206 = tpu.memref_slice %arg8[%dma_wait3A_200, %dma_wait3A_205] : memref<8x128xi32, #tpu.memory_space<vmem>> -> memref<1x128xi32, #tpu.memory_space<vmem>>
    %dma_wait3A_207 = tpu.memref_squeeze %dma_wait3A_206 : memref<1x128xi32, #tpu.memory_space<vmem>> -> memref<128xi32, #tpu.memory_space<vmem>>
    %dma_wait3A_208 = tpu.memref_slice %arg3[%add3A_199] : memref<327680xi32, #tpu.memory_space<hbm>> -> memref<128xi32, #tpu.memory_space<hbm>>
    tpu.wait_dma2 semaphore(%arg26 : memref<!tpu.dma_semaphore, #tpu.memory_space<semaphore_mem>>) src(%dma_wait3A_208 : memref<128xi32, #tpu.memory_space<hbm>>) dst(%dma_wait3A_207 : memref<128xi32, #tpu.memory_space<vmem>>)
    %add3A_209 = arith.constant 256 : i32
    %add3A_210 = arith.addi %mul3A_21, %add3A_209 : i32
    %dma_wait3A_211 = arith.constant 2 : i32
    %dma_wait3A_212 = arith.constant 0 : i32
    %dma_wait3A_213 = tpu.memref_slice %arg9[%dma_wait3A_211, %dma_wait3A_212] : memref<8x128xi32, #tpu.memory_space<vmem>> -> memref<1x128xi32, #tpu.memory_space<vmem>>
    %dma_wait3A_214 = tpu.memref_squeeze %dma_wait3A_213 : memref<1x128xi32, #tpu.memory_space<vmem>> -> memref<128xi32, #tpu.memory_space<vmem>>
    %dma_wait3A_215 = tpu.memref_slice %arg4[%add3A_210] : memref<327680xi32, #tpu.memory_space<hbm>> -> memref<128xi32, #tpu.memory_space<hbm>>
    %dma_wait3A_216 = arith.constant 0 : i32
    %dma_wait3A_217 = tpu.memref_slice %arg9[%dma_wait3A_211, %dma_wait3A_216] : memref<8x128xi32, #tpu.memory_space<vmem>> -> memref<1x128xi32, #tpu.memory_space<vmem>>
    %dma_wait3A_218 = tpu.memref_squeeze %dma_wait3A_217 : memref<1x128xi32, #tpu.memory_space<vmem>> -> memref<128xi32, #tpu.memory_space<vmem>>
    %dma_wait3A_219 = tpu.memref_slice %arg4[%add3A_210] : memref<327680xi32, #tpu.memory_space<hbm>> -> memref<128xi32, #tpu.memory_space<hbm>>
    tpu.wait_dma2 semaphore(%arg26 : memref<!tpu.dma_semaphore, #tpu.memory_space<semaphore_mem>>) src(%dma_wait3A_219 : memref<128xi32, #tpu.memory_space<hbm>>) dst(%dma_wait3A_218 : memref<128xi32, #tpu.memory_space<vmem>>)
    %dma_start3A_220 = arith.constant 2 : i32
    %dma_start3A_221 = arith.constant 2 : i32
    %dma_start3A_222 = arith.constant 0 : i32
    %dma_start3A_223 = arith.constant 0 : i32
    %dma_start3A_224 = tpu.memref_slice %arg10[%dma_start3A_221, %dma_start3A_222, %dma_start3A_223] : memref<4x128x64xf32, #tpu.memory_space<vmem>> -> memref<1x128x64xf32, #tpu.memory_space<vmem>>
    %dma_start3A_225 = tpu.memref_squeeze %dma_start3A_224 : memref<1x128x64xf32, #tpu.memory_space<vmem>> -> memref<128x64xf32, #tpu.memory_space<vmem>>
    %dma_start3A_226 = arith.constant 0 : i32
    %dma_start3A_227 = tpu.memref_slice %arg8[%dma_start3A_220, %dma_start3A_226] : memref<8x128xi32, #tpu.memory_space<vmem>> -> memref<1x128xi32, #tpu.memory_space<vmem>>
    %dma_start3A_228 = tpu.memref_squeeze %dma_start3A_227 : memref<1x128xi32, #tpu.memory_space<vmem>> -> memref<128xi32, #tpu.memory_space<vmem>>
    %dma_start3A_229 = arith.constant 0 : i32
    %dma_start3A_230 = arith.constant 0 : i32
    %dma_start3A_231 = tpu.memref_slice %arg7[%dma_start3A_229, %dma_start3A_230] : memref<10000x64xf32, #tpu.memory_space<vmem_shared>> -> memref<10000x64xf32, #tpu.memory_space<vmem_shared>>
    tpu.enqueue_indirect_dma source(%dma_start3A_231 : memref<10000x64xf32, #tpu.memory_space<vmem_shared>>) target(%dma_start3A_225 : memref<128x64xf32, #tpu.memory_space<vmem>>) offsets(%dma_start3A_228 : memref<128xi32, #tpu.memory_space<vmem>>) semaphore(%arg14 : memref<!tpu.dma_semaphore, #tpu.memory_space<semaphore_mem>>)
    %scan3A_232 = arith.constant 0 : i32
    %scan3A_233 = arith.constant 0 : i32
    %scan3A_234 = arith.constant 20 : i32
    %scan3A_235 = arith.addi %scan3A_233, %scan3A_234 : i32
    %scan3A_236 = arith.constant 1 : i32
    %scan3A_237 = scf.for %scan3A_252 = %scan3A_233 to %scan3A_235 step %scan3A_236 iter_args(%scan3A_253 = %scan3A_232) -> (i32)  : i32 {
      %mul3A_254 = arith.constant 8 : i32
      %mul3A_255 = arith.muli %mul3A_254, %scan3A_252 : i32
      %add3A_256 = arith.constant 0 : i32
      %add3A_257 = arith.addi %mul3A_255, %add3A_256 : i32
      %dma_wait3A_258 = arith.constant 0 : i32
      %dma_wait3A_259 = arith.constant 0 : i32
      %dma_wait3A_260 = arith.constant 0 : i32
      %dma_wait3A_261 = arith.constant 0 : i32
      %dma_wait3A_262 = tpu.memref_slice %arg10[%dma_wait3A_259, %dma_wait3A_260, %dma_wait3A_261] : memref<4x128x64xf32, #tpu.memory_space<vmem>> -> memref<1x128x64xf32, #tpu.memory_space<vmem>>
      %dma_wait3A_263 = tpu.memref_squeeze %dma_wait3A_262 : memref<1x128x64xf32, #tpu.memory_space<vmem>> -> memref<128x64xf32, #tpu.memory_space<vmem>>
      %dma_wait3A_264 = arith.constant 0 : i32
      %dma_wait3A_265 = tpu.memref_slice %arg8[%dma_wait3A_258, %dma_wait3A_264] : memref<8x128xi32, #tpu.memory_space<vmem>> -> memref<1x128xi32, #tpu.memory_space<vmem>>
      %dma_wait3A_266 = tpu.memref_squeeze %dma_wait3A_265 : memref<1x128xi32, #tpu.memory_space<vmem>> -> memref<128xi32, #tpu.memory_space<vmem>>
      %dma_wait3A_267 = arith.constant 0 : i32
      %dma_wait3A_268 = arith.constant 0 : i32
      %dma_wait3A_269 = tpu.memref_slice %arg7[%dma_wait3A_267, %dma_wait3A_268] : memref<10000x64xf32, #tpu.memory_space<vmem_shared>> -> memref<10000x64xf32, #tpu.memory_space<vmem_shared>>
      tpu.wait_indirect_dma semaphore(%arg12 : memref<!tpu.dma_semaphore, #tpu.memory_space<semaphore_mem>>) src(%dma_wait3A_269 : memref<10000x64xf32, #tpu.memory_space<vmem_shared>>) dst(%dma_wait3A_263 : memref<128x64xf32, #tpu.memory_space<vmem>>)
      %dma_start3A_270 = arith.constant 0 : i32
      %dma_start3A_271 = arith.constant 0 : i32
      %dma_start3A_272 = arith.constant 0 : i32
      %dma_start3A_273 = arith.constant 0 : i32
      %dma_start3A_274 = tpu.memref_slice %arg10[%dma_start3A_270, %dma_start3A_272, %dma_start3A_273] : memref<4x128x64xf32, #tpu.memory_space<vmem>> -> memref<1x128x64xf32, #tpu.memory_space<vmem>>
      %dma_start3A_275 = tpu.memref_squeeze %dma_start3A_274 : memref<1x128x64xf32, #tpu.memory_space<vmem>> -> memref<128x64xf32, #tpu.memory_space<vmem>>
      %dma_start3A_276 = arith.constant 0 : i32
      %dma_start3A_277 = tpu.memref_slice %arg9[%dma_start3A_271, %dma_start3A_276] : memref<8x128xi32, #tpu.memory_space<vmem>> -> memref<1x128xi32, #tpu.memory_space<vmem>>
      %dma_start3A_278 = tpu.memref_squeeze %dma_start3A_277 : memref<1x128xi32, #tpu.memory_space<vmem>> -> memref<128xi32, #tpu.memory_space<vmem>>
      %dma_start3A_279 = arith.constant 0 : i32
      %dma_start3A_280 = arith.constant 0 : i32
      %dma_start3A_281 = tpu.memref_slice %arg6[%dma_start3A_279, %dma_start3A_280] : memref<10240x64xf32, #tpu.memory_space<vmem_shared>> -> memref<10240x64xf32, #tpu.memory_space<vmem_shared>>
      tpu.enqueue_indirect_dma source(%dma_start3A_275 : memref<128x64xf32, #tpu.memory_space<vmem>>) target(%dma_start3A_281 : memref<10240x64xf32, #tpu.memory_space<vmem_shared>>) offsets(%dma_start3A_278 : memref<128xi32, #tpu.memory_space<vmem>>) semaphore(%arg16 : memref<!tpu.dma_semaphore, #tpu.memory_space<semaphore_mem>>) {add = true}
      %ge3A = arith.constant 1 : i32
      %ge3A_282 = arith.cmpi sge, %add3A_257, %ge3A : i32
      %convert_element_type3A = arith.extui %ge3A_282 : i1 to i32
      %cond3A = arith.constant 0 : i32
      %cond3A_283 = arith.cmpi ne, %convert_element_type3A, %cond3A : i32
      scf.if %cond3A_283 {
        %dma_wait3A_627 = arith.constant 3 : i32
        %dma_wait3A_628 = arith.constant 7 : i32
        %dma_wait3A_629 = arith.constant 0 : i32
        %dma_wait3A_630 = arith.constant 0 : i32
        %dma_wait3A_631 = tpu.memref_slice %arg10[%dma_wait3A_627, %dma_wait3A_629, %dma_wait3A_630] : memref<4x128x64xf32, #tpu.memory_space<vmem>> -> memref<1x128x64xf32, #tpu.memory_space<vmem>>
        %dma_wait3A_632 = tpu.memref_squeeze %dma_wait3A_631 : memref<1x128x64xf32, #tpu.memory_space<vmem>> -> memref<128x64xf32, #tpu.memory_space<vmem>>
        %dma_wait3A_633 = arith.constant 0 : i32
        %dma_wait3A_634 = tpu.memref_slice %arg9[%dma_wait3A_628, %dma_wait3A_633] : memref<8x128xi32, #tpu.memory_space<vmem>> -> memref<1x128xi32, #tpu.memory_space<vmem>>
        %dma_wait3A_635 = tpu.memref_squeeze %dma_wait3A_634 : memref<1x128xi32, #tpu.memory_space<vmem>> -> memref<128xi32, #tpu.memory_space<vmem>>
        %dma_wait3A_636 = arith.constant 0 : i32
        %dma_wait3A_637 = arith.constant 0 : i32
        %dma_wait3A_638 = tpu.memref_slice %arg6[%dma_wait3A_636, %dma_wait3A_637] : memref<10240x64xf32, #tpu.memory_space<vmem_shared>> -> memref<10240x64xf32, #tpu.memory_space<vmem_shared>>
        tpu.wait_indirect_dma semaphore(%arg19 : memref<!tpu.dma_semaphore, #tpu.memory_space<semaphore_mem>>) src(%dma_wait3A_632 : memref<128x64xf32, #tpu.memory_space<vmem>>) dst(%dma_wait3A_638 : memref<10240x64xf32, #tpu.memory_space<vmem_shared>>)
      } else {
      }
      %add3A_284 = arith.constant 5 : i32
      %add3A_285 = arith.addi %add3A_257, %add3A_284 : i32
      %lt3A = arith.constant 160 : i32
      %lt3A_286 = arith.cmpi slt, %add3A_285, %lt3A : i32
      %convert_element_type3A_287 = arith.extui %lt3A_286 : i1 to i32
      %cond3A_288 = arith.constant 0 : i32
      %cond3A_289 = arith.cmpi ne, %convert_element_type3A_287, %cond3A_288 : i32
      scf.if %cond3A_289 {
        %add3A_627 = arith.constant 5 : i32
        %add3A_628 = arith.addi %add3A_257, %add3A_627 : i32
        %mul3A_629 = arith.constant 128 : i32
        %mul3A_630 = arith.muli %add3A_628, %mul3A_629 : i32
        %add3A_631 = arith.addi %mul3A_21, %mul3A_630 : i32
        %dma_start3A_632 = arith.constant 5 : i32
        %dma_start3A_633 = arith.constant 0 : i32
        %dma_start3A_634 = tpu.memref_slice %arg8[%dma_start3A_632, %dma_start3A_633] : memref<8x128xi32, #tpu.memory_space<vmem>> -> memref<1x128xi32, #tpu.memory_space<vmem>>
        %dma_start3A_635 = tpu.memref_squeeze %dma_start3A_634 : memref<1x128xi32, #tpu.memory_space<vmem>> -> memref<128xi32, #tpu.memory_space<vmem>>
        %dma_start3A_636 = tpu.memref_slice %arg3[%add3A_631] : memref<327680xi32, #tpu.memory_space<hbm>> -> memref<128xi32, #tpu.memory_space<hbm>>
        %dma_start3A_637 = arith.constant 0 : i32
        %dma_start3A_638 = tpu.memref_slice %arg8[%dma_start3A_632, %dma_start3A_637] : memref<8x128xi32, #tpu.memory_space<vmem>> -> memref<1x128xi32, #tpu.memory_space<vmem>>
        %dma_start3A_639 = tpu.memref_squeeze %dma_start3A_638 : memref<1x128xi32, #tpu.memory_space<vmem>> -> memref<128xi32, #tpu.memory_space<vmem>>
        %dma_start3A_640 = tpu.memref_slice %arg3[%add3A_631] : memref<327680xi32, #tpu.memory_space<hbm>> -> memref<128xi32, #tpu.memory_space<hbm>>
        tpu.enqueue_dma source(%dma_start3A_640 : memref<128xi32, #tpu.memory_space<hbm>>) target(%dma_start3A_639 : memref<128xi32, #tpu.memory_space<vmem>>) target_semaphore(%arg29 : memref<!tpu.dma_semaphore, #tpu.memory_space<semaphore_mem>>)
        %mul3A_641 = arith.constant 128 : i32
        %mul3A_642 = arith.muli %add3A_628, %mul3A_641 : i32
        %add3A_643 = arith.addi %mul3A_21, %mul3A_642 : i32
        %dma_start3A_644 = arith.constant 5 : i32
        %dma_start3A_645 = arith.constant 0 : i32
        %dma_start3A_646 = tpu.memref_slice %arg9[%dma_start3A_644, %dma_start3A_645] : memref<8x128xi32, #tpu.memory_space<vmem>> -> memref<1x128xi32, #tpu.memory_space<vmem>>
        %dma_start3A_647 = tpu.memref_squeeze %dma_start3A_646 : memref<1x128xi32, #tpu.memory_space<vmem>> -> memref<128xi32, #tpu.memory_space<vmem>>
        %dma_start3A_648 = tpu.memref_slice %arg4[%add3A_643] : memref<327680xi32, #tpu.memory_space<hbm>> -> memref<128xi32, #tpu.memory_space<hbm>>
        %dma_start3A_649 = arith.constant 0 : i32
        %dma_start3A_650 = tpu.memref_slice %arg9[%dma_start3A_644, %dma_start3A_649] : memref<8x128xi32, #tpu.memory_space<vmem>> -> memref<1x128xi32, #tpu.memory_space<vmem>>
        %dma_start3A_651 = tpu.memref_squeeze %dma_start3A_650 : memref<1x128xi32, #tpu.memory_space<vmem>> -> memref<128xi32, #tpu.memory_space<vmem>>
        %dma_start3A_652 = tpu.memref_slice %arg4[%add3A_643] : memref<327680xi32, #tpu.memory_space<hbm>> -> memref<128xi32, #tpu.memory_space<hbm>>
        tpu.enqueue_dma source(%dma_start3A_652 : memref<128xi32, #tpu.memory_space<hbm>>) target(%dma_start3A_651 : memref<128xi32, #tpu.memory_space<vmem>>) target_semaphore(%arg29 : memref<!tpu.dma_semaphore, #tpu.memory_space<semaphore_mem>>)
      } else {
      }
      %add3A_290 = arith.constant 3 : i32
      %add3A_291 = arith.addi %add3A_257, %add3A_290 : i32
      %lt3A_292 = arith.constant 160 : i32
      %lt3A_293 = arith.cmpi slt, %add3A_291, %lt3A_292 : i32
      %convert_element_type3A_294 = arith.extui %lt3A_293 : i1 to i32
      %cond3A_295 = arith.constant 0 : i32
      %cond3A_296 = arith.cmpi ne, %convert_element_type3A_294, %cond3A_295 : i32
      scf.if %cond3A_296 {
        %add3A_627 = arith.constant 3 : i32
        %add3A_628 = arith.addi %add3A_257, %add3A_627 : i32
        %mul3A_629 = arith.constant 128 : i32
        %mul3A_630 = arith.muli %add3A_628, %mul3A_629 : i32
        %add3A_631 = arith.addi %mul3A_21, %mul3A_630 : i32
        %dma_wait3A_632 = arith.constant 3 : i32
        %dma_wait3A_633 = arith.constant 0 : i32
        %dma_wait3A_634 = tpu.memref_slice %arg8[%dma_wait3A_632, %dma_wait3A_633] : memref<8x128xi32, #tpu.memory_space<vmem>> -> memref<1x128xi32, #tpu.memory_space<vmem>>
        %dma_wait3A_635 = tpu.memref_squeeze %dma_wait3A_634 : memref<1x128xi32, #tpu.memory_space<vmem>> -> memref<128xi32, #tpu.memory_space<vmem>>
        %dma_wait3A_636 = tpu.memref_slice %arg3[%add3A_631] : memref<327680xi32, #tpu.memory_space<hbm>> -> memref<128xi32, #tpu.memory_space<hbm>>
        %dma_wait3A_637 = arith.constant 0 : i32
        %dma_wait3A_638 = tpu.memref_slice %arg8[%dma_wait3A_632, %dma_wait3A_637] : memref<8x128xi32, #tpu.memory_space<vmem>> -> memref<1x128xi32, #tpu.memory_space<vmem>>
        %dma_wait3A_639 = tpu.memref_squeeze %dma_wait3A_638 : memref<1x128xi32, #tpu.memory_space<vmem>> -> memref<128xi32, #tpu.memory_space<vmem>>
        %dma_wait3A_640 = tpu.memref_slice %arg3[%add3A_631] : memref<327680xi32, #tpu.memory_space<hbm>> -> memref<128xi32, #tpu.memory_space<hbm>>
        tpu.wait_dma2 semaphore(%arg27 : memref<!tpu.dma_semaphore, #tpu.memory_space<semaphore_mem>>) src(%dma_wait3A_640 : memref<128xi32, #tpu.memory_space<hbm>>) dst(%dma_wait3A_639 : memref<128xi32, #tpu.memory_space<vmem>>)
        %mul3A_641 = arith.constant 128 : i32
        %mul3A_642 = arith.muli %add3A_628, %mul3A_641 : i32
        %add3A_643 = arith.addi %mul3A_21, %mul3A_642 : i32
        %dma_wait3A_644 = arith.constant 3 : i32
        %dma_wait3A_645 = arith.constant 0 : i32
        %dma_wait3A_646 = tpu.memref_slice %arg9[%dma_wait3A_644, %dma_wait3A_645] : memref<8x128xi32, #tpu.memory_space<vmem>> -> memref<1x128xi32, #tpu.memory_space<vmem>>
        %dma_wait3A_647 = tpu.memref_squeeze %dma_wait3A_646 : memref<1x128xi32, #tpu.memory_space<vmem>> -> memref<128xi32, #tpu.memory_space<vmem>>
        %dma_wait3A_648 = tpu.memref_slice %arg4[%add3A_643] : memref<327680xi32, #tpu.memory_space<hbm>> -> memref<128xi32, #tpu.memory_space<hbm>>
        %dma_wait3A_649 = arith.constant 0 : i32
        %dma_wait3A_650 = tpu.memref_slice %arg9[%dma_wait3A_644, %dma_wait3A_649] : memref<8x128xi32, #tpu.memory_space<vmem>> -> memref<1x128xi32, #tpu.memory_space<vmem>>
        %dma_wait3A_651 = tpu.memref_squeeze %dma_wait3A_650 : memref<1x128xi32, #tpu.memory_space<vmem>> -> memref<128xi32, #tpu.memory_space<vmem>>
        %dma_wait3A_652 = tpu.memref_slice %arg4[%add3A_643] : memref<327680xi32, #tpu.memory_space<hbm>> -> memref<128xi32, #tpu.memory_space<hbm>>
        tpu.wait_dma2 semaphore(%arg27 : memref<!tpu.dma_semaphore, #tpu.memory_space<semaphore_mem>>) src(%dma_wait3A_652 : memref<128xi32, #tpu.memory_space<hbm>>) dst(%dma_wait3A_651 : memref<128xi32, #tpu.memory_space<vmem>>)
        %dma_start3A_653 = arith.constant 3 : i32
        %dma_start3A_654 = arith.constant 3 : i32
        %dma_start3A_655 = arith.constant 0 : i32
        %dma_start3A_656 = arith.constant 0 : i32
        %dma_start3A_657 = tpu.memref_slice %arg10[%dma_start3A_654, %dma_start3A_655, %dma_start3A_656] : memref<4x128x64xf32, #tpu.memory_space<vmem>> -> memref<1x128x64xf32, #tpu.memory_space<vmem>>
        %dma_start3A_658 = tpu.memref_squeeze %dma_start3A_657 : memref<1x128x64xf32, #tpu.memory_space<vmem>> -> memref<128x64xf32, #tpu.memory_space<vmem>>
        %dma_start3A_659 = arith.constant 0 : i32
        %dma_start3A_660 = tpu.memref_slice %arg8[%dma_start3A_653, %dma_start3A_659] : memref<8x128xi32, #tpu.memory_space<vmem>> -> memref<1x128xi32, #tpu.memory_space<vmem>>
        %dma_start3A_661 = tpu.memref_squeeze %dma_start3A_660 : memref<1x128xi32, #tpu.memory_space<vmem>> -> memref<128xi32, #tpu.memory_space<vmem>>
        %dma_start3A_662 = arith.constant 0 : i32
        %dma_start3A_663 = arith.constant 0 : i32
        %dma_start3A_664 = tpu.memref_slice %arg7[%dma_start3A_662, %dma_start3A_663] : memref<10000x64xf32, #tpu.memory_space<vmem_shared>> -> memref<10000x64xf32, #tpu.memory_space<vmem_shared>>
        tpu.enqueue_indirect_dma source(%dma_start3A_664 : memref<10000x64xf32, #tpu.memory_space<vmem_shared>>) target(%dma_start3A_658 : memref<128x64xf32, #tpu.memory_space<vmem>>) offsets(%dma_start3A_661 : memref<128xi32, #tpu.memory_space<vmem>>) semaphore(%arg15 : memref<!tpu.dma_semaphore, #tpu.memory_space<semaphore_mem>>)
      } else {
      }
      %mul3A_297 = arith.constant 8 : i32
      %mul3A_298 = arith.muli %mul3A_297, %scan3A_252 : i32
      %add3A_299 = arith.constant 1 : i32
      %add3A_300 = arith.addi %mul3A_298, %add3A_299 : i32
      %dma_wait3A_301 = arith.constant 1 : i32
      %dma_wait3A_302 = arith.constant 1 : i32
      %dma_wait3A_303 = arith.constant 0 : i32
      %dma_wait3A_304 = arith.constant 0 : i32
      %dma_wait3A_305 = tpu.memref_slice %arg10[%dma_wait3A_302, %dma_wait3A_303, %dma_wait3A_304] : memref<4x128x64xf32, #tpu.memory_space<vmem>> -> memref<1x128x64xf32, #tpu.memory_space<vmem>>
      %dma_wait3A_306 = tpu.memref_squeeze %dma_wait3A_305 : memref<1x128x64xf32, #tpu.memory_space<vmem>> -> memref<128x64xf32, #tpu.memory_space<vmem>>
      %dma_wait3A_307 = arith.constant 0 : i32
      %dma_wait3A_308 = tpu.memref_slice %arg8[%dma_wait3A_301, %dma_wait3A_307] : memref<8x128xi32, #tpu.memory_space<vmem>> -> memref<1x128xi32, #tpu.memory_space<vmem>>
      %dma_wait3A_309 = tpu.memref_squeeze %dma_wait3A_308 : memref<1x128xi32, #tpu.memory_space<vmem>> -> memref<128xi32, #tpu.memory_space<vmem>>
      %dma_wait3A_310 = arith.constant 0 : i32
      %dma_wait3A_311 = arith.constant 0 : i32
      %dma_wait3A_312 = tpu.memref_slice %arg7[%dma_wait3A_310, %dma_wait3A_311] : memref<10000x64xf32, #tpu.memory_space<vmem_shared>> -> memref<10000x64xf32, #tpu.memory_space<vmem_shared>>
      tpu.wait_indirect_dma semaphore(%arg13 : memref<!tpu.dma_semaphore, #tpu.memory_space<semaphore_mem>>) src(%dma_wait3A_312 : memref<10000x64xf32, #tpu.memory_space<vmem_shared>>) dst(%dma_wait3A_306 : memref<128x64xf32, #tpu.memory_space<vmem>>)
      %dma_start3A_313 = arith.constant 1 : i32
      %dma_start3A_314 = arith.constant 1 : i32
      %dma_start3A_315 = arith.constant 0 : i32
      %dma_start3A_316 = arith.constant 0 : i32
      %dma_start3A_317 = tpu.memref_slice %arg10[%dma_start3A_313, %dma_start3A_315, %dma_start3A_316] : memref<4x128x64xf32, #tpu.memory_space<vmem>> -> memref<1x128x64xf32, #tpu.memory_space<vmem>>
      %dma_start3A_318 = tpu.memref_squeeze %dma_start3A_317 : memref<1x128x64xf32, #tpu.memory_space<vmem>> -> memref<128x64xf32, #tpu.memory_space<vmem>>
      %dma_start3A_319 = arith.constant 0 : i32
      %dma_start3A_320 = tpu.memref_slice %arg9[%dma_start3A_314, %dma_start3A_319] : memref<8x128xi32, #tpu.memory_space<vmem>> -> memref<1x128xi32, #tpu.memory_space<vmem>>
      %dma_start3A_321 = tpu.memref_squeeze %dma_start3A_320 : memref<1x128xi32, #tpu.memory_space<vmem>> -> memref<128xi32, #tpu.memory_space<vmem>>
      %dma_start3A_322 = arith.constant 0 : i32
      %dma_start3A_323 = arith.constant 0 : i32
      %dma_start3A_324 = tpu.memref_slice %arg6[%dma_start3A_322, %dma_start3A_323] : memref<10240x64xf32, #tpu.memory_space<vmem_shared>> -> memref<10240x64xf32, #tpu.memory_space<vmem_shared>>
      tpu.enqueue_indirect_dma source(%dma_start3A_318 : memref<128x64xf32, #tpu.memory_space<vmem>>) target(%dma_start3A_324 : memref<10240x64xf32, #tpu.memory_space<vmem_shared>>) offsets(%dma_start3A_321 : memref<128xi32, #tpu.memory_space<vmem>>) semaphore(%arg17 : memref<!tpu.dma_semaphore, #tpu.memory_space<semaphore_mem>>) {add = true}
      %ge3A_325 = arith.constant 1 : i32
      %ge3A_326 = arith.cmpi sge, %add3A_300, %ge3A_325 : i32
      %convert_element_type3A_327 = arith.extui %ge3A_326 : i1 to i32
      %cond3A_328 = arith.constant 0 : i32
      %cond3A_329 = arith.cmpi ne, %convert_element_type3A_327, %cond3A_328 : i32
      scf.if %cond3A_329 {
        %dma_wait3A_627 = arith.constant 0 : i32
        %dma_wait3A_628 = arith.constant 0 : i32
        %dma_wait3A_629 = arith.constant 0 : i32
        %dma_wait3A_630 = arith.constant 0 : i32
        %dma_wait3A_631 = tpu.memref_slice %arg10[%dma_wait3A_627, %dma_wait3A_629, %dma_wait3A_630] : memref<4x128x64xf32, #tpu.memory_space<vmem>> -> memref<1x128x64xf32, #tpu.memory_space<vmem>>
        %dma_wait3A_632 = tpu.memref_squeeze %dma_wait3A_631 : memref<1x128x64xf32, #tpu.memory_space<vmem>> -> memref<128x64xf32, #tpu.memory_space<vmem>>
        %dma_wait3A_633 = arith.constant 0 : i32
        %dma_wait3A_634 = tpu.memref_slice %arg9[%dma_wait3A_628, %dma_wait3A_633] : memref<8x128xi32, #tpu.memory_space<vmem>> -> memref<1x128xi32, #tpu.memory_space<vmem>>
        %dma_wait3A_635 = tpu.memref_squeeze %dma_wait3A_634 : memref<1x128xi32, #tpu.memory_space<vmem>> -> memref<128xi32, #tpu.memory_space<vmem>>
        %dma_wait3A_636 = arith.constant 0 : i32
        %dma_wait3A_637 = arith.constant 0 : i32
        %dma_wait3A_638 = tpu.memref_slice %arg6[%dma_wait3A_636, %dma_wait3A_637] : memref<10240x64xf32, #tpu.memory_space<vmem_shared>> -> memref<10240x64xf32, #tpu.memory_space<vmem_shared>>
        tpu.wait_indirect_dma semaphore(%arg16 : memref<!tpu.dma_semaphore, #tpu.memory_space<semaphore_mem>>) src(%dma_wait3A_632 : memref<128x64xf32, #tpu.memory_space<vmem>>) dst(%dma_wait3A_638 : memref<10240x64xf32, #tpu.memory_space<vmem_shared>>)
      } else {
      }
      %add3A_330 = arith.constant 5 : i32
      %add3A_331 = arith.addi %add3A_300, %add3A_330 : i32
      %lt3A_332 = arith.constant 160 : i32
      %lt3A_333 = arith.cmpi slt, %add3A_331, %lt3A_332 : i32
      %convert_element_type3A_334 = arith.extui %lt3A_333 : i1 to i32
      %cond3A_335 = arith.constant 0 : i32
      %cond3A_336 = arith.cmpi ne, %convert_element_type3A_334, %cond3A_335 : i32
      scf.if %cond3A_336 {
        %add3A_627 = arith.constant 5 : i32
        %add3A_628 = arith.addi %add3A_300, %add3A_627 : i32
        %mul3A_629 = arith.constant 128 : i32
        %mul3A_630 = arith.muli %add3A_628, %mul3A_629 : i32
        %add3A_631 = arith.addi %mul3A_21, %mul3A_630 : i32
        %dma_start3A_632 = arith.constant 6 : i32
        %dma_start3A_633 = arith.constant 0 : i32
        %dma_start3A_634 = tpu.memref_slice %arg8[%dma_start3A_632, %dma_start3A_633] : memref<8x128xi32, #tpu.memory_space<vmem>> -> memref<1x128xi32, #tpu.memory_space<vmem>>
        %dma_start3A_635 = tpu.memref_squeeze %dma_start3A_634 : memref<1x128xi32, #tpu.memory_space<vmem>> -> memref<128xi32, #tpu.memory_space<vmem>>
        %dma_start3A_636 = tpu.memref_slice %arg3[%add3A_631] : memref<327680xi32, #tpu.memory_space<hbm>> -> memref<128xi32, #tpu.memory_space<hbm>>
        %dma_start3A_637 = arith.constant 0 : i32
        %dma_start3A_638 = tpu.memref_slice %arg8[%dma_start3A_632, %dma_start3A_637] : memref<8x128xi32, #tpu.memory_space<vmem>> -> memref<1x128xi32, #tpu.memory_space<vmem>>
        %dma_start3A_639 = tpu.memref_squeeze %dma_start3A_638 : memref<1x128xi32, #tpu.memory_space<vmem>> -> memref<128xi32, #tpu.memory_space<vmem>>
        %dma_start3A_640 = tpu.memref_slice %arg3[%add3A_631] : memref<327680xi32, #tpu.memory_space<hbm>> -> memref<128xi32, #tpu.memory_space<hbm>>
        tpu.enqueue_dma source(%dma_start3A_640 : memref<128xi32, #tpu.memory_space<hbm>>) target(%dma_start3A_639 : memref<128xi32, #tpu.memory_space<vmem>>) target_semaphore(%arg30 : memref<!tpu.dma_semaphore, #tpu.memory_space<semaphore_mem>>)
        %mul3A_641 = arith.constant 128 : i32
        %mul3A_642 = arith.muli %add3A_628, %mul3A_641 : i32
        %add3A_643 = arith.addi %mul3A_21, %mul3A_642 : i32
        %dma_start3A_644 = arith.constant 6 : i32
        %dma_start3A_645 = arith.constant 0 : i32
        %dma_start3A_646 = tpu.memref_slice %arg9[%dma_start3A_644, %dma_start3A_645] : memref<8x128xi32, #tpu.memory_space<vmem>> -> memref<1x128xi32, #tpu.memory_space<vmem>>
        %dma_start3A_647 = tpu.memref_squeeze %dma_start3A_646 : memref<1x128xi32, #tpu.memory_space<vmem>> -> memref<128xi32, #tpu.memory_space<vmem>>
        %dma_start3A_648 = tpu.memref_slice %arg4[%add3A_643] : memref<327680xi32, #tpu.memory_space<hbm>> -> memref<128xi32, #tpu.memory_space<hbm>>
        %dma_start3A_649 = arith.constant 0 : i32
        %dma_start3A_650 = tpu.memref_slice %arg9[%dma_start3A_644, %dma_start3A_649] : memref<8x128xi32, #tpu.memory_space<vmem>> -> memref<1x128xi32, #tpu.memory_space<vmem>>
        %dma_start3A_651 = tpu.memref_squeeze %dma_start3A_650 : memref<1x128xi32, #tpu.memory_space<vmem>> -> memref<128xi32, #tpu.memory_space<vmem>>
        %dma_start3A_652 = tpu.memref_slice %arg4[%add3A_643] : memref<327680xi32, #tpu.memory_space<hbm>> -> memref<128xi32, #tpu.memory_space<hbm>>
        tpu.enqueue_dma source(%dma_start3A_652 : memref<128xi32, #tpu.memory_space<hbm>>) target(%dma_start3A_651 : memref<128xi32, #tpu.memory_space<vmem>>) target_semaphore(%arg30 : memref<!tpu.dma_semaphore, #tpu.memory_space<semaphore_mem>>)
      } else {
      }
      %add3A_337 = arith.constant 3 : i32
      %add3A_338 = arith.addi %add3A_300, %add3A_337 : i32
      %lt3A_339 = arith.constant 160 : i32
      %lt3A_340 = arith.cmpi slt, %add3A_338, %lt3A_339 : i32
      %convert_element_type3A_341 = arith.extui %lt3A_340 : i1 to i32
      %cond3A_342 = arith.constant 0 : i32
      %cond3A_343 = arith.cmpi ne, %convert_element_type3A_341, %cond3A_342 : i32
      scf.if %cond3A_343 {
        %add3A_627 = arith.constant 3 : i32
        %add3A_628 = arith.addi %add3A_300, %add3A_627 : i32
        %mul3A_629 = arith.constant 128 : i32
        %mul3A_630 = arith.muli %add3A_628, %mul3A_629 : i32
        %add3A_631 = arith.addi %mul3A_21, %mul3A_630 : i32
        %dma_wait3A_632 = arith.constant 4 : i32
        %dma_wait3A_633 = arith.constant 0 : i32
        %dma_wait3A_634 = tpu.memref_slice %arg8[%dma_wait3A_632, %dma_wait3A_633] : memref<8x128xi32, #tpu.memory_space<vmem>> -> memref<1x128xi32, #tpu.memory_space<vmem>>
        %dma_wait3A_635 = tpu.memref_squeeze %dma_wait3A_634 : memref<1x128xi32, #tpu.memory_space<vmem>> -> memref<128xi32, #tpu.memory_space<vmem>>
        %dma_wait3A_636 = tpu.memref_slice %arg3[%add3A_631] : memref<327680xi32, #tpu.memory_space<hbm>> -> memref<128xi32, #tpu.memory_space<hbm>>
        %dma_wait3A_637 = arith.constant 0 : i32
        %dma_wait3A_638 = tpu.memref_slice %arg8[%dma_wait3A_632, %dma_wait3A_637] : memref<8x128xi32, #tpu.memory_space<vmem>> -> memref<1x128xi32, #tpu.memory_space<vmem>>
        %dma_wait3A_639 = tpu.memref_squeeze %dma_wait3A_638 : memref<1x128xi32, #tpu.memory_space<vmem>> -> memref<128xi32, #tpu.memory_space<vmem>>
        %dma_wait3A_640 = tpu.memref_slice %arg3[%add3A_631] : memref<327680xi32, #tpu.memory_space<hbm>> -> memref<128xi32, #tpu.memory_space<hbm>>
        tpu.wait_dma2 semaphore(%arg28 : memref<!tpu.dma_semaphore, #tpu.memory_space<semaphore_mem>>) src(%dma_wait3A_640 : memref<128xi32, #tpu.memory_space<hbm>>) dst(%dma_wait3A_639 : memref<128xi32, #tpu.memory_space<vmem>>)
        %mul3A_641 = arith.constant 128 : i32
        %mul3A_642 = arith.muli %add3A_628, %mul3A_641 : i32
        %add3A_643 = arith.addi %mul3A_21, %mul3A_642 : i32
        %dma_wait3A_644 = arith.constant 4 : i32
        %dma_wait3A_645 = arith.constant 0 : i32
        %dma_wait3A_646 = tpu.memref_slice %arg9[%dma_wait3A_644, %dma_wait3A_645] : memref<8x128xi32, #tpu.memory_space<vmem>> -> memref<1x128xi32, #tpu.memory_space<vmem>>
        %dma_wait3A_647 = tpu.memref_squeeze %dma_wait3A_646 : memref<1x128xi32, #tpu.memory_space<vmem>> -> memref<128xi32, #tpu.memory_space<vmem>>
        %dma_wait3A_648 = tpu.memref_slice %arg4[%add3A_643] : memref<327680xi32, #tpu.memory_space<hbm>> -> memref<128xi32, #tpu.memory_space<hbm>>
        %dma_wait3A_649 = arith.constant 0 : i32
        %dma_wait3A_650 = tpu.memref_slice %arg9[%dma_wait3A_644, %dma_wait3A_649] : memref<8x128xi32, #tpu.memory_space<vmem>> -> memref<1x128xi32, #tpu.memory_space<vmem>>
        %dma_wait3A_651 = tpu.memref_squeeze %dma_wait3A_650 : memref<1x128xi32, #tpu.memory_space<vmem>> -> memref<128xi32, #tpu.memory_space<vmem>>
        %dma_wait3A_652 = tpu.memref_slice %arg4[%add3A_643] : memref<327680xi32, #tpu.memory_space<hbm>> -> memref<128xi32, #tpu.memory_space<hbm>>
        tpu.wait_dma2 semaphore(%arg28 : memref<!tpu.dma_semaphore, #tpu.memory_space<semaphore_mem>>) src(%dma_wait3A_652 : memref<128xi32, #tpu.memory_space<hbm>>) dst(%dma_wait3A_651 : memref<128xi32, #tpu.memory_space<vmem>>)
        %dma_start3A_653 = arith.constant 4 : i32
        %dma_start3A_654 = arith.constant 0 : i32
        %dma_start3A_655 = arith.constant 0 : i32
        %dma_start3A_656 = arith.constant 0 : i32
        %dma_start3A_657 = tpu.memref_slice %arg10[%dma_start3A_654, %dma_start3A_655, %dma_start3A_656] : memref<4x128x64xf32, #tpu.memory_space<vmem>> -> memref<1x128x64xf32, #tpu.memory_space<vmem>>
        %dma_start3A_658 = tpu.memref_squeeze %dma_start3A_657 : memref<1x128x64xf32, #tpu.memory_space<vmem>> -> memref<128x64xf32, #tpu.memory_space<vmem>>
        %dma_start3A_659 = arith.constant 0 : i32
        %dma_start3A_660 = tpu.memref_slice %arg8[%dma_start3A_653, %dma_start3A_659] : memref<8x128xi32, #tpu.memory_space<vmem>> -> memref<1x128xi32, #tpu.memory_space<vmem>>
        %dma_start3A_661 = tpu.memref_squeeze %dma_start3A_660 : memref<1x128xi32, #tpu.memory_space<vmem>> -> memref<128xi32, #tpu.memory_space<vmem>>
        %dma_start3A_662 = arith.constant 0 : i32
        %dma_start3A_663 = arith.constant 0 : i32
        %dma_start3A_664 = tpu.memref_slice %arg7[%dma_start3A_662, %dma_start3A_663] : memref<10000x64xf32, #tpu.memory_space<vmem_shared>> -> memref<10000x64xf32, #tpu.memory_space<vmem_shared>>
        tpu.enqueue_indirect_dma source(%dma_start3A_664 : memref<10000x64xf32, #tpu.memory_space<vmem_shared>>) target(%dma_start3A_658 : memref<128x64xf32, #tpu.memory_space<vmem>>) offsets(%dma_start3A_661 : memref<128xi32, #tpu.memory_space<vmem>>) semaphore(%arg12 : memref<!tpu.dma_semaphore, #tpu.memory_space<semaphore_mem>>)
      } else {
      }
      %mul3A_344 = arith.constant 8 : i32
      %mul3A_345 = arith.muli %mul3A_344, %scan3A_252 : i32
      %add3A_346 = arith.constant 2 : i32
      %add3A_347 = arith.addi %mul3A_345, %add3A_346 : i32
      %dma_wait3A_348 = arith.constant 2 : i32
      %dma_wait3A_349 = arith.constant 2 : i32
      %dma_wait3A_350 = arith.constant 0 : i32
      %dma_wait3A_351 = arith.constant 0 : i32
      %dma_wait3A_352 = tpu.memref_slice %arg10[%dma_wait3A_349, %dma_wait3A_350, %dma_wait3A_351] : memref<4x128x64xf32, #tpu.memory_space<vmem>> -> memref<1x128x64xf32, #tpu.memory_space<vmem>>
      %dma_wait3A_353 = tpu.memref_squeeze %dma_wait3A_352 : memref<1x128x64xf32, #tpu.memory_space<vmem>> -> memref<128x64xf32, #tpu.memory_space<vmem>>
      %dma_wait3A_354 = arith.constant 0 : i32
      %dma_wait3A_355 = tpu.memref_slice %arg8[%dma_wait3A_348, %dma_wait3A_354] : memref<8x128xi32, #tpu.memory_space<vmem>> -> memref<1x128xi32, #tpu.memory_space<vmem>>
      %dma_wait3A_356 = tpu.memref_squeeze %dma_wait3A_355 : memref<1x128xi32, #tpu.memory_space<vmem>> -> memref<128xi32, #tpu.memory_space<vmem>>
      %dma_wait3A_357 = arith.constant 0 : i32
      %dma_wait3A_358 = arith.constant 0 : i32
      %dma_wait3A_359 = tpu.memref_slice %arg7[%dma_wait3A_357, %dma_wait3A_358] : memref<10000x64xf32, #tpu.memory_space<vmem_shared>> -> memref<10000x64xf32, #tpu.memory_space<vmem_shared>>
      tpu.wait_indirect_dma semaphore(%arg14 : memref<!tpu.dma_semaphore, #tpu.memory_space<semaphore_mem>>) src(%dma_wait3A_359 : memref<10000x64xf32, #tpu.memory_space<vmem_shared>>) dst(%dma_wait3A_353 : memref<128x64xf32, #tpu.memory_space<vmem>>)
      %dma_start3A_360 = arith.constant 2 : i32
      %dma_start3A_361 = arith.constant 2 : i32
      %dma_start3A_362 = arith.constant 0 : i32
      %dma_start3A_363 = arith.constant 0 : i32
      %dma_start3A_364 = tpu.memref_slice %arg10[%dma_start3A_360, %dma_start3A_362, %dma_start3A_363] : memref<4x128x64xf32, #tpu.memory_space<vmem>> -> memref<1x128x64xf32, #tpu.memory_space<vmem>>
      %dma_start3A_365 = tpu.memref_squeeze %dma_start3A_364 : memref<1x128x64xf32, #tpu.memory_space<vmem>> -> memref<128x64xf32, #tpu.memory_space<vmem>>
      %dma_start3A_366 = arith.constant 0 : i32
      %dma_start3A_367 = tpu.memref_slice %arg9[%dma_start3A_361, %dma_start3A_366] : memref<8x128xi32, #tpu.memory_space<vmem>> -> memref<1x128xi32, #tpu.memory_space<vmem>>
      %dma_start3A_368 = tpu.memref_squeeze %dma_start3A_367 : memref<1x128xi32, #tpu.memory_space<vmem>> -> memref<128xi32, #tpu.memory_space<vmem>>
      %dma_start3A_369 = arith.constant 0 : i32
      %dma_start3A_370 = arith.constant 0 : i32
      %dma_start3A_371 = tpu.memref_slice %arg6[%dma_start3A_369, %dma_start3A_370] : memref<10240x64xf32, #tpu.memory_space<vmem_shared>> -> memref<10240x64xf32, #tpu.memory_space<vmem_shared>>
      tpu.enqueue_indirect_dma source(%dma_start3A_365 : memref<128x64xf32, #tpu.memory_space<vmem>>) target(%dma_start3A_371 : memref<10240x64xf32, #tpu.memory_space<vmem_shared>>) offsets(%dma_start3A_368 : memref<128xi32, #tpu.memory_space<vmem>>) semaphore(%arg18 : memref<!tpu.dma_semaphore, #tpu.memory_space<semaphore_mem>>) {add = true}
      %ge3A_372 = arith.constant 1 : i32
      %ge3A_373 = arith.cmpi sge, %add3A_347, %ge3A_372 : i32
      %convert_element_type3A_374 = arith.extui %ge3A_373 : i1 to i32
      %cond3A_375 = arith.constant 0 : i32
      %cond3A_376 = arith.cmpi ne, %convert_element_type3A_374, %cond3A_375 : i32
      scf.if %cond3A_376 {
        %dma_wait3A_627 = arith.constant 1 : i32
        %dma_wait3A_628 = arith.constant 1 : i32
        %dma_wait3A_629 = arith.constant 0 : i32
        %dma_wait3A_630 = arith.constant 0 : i32
        %dma_wait3A_631 = tpu.memref_slice %arg10[%dma_wait3A_627, %dma_wait3A_629, %dma_wait3A_630] : memref<4x128x64xf32, #tpu.memory_space<vmem>> -> memref<1x128x64xf32, #tpu.memory_space<vmem>>
        %dma_wait3A_632 = tpu.memref_squeeze %dma_wait3A_631 : memref<1x128x64xf32, #tpu.memory_space<vmem>> -> memref<128x64xf32, #tpu.memory_space<vmem>>
        %dma_wait3A_633 = arith.constant 0 : i32
        %dma_wait3A_634 = tpu.memref_slice %arg9[%dma_wait3A_628, %dma_wait3A_633] : memref<8x128xi32, #tpu.memory_space<vmem>> -> memref<1x128xi32, #tpu.memory_space<vmem>>
        %dma_wait3A_635 = tpu.memref_squeeze %dma_wait3A_634 : memref<1x128xi32, #tpu.memory_space<vmem>> -> memref<128xi32, #tpu.memory_space<vmem>>
        %dma_wait3A_636 = arith.constant 0 : i32
        %dma_wait3A_637 = arith.constant 0 : i32
        %dma_wait3A_638 = tpu.memref_slice %arg6[%dma_wait3A_636, %dma_wait3A_637] : memref<10240x64xf32, #tpu.memory_space<vmem_shared>> -> memref<10240x64xf32, #tpu.memory_space<vmem_shared>>
        tpu.wait_indirect_dma semaphore(%arg17 : memref<!tpu.dma_semaphore, #tpu.memory_space<semaphore_mem>>) src(%dma_wait3A_632 : memref<128x64xf32, #tpu.memory_space<vmem>>) dst(%dma_wait3A_638 : memref<10240x64xf32, #tpu.memory_space<vmem_shared>>)
      } else {
      }
      %add3A_377 = arith.constant 5 : i32
      %add3A_378 = arith.addi %add3A_347, %add3A_377 : i32
      %lt3A_379 = arith.constant 160 : i32
      %lt3A_380 = arith.cmpi slt, %add3A_378, %lt3A_379 : i32
      %convert_element_type3A_381 = arith.extui %lt3A_380 : i1 to i32
      %cond3A_382 = arith.constant 0 : i32
      %cond3A_383 = arith.cmpi ne, %convert_element_type3A_381, %cond3A_382 : i32
      scf.if %cond3A_383 {
        %add3A_627 = arith.constant 5 : i32
        %add3A_628 = arith.addi %add3A_347, %add3A_627 : i32
        %mul3A_629 = arith.constant 128 : i32
        %mul3A_630 = arith.muli %add3A_628, %mul3A_629 : i32
        %add3A_631 = arith.addi %mul3A_21, %mul3A_630 : i32
        %dma_start3A_632 = arith.constant 7 : i32
        %dma_start3A_633 = arith.constant 0 : i32
        %dma_start3A_634 = tpu.memref_slice %arg8[%dma_start3A_632, %dma_start3A_633] : memref<8x128xi32, #tpu.memory_space<vmem>> -> memref<1x128xi32, #tpu.memory_space<vmem>>
        %dma_start3A_635 = tpu.memref_squeeze %dma_start3A_634 : memref<1x128xi32, #tpu.memory_space<vmem>> -> memref<128xi32, #tpu.memory_space<vmem>>
        %dma_start3A_636 = tpu.memref_slice %arg3[%add3A_631] : memref<327680xi32, #tpu.memory_space<hbm>> -> memref<128xi32, #tpu.memory_space<hbm>>
        %dma_start3A_637 = arith.constant 0 : i32
        %dma_start3A_638 = tpu.memref_slice %arg8[%dma_start3A_632, %dma_start3A_637] : memref<8x128xi32, #tpu.memory_space<vmem>> -> memref<1x128xi32, #tpu.memory_space<vmem>>
        %dma_start3A_639 = tpu.memref_squeeze %dma_start3A_638 : memref<1x128xi32, #tpu.memory_space<vmem>> -> memref<128xi32, #tpu.memory_space<vmem>>
        %dma_start3A_640 = tpu.memref_slice %arg3[%add3A_631] : memref<327680xi32, #tpu.memory_space<hbm>> -> memref<128xi32, #tpu.memory_space<hbm>>
        tpu.enqueue_dma source(%dma_start3A_640 : memref<128xi32, #tpu.memory_space<hbm>>) target(%dma_start3A_639 : memref<128xi32, #tpu.memory_space<vmem>>) target_semaphore(%arg31 : memref<!tpu.dma_semaphore, #tpu.memory_space<semaphore_mem>>)
        %mul3A_641 = arith.constant 128 : i32
        %mul3A_642 = arith.muli %add3A_628, %mul3A_641 : i32
        %add3A_643 = arith.addi %mul3A_21, %mul3A_642 : i32
        %dma_start3A_644 = arith.constant 7 : i32
        %dma_start3A_645 = arith.constant 0 : i32
        %dma_start3A_646 = tpu.memref_slice %arg9[%dma_start3A_644, %dma_start3A_645] : memref<8x128xi32, #tpu.memory_space<vmem>> -> memref<1x128xi32, #tpu.memory_space<vmem>>
        %dma_start3A_647 = tpu.memref_squeeze %dma_start3A_646 : memref<1x128xi32, #tpu.memory_space<vmem>> -> memref<128xi32, #tpu.memory_space<vmem>>
        %dma_start3A_648 = tpu.memref_slice %arg4[%add3A_643] : memref<327680xi32, #tpu.memory_space<hbm>> -> memref<128xi32, #tpu.memory_space<hbm>>
        %dma_start3A_649 = arith.constant 0 : i32
        %dma_start3A_650 = tpu.memref_slice %arg9[%dma_start3A_644, %dma_start3A_649] : memref<8x128xi32, #tpu.memory_space<vmem>> -> memref<1x128xi32, #tpu.memory_space<vmem>>
        %dma_start3A_651 = tpu.memref_squeeze %dma_start3A_650 : memref<1x128xi32, #tpu.memory_space<vmem>> -> memref<128xi32, #tpu.memory_space<vmem>>
        %dma_start3A_652 = tpu.memref_slice %arg4[%add3A_643] : memref<327680xi32, #tpu.memory_space<hbm>> -> memref<128xi32, #tpu.memory_space<hbm>>
        tpu.enqueue_dma source(%dma_start3A_652 : memref<128xi32, #tpu.memory_space<hbm>>) target(%dma_start3A_651 : memref<128xi32, #tpu.memory_space<vmem>>) target_semaphore(%arg31 : memref<!tpu.dma_semaphore, #tpu.memory_space<semaphore_mem>>)
      } else {
      }
      %add3A_384 = arith.constant 3 : i32
      %add3A_385 = arith.addi %add3A_347, %add3A_384 : i32
      %lt3A_386 = arith.constant 160 : i32
      %lt3A_387 = arith.cmpi slt, %add3A_385, %lt3A_386 : i32
      %convert_element_type3A_388 = arith.extui %lt3A_387 : i1 to i32
      %cond3A_389 = arith.constant 0 : i32
      %cond3A_390 = arith.cmpi ne, %convert_element_type3A_388, %cond3A_389 : i32
      scf.if %cond3A_390 {
        %add3A_627 = arith.constant 3 : i32
        %add3A_628 = arith.addi %add3A_347, %add3A_627 : i32
        %mul3A_629 = arith.constant 128 : i32
        %mul3A_630 = arith.muli %add3A_628, %mul3A_629 : i32
        %add3A_631 = arith.addi %mul3A_21, %mul3A_630 : i32
        %dma_wait3A_632 = arith.constant 5 : i32
        %dma_wait3A_633 = arith.constant 0 : i32
        %dma_wait3A_634 = tpu.memref_slice %arg8[%dma_wait3A_632, %dma_wait3A_633] : memref<8x128xi32, #tpu.memory_space<vmem>> -> memref<1x128xi32, #tpu.memory_space<vmem>>
        %dma_wait3A_635 = tpu.memref_squeeze %dma_wait3A_634 : memref<1x128xi32, #tpu.memory_space<vmem>> -> memref<128xi32, #tpu.memory_space<vmem>>
        %dma_wait3A_636 = tpu.memref_slice %arg3[%add3A_631] : memref<327680xi32, #tpu.memory_space<hbm>> -> memref<128xi32, #tpu.memory_space<hbm>>
        %dma_wait3A_637 = arith.constant 0 : i32
        %dma_wait3A_638 = tpu.memref_slice %arg8[%dma_wait3A_632, %dma_wait3A_637] : memref<8x128xi32, #tpu.memory_space<vmem>> -> memref<1x128xi32, #tpu.memory_space<vmem>>
        %dma_wait3A_639 = tpu.memref_squeeze %dma_wait3A_638 : memref<1x128xi32, #tpu.memory_space<vmem>> -> memref<128xi32, #tpu.memory_space<vmem>>
        %dma_wait3A_640 = tpu.memref_slice %arg3[%add3A_631] : memref<327680xi32, #tpu.memory_space<hbm>> -> memref<128xi32, #tpu.memory_space<hbm>>
        tpu.wait_dma2 semaphore(%arg29 : memref<!tpu.dma_semaphore, #tpu.memory_space<semaphore_mem>>) src(%dma_wait3A_640 : memref<128xi32, #tpu.memory_space<hbm>>) dst(%dma_wait3A_639 : memref<128xi32, #tpu.memory_space<vmem>>)
        %mul3A_641 = arith.constant 128 : i32
        %mul3A_642 = arith.muli %add3A_628, %mul3A_641 : i32
        %add3A_643 = arith.addi %mul3A_21, %mul3A_642 : i32
        %dma_wait3A_644 = arith.constant 5 : i32
        %dma_wait3A_645 = arith.constant 0 : i32
        %dma_wait3A_646 = tpu.memref_slice %arg9[%dma_wait3A_644, %dma_wait3A_645] : memref<8x128xi32, #tpu.memory_space<vmem>> -> memref<1x128xi32, #tpu.memory_space<vmem>>
        %dma_wait3A_647 = tpu.memref_squeeze %dma_wait3A_646 : memref<1x128xi32, #tpu.memory_space<vmem>> -> memref<128xi32, #tpu.memory_space<vmem>>
        %dma_wait3A_648 = tpu.memref_slice %arg4[%add3A_643] : memref<327680xi32, #tpu.memory_space<hbm>> -> memref<128xi32, #tpu.memory_space<hbm>>
        %dma_wait3A_649 = arith.constant 0 : i32
        %dma_wait3A_650 = tpu.memref_slice %arg9[%dma_wait3A_644, %dma_wait3A_649] : memref<8x128xi32, #tpu.memory_space<vmem>> -> memref<1x128xi32, #tpu.memory_space<vmem>>
        %dma_wait3A_651 = tpu.memref_squeeze %dma_wait3A_650 : memref<1x128xi32, #tpu.memory_space<vmem>> -> memref<128xi32, #tpu.memory_space<vmem>>
        %dma_wait3A_652 = tpu.memref_slice %arg4[%add3A_643] : memref<327680xi32, #tpu.memory_space<hbm>> -> memref<128xi32, #tpu.memory_space<hbm>>
        tpu.wait_dma2 semaphore(%arg29 : memref<!tpu.dma_semaphore, #tpu.memory_space<semaphore_mem>>) src(%dma_wait3A_652 : memref<128xi32, #tpu.memory_space<hbm>>) dst(%dma_wait3A_651 : memref<128xi32, #tpu.memory_space<vmem>>)
        %dma_start3A_653 = arith.constant 5 : i32
        %dma_start3A_654 = arith.constant 1 : i32
        %dma_start3A_655 = arith.constant 0 : i32
        %dma_start3A_656 = arith.constant 0 : i32
        %dma_start3A_657 = tpu.memref_slice %arg10[%dma_start3A_654, %dma_start3A_655, %dma_start3A_656] : memref<4x128x64xf32, #tpu.memory_space<vmem>> -> memref<1x128x64xf32, #tpu.memory_space<vmem>>
        %dma_start3A_658 = tpu.memref_squeeze %dma_start3A_657 : memref<1x128x64xf32, #tpu.memory_space<vmem>> -> memref<128x64xf32, #tpu.memory_space<vmem>>
        %dma_start3A_659 = arith.constant 0 : i32
        %dma_start3A_660 = tpu.memref_slice %arg8[%dma_start3A_653, %dma_start3A_659] : memref<8x128xi32, #tpu.memory_space<vmem>> -> memref<1x128xi32, #tpu.memory_space<vmem>>
        %dma_start3A_661 = tpu.memref_squeeze %dma_start3A_660 : memref<1x128xi32, #tpu.memory_space<vmem>> -> memref<128xi32, #tpu.memory_space<vmem>>
        %dma_start3A_662 = arith.constant 0 : i32
        %dma_start3A_663 = arith.constant 0 : i32
        %dma_start3A_664 = tpu.memref_slice %arg7[%dma_start3A_662, %dma_start3A_663] : memref<10000x64xf32, #tpu.memory_space<vmem_shared>> -> memref<10000x64xf32, #tpu.memory_space<vmem_shared>>
        tpu.enqueue_indirect_dma source(%dma_start3A_664 : memref<10000x64xf32, #tpu.memory_space<vmem_shared>>) target(%dma_start3A_658 : memref<128x64xf32, #tpu.memory_space<vmem>>) offsets(%dma_start3A_661 : memref<128xi32, #tpu.memory_space<vmem>>) semaphore(%arg13 : memref<!tpu.dma_semaphore, #tpu.memory_space<semaphore_mem>>)
      } else {
      }
      %mul3A_391 = arith.constant 8 : i32
      %mul3A_392 = arith.muli %mul3A_391, %scan3A_252 : i32
      %add3A_393 = arith.constant 3 : i32
      %add3A_394 = arith.addi %mul3A_392, %add3A_393 : i32
      %dma_wait3A_395 = arith.constant 3 : i32
      %dma_wait3A_396 = arith.constant 3 : i32
      %dma_wait3A_397 = arith.constant 0 : i32
      %dma_wait3A_398 = arith.constant 0 : i32
      %dma_wait3A_399 = tpu.memref_slice %arg10[%dma_wait3A_396, %dma_wait3A_397, %dma_wait3A_398] : memref<4x128x64xf32, #tpu.memory_space<vmem>> -> memref<1x128x64xf32, #tpu.memory_space<vmem>>
      %dma_wait3A_400 = tpu.memref_squeeze %dma_wait3A_399 : memref<1x128x64xf32, #tpu.memory_space<vmem>> -> memref<128x64xf32, #tpu.memory_space<vmem>>
      %dma_wait3A_401 = arith.constant 0 : i32
      %dma_wait3A_402 = tpu.memref_slice %arg8[%dma_wait3A_395, %dma_wait3A_401] : memref<8x128xi32, #tpu.memory_space<vmem>> -> memref<1x128xi32, #tpu.memory_space<vmem>>
      %dma_wait3A_403 = tpu.memref_squeeze %dma_wait3A_402 : memref<1x128xi32, #tpu.memory_space<vmem>> -> memref<128xi32, #tpu.memory_space<vmem>>
      %dma_wait3A_404 = arith.constant 0 : i32
      %dma_wait3A_405 = arith.constant 0 : i32
      %dma_wait3A_406 = tpu.memref_slice %arg7[%dma_wait3A_404, %dma_wait3A_405] : memref<10000x64xf32, #tpu.memory_space<vmem_shared>> -> memref<10000x64xf32, #tpu.memory_space<vmem_shared>>
      tpu.wait_indirect_dma semaphore(%arg15 : memref<!tpu.dma_semaphore, #tpu.memory_space<semaphore_mem>>) src(%dma_wait3A_406 : memref<10000x64xf32, #tpu.memory_space<vmem_shared>>) dst(%dma_wait3A_400 : memref<128x64xf32, #tpu.memory_space<vmem>>)
      %dma_start3A_407 = arith.constant 3 : i32
      %dma_start3A_408 = arith.constant 3 : i32
      %dma_start3A_409 = arith.constant 0 : i32
      %dma_start3A_410 = arith.constant 0 : i32
      %dma_start3A_411 = tpu.memref_slice %arg10[%dma_start3A_407, %dma_start3A_409, %dma_start3A_410] : memref<4x128x64xf32, #tpu.memory_space<vmem>> -> memref<1x128x64xf32, #tpu.memory_space<vmem>>
      %dma_start3A_412 = tpu.memref_squeeze %dma_start3A_411 : memref<1x128x64xf32, #tpu.memory_space<vmem>> -> memref<128x64xf32, #tpu.memory_space<vmem>>
      %dma_start3A_413 = arith.constant 0 : i32
      %dma_start3A_414 = tpu.memref_slice %arg9[%dma_start3A_408, %dma_start3A_413] : memref<8x128xi32, #tpu.memory_space<vmem>> -> memref<1x128xi32, #tpu.memory_space<vmem>>
      %dma_start3A_415 = tpu.memref_squeeze %dma_start3A_414 : memref<1x128xi32, #tpu.memory_space<vmem>> -> memref<128xi32, #tpu.memory_space<vmem>>
      %dma_start3A_416 = arith.constant 0 : i32
      %dma_start3A_417 = arith.constant 0 : i32
      %dma_start3A_418 = tpu.memref_slice %arg6[%dma_start3A_416, %dma_start3A_417] : memref<10240x64xf32, #tpu.memory_space<vmem_shared>> -> memref<10240x64xf32, #tpu.memory_space<vmem_shared>>
      tpu.enqueue_indirect_dma source(%dma_start3A_412 : memref<128x64xf32, #tpu.memory_space<vmem>>) target(%dma_start3A_418 : memref<10240x64xf32, #tpu.memory_space<vmem_shared>>) offsets(%dma_start3A_415 : memref<128xi32, #tpu.memory_space<vmem>>) semaphore(%arg19 : memref<!tpu.dma_semaphore, #tpu.memory_space<semaphore_mem>>) {add = true}
      %ge3A_419 = arith.constant 1 : i32
      %ge3A_420 = arith.cmpi sge, %add3A_394, %ge3A_419 : i32
      %convert_element_type3A_421 = arith.extui %ge3A_420 : i1 to i32
      %cond3A_422 = arith.constant 0 : i32
      %cond3A_423 = arith.cmpi ne, %convert_element_type3A_421, %cond3A_422 : i32
      scf.if %cond3A_423 {
        %dma_wait3A_627 = arith.constant 2 : i32
        %dma_wait3A_628 = arith.constant 2 : i32
        %dma_wait3A_629 = arith.constant 0 : i32
        %dma_wait3A_630 = arith.constant 0 : i32
        %dma_wait3A_631 = tpu.memref_slice %arg10[%dma_wait3A_627, %dma_wait3A_629, %dma_wait3A_630] : memref<4x128x64xf32, #tpu.memory_space<vmem>> -> memref<1x128x64xf32, #tpu.memory_space<vmem>>
        %dma_wait3A_632 = tpu.memref_squeeze %dma_wait3A_631 : memref<1x128x64xf32, #tpu.memory_space<vmem>> -> memref<128x64xf32, #tpu.memory_space<vmem>>
        %dma_wait3A_633 = arith.constant 0 : i32
        %dma_wait3A_634 = tpu.memref_slice %arg9[%dma_wait3A_628, %dma_wait3A_633] : memref<8x128xi32, #tpu.memory_space<vmem>> -> memref<1x128xi32, #tpu.memory_space<vmem>>
        %dma_wait3A_635 = tpu.memref_squeeze %dma_wait3A_634 : memref<1x128xi32, #tpu.memory_space<vmem>> -> memref<128xi32, #tpu.memory_space<vmem>>
        %dma_wait3A_636 = arith.constant 0 : i32
        %dma_wait3A_637 = arith.constant 0 : i32
        %dma_wait3A_638 = tpu.memref_slice %arg6[%dma_wait3A_636, %dma_wait3A_637] : memref<10240x64xf32, #tpu.memory_space<vmem_shared>> -> memref<10240x64xf32, #tpu.memory_space<vmem_shared>>
        tpu.wait_indirect_dma semaphore(%arg18 : memref<!tpu.dma_semaphore, #tpu.memory_space<semaphore_mem>>) src(%dma_wait3A_632 : memref<128x64xf32, #tpu.memory_space<vmem>>) dst(%dma_wait3A_638 : memref<10240x64xf32, #tpu.memory_space<vmem_shared>>)
      } else {
      }
      %add3A_424 = arith.constant 5 : i32
      %add3A_425 = arith.addi %add3A_394, %add3A_424 : i32
      %lt3A_426 = arith.constant 160 : i32
      %lt3A_427 = arith.cmpi slt, %add3A_425, %lt3A_426 : i32
      %convert_element_type3A_428 = arith.extui %lt3A_427 : i1 to i32
      %cond3A_429 = arith.constant 0 : i32
      %cond3A_430 = arith.cmpi ne, %convert_element_type3A_428, %cond3A_429 : i32
      scf.if %cond3A_430 {
        %add3A_627 = arith.constant 5 : i32
        %add3A_628 = arith.addi %add3A_394, %add3A_627 : i32
        %mul3A_629 = arith.constant 128 : i32
        %mul3A_630 = arith.muli %add3A_628, %mul3A_629 : i32
        %add3A_631 = arith.addi %mul3A_21, %mul3A_630 : i32
        %dma_start3A_632 = arith.constant 0 : i32
        %dma_start3A_633 = arith.constant 0 : i32
        %dma_start3A_634 = tpu.memref_slice %arg8[%dma_start3A_632, %dma_start3A_633] : memref<8x128xi32, #tpu.memory_space<vmem>> -> memref<1x128xi32, #tpu.memory_space<vmem>>
        %dma_start3A_635 = tpu.memref_squeeze %dma_start3A_634 : memref<1x128xi32, #tpu.memory_space<vmem>> -> memref<128xi32, #tpu.memory_space<vmem>>
        %dma_start3A_636 = tpu.memref_slice %arg3[%add3A_631] : memref<327680xi32, #tpu.memory_space<hbm>> -> memref<128xi32, #tpu.memory_space<hbm>>
        %dma_start3A_637 = arith.constant 0 : i32
        %dma_start3A_638 = tpu.memref_slice %arg8[%dma_start3A_632, %dma_start3A_637] : memref<8x128xi32, #tpu.memory_space<vmem>> -> memref<1x128xi32, #tpu.memory_space<vmem>>
        %dma_start3A_639 = tpu.memref_squeeze %dma_start3A_638 : memref<1x128xi32, #tpu.memory_space<vmem>> -> memref<128xi32, #tpu.memory_space<vmem>>
        %dma_start3A_640 = tpu.memref_slice %arg3[%add3A_631] : memref<327680xi32, #tpu.memory_space<hbm>> -> memref<128xi32, #tpu.memory_space<hbm>>
        tpu.enqueue_dma source(%dma_start3A_640 : memref<128xi32, #tpu.memory_space<hbm>>) target(%dma_start3A_639 : memref<128xi32, #tpu.memory_space<vmem>>) target_semaphore(%arg24 : memref<!tpu.dma_semaphore, #tpu.memory_space<semaphore_mem>>)
        %mul3A_641 = arith.constant 128 : i32
        %mul3A_642 = arith.muli %add3A_628, %mul3A_641 : i32
        %add3A_643 = arith.addi %mul3A_21, %mul3A_642 : i32
        %dma_start3A_644 = arith.constant 0 : i32
        %dma_start3A_645 = arith.constant 0 : i32
        %dma_start3A_646 = tpu.memref_slice %arg9[%dma_start3A_644, %dma_start3A_645] : memref<8x128xi32, #tpu.memory_space<vmem>> -> memref<1x128xi32, #tpu.memory_space<vmem>>
        %dma_start3A_647 = tpu.memref_squeeze %dma_start3A_646 : memref<1x128xi32, #tpu.memory_space<vmem>> -> memref<128xi32, #tpu.memory_space<vmem>>
        %dma_start3A_648 = tpu.memref_slice %arg4[%add3A_643] : memref<327680xi32, #tpu.memory_space<hbm>> -> memref<128xi32, #tpu.memory_space<hbm>>
        %dma_start3A_649 = arith.constant 0 : i32
        %dma_start3A_650 = tpu.memref_slice %arg9[%dma_start3A_644, %dma_start3A_649] : memref<8x128xi32, #tpu.memory_space<vmem>> -> memref<1x128xi32, #tpu.memory_space<vmem>>
        %dma_start3A_651 = tpu.memref_squeeze %dma_start3A_650 : memref<1x128xi32, #tpu.memory_space<vmem>> -> memref<128xi32, #tpu.memory_space<vmem>>
        %dma_start3A_652 = tpu.memref_slice %arg4[%add3A_643] : memref<327680xi32, #tpu.memory_space<hbm>> -> memref<128xi32, #tpu.memory_space<hbm>>
        tpu.enqueue_dma source(%dma_start3A_652 : memref<128xi32, #tpu.memory_space<hbm>>) target(%dma_start3A_651 : memref<128xi32, #tpu.memory_space<vmem>>) target_semaphore(%arg24 : memref<!tpu.dma_semaphore, #tpu.memory_space<semaphore_mem>>)
      } else {
      }
      %add3A_431 = arith.constant 3 : i32
      %add3A_432 = arith.addi %add3A_394, %add3A_431 : i32
      %lt3A_433 = arith.constant 160 : i32
      %lt3A_434 = arith.cmpi slt, %add3A_432, %lt3A_433 : i32
      %convert_element_type3A_435 = arith.extui %lt3A_434 : i1 to i32
      %cond3A_436 = arith.constant 0 : i32
      %cond3A_437 = arith.cmpi ne, %convert_element_type3A_435, %cond3A_436 : i32
      scf.if %cond3A_437 {
        %add3A_627 = arith.constant 3 : i32
        %add3A_628 = arith.addi %add3A_394, %add3A_627 : i32
        %mul3A_629 = arith.constant 128 : i32
        %mul3A_630 = arith.muli %add3A_628, %mul3A_629 : i32
        %add3A_631 = arith.addi %mul3A_21, %mul3A_630 : i32
        %dma_wait3A_632 = arith.constant 6 : i32
        %dma_wait3A_633 = arith.constant 0 : i32
        %dma_wait3A_634 = tpu.memref_slice %arg8[%dma_wait3A_632, %dma_wait3A_633] : memref<8x128xi32, #tpu.memory_space<vmem>> -> memref<1x128xi32, #tpu.memory_space<vmem>>
        %dma_wait3A_635 = tpu.memref_squeeze %dma_wait3A_634 : memref<1x128xi32, #tpu.memory_space<vmem>> -> memref<128xi32, #tpu.memory_space<vmem>>
        %dma_wait3A_636 = tpu.memref_slice %arg3[%add3A_631] : memref<327680xi32, #tpu.memory_space<hbm>> -> memref<128xi32, #tpu.memory_space<hbm>>
        %dma_wait3A_637 = arith.constant 0 : i32
        %dma_wait3A_638 = tpu.memref_slice %arg8[%dma_wait3A_632, %dma_wait3A_637] : memref<8x128xi32, #tpu.memory_space<vmem>> -> memref<1x128xi32, #tpu.memory_space<vmem>>
        %dma_wait3A_639 = tpu.memref_squeeze %dma_wait3A_638 : memref<1x128xi32, #tpu.memory_space<vmem>> -> memref<128xi32, #tpu.memory_space<vmem>>
        %dma_wait3A_640 = tpu.memref_slice %arg3[%add3A_631] : memref<327680xi32, #tpu.memory_space<hbm>> -> memref<128xi32, #tpu.memory_space<hbm>>
        tpu.wait_dma2 semaphore(%arg30 : memref<!tpu.dma_semaphore, #tpu.memory_space<semaphore_mem>>) src(%dma_wait3A_640 : memref<128xi32, #tpu.memory_space<hbm>>) dst(%dma_wait3A_639 : memref<128xi32, #tpu.memory_space<vmem>>)
        %mul3A_641 = arith.constant 128 : i32
        %mul3A_642 = arith.muli %add3A_628, %mul3A_641 : i32
        %add3A_643 = arith.addi %mul3A_21, %mul3A_642 : i32
        %dma_wait3A_644 = arith.constant 6 : i32
        %dma_wait3A_645 = arith.constant 0 : i32
        %dma_wait3A_646 = tpu.memref_slice %arg9[%dma_wait3A_644, %dma_wait3A_645] : memref<8x128xi32, #tpu.memory_space<vmem>> -> memref<1x128xi32, #tpu.memory_space<vmem>>
        %dma_wait3A_647 = tpu.memref_squeeze %dma_wait3A_646 : memref<1x128xi32, #tpu.memory_space<vmem>> -> memref<128xi32, #tpu.memory_space<vmem>>
        %dma_wait3A_648 = tpu.memref_slice %arg4[%add3A_643] : memref<327680xi32, #tpu.memory_space<hbm>> -> memref<128xi32, #tpu.memory_space<hbm>>
        %dma_wait3A_649 = arith.constant 0 : i32
        %dma_wait3A_650 = tpu.memref_slice %arg9[%dma_wait3A_644, %dma_wait3A_649] : memref<8x128xi32, #tpu.memory_space<vmem>> -> memref<1x128xi32, #tpu.memory_space<vmem>>
        %dma_wait3A_651 = tpu.memref_squeeze %dma_wait3A_650 : memref<1x128xi32, #tpu.memory_space<vmem>> -> memref<128xi32, #tpu.memory_space<vmem>>
        %dma_wait3A_652 = tpu.memref_slice %arg4[%add3A_643] : memref<327680xi32, #tpu.memory_space<hbm>> -> memref<128xi32, #tpu.memory_space<hbm>>
        tpu.wait_dma2 semaphore(%arg30 : memref<!tpu.dma_semaphore, #tpu.memory_space<semaphore_mem>>) src(%dma_wait3A_652 : memref<128xi32, #tpu.memory_space<hbm>>) dst(%dma_wait3A_651 : memref<128xi32, #tpu.memory_space<vmem>>)
        %dma_start3A_653 = arith.constant 6 : i32
        %dma_start3A_654 = arith.constant 2 : i32
        %dma_start3A_655 = arith.constant 0 : i32
        %dma_start3A_656 = arith.constant 0 : i32
        %dma_start3A_657 = tpu.memref_slice %arg10[%dma_start3A_654, %dma_start3A_655, %dma_start3A_656] : memref<4x128x64xf32, #tpu.memory_space<vmem>> -> memref<1x128x64xf32, #tpu.memory_space<vmem>>
        %dma_start3A_658 = tpu.memref_squeeze %dma_start3A_657 : memref<1x128x64xf32, #tpu.memory_space<vmem>> -> memref<128x64xf32, #tpu.memory_space<vmem>>
        %dma_start3A_659 = arith.constant 0 : i32
        %dma_start3A_660 = tpu.memref_slice %arg8[%dma_start3A_653, %dma_start3A_659] : memref<8x128xi32, #tpu.memory_space<vmem>> -> memref<1x128xi32, #tpu.memory_space<vmem>>
        %dma_start3A_661 = tpu.memref_squeeze %dma_start3A_660 : memref<1x128xi32, #tpu.memory_space<vmem>> -> memref<128xi32, #tpu.memory_space<vmem>>
        %dma_start3A_662 = arith.constant 0 : i32
        %dma_start3A_663 = arith.constant 0 : i32
        %dma_start3A_664 = tpu.memref_slice %arg7[%dma_start3A_662, %dma_start3A_663] : memref<10000x64xf32, #tpu.memory_space<vmem_shared>> -> memref<10000x64xf32, #tpu.memory_space<vmem_shared>>
        tpu.enqueue_indirect_dma source(%dma_start3A_664 : memref<10000x64xf32, #tpu.memory_space<vmem_shared>>) target(%dma_start3A_658 : memref<128x64xf32, #tpu.memory_space<vmem>>) offsets(%dma_start3A_661 : memref<128xi32, #tpu.memory_space<vmem>>) semaphore(%arg14 : memref<!tpu.dma_semaphore, #tpu.memory_space<semaphore_mem>>)
      } else {
      }
      %mul3A_438 = arith.constant 8 : i32
      %mul3A_439 = arith.muli %mul3A_438, %scan3A_252 : i32
      %add3A_440 = arith.constant 4 : i32
      %add3A_441 = arith.addi %mul3A_439, %add3A_440 : i32
      %dma_wait3A_442 = arith.constant 4 : i32
      %dma_wait3A_443 = arith.constant 0 : i32
      %dma_wait3A_444 = arith.constant 0 : i32
      %dma_wait3A_445 = arith.constant 0 : i32
      %dma_wait3A_446 = tpu.memref_slice %arg10[%dma_wait3A_443, %dma_wait3A_444, %dma_wait3A_445] : memref<4x128x64xf32, #tpu.memory_space<vmem>> -> memref<1x128x64xf32, #tpu.memory_space<vmem>>
      %dma_wait3A_447 = tpu.memref_squeeze %dma_wait3A_446 : memref<1x128x64xf32, #tpu.memory_space<vmem>> -> memref<128x64xf32, #tpu.memory_space<vmem>>
      %dma_wait3A_448 = arith.constant 0 : i32
      %dma_wait3A_449 = tpu.memref_slice %arg8[%dma_wait3A_442, %dma_wait3A_448] : memref<8x128xi32, #tpu.memory_space<vmem>> -> memref<1x128xi32, #tpu.memory_space<vmem>>
      %dma_wait3A_450 = tpu.memref_squeeze %dma_wait3A_449 : memref<1x128xi32, #tpu.memory_space<vmem>> -> memref<128xi32, #tpu.memory_space<vmem>>
      %dma_wait3A_451 = arith.constant 0 : i32
      %dma_wait3A_452 = arith.constant 0 : i32
      %dma_wait3A_453 = tpu.memref_slice %arg7[%dma_wait3A_451, %dma_wait3A_452] : memref<10000x64xf32, #tpu.memory_space<vmem_shared>> -> memref<10000x64xf32, #tpu.memory_space<vmem_shared>>
      tpu.wait_indirect_dma semaphore(%arg12 : memref<!tpu.dma_semaphore, #tpu.memory_space<semaphore_mem>>) src(%dma_wait3A_453 : memref<10000x64xf32, #tpu.memory_space<vmem_shared>>) dst(%dma_wait3A_447 : memref<128x64xf32, #tpu.memory_space<vmem>>)
      %dma_start3A_454 = arith.constant 0 : i32
      %dma_start3A_455 = arith.constant 4 : i32
      %dma_start3A_456 = arith.constant 0 : i32
      %dma_start3A_457 = arith.constant 0 : i32
      %dma_start3A_458 = tpu.memref_slice %arg10[%dma_start3A_454, %dma_start3A_456, %dma_start3A_457] : memref<4x128x64xf32, #tpu.memory_space<vmem>> -> memref<1x128x64xf32, #tpu.memory_space<vmem>>
      %dma_start3A_459 = tpu.memref_squeeze %dma_start3A_458 : memref<1x128x64xf32, #tpu.memory_space<vmem>> -> memref<128x64xf32, #tpu.memory_space<vmem>>
      %dma_start3A_460 = arith.constant 0 : i32
      %dma_start3A_461 = tpu.memref_slice %arg9[%dma_start3A_455, %dma_start3A_460] : memref<8x128xi32, #tpu.memory_space<vmem>> -> memref<1x128xi32, #tpu.memory_space<vmem>>
      %dma_start3A_462 = tpu.memref_squeeze %dma_start3A_461 : memref<1x128xi32, #tpu.memory_space<vmem>> -> memref<128xi32, #tpu.memory_space<vmem>>
      %dma_start3A_463 = arith.constant 0 : i32
      %dma_start3A_464 = arith.constant 0 : i32
      %dma_start3A_465 = tpu.memref_slice %arg6[%dma_start3A_463, %dma_start3A_464] : memref<10240x64xf32, #tpu.memory_space<vmem_shared>> -> memref<10240x64xf32, #tpu.memory_space<vmem_shared>>
      tpu.enqueue_indirect_dma source(%dma_start3A_459 : memref<128x64xf32, #tpu.memory_space<vmem>>) target(%dma_start3A_465 : memref<10240x64xf32, #tpu.memory_space<vmem_shared>>) offsets(%dma_start3A_462 : memref<128xi32, #tpu.memory_space<vmem>>) semaphore(%arg16 : memref<!tpu.dma_semaphore, #tpu.memory_space<semaphore_mem>>) {add = true}
      %ge3A_466 = arith.constant 1 : i32
      %ge3A_467 = arith.cmpi sge, %add3A_441, %ge3A_466 : i32
      %convert_element_type3A_468 = arith.extui %ge3A_467 : i1 to i32
      %cond3A_469 = arith.constant 0 : i32
      %cond3A_470 = arith.cmpi ne, %convert_element_type3A_468, %cond3A_469 : i32
      scf.if %cond3A_470 {
        %dma_wait3A_627 = arith.constant 3 : i32
        %dma_wait3A_628 = arith.constant 3 : i32
        %dma_wait3A_629 = arith.constant 0 : i32
        %dma_wait3A_630 = arith.constant 0 : i32
        %dma_wait3A_631 = tpu.memref_slice %arg10[%dma_wait3A_627, %dma_wait3A_629, %dma_wait3A_630] : memref<4x128x64xf32, #tpu.memory_space<vmem>> -> memref<1x128x64xf32, #tpu.memory_space<vmem>>
        %dma_wait3A_632 = tpu.memref_squeeze %dma_wait3A_631 : memref<1x128x64xf32, #tpu.memory_space<vmem>> -> memref<128x64xf32, #tpu.memory_space<vmem>>
        %dma_wait3A_633 = arith.constant 0 : i32
        %dma_wait3A_634 = tpu.memref_slice %arg9[%dma_wait3A_628, %dma_wait3A_633] : memref<8x128xi32, #tpu.memory_space<vmem>> -> memref<1x128xi32, #tpu.memory_space<vmem>>
        %dma_wait3A_635 = tpu.memref_squeeze %dma_wait3A_634 : memref<1x128xi32, #tpu.memory_space<vmem>> -> memref<128xi32, #tpu.memory_space<vmem>>
        %dma_wait3A_636 = arith.constant 0 : i32
        %dma_wait3A_637 = arith.constant 0 : i32
        %dma_wait3A_638 = tpu.memref_slice %arg6[%dma_wait3A_636, %dma_wait3A_637] : memref<10240x64xf32, #tpu.memory_space<vmem_shared>> -> memref<10240x64xf32, #tpu.memory_space<vmem_shared>>
        tpu.wait_indirect_dma semaphore(%arg19 : memref<!tpu.dma_semaphore, #tpu.memory_space<semaphore_mem>>) src(%dma_wait3A_632 : memref<128x64xf32, #tpu.memory_space<vmem>>) dst(%dma_wait3A_638 : memref<10240x64xf32, #tpu.memory_space<vmem_shared>>)
      } else {
      }
      %add3A_471 = arith.constant 5 : i32
      %add3A_472 = arith.addi %add3A_441, %add3A_471 : i32
      %lt3A_473 = arith.constant 160 : i32
      %lt3A_474 = arith.cmpi slt, %add3A_472, %lt3A_473 : i32
      %convert_element_type3A_475 = arith.extui %lt3A_474 : i1 to i32
      %cond3A_476 = arith.constant 0 : i32
      %cond3A_477 = arith.cmpi ne, %convert_element_type3A_475, %cond3A_476 : i32
      scf.if %cond3A_477 {
        %add3A_627 = arith.constant 5 : i32
        %add3A_628 = arith.addi %add3A_441, %add3A_627 : i32
        %mul3A_629 = arith.constant 128 : i32
        %mul3A_630 = arith.muli %add3A_628, %mul3A_629 : i32
        %add3A_631 = arith.addi %mul3A_21, %mul3A_630 : i32
        %dma_start3A_632 = arith.constant 1 : i32
        %dma_start3A_633 = arith.constant 0 : i32
        %dma_start3A_634 = tpu.memref_slice %arg8[%dma_start3A_632, %dma_start3A_633] : memref<8x128xi32, #tpu.memory_space<vmem>> -> memref<1x128xi32, #tpu.memory_space<vmem>>
        %dma_start3A_635 = tpu.memref_squeeze %dma_start3A_634 : memref<1x128xi32, #tpu.memory_space<vmem>> -> memref<128xi32, #tpu.memory_space<vmem>>
        %dma_start3A_636 = tpu.memref_slice %arg3[%add3A_631] : memref<327680xi32, #tpu.memory_space<hbm>> -> memref<128xi32, #tpu.memory_space<hbm>>
        %dma_start3A_637 = arith.constant 0 : i32
        %dma_start3A_638 = tpu.memref_slice %arg8[%dma_start3A_632, %dma_start3A_637] : memref<8x128xi32, #tpu.memory_space<vmem>> -> memref<1x128xi32, #tpu.memory_space<vmem>>
        %dma_start3A_639 = tpu.memref_squeeze %dma_start3A_638 : memref<1x128xi32, #tpu.memory_space<vmem>> -> memref<128xi32, #tpu.memory_space<vmem>>
        %dma_start3A_640 = tpu.memref_slice %arg3[%add3A_631] : memref<327680xi32, #tpu.memory_space<hbm>> -> memref<128xi32, #tpu.memory_space<hbm>>
        tpu.enqueue_dma source(%dma_start3A_640 : memref<128xi32, #tpu.memory_space<hbm>>) target(%dma_start3A_639 : memref<128xi32, #tpu.memory_space<vmem>>) target_semaphore(%arg25 : memref<!tpu.dma_semaphore, #tpu.memory_space<semaphore_mem>>)
        %mul3A_641 = arith.constant 128 : i32
        %mul3A_642 = arith.muli %add3A_628, %mul3A_641 : i32
        %add3A_643 = arith.addi %mul3A_21, %mul3A_642 : i32
        %dma_start3A_644 = arith.constant 1 : i32
        %dma_start3A_645 = arith.constant 0 : i32
        %dma_start3A_646 = tpu.memref_slice %arg9[%dma_start3A_644, %dma_start3A_645] : memref<8x128xi32, #tpu.memory_space<vmem>> -> memref<1x128xi32, #tpu.memory_space<vmem>>
        %dma_start3A_647 = tpu.memref_squeeze %dma_start3A_646 : memref<1x128xi32, #tpu.memory_space<vmem>> -> memref<128xi32, #tpu.memory_space<vmem>>
        %dma_start3A_648 = tpu.memref_slice %arg4[%add3A_643] : memref<327680xi32, #tpu.memory_space<hbm>> -> memref<128xi32, #tpu.memory_space<hbm>>
        %dma_start3A_649 = arith.constant 0 : i32
        %dma_start3A_650 = tpu.memref_slice %arg9[%dma_start3A_644, %dma_start3A_649] : memref<8x128xi32, #tpu.memory_space<vmem>> -> memref<1x128xi32, #tpu.memory_space<vmem>>
        %dma_start3A_651 = tpu.memref_squeeze %dma_start3A_650 : memref<1x128xi32, #tpu.memory_space<vmem>> -> memref<128xi32, #tpu.memory_space<vmem>>
        %dma_start3A_652 = tpu.memref_slice %arg4[%add3A_643] : memref<327680xi32, #tpu.memory_space<hbm>> -> memref<128xi32, #tpu.memory_space<hbm>>
        tpu.enqueue_dma source(%dma_start3A_652 : memref<128xi32, #tpu.memory_space<hbm>>) target(%dma_start3A_651 : memref<128xi32, #tpu.memory_space<vmem>>) target_semaphore(%arg25 : memref<!tpu.dma_semaphore, #tpu.memory_space<semaphore_mem>>)
      } else {
      }
      %add3A_478 = arith.constant 3 : i32
      %add3A_479 = arith.addi %add3A_441, %add3A_478 : i32
      %lt3A_480 = arith.constant 160 : i32
      %lt3A_481 = arith.cmpi slt, %add3A_479, %lt3A_480 : i32
      %convert_element_type3A_482 = arith.extui %lt3A_481 : i1 to i32
      %cond3A_483 = arith.constant 0 : i32
      %cond3A_484 = arith.cmpi ne, %convert_element_type3A_482, %cond3A_483 : i32
      scf.if %cond3A_484 {
        %add3A_627 = arith.constant 3 : i32
        %add3A_628 = arith.addi %add3A_441, %add3A_627 : i32
        %mul3A_629 = arith.constant 128 : i32
        %mul3A_630 = arith.muli %add3A_628, %mul3A_629 : i32
        %add3A_631 = arith.addi %mul3A_21, %mul3A_630 : i32
        %dma_wait3A_632 = arith.constant 7 : i32
        %dma_wait3A_633 = arith.constant 0 : i32
        %dma_wait3A_634 = tpu.memref_slice %arg8[%dma_wait3A_632, %dma_wait3A_633] : memref<8x128xi32, #tpu.memory_space<vmem>> -> memref<1x128xi32, #tpu.memory_space<vmem>>
        %dma_wait3A_635 = tpu.memref_squeeze %dma_wait3A_634 : memref<1x128xi32, #tpu.memory_space<vmem>> -> memref<128xi32, #tpu.memory_space<vmem>>
        %dma_wait3A_636 = tpu.memref_slice %arg3[%add3A_631] : memref<327680xi32, #tpu.memory_space<hbm>> -> memref<128xi32, #tpu.memory_space<hbm>>
        %dma_wait3A_637 = arith.constant 0 : i32
        %dma_wait3A_638 = tpu.memref_slice %arg8[%dma_wait3A_632, %dma_wait3A_637] : memref<8x128xi32, #tpu.memory_space<vmem>> -> memref<1x128xi32, #tpu.memory_space<vmem>>
        %dma_wait3A_639 = tpu.memref_squeeze %dma_wait3A_638 : memref<1x128xi32, #tpu.memory_space<vmem>> -> memref<128xi32, #tpu.memory_space<vmem>>
        %dma_wait3A_640 = tpu.memref_slice %arg3[%add3A_631] : memref<327680xi32, #tpu.memory_space<hbm>> -> memref<128xi32, #tpu.memory_space<hbm>>
        tpu.wait_dma2 semaphore(%arg31 : memref<!tpu.dma_semaphore, #tpu.memory_space<semaphore_mem>>) src(%dma_wait3A_640 : memref<128xi32, #tpu.memory_space<hbm>>) dst(%dma_wait3A_639 : memref<128xi32, #tpu.memory_space<vmem>>)
        %mul3A_641 = arith.constant 128 : i32
        %mul3A_642 = arith.muli %add3A_628, %mul3A_641 : i32
        %add3A_643 = arith.addi %mul3A_21, %mul3A_642 : i32
        %dma_wait3A_644 = arith.constant 7 : i32
        %dma_wait3A_645 = arith.constant 0 : i32
        %dma_wait3A_646 = tpu.memref_slice %arg9[%dma_wait3A_644, %dma_wait3A_645] : memref<8x128xi32, #tpu.memory_space<vmem>> -> memref<1x128xi32, #tpu.memory_space<vmem>>
        %dma_wait3A_647 = tpu.memref_squeeze %dma_wait3A_646 : memref<1x128xi32, #tpu.memory_space<vmem>> -> memref<128xi32, #tpu.memory_space<vmem>>
        %dma_wait3A_648 = tpu.memref_slice %arg4[%add3A_643] : memref<327680xi32, #tpu.memory_space<hbm>> -> memref<128xi32, #tpu.memory_space<hbm>>
        %dma_wait3A_649 = arith.constant 0 : i32
        %dma_wait3A_650 = tpu.memref_slice %arg9[%dma_wait3A_644, %dma_wait3A_649] : memref<8x128xi32, #tpu.memory_space<vmem>> -> memref<1x128xi32, #tpu.memory_space<vmem>>
        %dma_wait3A_651 = tpu.memref_squeeze %dma_wait3A_650 : memref<1x128xi32, #tpu.memory_space<vmem>> -> memref<128xi32, #tpu.memory_space<vmem>>
        %dma_wait3A_652 = tpu.memref_slice %arg4[%add3A_643] : memref<327680xi32, #tpu.memory_space<hbm>> -> memref<128xi32, #tpu.memory_space<hbm>>
        tpu.wait_dma2 semaphore(%arg31 : memref<!tpu.dma_semaphore, #tpu.memory_space<semaphore_mem>>) src(%dma_wait3A_652 : memref<128xi32, #tpu.memory_space<hbm>>) dst(%dma_wait3A_651 : memref<128xi32, #tpu.memory_space<vmem>>)
        %dma_start3A_653 = arith.constant 7 : i32
        %dma_start3A_654 = arith.constant 3 : i32
        %dma_start3A_655 = arith.constant 0 : i32
        %dma_start3A_656 = arith.constant 0 : i32
        %dma_start3A_657 = tpu.memref_slice %arg10[%dma_start3A_654, %dma_start3A_655, %dma_start3A_656] : memref<4x128x64xf32, #tpu.memory_space<vmem>> -> memref<1x128x64xf32, #tpu.memory_space<vmem>>
        %dma_start3A_658 = tpu.memref_squeeze %dma_start3A_657 : memref<1x128x64xf32, #tpu.memory_space<vmem>> -> memref<128x64xf32, #tpu.memory_space<vmem>>
        %dma_start3A_659 = arith.constant 0 : i32
        %dma_start3A_660 = tpu.memref_slice %arg8[%dma_start3A_653, %dma_start3A_659] : memref<8x128xi32, #tpu.memory_space<vmem>> -> memref<1x128xi32, #tpu.memory_space<vmem>>
        %dma_start3A_661 = tpu.memref_squeeze %dma_start3A_660 : memref<1x128xi32, #tpu.memory_space<vmem>> -> memref<128xi32, #tpu.memory_space<vmem>>
        %dma_start3A_662 = arith.constant 0 : i32
        %dma_start3A_663 = arith.constant 0 : i32
        %dma_start3A_664 = tpu.memref_slice %arg7[%dma_start3A_662, %dma_start3A_663] : memref<10000x64xf32, #tpu.memory_space<vmem_shared>> -> memref<10000x64xf32, #tpu.memory_space<vmem_shared>>
        tpu.enqueue_indirect_dma source(%dma_start3A_664 : memref<10000x64xf32, #tpu.memory_space<vmem_shared>>) target(%dma_start3A_658 : memref<128x64xf32, #tpu.memory_space<vmem>>) offsets(%dma_start3A_661 : memref<128xi32, #tpu.memory_space<vmem>>) semaphore(%arg15 : memref<!tpu.dma_semaphore, #tpu.memory_space<semaphore_mem>>)
      } else {
      }
      %mul3A_485 = arith.constant 8 : i32
      %mul3A_486 = arith.muli %mul3A_485, %scan3A_252 : i32
      %add3A_487 = arith.constant 5 : i32
      %add3A_488 = arith.addi %mul3A_486, %add3A_487 : i32
      %dma_wait3A_489 = arith.constant 5 : i32
      %dma_wait3A_490 = arith.constant 1 : i32
      %dma_wait3A_491 = arith.constant 0 : i32
      %dma_wait3A_492 = arith.constant 0 : i32
      %dma_wait3A_493 = tpu.memref_slice %arg10[%dma_wait3A_490, %dma_wait3A_491, %dma_wait3A_492] : memref<4x128x64xf32, #tpu.memory_space<vmem>> -> memref<1x128x64xf32, #tpu.memory_space<vmem>>
      %dma_wait3A_494 = tpu.memref_squeeze %dma_wait3A_493 : memref<1x128x64xf32, #tpu.memory_space<vmem>> -> memref<128x64xf32, #tpu.memory_space<vmem>>
      %dma_wait3A_495 = arith.constant 0 : i32
      %dma_wait3A_496 = tpu.memref_slice %arg8[%dma_wait3A_489, %dma_wait3A_495] : memref<8x128xi32, #tpu.memory_space<vmem>> -> memref<1x128xi32, #tpu.memory_space<vmem>>
      %dma_wait3A_497 = tpu.memref_squeeze %dma_wait3A_496 : memref<1x128xi32, #tpu.memory_space<vmem>> -> memref<128xi32, #tpu.memory_space<vmem>>
      %dma_wait3A_498 = arith.constant 0 : i32
      %dma_wait3A_499 = arith.constant 0 : i32
      %dma_wait3A_500 = tpu.memref_slice %arg7[%dma_wait3A_498, %dma_wait3A_499] : memref<10000x64xf32, #tpu.memory_space<vmem_shared>> -> memref<10000x64xf32, #tpu.memory_space<vmem_shared>>
      tpu.wait_indirect_dma semaphore(%arg13 : memref<!tpu.dma_semaphore, #tpu.memory_space<semaphore_mem>>) src(%dma_wait3A_500 : memref<10000x64xf32, #tpu.memory_space<vmem_shared>>) dst(%dma_wait3A_494 : memref<128x64xf32, #tpu.memory_space<vmem>>)
      %dma_start3A_501 = arith.constant 1 : i32
      %dma_start3A_502 = arith.constant 5 : i32
      %dma_start3A_503 = arith.constant 0 : i32
      %dma_start3A_504 = arith.constant 0 : i32
      %dma_start3A_505 = tpu.memref_slice %arg10[%dma_start3A_501, %dma_start3A_503, %dma_start3A_504] : memref<4x128x64xf32, #tpu.memory_space<vmem>> -> memref<1x128x64xf32, #tpu.memory_space<vmem>>
      %dma_start3A_506 = tpu.memref_squeeze %dma_start3A_505 : memref<1x128x64xf32, #tpu.memory_space<vmem>> -> memref<128x64xf32, #tpu.memory_space<vmem>>
      %dma_start3A_507 = arith.constant 0 : i32
      %dma_start3A_508 = tpu.memref_slice %arg9[%dma_start3A_502, %dma_start3A_507] : memref<8x128xi32, #tpu.memory_space<vmem>> -> memref<1x128xi32, #tpu.memory_space<vmem>>
      %dma_start3A_509 = tpu.memref_squeeze %dma_start3A_508 : memref<1x128xi32, #tpu.memory_space<vmem>> -> memref<128xi32, #tpu.memory_space<vmem>>
      %dma_start3A_510 = arith.constant 0 : i32
      %dma_start3A_511 = arith.constant 0 : i32
      %dma_start3A_512 = tpu.memref_slice %arg6[%dma_start3A_510, %dma_start3A_511] : memref<10240x64xf32, #tpu.memory_space<vmem_shared>> -> memref<10240x64xf32, #tpu.memory_space<vmem_shared>>
      tpu.enqueue_indirect_dma source(%dma_start3A_506 : memref<128x64xf32, #tpu.memory_space<vmem>>) target(%dma_start3A_512 : memref<10240x64xf32, #tpu.memory_space<vmem_shared>>) offsets(%dma_start3A_509 : memref<128xi32, #tpu.memory_space<vmem>>) semaphore(%arg17 : memref<!tpu.dma_semaphore, #tpu.memory_space<semaphore_mem>>) {add = true}
      %ge3A_513 = arith.constant 1 : i32
      %ge3A_514 = arith.cmpi sge, %add3A_488, %ge3A_513 : i32
      %convert_element_type3A_515 = arith.extui %ge3A_514 : i1 to i32
      %cond3A_516 = arith.constant 0 : i32
      %cond3A_517 = arith.cmpi ne, %convert_element_type3A_515, %cond3A_516 : i32
      scf.if %cond3A_517 {
        %dma_wait3A_627 = arith.constant 0 : i32
        %dma_wait3A_628 = arith.constant 4 : i32
        %dma_wait3A_629 = arith.constant 0 : i32
        %dma_wait3A_630 = arith.constant 0 : i32
        %dma_wait3A_631 = tpu.memref_slice %arg10[%dma_wait3A_627, %dma_wait3A_629, %dma_wait3A_630] : memref<4x128x64xf32, #tpu.memory_space<vmem>> -> memref<1x128x64xf32, #tpu.memory_space<vmem>>
        %dma_wait3A_632 = tpu.memref_squeeze %dma_wait3A_631 : memref<1x128x64xf32, #tpu.memory_space<vmem>> -> memref<128x64xf32, #tpu.memory_space<vmem>>
        %dma_wait3A_633 = arith.constant 0 : i32
        %dma_wait3A_634 = tpu.memref_slice %arg9[%dma_wait3A_628, %dma_wait3A_633] : memref<8x128xi32, #tpu.memory_space<vmem>> -> memref<1x128xi32, #tpu.memory_space<vmem>>
        %dma_wait3A_635 = tpu.memref_squeeze %dma_wait3A_634 : memref<1x128xi32, #tpu.memory_space<vmem>> -> memref<128xi32, #tpu.memory_space<vmem>>
        %dma_wait3A_636 = arith.constant 0 : i32
        %dma_wait3A_637 = arith.constant 0 : i32
        %dma_wait3A_638 = tpu.memref_slice %arg6[%dma_wait3A_636, %dma_wait3A_637] : memref<10240x64xf32, #tpu.memory_space<vmem_shared>> -> memref<10240x64xf32, #tpu.memory_space<vmem_shared>>
        tpu.wait_indirect_dma semaphore(%arg16 : memref<!tpu.dma_semaphore, #tpu.memory_space<semaphore_mem>>) src(%dma_wait3A_632 : memref<128x64xf32, #tpu.memory_space<vmem>>) dst(%dma_wait3A_638 : memref<10240x64xf32, #tpu.memory_space<vmem_shared>>)
      } else {
      }
      %add3A_518 = arith.constant 5 : i32
      %add3A_519 = arith.addi %add3A_488, %add3A_518 : i32
      %lt3A_520 = arith.constant 160 : i32
      %lt3A_521 = arith.cmpi slt, %add3A_519, %lt3A_520 : i32
      %convert_element_type3A_522 = arith.extui %lt3A_521 : i1 to i32
      %cond3A_523 = arith.constant 0 : i32
      %cond3A_524 = arith.cmpi ne, %convert_element_type3A_522, %cond3A_523 : i32
      scf.if %cond3A_524 {
        %add3A_627 = arith.constant 5 : i32
        %add3A_628 = arith.addi %add3A_488, %add3A_627 : i32
        %mul3A_629 = arith.constant 128 : i32
        %mul3A_630 = arith.muli %add3A_628, %mul3A_629 : i32
        %add3A_631 = arith.addi %mul3A_21, %mul3A_630 : i32
        %dma_start3A_632 = arith.constant 2 : i32
        %dma_start3A_633 = arith.constant 0 : i32
        %dma_start3A_634 = tpu.memref_slice %arg8[%dma_start3A_632, %dma_start3A_633] : memref<8x128xi32, #tpu.memory_space<vmem>> -> memref<1x128xi32, #tpu.memory_space<vmem>>
        %dma_start3A_635 = tpu.memref_squeeze %dma_start3A_634 : memref<1x128xi32, #tpu.memory_space<vmem>> -> memref<128xi32, #tpu.memory_space<vmem>>
        %dma_start3A_636 = tpu.memref_slice %arg3[%add3A_631] : memref<327680xi32, #tpu.memory_space<hbm>> -> memref<128xi32, #tpu.memory_space<hbm>>
        %dma_start3A_637 = arith.constant 0 : i32
        %dma_start3A_638 = tpu.memref_slice %arg8[%dma_start3A_632, %dma_start3A_637] : memref<8x128xi32, #tpu.memory_space<vmem>> -> memref<1x128xi32, #tpu.memory_space<vmem>>
        %dma_start3A_639 = tpu.memref_squeeze %dma_start3A_638 : memref<1x128xi32, #tpu.memory_space<vmem>> -> memref<128xi32, #tpu.memory_space<vmem>>
        %dma_start3A_640 = tpu.memref_slice %arg3[%add3A_631] : memref<327680xi32, #tpu.memory_space<hbm>> -> memref<128xi32, #tpu.memory_space<hbm>>
        tpu.enqueue_dma source(%dma_start3A_640 : memref<128xi32, #tpu.memory_space<hbm>>) target(%dma_start3A_639 : memref<128xi32, #tpu.memory_space<vmem>>) target_semaphore(%arg26 : memref<!tpu.dma_semaphore, #tpu.memory_space<semaphore_mem>>)
        %mul3A_641 = arith.constant 128 : i32
        %mul3A_642 = arith.muli %add3A_628, %mul3A_641 : i32
        %add3A_643 = arith.addi %mul3A_21, %mul3A_642 : i32
        %dma_start3A_644 = arith.constant 2 : i32
        %dma_start3A_645 = arith.constant 0 : i32
        %dma_start3A_646 = tpu.memref_slice %arg9[%dma_start3A_644, %dma_start3A_645] : memref<8x128xi32, #tpu.memory_space<vmem>> -> memref<1x128xi32, #tpu.memory_space<vmem>>
        %dma_start3A_647 = tpu.memref_squeeze %dma_start3A_646 : memref<1x128xi32, #tpu.memory_space<vmem>> -> memref<128xi32, #tpu.memory_space<vmem>>
        %dma_start3A_648 = tpu.memref_slice %arg4[%add3A_643] : memref<327680xi32, #tpu.memory_space<hbm>> -> memref<128xi32, #tpu.memory_space<hbm>>
        %dma_start3A_649 = arith.constant 0 : i32
        %dma_start3A_650 = tpu.memref_slice %arg9[%dma_start3A_644, %dma_start3A_649] : memref<8x128xi32, #tpu.memory_space<vmem>> -> memref<1x128xi32, #tpu.memory_space<vmem>>
        %dma_start3A_651 = tpu.memref_squeeze %dma_start3A_650 : memref<1x128xi32, #tpu.memory_space<vmem>> -> memref<128xi32, #tpu.memory_space<vmem>>
        %dma_start3A_652 = tpu.memref_slice %arg4[%add3A_643] : memref<327680xi32, #tpu.memory_space<hbm>> -> memref<128xi32, #tpu.memory_space<hbm>>
        tpu.enqueue_dma source(%dma_start3A_652 : memref<128xi32, #tpu.memory_space<hbm>>) target(%dma_start3A_651 : memref<128xi32, #tpu.memory_space<vmem>>) target_semaphore(%arg26 : memref<!tpu.dma_semaphore, #tpu.memory_space<semaphore_mem>>)
      } else {
      }
      %add3A_525 = arith.constant 3 : i32
      %add3A_526 = arith.addi %add3A_488, %add3A_525 : i32
      %lt3A_527 = arith.constant 160 : i32
      %lt3A_528 = arith.cmpi slt, %add3A_526, %lt3A_527 : i32
      %convert_element_type3A_529 = arith.extui %lt3A_528 : i1 to i32
      %cond3A_530 = arith.constant 0 : i32
      %cond3A_531 = arith.cmpi ne, %convert_element_type3A_529, %cond3A_530 : i32
      scf.if %cond3A_531 {
        %add3A_627 = arith.constant 3 : i32
        %add3A_628 = arith.addi %add3A_488, %add3A_627 : i32
        %mul3A_629 = arith.constant 128 : i32
        %mul3A_630 = arith.muli %add3A_628, %mul3A_629 : i32
        %add3A_631 = arith.addi %mul3A_21, %mul3A_630 : i32
        %dma_wait3A_632 = arith.constant 0 : i32
        %dma_wait3A_633 = arith.constant 0 : i32
        %dma_wait3A_634 = tpu.memref_slice %arg8[%dma_wait3A_632, %dma_wait3A_633] : memref<8x128xi32, #tpu.memory_space<vmem>> -> memref<1x128xi32, #tpu.memory_space<vmem>>
        %dma_wait3A_635 = tpu.memref_squeeze %dma_wait3A_634 : memref<1x128xi32, #tpu.memory_space<vmem>> -> memref<128xi32, #tpu.memory_space<vmem>>
        %dma_wait3A_636 = tpu.memref_slice %arg3[%add3A_631] : memref<327680xi32, #tpu.memory_space<hbm>> -> memref<128xi32, #tpu.memory_space<hbm>>
        %dma_wait3A_637 = arith.constant 0 : i32
        %dma_wait3A_638 = tpu.memref_slice %arg8[%dma_wait3A_632, %dma_wait3A_637] : memref<8x128xi32, #tpu.memory_space<vmem>> -> memref<1x128xi32, #tpu.memory_space<vmem>>
        %dma_wait3A_639 = tpu.memref_squeeze %dma_wait3A_638 : memref<1x128xi32, #tpu.memory_space<vmem>> -> memref<128xi32, #tpu.memory_space<vmem>>
        %dma_wait3A_640 = tpu.memref_slice %arg3[%add3A_631] : memref<327680xi32, #tpu.memory_space<hbm>> -> memref<128xi32, #tpu.memory_space<hbm>>
        tpu.wait_dma2 semaphore(%arg24 : memref<!tpu.dma_semaphore, #tpu.memory_space<semaphore_mem>>) src(%dma_wait3A_640 : memref<128xi32, #tpu.memory_space<hbm>>) dst(%dma_wait3A_639 : memref<128xi32, #tpu.memory_space<vmem>>)
        %mul3A_641 = arith.constant 128 : i32
        %mul3A_642 = arith.muli %add3A_628, %mul3A_641 : i32
        %add3A_643 = arith.addi %mul3A_21, %mul3A_642 : i32
        %dma_wait3A_644 = arith.constant 0 : i32
        %dma_wait3A_645 = arith.constant 0 : i32
        %dma_wait3A_646 = tpu.memref_slice %arg9[%dma_wait3A_644, %dma_wait3A_645] : memref<8x128xi32, #tpu.memory_space<vmem>> -> memref<1x128xi32, #tpu.memory_space<vmem>>
        %dma_wait3A_647 = tpu.memref_squeeze %dma_wait3A_646 : memref<1x128xi32, #tpu.memory_space<vmem>> -> memref<128xi32, #tpu.memory_space<vmem>>
        %dma_wait3A_648 = tpu.memref_slice %arg4[%add3A_643] : memref<327680xi32, #tpu.memory_space<hbm>> -> memref<128xi32, #tpu.memory_space<hbm>>
        %dma_wait3A_649 = arith.constant 0 : i32
        %dma_wait3A_650 = tpu.memref_slice %arg9[%dma_wait3A_644, %dma_wait3A_649] : memref<8x128xi32, #tpu.memory_space<vmem>> -> memref<1x128xi32, #tpu.memory_space<vmem>>
        %dma_wait3A_651 = tpu.memref_squeeze %dma_wait3A_650 : memref<1x128xi32, #tpu.memory_space<vmem>> -> memref<128xi32, #tpu.memory_space<vmem>>
        %dma_wait3A_652 = tpu.memref_slice %arg4[%add3A_643] : memref<327680xi32, #tpu.memory_space<hbm>> -> memref<128xi32, #tpu.memory_space<hbm>>
        tpu.wait_dma2 semaphore(%arg24 : memref<!tpu.dma_semaphore, #tpu.memory_space<semaphore_mem>>) src(%dma_wait3A_652 : memref<128xi32, #tpu.memory_space<hbm>>) dst(%dma_wait3A_651 : memref<128xi32, #tpu.memory_space<vmem>>)
        %dma_start3A_653 = arith.constant 0 : i32
        %dma_start3A_654 = arith.constant 0 : i32
        %dma_start3A_655 = arith.constant 0 : i32
        %dma_start3A_656 = arith.constant 0 : i32
        %dma_start3A_657 = tpu.memref_slice %arg10[%dma_start3A_654, %dma_start3A_655, %dma_start3A_656] : memref<4x128x64xf32, #tpu.memory_space<vmem>> -> memref<1x128x64xf32, #tpu.memory_space<vmem>>
        %dma_start3A_658 = tpu.memref_squeeze %dma_start3A_657 : memref<1x128x64xf32, #tpu.memory_space<vmem>> -> memref<128x64xf32, #tpu.memory_space<vmem>>
        %dma_start3A_659 = arith.constant 0 : i32
        %dma_start3A_660 = tpu.memref_slice %arg8[%dma_start3A_653, %dma_start3A_659] : memref<8x128xi32, #tpu.memory_space<vmem>> -> memref<1x128xi32, #tpu.memory_space<vmem>>
        %dma_start3A_661 = tpu.memref_squeeze %dma_start3A_660 : memref<1x128xi32, #tpu.memory_space<vmem>> -> memref<128xi32, #tpu.memory_space<vmem>>
        %dma_start3A_662 = arith.constant 0 : i32
        %dma_start3A_663 = arith.constant 0 : i32
        %dma_start3A_664 = tpu.memref_slice %arg7[%dma_start3A_662, %dma_start3A_663] : memref<10000x64xf32, #tpu.memory_space<vmem_shared>> -> memref<10000x64xf32, #tpu.memory_space<vmem_shared>>
        tpu.enqueue_indirect_dma source(%dma_start3A_664 : memref<10000x64xf32, #tpu.memory_space<vmem_shared>>) target(%dma_start3A_658 : memref<128x64xf32, #tpu.memory_space<vmem>>) offsets(%dma_start3A_661 : memref<128xi32, #tpu.memory_space<vmem>>) semaphore(%arg12 : memref<!tpu.dma_semaphore, #tpu.memory_space<semaphore_mem>>)
      } else {
      }
      %mul3A_532 = arith.constant 8 : i32
      %mul3A_533 = arith.muli %mul3A_532, %scan3A_252 : i32
      %add3A_534 = arith.constant 6 : i32
      %add3A_535 = arith.addi %mul3A_533, %add3A_534 : i32
      %dma_wait3A_536 = arith.constant 6 : i32
      %dma_wait3A_537 = arith.constant 2 : i32
      %dma_wait3A_538 = arith.constant 0 : i32
      %dma_wait3A_539 = arith.constant 0 : i32
      %dma_wait3A_540 = tpu.memref_slice %arg10[%dma_wait3A_537, %dma_wait3A_538, %dma_wait3A_539] : memref<4x128x64xf32, #tpu.memory_space<vmem>> -> memref<1x128x64xf32, #tpu.memory_space<vmem>>
      %dma_wait3A_541 = tpu.memref_squeeze %dma_wait3A_540 : memref<1x128x64xf32, #tpu.memory_space<vmem>> -> memref<128x64xf32, #tpu.memory_space<vmem>>
      %dma_wait3A_542 = arith.constant 0 : i32
      %dma_wait3A_543 = tpu.memref_slice %arg8[%dma_wait3A_536, %dma_wait3A_542] : memref<8x128xi32, #tpu.memory_space<vmem>> -> memref<1x128xi32, #tpu.memory_space<vmem>>
      %dma_wait3A_544 = tpu.memref_squeeze %dma_wait3A_543 : memref<1x128xi32, #tpu.memory_space<vmem>> -> memref<128xi32, #tpu.memory_space<vmem>>
      %dma_wait3A_545 = arith.constant 0 : i32
      %dma_wait3A_546 = arith.constant 0 : i32
      %dma_wait3A_547 = tpu.memref_slice %arg7[%dma_wait3A_545, %dma_wait3A_546] : memref<10000x64xf32, #tpu.memory_space<vmem_shared>> -> memref<10000x64xf32, #tpu.memory_space<vmem_shared>>
      tpu.wait_indirect_dma semaphore(%arg14 : memref<!tpu.dma_semaphore, #tpu.memory_space<semaphore_mem>>) src(%dma_wait3A_547 : memref<10000x64xf32, #tpu.memory_space<vmem_shared>>) dst(%dma_wait3A_541 : memref<128x64xf32, #tpu.memory_space<vmem>>)
      %dma_start3A_548 = arith.constant 2 : i32
      %dma_start3A_549 = arith.constant 6 : i32
      %dma_start3A_550 = arith.constant 0 : i32
      %dma_start3A_551 = arith.constant 0 : i32
      %dma_start3A_552 = tpu.memref_slice %arg10[%dma_start3A_548, %dma_start3A_550, %dma_start3A_551] : memref<4x128x64xf32, #tpu.memory_space<vmem>> -> memref<1x128x64xf32, #tpu.memory_space<vmem>>
      %dma_start3A_553 = tpu.memref_squeeze %dma_start3A_552 : memref<1x128x64xf32, #tpu.memory_space<vmem>> -> memref<128x64xf32, #tpu.memory_space<vmem>>
      %dma_start3A_554 = arith.constant 0 : i32
      %dma_start3A_555 = tpu.memref_slice %arg9[%dma_start3A_549, %dma_start3A_554] : memref<8x128xi32, #tpu.memory_space<vmem>> -> memref<1x128xi32, #tpu.memory_space<vmem>>
      %dma_start3A_556 = tpu.memref_squeeze %dma_start3A_555 : memref<1x128xi32, #tpu.memory_space<vmem>> -> memref<128xi32, #tpu.memory_space<vmem>>
      %dma_start3A_557 = arith.constant 0 : i32
      %dma_start3A_558 = arith.constant 0 : i32
      %dma_start3A_559 = tpu.memref_slice %arg6[%dma_start3A_557, %dma_start3A_558] : memref<10240x64xf32, #tpu.memory_space<vmem_shared>> -> memref<10240x64xf32, #tpu.memory_space<vmem_shared>>
      tpu.enqueue_indirect_dma source(%dma_start3A_553 : memref<128x64xf32, #tpu.memory_space<vmem>>) target(%dma_start3A_559 : memref<10240x64xf32, #tpu.memory_space<vmem_shared>>) offsets(%dma_start3A_556 : memref<128xi32, #tpu.memory_space<vmem>>) semaphore(%arg18 : memref<!tpu.dma_semaphore, #tpu.memory_space<semaphore_mem>>) {add = true}
      %ge3A_560 = arith.constant 1 : i32
      %ge3A_561 = arith.cmpi sge, %add3A_535, %ge3A_560 : i32
      %convert_element_type3A_562 = arith.extui %ge3A_561 : i1 to i32
      %cond3A_563 = arith.constant 0 : i32
      %cond3A_564 = arith.cmpi ne, %convert_element_type3A_562, %cond3A_563 : i32
      scf.if %cond3A_564 {
        %dma_wait3A_627 = arith.constant 1 : i32
        %dma_wait3A_628 = arith.constant 5 : i32
        %dma_wait3A_629 = arith.constant 0 : i32
        %dma_wait3A_630 = arith.constant 0 : i32
        %dma_wait3A_631 = tpu.memref_slice %arg10[%dma_wait3A_627, %dma_wait3A_629, %dma_wait3A_630] : memref<4x128x64xf32, #tpu.memory_space<vmem>> -> memref<1x128x64xf32, #tpu.memory_space<vmem>>
        %dma_wait3A_632 = tpu.memref_squeeze %dma_wait3A_631 : memref<1x128x64xf32, #tpu.memory_space<vmem>> -> memref<128x64xf32, #tpu.memory_space<vmem>>
        %dma_wait3A_633 = arith.constant 0 : i32
        %dma_wait3A_634 = tpu.memref_slice %arg9[%dma_wait3A_628, %dma_wait3A_633] : memref<8x128xi32, #tpu.memory_space<vmem>> -> memref<1x128xi32, #tpu.memory_space<vmem>>
        %dma_wait3A_635 = tpu.memref_squeeze %dma_wait3A_634 : memref<1x128xi32, #tpu.memory_space<vmem>> -> memref<128xi32, #tpu.memory_space<vmem>>
        %dma_wait3A_636 = arith.constant 0 : i32
        %dma_wait3A_637 = arith.constant 0 : i32
        %dma_wait3A_638 = tpu.memref_slice %arg6[%dma_wait3A_636, %dma_wait3A_637] : memref<10240x64xf32, #tpu.memory_space<vmem_shared>> -> memref<10240x64xf32, #tpu.memory_space<vmem_shared>>
        tpu.wait_indirect_dma semaphore(%arg17 : memref<!tpu.dma_semaphore, #tpu.memory_space<semaphore_mem>>) src(%dma_wait3A_632 : memref<128x64xf32, #tpu.memory_space<vmem>>) dst(%dma_wait3A_638 : memref<10240x64xf32, #tpu.memory_space<vmem_shared>>)
      } else {
      }
      %add3A_565 = arith.constant 5 : i32
      %add3A_566 = arith.addi %add3A_535, %add3A_565 : i32
      %lt3A_567 = arith.constant 160 : i32
      %lt3A_568 = arith.cmpi slt, %add3A_566, %lt3A_567 : i32
      %convert_element_type3A_569 = arith.extui %lt3A_568 : i1 to i32
      %cond3A_570 = arith.constant 0 : i32
      %cond3A_571 = arith.cmpi ne, %convert_element_type3A_569, %cond3A_570 : i32
      scf.if %cond3A_571 {
        %add3A_627 = arith.constant 5 : i32
        %add3A_628 = arith.addi %add3A_535, %add3A_627 : i32
        %mul3A_629 = arith.constant 128 : i32
        %mul3A_630 = arith.muli %add3A_628, %mul3A_629 : i32
        %add3A_631 = arith.addi %mul3A_21, %mul3A_630 : i32
        %dma_start3A_632 = arith.constant 3 : i32
        %dma_start3A_633 = arith.constant 0 : i32
        %dma_start3A_634 = tpu.memref_slice %arg8[%dma_start3A_632, %dma_start3A_633] : memref<8x128xi32, #tpu.memory_space<vmem>> -> memref<1x128xi32, #tpu.memory_space<vmem>>
        %dma_start3A_635 = tpu.memref_squeeze %dma_start3A_634 : memref<1x128xi32, #tpu.memory_space<vmem>> -> memref<128xi32, #tpu.memory_space<vmem>>
        %dma_start3A_636 = tpu.memref_slice %arg3[%add3A_631] : memref<327680xi32, #tpu.memory_space<hbm>> -> memref<128xi32, #tpu.memory_space<hbm>>
        %dma_start3A_637 = arith.constant 0 : i32
        %dma_start3A_638 = tpu.memref_slice %arg8[%dma_start3A_632, %dma_start3A_637] : memref<8x128xi32, #tpu.memory_space<vmem>> -> memref<1x128xi32, #tpu.memory_space<vmem>>
        %dma_start3A_639 = tpu.memref_squeeze %dma_start3A_638 : memref<1x128xi32, #tpu.memory_space<vmem>> -> memref<128xi32, #tpu.memory_space<vmem>>
        %dma_start3A_640 = tpu.memref_slice %arg3[%add3A_631] : memref<327680xi32, #tpu.memory_space<hbm>> -> memref<128xi32, #tpu.memory_space<hbm>>
        tpu.enqueue_dma source(%dma_start3A_640 : memref<128xi32, #tpu.memory_space<hbm>>) target(%dma_start3A_639 : memref<128xi32, #tpu.memory_space<vmem>>) target_semaphore(%arg27 : memref<!tpu.dma_semaphore, #tpu.memory_space<semaphore_mem>>)
        %mul3A_641 = arith.constant 128 : i32
        %mul3A_642 = arith.muli %add3A_628, %mul3A_641 : i32
        %add3A_643 = arith.addi %mul3A_21, %mul3A_642 : i32
        %dma_start3A_644 = arith.constant 3 : i32
        %dma_start3A_645 = arith.constant 0 : i32
        %dma_start3A_646 = tpu.memref_slice %arg9[%dma_start3A_644, %dma_start3A_645] : memref<8x128xi32, #tpu.memory_space<vmem>> -> memref<1x128xi32, #tpu.memory_space<vmem>>
        %dma_start3A_647 = tpu.memref_squeeze %dma_start3A_646 : memref<1x128xi32, #tpu.memory_space<vmem>> -> memref<128xi32, #tpu.memory_space<vmem>>
        %dma_start3A_648 = tpu.memref_slice %arg4[%add3A_643] : memref<327680xi32, #tpu.memory_space<hbm>> -> memref<128xi32, #tpu.memory_space<hbm>>
        %dma_start3A_649 = arith.constant 0 : i32
        %dma_start3A_650 = tpu.memref_slice %arg9[%dma_start3A_644, %dma_start3A_649] : memref<8x128xi32, #tpu.memory_space<vmem>> -> memref<1x128xi32, #tpu.memory_space<vmem>>
        %dma_start3A_651 = tpu.memref_squeeze %dma_start3A_650 : memref<1x128xi32, #tpu.memory_space<vmem>> -> memref<128xi32, #tpu.memory_space<vmem>>
        %dma_start3A_652 = tpu.memref_slice %arg4[%add3A_643] : memref<327680xi32, #tpu.memory_space<hbm>> -> memref<128xi32, #tpu.memory_space<hbm>>
        tpu.enqueue_dma source(%dma_start3A_652 : memref<128xi32, #tpu.memory_space<hbm>>) target(%dma_start3A_651 : memref<128xi32, #tpu.memory_space<vmem>>) target_semaphore(%arg27 : memref<!tpu.dma_semaphore, #tpu.memory_space<semaphore_mem>>)
      } else {
      }
      %add3A_572 = arith.constant 3 : i32
      %add3A_573 = arith.addi %add3A_535, %add3A_572 : i32
      %lt3A_574 = arith.constant 160 : i32
      %lt3A_575 = arith.cmpi slt, %add3A_573, %lt3A_574 : i32
      %convert_element_type3A_576 = arith.extui %lt3A_575 : i1 to i32
      %cond3A_577 = arith.constant 0 : i32
      %cond3A_578 = arith.cmpi ne, %convert_element_type3A_576, %cond3A_577 : i32
      scf.if %cond3A_578 {
        %add3A_627 = arith.constant 3 : i32
        %add3A_628 = arith.addi %add3A_535, %add3A_627 : i32
        %mul3A_629 = arith.constant 128 : i32
        %mul3A_630 = arith.muli %add3A_628, %mul3A_629 : i32
        %add3A_631 = arith.addi %mul3A_21, %mul3A_630 : i32
        %dma_wait3A_632 = arith.constant 1 : i32
        %dma_wait3A_633 = arith.constant 0 : i32
        %dma_wait3A_634 = tpu.memref_slice %arg8[%dma_wait3A_632, %dma_wait3A_633] : memref<8x128xi32, #tpu.memory_space<vmem>> -> memref<1x128xi32, #tpu.memory_space<vmem>>
        %dma_wait3A_635 = tpu.memref_squeeze %dma_wait3A_634 : memref<1x128xi32, #tpu.memory_space<vmem>> -> memref<128xi32, #tpu.memory_space<vmem>>
        %dma_wait3A_636 = tpu.memref_slice %arg3[%add3A_631] : memref<327680xi32, #tpu.memory_space<hbm>> -> memref<128xi32, #tpu.memory_space<hbm>>
        %dma_wait3A_637 = arith.constant 0 : i32
        %dma_wait3A_638 = tpu.memref_slice %arg8[%dma_wait3A_632, %dma_wait3A_637] : memref<8x128xi32, #tpu.memory_space<vmem>> -> memref<1x128xi32, #tpu.memory_space<vmem>>
        %dma_wait3A_639 = tpu.memref_squeeze %dma_wait3A_638 : memref<1x128xi32, #tpu.memory_space<vmem>> -> memref<128xi32, #tpu.memory_space<vmem>>
        %dma_wait3A_640 = tpu.memref_slice %arg3[%add3A_631] : memref<327680xi32, #tpu.memory_space<hbm>> -> memref<128xi32, #tpu.memory_space<hbm>>
        tpu.wait_dma2 semaphore(%arg25 : memref<!tpu.dma_semaphore, #tpu.memory_space<semaphore_mem>>) src(%dma_wait3A_640 : memref<128xi32, #tpu.memory_space<hbm>>) dst(%dma_wait3A_639 : memref<128xi32, #tpu.memory_space<vmem>>)
        %mul3A_641 = arith.constant 128 : i32
        %mul3A_642 = arith.muli %add3A_628, %mul3A_641 : i32
        %add3A_643 = arith.addi %mul3A_21, %mul3A_642 : i32
        %dma_wait3A_644 = arith.constant 1 : i32
        %dma_wait3A_645 = arith.constant 0 : i32
        %dma_wait3A_646 = tpu.memref_slice %arg9[%dma_wait3A_644, %dma_wait3A_645] : memref<8x128xi32, #tpu.memory_space<vmem>> -> memref<1x128xi32, #tpu.memory_space<vmem>>
        %dma_wait3A_647 = tpu.memref_squeeze %dma_wait3A_646 : memref<1x128xi32, #tpu.memory_space<vmem>> -> memref<128xi32, #tpu.memory_space<vmem>>
        %dma_wait3A_648 = tpu.memref_slice %arg4[%add3A_643] : memref<327680xi32, #tpu.memory_space<hbm>> -> memref<128xi32, #tpu.memory_space<hbm>>
        %dma_wait3A_649 = arith.constant 0 : i32
        %dma_wait3A_650 = tpu.memref_slice %arg9[%dma_wait3A_644, %dma_wait3A_649] : memref<8x128xi32, #tpu.memory_space<vmem>> -> memref<1x128xi32, #tpu.memory_space<vmem>>
        %dma_wait3A_651 = tpu.memref_squeeze %dma_wait3A_650 : memref<1x128xi32, #tpu.memory_space<vmem>> -> memref<128xi32, #tpu.memory_space<vmem>>
        %dma_wait3A_652 = tpu.memref_slice %arg4[%add3A_643] : memref<327680xi32, #tpu.memory_space<hbm>> -> memref<128xi32, #tpu.memory_space<hbm>>
        tpu.wait_dma2 semaphore(%arg25 : memref<!tpu.dma_semaphore, #tpu.memory_space<semaphore_mem>>) src(%dma_wait3A_652 : memref<128xi32, #tpu.memory_space<hbm>>) dst(%dma_wait3A_651 : memref<128xi32, #tpu.memory_space<vmem>>)
        %dma_start3A_653 = arith.constant 1 : i32
        %dma_start3A_654 = arith.constant 1 : i32
        %dma_start3A_655 = arith.constant 0 : i32
        %dma_start3A_656 = arith.constant 0 : i32
        %dma_start3A_657 = tpu.memref_slice %arg10[%dma_start3A_654, %dma_start3A_655, %dma_start3A_656] : memref<4x128x64xf32, #tpu.memory_space<vmem>> -> memref<1x128x64xf32, #tpu.memory_space<vmem>>
        %dma_start3A_658 = tpu.memref_squeeze %dma_start3A_657 : memref<1x128x64xf32, #tpu.memory_space<vmem>> -> memref<128x64xf32, #tpu.memory_space<vmem>>
        %dma_start3A_659 = arith.constant 0 : i32
        %dma_start3A_660 = tpu.memref_slice %arg8[%dma_start3A_653, %dma_start3A_659] : memref<8x128xi32, #tpu.memory_space<vmem>> -> memref<1x128xi32, #tpu.memory_space<vmem>>
        %dma_start3A_661 = tpu.memref_squeeze %dma_start3A_660 : memref<1x128xi32, #tpu.memory_space<vmem>> -> memref<128xi32, #tpu.memory_space<vmem>>
        %dma_start3A_662 = arith.constant 0 : i32
        %dma_start3A_663 = arith.constant 0 : i32
        %dma_start3A_664 = tpu.memref_slice %arg7[%dma_start3A_662, %dma_start3A_663] : memref<10000x64xf32, #tpu.memory_space<vmem_shared>> -> memref<10000x64xf32, #tpu.memory_space<vmem_shared>>
        tpu.enqueue_indirect_dma source(%dma_start3A_664 : memref<10000x64xf32, #tpu.memory_space<vmem_shared>>) target(%dma_start3A_658 : memref<128x64xf32, #tpu.memory_space<vmem>>) offsets(%dma_start3A_661 : memref<128xi32, #tpu.memory_space<vmem>>) semaphore(%arg13 : memref<!tpu.dma_semaphore, #tpu.memory_space<semaphore_mem>>)
      } else {
      }
      %mul3A_579 = arith.constant 8 : i32
      %mul3A_580 = arith.muli %mul3A_579, %scan3A_252 : i32
      %add3A_581 = arith.constant 7 : i32
      %add3A_582 = arith.addi %mul3A_580, %add3A_581 : i32
      %dma_wait3A_583 = arith.constant 7 : i32
      %dma_wait3A_584 = arith.constant 3 : i32
      %dma_wait3A_585 = arith.constant 0 : i32
      %dma_wait3A_586 = arith.constant 0 : i32
      %dma_wait3A_587 = tpu.memref_slice %arg10[%dma_wait3A_584, %dma_wait3A_585, %dma_wait3A_586] : memref<4x128x64xf32, #tpu.memory_space<vmem>> -> memref<1x128x64xf32, #tpu.memory_space<vmem>>
      %dma_wait3A_588 = tpu.memref_squeeze %dma_wait3A_587 : memref<1x128x64xf32, #tpu.memory_space<vmem>> -> memref<128x64xf32, #tpu.memory_space<vmem>>
      %dma_wait3A_589 = arith.constant 0 : i32
      %dma_wait3A_590 = tpu.memref_slice %arg8[%dma_wait3A_583, %dma_wait3A_589] : memref<8x128xi32, #tpu.memory_space<vmem>> -> memref<1x128xi32, #tpu.memory_space<vmem>>
      %dma_wait3A_591 = tpu.memref_squeeze %dma_wait3A_590 : memref<1x128xi32, #tpu.memory_space<vmem>> -> memref<128xi32, #tpu.memory_space<vmem>>
      %dma_wait3A_592 = arith.constant 0 : i32
      %dma_wait3A_593 = arith.constant 0 : i32
      %dma_wait3A_594 = tpu.memref_slice %arg7[%dma_wait3A_592, %dma_wait3A_593] : memref<10000x64xf32, #tpu.memory_space<vmem_shared>> -> memref<10000x64xf32, #tpu.memory_space<vmem_shared>>
      tpu.wait_indirect_dma semaphore(%arg15 : memref<!tpu.dma_semaphore, #tpu.memory_space<semaphore_mem>>) src(%dma_wait3A_594 : memref<10000x64xf32, #tpu.memory_space<vmem_shared>>) dst(%dma_wait3A_588 : memref<128x64xf32, #tpu.memory_space<vmem>>)
      %dma_start3A_595 = arith.constant 3 : i32
      %dma_start3A_596 = arith.constant 7 : i32
      %dma_start3A_597 = arith.constant 0 : i32
      %dma_start3A_598 = arith.constant 0 : i32
      %dma_start3A_599 = tpu.memref_slice %arg10[%dma_start3A_595, %dma_start3A_597, %dma_start3A_598] : memref<4x128x64xf32, #tpu.memory_space<vmem>> -> memref<1x128x64xf32, #tpu.memory_space<vmem>>
      %dma_start3A_600 = tpu.memref_squeeze %dma_start3A_599 : memref<1x128x64xf32, #tpu.memory_space<vmem>> -> memref<128x64xf32, #tpu.memory_space<vmem>>
      %dma_start3A_601 = arith.constant 0 : i32
      %dma_start3A_602 = tpu.memref_slice %arg9[%dma_start3A_596, %dma_start3A_601] : memref<8x128xi32, #tpu.memory_space<vmem>> -> memref<1x128xi32, #tpu.memory_space<vmem>>
      %dma_start3A_603 = tpu.memref_squeeze %dma_start3A_602 : memref<1x128xi32, #tpu.memory_space<vmem>> -> memref<128xi32, #tpu.memory_space<vmem>>
      %dma_start3A_604 = arith.constant 0 : i32
      %dma_start3A_605 = arith.constant 0 : i32
      %dma_start3A_606 = tpu.memref_slice %arg6[%dma_start3A_604, %dma_start3A_605] : memref<10240x64xf32, #tpu.memory_space<vmem_shared>> -> memref<10240x64xf32, #tpu.memory_space<vmem_shared>>
      tpu.enqueue_indirect_dma source(%dma_start3A_600 : memref<128x64xf32, #tpu.memory_space<vmem>>) target(%dma_start3A_606 : memref<10240x64xf32, #tpu.memory_space<vmem_shared>>) offsets(%dma_start3A_603 : memref<128xi32, #tpu.memory_space<vmem>>) semaphore(%arg19 : memref<!tpu.dma_semaphore, #tpu.memory_space<semaphore_mem>>) {add = true}
      %ge3A_607 = arith.constant 1 : i32
      %ge3A_608 = arith.cmpi sge, %add3A_582, %ge3A_607 : i32
      %convert_element_type3A_609 = arith.extui %ge3A_608 : i1 to i32
      %cond3A_610 = arith.constant 0 : i32
      %cond3A_611 = arith.cmpi ne, %convert_element_type3A_609, %cond3A_610 : i32
      scf.if %cond3A_611 {
        %dma_wait3A_627 = arith.constant 2 : i32
        %dma_wait3A_628 = arith.constant 6 : i32
        %dma_wait3A_629 = arith.constant 0 : i32
        %dma_wait3A_630 = arith.constant 0 : i32
        %dma_wait3A_631 = tpu.memref_slice %arg10[%dma_wait3A_627, %dma_wait3A_629, %dma_wait3A_630] : memref<4x128x64xf32, #tpu.memory_space<vmem>> -> memref<1x128x64xf32, #tpu.memory_space<vmem>>
        %dma_wait3A_632 = tpu.memref_squeeze %dma_wait3A_631 : memref<1x128x64xf32, #tpu.memory_space<vmem>> -> memref<128x64xf32, #tpu.memory_space<vmem>>
        %dma_wait3A_633 = arith.constant 0 : i32
        %dma_wait3A_634 = tpu.memref_slice %arg9[%dma_wait3A_628, %dma_wait3A_633] : memref<8x128xi32, #tpu.memory_space<vmem>> -> memref<1x128xi32, #tpu.memory_space<vmem>>
        %dma_wait3A_635 = tpu.memref_squeeze %dma_wait3A_634 : memref<1x128xi32, #tpu.memory_space<vmem>> -> memref<128xi32, #tpu.memory_space<vmem>>
        %dma_wait3A_636 = arith.constant 0 : i32
        %dma_wait3A_637 = arith.constant 0 : i32
        %dma_wait3A_638 = tpu.memref_slice %arg6[%dma_wait3A_636, %dma_wait3A_637] : memref<10240x64xf32, #tpu.memory_space<vmem_shared>> -> memref<10240x64xf32, #tpu.memory_space<vmem_shared>>
        tpu.wait_indirect_dma semaphore(%arg18 : memref<!tpu.dma_semaphore, #tpu.memory_space<semaphore_mem>>) src(%dma_wait3A_632 : memref<128x64xf32, #tpu.memory_space<vmem>>) dst(%dma_wait3A_638 : memref<10240x64xf32, #tpu.memory_space<vmem_shared>>)
      } else {
      }
      %add3A_612 = arith.constant 5 : i32
      %add3A_613 = arith.addi %add3A_582, %add3A_612 : i32
      %lt3A_614 = arith.constant 160 : i32
      %lt3A_615 = arith.cmpi slt, %add3A_613, %lt3A_614 : i32
      %convert_element_type3A_616 = arith.extui %lt3A_615 : i1 to i32
      %cond3A_617 = arith.constant 0 : i32
      %cond3A_618 = arith.cmpi ne, %convert_element_type3A_616, %cond3A_617 : i32
      scf.if %cond3A_618 {
        %add3A_627 = arith.constant 5 : i32
        %add3A_628 = arith.addi %add3A_582, %add3A_627 : i32
        %mul3A_629 = arith.constant 128 : i32
        %mul3A_630 = arith.muli %add3A_628, %mul3A_629 : i32
        %add3A_631 = arith.addi %mul3A_21, %mul3A_630 : i32
        %dma_start3A_632 = arith.constant 4 : i32
        %dma_start3A_633 = arith.constant 0 : i32
        %dma_start3A_634 = tpu.memref_slice %arg8[%dma_start3A_632, %dma_start3A_633] : memref<8x128xi32, #tpu.memory_space<vmem>> -> memref<1x128xi32, #tpu.memory_space<vmem>>
        %dma_start3A_635 = tpu.memref_squeeze %dma_start3A_634 : memref<1x128xi32, #tpu.memory_space<vmem>> -> memref<128xi32, #tpu.memory_space<vmem>>
        %dma_start3A_636 = tpu.memref_slice %arg3[%add3A_631] : memref<327680xi32, #tpu.memory_space<hbm>> -> memref<128xi32, #tpu.memory_space<hbm>>
        %dma_start3A_637 = arith.constant 0 : i32
        %dma_start3A_638 = tpu.memref_slice %arg8[%dma_start3A_632, %dma_start3A_637] : memref<8x128xi32, #tpu.memory_space<vmem>> -> memref<1x128xi32, #tpu.memory_space<vmem>>
        %dma_start3A_639 = tpu.memref_squeeze %dma_start3A_638 : memref<1x128xi32, #tpu.memory_space<vmem>> -> memref<128xi32, #tpu.memory_space<vmem>>
        %dma_start3A_640 = tpu.memref_slice %arg3[%add3A_631] : memref<327680xi32, #tpu.memory_space<hbm>> -> memref<128xi32, #tpu.memory_space<hbm>>
        tpu.enqueue_dma source(%dma_start3A_640 : memref<128xi32, #tpu.memory_space<hbm>>) target(%dma_start3A_639 : memref<128xi32, #tpu.memory_space<vmem>>) target_semaphore(%arg28 : memref<!tpu.dma_semaphore, #tpu.memory_space<semaphore_mem>>)
        %mul3A_641 = arith.constant 128 : i32
        %mul3A_642 = arith.muli %add3A_628, %mul3A_641 : i32
        %add3A_643 = arith.addi %mul3A_21, %mul3A_642 : i32
        %dma_start3A_644 = arith.constant 4 : i32
        %dma_start3A_645 = arith.constant 0 : i32
        %dma_start3A_646 = tpu.memref_slice %arg9[%dma_start3A_644, %dma_start3A_645] : memref<8x128xi32, #tpu.memory_space<vmem>> -> memref<1x128xi32, #tpu.memory_space<vmem>>
        %dma_start3A_647 = tpu.memref_squeeze %dma_start3A_646 : memref<1x128xi32, #tpu.memory_space<vmem>> -> memref<128xi32, #tpu.memory_space<vmem>>
        %dma_start3A_648 = tpu.memref_slice %arg4[%add3A_643] : memref<327680xi32, #tpu.memory_space<hbm>> -> memref<128xi32, #tpu.memory_space<hbm>>
        %dma_start3A_649 = arith.constant 0 : i32
        %dma_start3A_650 = tpu.memref_slice %arg9[%dma_start3A_644, %dma_start3A_649] : memref<8x128xi32, #tpu.memory_space<vmem>> -> memref<1x128xi32, #tpu.memory_space<vmem>>
        %dma_start3A_651 = tpu.memref_squeeze %dma_start3A_650 : memref<1x128xi32, #tpu.memory_space<vmem>> -> memref<128xi32, #tpu.memory_space<vmem>>
        %dma_start3A_652 = tpu.memref_slice %arg4[%add3A_643] : memref<327680xi32, #tpu.memory_space<hbm>> -> memref<128xi32, #tpu.memory_space<hbm>>
        tpu.enqueue_dma source(%dma_start3A_652 : memref<128xi32, #tpu.memory_space<hbm>>) target(%dma_start3A_651 : memref<128xi32, #tpu.memory_space<vmem>>) target_semaphore(%arg28 : memref<!tpu.dma_semaphore, #tpu.memory_space<semaphore_mem>>)
      } else {
      }
      %add3A_619 = arith.constant 3 : i32
      %add3A_620 = arith.addi %add3A_582, %add3A_619 : i32
      %lt3A_621 = arith.constant 160 : i32
      %lt3A_622 = arith.cmpi slt, %add3A_620, %lt3A_621 : i32
      %convert_element_type3A_623 = arith.extui %lt3A_622 : i1 to i32
      %cond3A_624 = arith.constant 0 : i32
      %cond3A_625 = arith.cmpi ne, %convert_element_type3A_623, %cond3A_624 : i32
      scf.if %cond3A_625 {
        %add3A_627 = arith.constant 3 : i32
        %add3A_628 = arith.addi %add3A_582, %add3A_627 : i32
        %mul3A_629 = arith.constant 128 : i32
        %mul3A_630 = arith.muli %add3A_628, %mul3A_629 : i32
        %add3A_631 = arith.addi %mul3A_21, %mul3A_630 : i32
        %dma_wait3A_632 = arith.constant 2 : i32
        %dma_wait3A_633 = arith.constant 0 : i32
        %dma_wait3A_634 = tpu.memref_slice %arg8[%dma_wait3A_632, %dma_wait3A_633] : memref<8x128xi32, #tpu.memory_space<vmem>> -> memref<1x128xi32, #tpu.memory_space<vmem>>
        %dma_wait3A_635 = tpu.memref_squeeze %dma_wait3A_634 : memref<1x128xi32, #tpu.memory_space<vmem>> -> memref<128xi32, #tpu.memory_space<vmem>>
        %dma_wait3A_636 = tpu.memref_slice %arg3[%add3A_631] : memref<327680xi32, #tpu.memory_space<hbm>> -> memref<128xi32, #tpu.memory_space<hbm>>
        %dma_wait3A_637 = arith.constant 0 : i32
        %dma_wait3A_638 = tpu.memref_slice %arg8[%dma_wait3A_632, %dma_wait3A_637] : memref<8x128xi32, #tpu.memory_space<vmem>> -> memref<1x128xi32, #tpu.memory_space<vmem>>
        %dma_wait3A_639 = tpu.memref_squeeze %dma_wait3A_638 : memref<1x128xi32, #tpu.memory_space<vmem>> -> memref<128xi32, #tpu.memory_space<vmem>>
        %dma_wait3A_640 = tpu.memref_slice %arg3[%add3A_631] : memref<327680xi32, #tpu.memory_space<hbm>> -> memref<128xi32, #tpu.memory_space<hbm>>
        tpu.wait_dma2 semaphore(%arg26 : memref<!tpu.dma_semaphore, #tpu.memory_space<semaphore_mem>>) src(%dma_wait3A_640 : memref<128xi32, #tpu.memory_space<hbm>>) dst(%dma_wait3A_639 : memref<128xi32, #tpu.memory_space<vmem>>)
        %mul3A_641 = arith.constant 128 : i32
        %mul3A_642 = arith.muli %add3A_628, %mul3A_641 : i32
        %add3A_643 = arith.addi %mul3A_21, %mul3A_642 : i32
        %dma_wait3A_644 = arith.constant 2 : i32
        %dma_wait3A_645 = arith.constant 0 : i32
        %dma_wait3A_646 = tpu.memref_slice %arg9[%dma_wait3A_644, %dma_wait3A_645] : memref<8x128xi32, #tpu.memory_space<vmem>> -> memref<1x128xi32, #tpu.memory_space<vmem>>
        %dma_wait3A_647 = tpu.memref_squeeze %dma_wait3A_646 : memref<1x128xi32, #tpu.memory_space<vmem>> -> memref<128xi32, #tpu.memory_space<vmem>>
        %dma_wait3A_648 = tpu.memref_slice %arg4[%add3A_643] : memref<327680xi32, #tpu.memory_space<hbm>> -> memref<128xi32, #tpu.memory_space<hbm>>
        %dma_wait3A_649 = arith.constant 0 : i32
        %dma_wait3A_650 = tpu.memref_slice %arg9[%dma_wait3A_644, %dma_wait3A_649] : memref<8x128xi32, #tpu.memory_space<vmem>> -> memref<1x128xi32, #tpu.memory_space<vmem>>
        %dma_wait3A_651 = tpu.memref_squeeze %dma_wait3A_650 : memref<1x128xi32, #tpu.memory_space<vmem>> -> memref<128xi32, #tpu.memory_space<vmem>>
        %dma_wait3A_652 = tpu.memref_slice %arg4[%add3A_643] : memref<327680xi32, #tpu.memory_space<hbm>> -> memref<128xi32, #tpu.memory_space<hbm>>
        tpu.wait_dma2 semaphore(%arg26 : memref<!tpu.dma_semaphore, #tpu.memory_space<semaphore_mem>>) src(%dma_wait3A_652 : memref<128xi32, #tpu.memory_space<hbm>>) dst(%dma_wait3A_651 : memref<128xi32, #tpu.memory_space<vmem>>)
        %dma_start3A_653 = arith.constant 2 : i32
        %dma_start3A_654 = arith.constant 2 : i32
        %dma_start3A_655 = arith.constant 0 : i32
        %dma_start3A_656 = arith.constant 0 : i32
        %dma_start3A_657 = tpu.memref_slice %arg10[%dma_start3A_654, %dma_start3A_655, %dma_start3A_656] : memref<4x128x64xf32, #tpu.memory_space<vmem>> -> memref<1x128x64xf32, #tpu.memory_space<vmem>>
        %dma_start3A_658 = tpu.memref_squeeze %dma_start3A_657 : memref<1x128x64xf32, #tpu.memory_space<vmem>> -> memref<128x64xf32, #tpu.memory_space<vmem>>
        %dma_start3A_659 = arith.constant 0 : i32
        %dma_start3A_660 = tpu.memref_slice %arg8[%dma_start3A_653, %dma_start3A_659] : memref<8x128xi32, #tpu.memory_space<vmem>> -> memref<1x128xi32, #tpu.memory_space<vmem>>
        %dma_start3A_661 = tpu.memref_squeeze %dma_start3A_660 : memref<1x128xi32, #tpu.memory_space<vmem>> -> memref<128xi32, #tpu.memory_space<vmem>>
        %dma_start3A_662 = arith.constant 0 : i32
        %dma_start3A_663 = arith.constant 0 : i32
        %dma_start3A_664 = tpu.memref_slice %arg7[%dma_start3A_662, %dma_start3A_663] : memref<10000x64xf32, #tpu.memory_space<vmem_shared>> -> memref<10000x64xf32, #tpu.memory_space<vmem_shared>>
        tpu.enqueue_indirect_dma source(%dma_start3A_664 : memref<10000x64xf32, #tpu.memory_space<vmem_shared>>) target(%dma_start3A_658 : memref<128x64xf32, #tpu.memory_space<vmem>>) offsets(%dma_start3A_661 : memref<128xi32, #tpu.memory_space<vmem>>) semaphore(%arg14 : memref<!tpu.dma_semaphore, #tpu.memory_space<semaphore_mem>>)
      } else {
      }
      %scan3A_626 = arith.constant 0 : i32
      scf.yield %scan3A_626 : i32
    }
    %scan3A_238 = arith.constant 20 : i32
    %dma_wait3A_239 = arith.constant 3 : i32
    %dma_wait3A_240 = arith.constant 7 : i32
    %dma_wait3A_241 = arith.constant 0 : i32
    %dma_wait3A_242 = arith.constant 0 : i32
    %dma_wait3A_243 = tpu.memref_slice %arg10[%dma_wait3A_239, %dma_wait3A_241, %dma_wait3A_242] : memref<4x128x64xf32, #tpu.memory_space<vmem>> -> memref<1x128x64xf32, #tpu.memory_space<vmem>>
    %dma_wait3A_244 = tpu.memref_squeeze %dma_wait3A_243 : memref<1x128x64xf32, #tpu.memory_space<vmem>> -> memref<128x64xf32, #tpu.memory_space<vmem>>
    %dma_wait3A_245 = arith.constant 0 : i32
    %dma_wait3A_246 = tpu.memref_slice %arg9[%dma_wait3A_240, %dma_wait3A_245] : memref<8x128xi32, #tpu.memory_space<vmem>> -> memref<1x128xi32, #tpu.memory_space<vmem>>
    %dma_wait3A_247 = tpu.memref_squeeze %dma_wait3A_246 : memref<1x128xi32, #tpu.memory_space<vmem>> -> memref<128xi32, #tpu.memory_space<vmem>>
    %dma_wait3A_248 = arith.constant 0 : i32
    %dma_wait3A_249 = arith.constant 0 : i32
    %dma_wait3A_250 = tpu.memref_slice %arg6[%dma_wait3A_248, %dma_wait3A_249] : memref<10240x64xf32, #tpu.memory_space<vmem_shared>> -> memref<10240x64xf32, #tpu.memory_space<vmem_shared>>
    tpu.wait_indirect_dma semaphore(%arg19 : memref<!tpu.dma_semaphore, #tpu.memory_space<semaphore_mem>>) src(%dma_wait3A_244 : memref<128x64xf32, #tpu.memory_space<vmem>>) dst(%dma_wait3A_250 : memref<10240x64xf32, #tpu.memory_space<vmem_shared>>)
    %barrier3A_251 = arith.constant 0 : index
    tpu.barrier barrier_id(%barrier3A_251)
    "tpu.region"() ({
      %run_scoped3A = tpu.sem_alloc : memref<!tpu.dma_semaphore, #tpu.memory_space<semaphore_mem>>
      %dma_start3A_252 = arith.constant 0 : i32
      %dma_start3A_253 = tpu.memref_slice %arg5[%arg0, %mul3A_6, %dma_start3A_252] : memref<2x10240x64xf32, #tpu.memory_space<hbm>> -> memref<1x640x64xf32, #tpu.memory_space<hbm>>
      %dma_start3A_254 = tpu.memref_squeeze %dma_start3A_253 : memref<1x640x64xf32, #tpu.memory_space<hbm>> -> memref<640x64xf32, #tpu.memory_space<hbm>>
      %dma_start3A_255 = arith.constant 0 : i32
      %dma_start3A_256 = tpu.memref_slice %arg6[%mul3A_6, %dma_start3A_255] : memref<10240x64xf32, #tpu.memory_space<vmem_shared>> -> memref<640x64xf32, #tpu.memory_space<vmem_shared>>
      tpu.enqueue_dma source(%dma_start3A_256 : memref<640x64xf32, #tpu.memory_space<vmem_shared>>) target(%dma_start3A_254 : memref<640x64xf32, #tpu.memory_space<hbm>>) target_semaphore(%run_scoped3A : memref<!tpu.dma_semaphore, #tpu.memory_space<semaphore_mem>>)
      %dma_wait3A_257 = arith.constant 0 : i32
      %dma_wait3A_258 = tpu.memref_slice %arg5[%arg0, %mul3A_6, %dma_wait3A_257] : memref<2x10240x64xf32, #tpu.memory_space<hbm>> -> memref<1x640x64xf32, #tpu.memory_space<hbm>>
      %dma_wait3A_259 = tpu.memref_squeeze %dma_wait3A_258 : memref<1x640x64xf32, #tpu.memory_space<hbm>> -> memref<640x64xf32, #tpu.memory_space<hbm>>
      %dma_wait3A_260 = arith.constant 0 : i32
      %dma_wait3A_261 = tpu.memref_slice %arg6[%mul3A_6, %dma_wait3A_260] : memref<10240x64xf32, #tpu.memory_space<vmem_shared>> -> memref<640x64xf32, #tpu.memory_space<vmem_shared>>
      tpu.wait_dma2 semaphore(%run_scoped3A : memref<!tpu.dma_semaphore, #tpu.memory_space<semaphore_mem>>) src(%dma_wait3A_261 : memref<640x64xf32, #tpu.memory_space<vmem_shared>>) dst(%dma_wait3A_259 : memref<640x64xf32, #tpu.memory_space<hbm>>)
      tpu.yield
    }) : () -> ()
    return
  }
}

#map = affine_map<(d0, d1) -> (0, 0)>
#map1 = affine_map<(d0, d1) -> (0)>
#map2 = affine_map<(d0, d1) -> (0, 0, 0)>
module attributes {stable_mosaic.version = 14 : i64} {
  func.func @body(%arg0: i32, %arg1: i32, %arg2: memref<20000x64xf32, #tpu.memory_space<hbm>>, %arg3: memref<331776xi32, #tpu.memory_space<hbm>>, %arg4: memref<331776xi32, #tpu.memory_space<hbm>>, %arg5: memref<2x10240x64xf32, #tpu.memory_space<hbm>>, %arg6: memref<2x10240x16xf32, #tpu.memory_space<hbm>>, %arg7: memref<10240x64xf32, #tpu.memory_space<vmem_shared>>, %arg8: memref<10000x64xf32, #tpu.memory_space<vmem_shared>>, %arg9: memref<10240x16xf32, #tpu.memory_space<vmem_shared>>, %arg10: memref<8x96xi32, #tpu.memory_space<vmem>>, %arg11: memref<8x96xi32, #tpu.memory_space<vmem>>, %arg12: memref<4x96x64xf32, #tpu.memory_space<vmem>>, %arg13: memref<96x16xf32, #tpu.memory_space<vmem>>, %arg14: memref<!tpu.dma_semaphore, #tpu.memory_space<semaphore_mem>>, %arg15: memref<!tpu.dma_semaphore, #tpu.memory_space<semaphore_mem>>, %arg16: memref<!tpu.dma_semaphore, #tpu.memory_space<semaphore_mem>>, %arg17: memref<!tpu.dma_semaphore, #tpu.memory_space<semaphore_mem>>, %arg18: memref<!tpu.dma_semaphore, #tpu.memory_space<semaphore_mem>>, %arg19: memref<!tpu.dma_semaphore, #tpu.memory_space<semaphore_mem>>, %arg20: memref<!tpu.dma_semaphore, #tpu.memory_space<semaphore_mem>>, %arg21: memref<!tpu.dma_semaphore, #tpu.memory_space<semaphore_mem>>, %arg22: memref<!tpu.dma_semaphore, #tpu.memory_space<semaphore_mem>>, %arg23: memref<!tpu.dma_semaphore, #tpu.memory_space<semaphore_mem>>, %arg24: memref<!tpu.dma_semaphore, #tpu.memory_space<semaphore_mem>>, %arg25: memref<!tpu.dma_semaphore, #tpu.memory_space<semaphore_mem>>, %arg26: memref<!tpu.dma_semaphore, #tpu.memory_space<semaphore_mem>>, %arg27: memref<!tpu.dma_semaphore, #tpu.memory_space<semaphore_mem>>, %arg28: memref<!tpu.dma_semaphore, #tpu.memory_space<semaphore_mem>>, %arg29: memref<!tpu.dma_semaphore, #tpu.memory_space<semaphore_mem>>, %arg30: memref<!tpu.dma_semaphore, #tpu.memory_space<semaphore_mem>>, %arg31: memref<!tpu.dma_semaphore, #tpu.memory_space<semaphore_mem>>, %arg32: memref<!tpu.dma_semaphore, #tpu.memory_space<semaphore_mem>>, %arg33: memref<!tpu.dma_semaphore, #tpu.memory_space<semaphore_mem>>) attributes {dimension_semantics = [#tpu.dimension_semantics<core_parallel>, #tpu.dimension_semantics<subcore_parallel>], iteration_bounds = array<i64: 2, 16>, scalar_prefetch = 0 : i64, scratch_operands = 27 : i64, tpu.core_type = #tpu.core_type<sc_vector_subcore>, window_params = [{transform_indices = #map}, {transform_indices = #map1}, {transform_indices = #map1}, {transform_indices = #map2}, {transform_indices = #map2}]} {
    %scan3A = arith.constant 0 : i32
    %scan3A_0 = arith.constant 0 : i32
    %scan3A_1 = arith.constant 384 : i32
    %scan3A_2 = arith.addi %scan3A_0, %scan3A_1 : i32
    %scan3A_3 = arith.constant 1 : i32
    %scan3A_4 = scf.for %scan3A_272 = %scan3A_0 to %scan3A_2 step %scan3A_3 iter_args(%scan3A_273 = %scan3A) -> (i32)  : i32 {
      %jit3A = arith.constant 4 : i32
      %div3A = arith.divsi %scan3A_272, %jit3A : i32
      %sign3A = arith.constant 0 : i32
      %sign3A_274 = arith.cmpi sgt, %scan3A_272, %sign3A : i32
      %sign3A_275 = arith.extui %sign3A_274 : i1 to i32
      %sign3A_276 = arith.constant 0 : i32
      %sign3A_277 = arith.cmpi slt, %scan3A_272, %sign3A_276 : i32
      %sign3A_278 = arith.extui %sign3A_277 : i1 to i32
      %sign3A_279 = arith.subi %sign3A_275, %sign3A_278 : i32
      %sign3A_280 = arith.constant 0 : i32
      %sign3A_281 = arith.cmpi sgt, %jit3A, %sign3A_280 : i32
      %sign3A_282 = arith.extui %sign3A_281 : i1 to i32
      %sign3A_283 = arith.constant 0 : i32
      %sign3A_284 = arith.cmpi slt, %jit3A, %sign3A_283 : i32
      %sign3A_285 = arith.extui %sign3A_284 : i1 to i32
      %sign3A_286 = arith.subi %sign3A_282, %sign3A_285 : i32
      %ne3A = arith.cmpi ne, %sign3A_279, %sign3A_286 : i32
      %rem3A = arith.remsi %scan3A_272, %jit3A : i32
      %ne3A_287 = arith.constant 0 : i32
      %ne3A_288 = arith.cmpi ne, %rem3A, %ne3A_287 : i32
      %and3A = arith.andi %ne3A, %ne3A_288 : i1
      %sub3A = arith.constant 1 : i32
      %sub3A_289 = arith.subi %div3A, %sub3A : i32
      %select_n3A = arith.select %and3A, %sub3A_289, %div3A : i32
      %jit3A_290 = arith.constant 4 : i32
      %eq3A_291 = arith.constant 0 : i32
      %eq3A_292 = arith.cmpi eq, %jit3A_290, %eq3A_291 : i32
      %jit3A_293 = arith.constant 1 : i32
      %select_n3A_294 = arith.select %eq3A_292, %jit3A_293, %jit3A_290 : i32
      %rem3A_295 = arith.remsi %scan3A_272, %select_n3A_294 : i32
      %ne3A_296 = arith.constant 0 : i32
      %ne3A_297 = arith.cmpi ne, %rem3A_295, %ne3A_296 : i32
      %lt3A = arith.constant 0 : i32
      %lt3A_298 = arith.cmpi slt, %rem3A_295, %lt3A : i32
      %lt3A_299 = arith.constant 0 : i32
      %lt3A_300 = arith.cmpi slt, %select_n3A_294, %lt3A_299 : i32
      %ne3A_301 = arith.xori %lt3A_298, %lt3A_300 : i1
      %and3A_302 = arith.andi %ne3A_301, %ne3A_297 : i1
      %add3A_303 = arith.addi %rem3A_295, %select_n3A_294 : i32
      %select_n3A_304 = arith.select %and3A_302, %add3A_303, %rem3A_295 : i32
      %broadcast_in_dim3A = arith.constant 0.000000e+00 : f32
      %broadcast_in_dim3A_305 = vector.broadcast %broadcast_in_dim3A : f32 to vector<16xf32>
      %mul3A_306 = arith.constant 16 : i32
      %mul3A_307 = arith.muli %select_n3A_304, %mul3A_306 : i32
      %swap3A = arith.constant 0 : i32
      %swap3A_308 = arith.index_cast %swap3A : i32 to index
      %swap3A_309 = arith.index_cast %select_n3A : i32 to index
      %swap3A_310 = arith.index_cast %mul3A_307 : i32 to index
      %swap3A_311 = tpu.vector_load %arg12[%swap3A_308, %swap3A_309, %swap3A_310] {strides = array<i32>} : memref<4x96x64xf32, #tpu.memory_space<vmem>>, vector<1x1x16xf32>,
      %swap3A_312 = vector.shape_cast %swap3A_311 : vector<1x1x16xf32> to vector<16xf32>
      %swap3A_313 = vector.shape_cast %broadcast_in_dim3A_305 : vector<16xf32> to vector<1x1x16xf32>
      tpu.vector_store %arg12[%swap3A_308, %swap3A_309, %swap3A_310], %swap3A_313 {strides = array<i32>} : memref<4x96x64xf32, #tpu.memory_space<vmem>>, vector<1x1x16xf32>,
      %scan3A_314 = arith.constant 0 : i32
      scf.yield %scan3A_314 : i32
    }
    %scan3A_5 = arith.constant 384 : i32
    %scan3A_6 = arith.constant 0 : i32
    %scan3A_7 = arith.constant 0 : i32
    %scan3A_8 = arith.constant 96 : i32
    %scan3A_9 = arith.addi %scan3A_7, %scan3A_8 : i32
    %scan3A_10 = arith.constant 1 : i32
    %scan3A_11 = scf.for %scan3A_272 = %scan3A_7 to %scan3A_9 step %scan3A_10 iter_args(%scan3A_273 = %scan3A_6) -> (i32)  : i32 {
      %broadcast_in_dim3A = arith.constant 0.000000e+00 : f32
      %broadcast_in_dim3A_274 = vector.broadcast %broadcast_in_dim3A : f32 to vector<16xf32>
      %swap3A = arith.index_cast %scan3A_272 : i32 to index
      %swap3A_275 = arith.constant 0 : index
      %swap3A_276 = tpu.vector_load %arg13[%swap3A, %swap3A_275] {strides = array<i32>} : memref<96x16xf32, #tpu.memory_space<vmem>>, vector<1x16xf32>,
      %swap3A_277 = vector.shape_cast %swap3A_276 : vector<1x16xf32> to vector<16xf32>
      %swap3A_278 = vector.shape_cast %broadcast_in_dim3A_274 : vector<16xf32> to vector<1x16xf32>
      tpu.vector_store %arg13[%swap3A, %swap3A_275], %swap3A_278 {strides = array<i32>} : memref<96x16xf32, #tpu.memory_space<vmem>>, vector<1x16xf32>,
      %scan3A_279 = arith.constant 0 : i32
      scf.yield %scan3A_279 : i32
    }
    %scan3A_12 = arith.constant 96 : i32
    %mul3A = arith.constant 640 : i32
    %mul3A_13 = arith.muli %arg1, %mul3A : i32
    %scan3A_14 = arith.constant 0 : i32
    %scan3A_15 = arith.constant 0 : i32
    %scan3A_16 = arith.constant 6 : i32
    %scan3A_17 = arith.addi %scan3A_15, %scan3A_16 : i32
    %scan3A_18 = arith.constant 1 : i32
    %scan3A_19 = scf.for %scan3A_272 = %scan3A_15 to %scan3A_17 step %scan3A_18 iter_args(%scan3A_273 = %scan3A_14) -> (i32)  : i32 {
      %mul3A_274 = arith.constant 96 : i32
      %mul3A_275 = arith.muli %scan3A_272, %mul3A_274 : i32
      %add3A_276 = arith.addi %mul3A_13, %mul3A_275 : i32
      %run_scoped3A_277 = arith.constant 0 : i32
      "tpu.region"() ({
        %run_scoped3A_282 = tpu.sem_alloc : memref<!tpu.dma_semaphore, #tpu.memory_space<semaphore_mem>>
        %dma_start3A_283 = arith.constant 0 : i32
        %dma_start3A_284 = arith.constant 0 : i32
        %dma_start3A_285 = tpu.memref_slice %arg12[%run_scoped3A_277, %dma_start3A_283, %dma_start3A_284] : memref<4x96x64xf32, #tpu.memory_space<vmem>> -> memref<1x96x64xf32, #tpu.memory_space<vmem>>
        %dma_start3A_286 = tpu.memref_squeeze %dma_start3A_285 : memref<1x96x64xf32, #tpu.memory_space<vmem>> -> memref<96x64xf32, #tpu.memory_space<vmem>>
        %dma_start3A_287 = arith.constant 0 : i32
        %dma_start3A_288 = tpu.memref_slice %arg7[%add3A_276, %dma_start3A_287] : memref<10240x64xf32, #tpu.memory_space<vmem_shared>> -> memref<96x64xf32, #tpu.memory_space<vmem_shared>>
        %dma_start3A_289 = arith.constant 0 : i32
        %dma_start3A_290 = tpu.memref_slice %arg7[%add3A_276, %dma_start3A_289] : memref<10240x64xf32, #tpu.memory_space<vmem_shared>> -> memref<96x64xf32, #tpu.memory_space<vmem_shared>>
        %dma_start3A_291 = arith.constant 0 : i32
        %dma_start3A_292 = arith.constant 0 : i32
        %dma_start3A_293 = tpu.memref_slice %arg12[%run_scoped3A_277, %dma_start3A_291, %dma_start3A_292] : memref<4x96x64xf32, #tpu.memory_space<vmem>> -> memref<1x96x64xf32, #tpu.memory_space<vmem>>
        %dma_start3A_294 = tpu.memref_squeeze %dma_start3A_293 : memref<1x96x64xf32, #tpu.memory_space<vmem>> -> memref<96x64xf32, #tpu.memory_space<vmem>>
        tpu.enqueue_dma source(%dma_start3A_294 : memref<96x64xf32, #tpu.memory_space<vmem>>) target(%dma_start3A_290 : memref<96x64xf32, #tpu.memory_space<vmem_shared>>) target_semaphore(%run_scoped3A_282 : memref<!tpu.dma_semaphore, #tpu.memory_space<semaphore_mem>>)
        %dma_wait3A_295 = arith.constant 0 : i32
        %dma_wait3A_296 = arith.constant 0 : i32
        %dma_wait3A_297 = tpu.memref_slice %arg12[%run_scoped3A_277, %dma_wait3A_295, %dma_wait3A_296] : memref<4x96x64xf32, #tpu.memory_space<vmem>> -> memref<1x96x64xf32, #tpu.memory_space<vmem>>
        %dma_wait3A_298 = tpu.memref_squeeze %dma_wait3A_297 : memref<1x96x64xf32, #tpu.memory_space<vmem>> -> memref<96x64xf32, #tpu.memory_space<vmem>>
        %dma_wait3A_299 = arith.constant 0 : i32
        %dma_wait3A_300 = tpu.memref_slice %arg7[%add3A_276, %dma_wait3A_299] : memref<10240x64xf32, #tpu.memory_space<vmem_shared>> -> memref<96x64xf32, #tpu.memory_space<vmem_shared>>
        %dma_wait3A_301 = arith.constant 0 : i32
        %dma_wait3A_302 = tpu.memref_slice %arg7[%add3A_276, %dma_wait3A_301] : memref<10240x64xf32, #tpu.memory_space<vmem_shared>> -> memref<96x64xf32, #tpu.memory_space<vmem_shared>>
        %dma_wait3A_303 = arith.constant 0 : i32
        %dma_wait3A_304 = arith.constant 0 : i32
        %dma_wait3A_305 = tpu.memref_slice %arg12[%run_scoped3A_277, %dma_wait3A_303, %dma_wait3A_304] : memref<4x96x64xf32, #tpu.memory_space<vmem>> -> memref<1x96x64xf32, #tpu.memory_space<vmem>>
        %dma_wait3A_306 = tpu.memref_squeeze %dma_wait3A_305 : memref<1x96x64xf32, #tpu.memory_space<vmem>> -> memref<96x64xf32, #tpu.memory_space<vmem>>
        tpu.wait_dma2 semaphore(%run_scoped3A_282 : memref<!tpu.dma_semaphore, #tpu.memory_space<semaphore_mem>>) src(%dma_wait3A_306 : memref<96x64xf32, #tpu.memory_space<vmem>>) dst(%dma_wait3A_302 : memref<96x64xf32, #tpu.memory_space<vmem_shared>>)
        tpu.yield
      }) : () -> ()
      %mul3A_278 = arith.constant 96 : i32
      %mul3A_279 = arith.muli %scan3A_272, %mul3A_278 : i32
      %add3A_280 = arith.addi %mul3A_13, %mul3A_279 : i32
      "tpu.region"() ({
        %run_scoped3A_282 = tpu.sem_alloc : memref<!tpu.dma_semaphore, #tpu.memory_space<semaphore_mem>>
        %dma_start3A_283 = arith.constant 0 : i32
        %dma_start3A_284 = tpu.memref_slice %arg9[%add3A_280, %dma_start3A_283] : memref<10240x16xf32, #tpu.memory_space<vmem_shared>> -> memref<96x16xf32, #tpu.memory_space<vmem_shared>>
        %dma_start3A_285 = arith.constant 0 : i32
        %dma_start3A_286 = tpu.memref_slice %arg9[%add3A_280, %dma_start3A_285] : memref<10240x16xf32, #tpu.memory_space<vmem_shared>> -> memref<96x16xf32, #tpu.memory_space<vmem_shared>>
        tpu.enqueue_dma source(%arg13 : memref<96x16xf32, #tpu.memory_space<vmem>>) target(%dma_start3A_286 : memref<96x16xf32, #tpu.memory_space<vmem_shared>>) target_semaphore(%run_scoped3A_282 : memref<!tpu.dma_semaphore, #tpu.memory_space<semaphore_mem>>)
        %dma_wait3A_287 = arith.constant 0 : i32
        %dma_wait3A_288 = tpu.memref_slice %arg9[%add3A_280, %dma_wait3A_287] : memref<10240x16xf32, #tpu.memory_space<vmem_shared>> -> memref<96x16xf32, #tpu.memory_space<vmem_shared>>
        %dma_wait3A_289 = arith.constant 0 : i32
        %dma_wait3A_290 = tpu.memref_slice %arg9[%add3A_280, %dma_wait3A_289] : memref<10240x16xf32, #tpu.memory_space<vmem_shared>> -> memref<96x16xf32, #tpu.memory_space<vmem_shared>>
        tpu.wait_dma2 semaphore(%run_scoped3A_282 : memref<!tpu.dma_semaphore, #tpu.memory_space<semaphore_mem>>) src(%arg13 : memref<96x16xf32, #tpu.memory_space<vmem>>) dst(%dma_wait3A_290 : memref<96x16xf32, #tpu.memory_space<vmem_shared>>)
        tpu.yield
      }) : () -> ()
      %scan3A_281 = arith.constant 0 : i32
      scf.yield %scan3A_281 : i32
    }
    %scan3A_20 = arith.constant 6 : i32
    %add3A = arith.constant 576 : i32
    %add3A_21 = arith.addi %mul3A_13, %add3A : i32
    %run_scoped3A = arith.constant 0 : i32
    "tpu.region"() ({
      %run_scoped3A_272 = tpu.sem_alloc : memref<!tpu.dma_semaphore, #tpu.memory_space<semaphore_mem>>
      %dma_start3A_273 = arith.constant 0 : i32
      %dma_start3A_274 = arith.constant 0 : i32
      %dma_start3A_275 = tpu.memref_slice %arg12[%run_scoped3A, %dma_start3A_273, %dma_start3A_274] : memref<4x96x64xf32, #tpu.memory_space<vmem>> -> memref<1x64x64xf32, #tpu.memory_space<vmem>>
      %dma_start3A_276 = tpu.memref_squeeze %dma_start3A_275 : memref<1x64x64xf32, #tpu.memory_space<vmem>> -> memref<64x64xf32, #tpu.memory_space<vmem>>
      %dma_start3A_277 = arith.constant 0 : i32
      %dma_start3A_278 = tpu.memref_slice %arg7[%add3A_21, %dma_start3A_277] : memref<10240x64xf32, #tpu.memory_space<vmem_shared>> -> memref<64x64xf32, #tpu.memory_space<vmem_shared>>
      %dma_start3A_279 = arith.constant 0 : i32
      %dma_start3A_280 = tpu.memref_slice %arg7[%add3A_21, %dma_start3A_279] : memref<10240x64xf32, #tpu.memory_space<vmem_shared>> -> memref<64x64xf32, #tpu.memory_space<vmem_shared>>
      %dma_start3A_281 = arith.constant 0 : i32
      %dma_start3A_282 = arith.constant 0 : i32
      %dma_start3A_283 = tpu.memref_slice %arg12[%run_scoped3A, %dma_start3A_281, %dma_start3A_282] : memref<4x96x64xf32, #tpu.memory_space<vmem>> -> memref<1x64x64xf32, #tpu.memory_space<vmem>>
      %dma_start3A_284 = tpu.memref_squeeze %dma_start3A_283 : memref<1x64x64xf32, #tpu.memory_space<vmem>> -> memref<64x64xf32, #tpu.memory_space<vmem>>
      tpu.enqueue_dma source(%dma_start3A_284 : memref<64x64xf32, #tpu.memory_space<vmem>>) target(%dma_start3A_280 : memref<64x64xf32, #tpu.memory_space<vmem_shared>>) target_semaphore(%run_scoped3A_272 : memref<!tpu.dma_semaphore, #tpu.memory_space<semaphore_mem>>)
      %dma_wait3A_285 = arith.constant 0 : i32
      %dma_wait3A_286 = arith.constant 0 : i32
      %dma_wait3A_287 = tpu.memref_slice %arg12[%run_scoped3A, %dma_wait3A_285, %dma_wait3A_286] : memref<4x96x64xf32, #tpu.memory_space<vmem>> -> memref<1x64x64xf32, #tpu.memory_space<vmem>>
      %dma_wait3A_288 = tpu.memref_squeeze %dma_wait3A_287 : memref<1x64x64xf32, #tpu.memory_space<vmem>> -> memref<64x64xf32, #tpu.memory_space<vmem>>
      %dma_wait3A_289 = arith.constant 0 : i32
      %dma_wait3A_290 = tpu.memref_slice %arg7[%add3A_21, %dma_wait3A_289] : memref<10240x64xf32, #tpu.memory_space<vmem_shared>> -> memref<64x64xf32, #tpu.memory_space<vmem_shared>>
      %dma_wait3A_291 = arith.constant 0 : i32
      %dma_wait3A_292 = tpu.memref_slice %arg7[%add3A_21, %dma_wait3A_291] : memref<10240x64xf32, #tpu.memory_space<vmem_shared>> -> memref<64x64xf32, #tpu.memory_space<vmem_shared>>
      %dma_wait3A_293 = arith.constant 0 : i32
      %dma_wait3A_294 = arith.constant 0 : i32
      %dma_wait3A_295 = tpu.memref_slice %arg12[%run_scoped3A, %dma_wait3A_293, %dma_wait3A_294] : memref<4x96x64xf32, #tpu.memory_space<vmem>> -> memref<1x64x64xf32, #tpu.memory_space<vmem>>
      %dma_wait3A_296 = tpu.memref_squeeze %dma_wait3A_295 : memref<1x64x64xf32, #tpu.memory_space<vmem>> -> memref<64x64xf32, #tpu.memory_space<vmem>>
      tpu.wait_dma2 semaphore(%run_scoped3A_272 : memref<!tpu.dma_semaphore, #tpu.memory_space<semaphore_mem>>) src(%dma_wait3A_296 : memref<64x64xf32, #tpu.memory_space<vmem>>) dst(%dma_wait3A_292 : memref<64x64xf32, #tpu.memory_space<vmem_shared>>)
      tpu.yield
    }) : () -> ()
    %add3A_22 = arith.constant 576 : i32
    %add3A_23 = arith.addi %mul3A_13, %add3A_22 : i32
    "tpu.region"() ({
      %run_scoped3A_272 = tpu.sem_alloc : memref<!tpu.dma_semaphore, #tpu.memory_space<semaphore_mem>>
      %dma_start3A_273 = arith.constant 0 : i32
      %dma_start3A_274 = arith.constant 0 : i32
      %dma_start3A_275 = tpu.memref_slice %arg13[%dma_start3A_273, %dma_start3A_274] : memref<96x16xf32, #tpu.memory_space<vmem>> -> memref<64x16xf32, #tpu.memory_space<vmem>>
      %dma_start3A_276 = arith.constant 0 : i32
      %dma_start3A_277 = tpu.memref_slice %arg9[%add3A_23, %dma_start3A_276] : memref<10240x16xf32, #tpu.memory_space<vmem_shared>> -> memref<64x16xf32, #tpu.memory_space<vmem_shared>>
      %dma_start3A_278 = arith.constant 0 : i32
      %dma_start3A_279 = tpu.memref_slice %arg9[%add3A_23, %dma_start3A_278] : memref<10240x16xf32, #tpu.memory_space<vmem_shared>> -> memref<64x16xf32, #tpu.memory_space<vmem_shared>>
      %dma_start3A_280 = arith.constant 0 : i32
      %dma_start3A_281 = arith.constant 0 : i32
      %dma_start3A_282 = tpu.memref_slice %arg13[%dma_start3A_280, %dma_start3A_281] : memref<96x16xf32, #tpu.memory_space<vmem>> -> memref<64x16xf32, #tpu.memory_space<vmem>>
      tpu.enqueue_dma source(%dma_start3A_282 : memref<64x16xf32, #tpu.memory_space<vmem>>) target(%dma_start3A_279 : memref<64x16xf32, #tpu.memory_space<vmem_shared>>) target_semaphore(%run_scoped3A_272 : memref<!tpu.dma_semaphore, #tpu.memory_space<semaphore_mem>>)
      %dma_wait3A_283 = arith.constant 0 : i32
      %dma_wait3A_284 = arith.constant 0 : i32
      %dma_wait3A_285 = tpu.memref_slice %arg13[%dma_wait3A_283, %dma_wait3A_284] : memref<96x16xf32, #tpu.memory_space<vmem>> -> memref<64x16xf32, #tpu.memory_space<vmem>>
      %dma_wait3A_286 = arith.constant 0 : i32
      %dma_wait3A_287 = tpu.memref_slice %arg9[%add3A_23, %dma_wait3A_286] : memref<10240x16xf32, #tpu.memory_space<vmem_shared>> -> memref<64x16xf32, #tpu.memory_space<vmem_shared>>
      %dma_wait3A_288 = arith.constant 0 : i32
      %dma_wait3A_289 = tpu.memref_slice %arg9[%add3A_23, %dma_wait3A_288] : memref<10240x16xf32, #tpu.memory_space<vmem_shared>> -> memref<64x16xf32, #tpu.memory_space<vmem_shared>>
      %dma_wait3A_290 = arith.constant 0 : i32
      %dma_wait3A_291 = arith.constant 0 : i32
      %dma_wait3A_292 = tpu.memref_slice %arg13[%dma_wait3A_290, %dma_wait3A_291] : memref<96x16xf32, #tpu.memory_space<vmem>> -> memref<64x16xf32, #tpu.memory_space<vmem>>
      tpu.wait_dma2 semaphore(%run_scoped3A_272 : memref<!tpu.dma_semaphore, #tpu.memory_space<semaphore_mem>>) src(%dma_wait3A_292 : memref<64x16xf32, #tpu.memory_space<vmem>>) dst(%dma_wait3A_289 : memref<64x16xf32, #tpu.memory_space<vmem_shared>>)
      tpu.yield
    }) : () -> ()
    %scan3A_24 = arith.constant 0 : i32
    %scan3A_25 = arith.constant 0 : i32
    %scan3A_26 = arith.constant 96 : i32
    %scan3A_27 = arith.addi %scan3A_25, %scan3A_26 : i32
    %scan3A_28 = arith.constant 1 : i32
    %scan3A_29 = scf.for %scan3A_272 = %scan3A_25 to %scan3A_27 step %scan3A_28 iter_args(%scan3A_273 = %scan3A_24) -> (i32)  : i32 {
      %broadcast_in_dim3A = arith.constant 1.000000e+00 : f32
      %broadcast_in_dim3A_274 = vector.broadcast %broadcast_in_dim3A : f32 to vector<16xf32>
      %swap3A = arith.index_cast %scan3A_272 : i32 to index
      %swap3A_275 = arith.constant 0 : index
      %swap3A_276 = tpu.vector_load %arg13[%swap3A, %swap3A_275] {strides = array<i32>} : memref<96x16xf32, #tpu.memory_space<vmem>>, vector<1x16xf32>,
      %swap3A_277 = vector.shape_cast %swap3A_276 : vector<1x16xf32> to vector<16xf32>
      %swap3A_278 = vector.shape_cast %broadcast_in_dim3A_274 : vector<16xf32> to vector<1x16xf32>
      tpu.vector_store %arg13[%swap3A, %swap3A_275], %swap3A_278 {strides = array<i32>} : memref<96x16xf32, #tpu.memory_space<vmem>>, vector<1x16xf32>,
      %scan3A_279 = arith.constant 0 : i32
      scf.yield %scan3A_279 : i32
    }
    %scan3A_30 = arith.constant 96 : i32
    %mul3A_31 = arith.constant 10000 : i32
    %mul3A_32 = arith.muli %arg0, %mul3A_31 : i32
    %mul3A_33 = arith.constant 625 : i32
    %mul3A_34 = arith.muli %arg1, %mul3A_33 : i32
    %add3A_35 = arith.addi %mul3A_32, %mul3A_34 : i32
    %mul3A_36 = arith.constant 625 : i32
    %mul3A_37 = arith.muli %arg1, %mul3A_36 : i32
    "tpu.region"() ({
      %run_scoped3A_272 = tpu.sem_alloc : memref<!tpu.dma_semaphore, #tpu.memory_space<semaphore_mem>>
      %dma_start3A_273 = arith.constant 0 : i32
      %dma_start3A_274 = tpu.memref_slice %arg8[%mul3A_37, %dma_start3A_273] : memref<10000x64xf32, #tpu.memory_space<vmem_shared>> -> memref<625x64xf32, #tpu.memory_space<vmem_shared>>
      %dma_start3A_275 = arith.constant 0 : i32
      %dma_start3A_276 = tpu.memref_slice %arg2[%add3A_35, %dma_start3A_275] : memref<20000x64xf32, #tpu.memory_space<hbm>> -> memref<625x64xf32, #tpu.memory_space<hbm>>
      tpu.enqueue_dma source(%dma_start3A_276 : memref<625x64xf32, #tpu.memory_space<hbm>>) target(%dma_start3A_274 : memref<625x64xf32, #tpu.memory_space<vmem_shared>>) target_semaphore(%run_scoped3A_272 : memref<!tpu.dma_semaphore, #tpu.memory_space<semaphore_mem>>)
      %dma_wait3A_277 = arith.constant 0 : i32
      %dma_wait3A_278 = tpu.memref_slice %arg8[%mul3A_37, %dma_wait3A_277] : memref<10000x64xf32, #tpu.memory_space<vmem_shared>> -> memref<625x64xf32, #tpu.memory_space<vmem_shared>>
      %dma_wait3A_279 = arith.constant 0 : i32
      %dma_wait3A_280 = tpu.memref_slice %arg2[%add3A_35, %dma_wait3A_279] : memref<20000x64xf32, #tpu.memory_space<hbm>> -> memref<625x64xf32, #tpu.memory_space<hbm>>
      tpu.wait_dma2 semaphore(%run_scoped3A_272 : memref<!tpu.dma_semaphore, #tpu.memory_space<semaphore_mem>>) src(%dma_wait3A_280 : memref<625x64xf32, #tpu.memory_space<hbm>>) dst(%dma_wait3A_278 : memref<625x64xf32, #tpu.memory_space<vmem_shared>>)
      tpu.yield
    }) : () -> ()
    %barrier3A = arith.constant 0 : index
    tpu.barrier barrier_id(%barrier3A)
    %mul3A_38 = arith.constant 20736 : i32
    %mul3A_39 = arith.muli %arg1, %mul3A_38 : i32
    %add3A_40 = arith.constant 0 : i32
    %add3A_41 = arith.addi %mul3A_39, %add3A_40 : i32
    %dma_start3A = arith.constant 0 : i32
    %dma_start3A_42 = arith.constant 0 : i32
    %dma_start3A_43 = tpu.memref_slice %arg10[%dma_start3A, %dma_start3A_42] : memref<8x96xi32, #tpu.memory_space<vmem>> -> memref<1x96xi32, #tpu.memory_space<vmem>>
    %dma_start3A_44 = tpu.memref_squeeze %dma_start3A_43 : memref<1x96xi32, #tpu.memory_space<vmem>> -> memref<96xi32, #tpu.memory_space<vmem>>
    %dma_start3A_45 = tpu.memref_slice %arg3[%add3A_41] : memref<331776xi32, #tpu.memory_space<hbm>> -> memref<96xi32, #tpu.memory_space<hbm>>
    %dma_start3A_46 = arith.constant 0 : i32
    %dma_start3A_47 = tpu.memref_slice %arg10[%dma_start3A, %dma_start3A_46] : memref<8x96xi32, #tpu.memory_space<vmem>> -> memref<1x96xi32, #tpu.memory_space<vmem>>
    %dma_start3A_48 = tpu.memref_squeeze %dma_start3A_47 : memref<1x96xi32, #tpu.memory_space<vmem>> -> memref<96xi32, #tpu.memory_space<vmem>>
    %dma_start3A_49 = tpu.memref_slice %arg3[%add3A_41] : memref<331776xi32, #tpu.memory_space<hbm>> -> memref<96xi32, #tpu.memory_space<hbm>>
    tpu.enqueue_dma source(%dma_start3A_49 : memref<96xi32, #tpu.memory_space<hbm>>) target(%dma_start3A_48 : memref<96xi32, #tpu.memory_space<vmem>>) target_semaphore(%arg26 : memref<!tpu.dma_semaphore, #tpu.memory_space<semaphore_mem>>)
    %add3A_50 = arith.constant 0 : i32
    %add3A_51 = arith.addi %mul3A_39, %add3A_50 : i32
    %dma_start3A_52 = arith.constant 0 : i32
    %dma_start3A_53 = arith.constant 0 : i32
    %dma_start3A_54 = tpu.memref_slice %arg11[%dma_start3A_52, %dma_start3A_53] : memref<8x96xi32, #tpu.memory_space<vmem>> -> memref<1x96xi32, #tpu.memory_space<vmem>>
    %dma_start3A_55 = tpu.memref_squeeze %dma_start3A_54 : memref<1x96xi32, #tpu.memory_space<vmem>> -> memref<96xi32, #tpu.memory_space<vmem>>
    %dma_start3A_56 = tpu.memref_slice %arg4[%add3A_51] : memref<331776xi32, #tpu.memory_space<hbm>> -> memref<96xi32, #tpu.memory_space<hbm>>
    %dma_start3A_57 = arith.constant 0 : i32
    %dma_start3A_58 = tpu.memref_slice %arg11[%dma_start3A_52, %dma_start3A_57] : memref<8x96xi32, #tpu.memory_space<vmem>> -> memref<1x96xi32, #tpu.memory_space<vmem>>
    %dma_start3A_59 = tpu.memref_squeeze %dma_start3A_58 : memref<1x96xi32, #tpu.memory_space<vmem>> -> memref<96xi32, #tpu.memory_space<vmem>>
    %dma_start3A_60 = tpu.memref_slice %arg4[%add3A_51] : memref<331776xi32, #tpu.memory_space<hbm>> -> memref<96xi32, #tpu.memory_space<hbm>>
    tpu.enqueue_dma source(%dma_start3A_60 : memref<96xi32, #tpu.memory_space<hbm>>) target(%dma_start3A_59 : memref<96xi32, #tpu.memory_space<vmem>>) target_semaphore(%arg26 : memref<!tpu.dma_semaphore, #tpu.memory_space<semaphore_mem>>)
    %add3A_61 = arith.constant 96 : i32
    %add3A_62 = arith.addi %mul3A_39, %add3A_61 : i32
    %dma_start3A_63 = arith.constant 1 : i32
    %dma_start3A_64 = arith.constant 0 : i32
    %dma_start3A_65 = tpu.memref_slice %arg10[%dma_start3A_63, %dma_start3A_64] : memref<8x96xi32, #tpu.memory_space<vmem>> -> memref<1x96xi32, #tpu.memory_space<vmem>>
    %dma_start3A_66 = tpu.memref_squeeze %dma_start3A_65 : memref<1x96xi32, #tpu.memory_space<vmem>> -> memref<96xi32, #tpu.memory_space<vmem>>
    %dma_start3A_67 = tpu.memref_slice %arg3[%add3A_62] : memref<331776xi32, #tpu.memory_space<hbm>> -> memref<96xi32, #tpu.memory_space<hbm>>
    %dma_start3A_68 = arith.constant 0 : i32
    %dma_start3A_69 = tpu.memref_slice %arg10[%dma_start3A_63, %dma_start3A_68] : memref<8x96xi32, #tpu.memory_space<vmem>> -> memref<1x96xi32, #tpu.memory_space<vmem>>
    %dma_start3A_70 = tpu.memref_squeeze %dma_start3A_69 : memref<1x96xi32, #tpu.memory_space<vmem>> -> memref<96xi32, #tpu.memory_space<vmem>>
    %dma_start3A_71 = tpu.memref_slice %arg3[%add3A_62] : memref<331776xi32, #tpu.memory_space<hbm>> -> memref<96xi32, #tpu.memory_space<hbm>>
    tpu.enqueue_dma source(%dma_start3A_71 : memref<96xi32, #tpu.memory_space<hbm>>) target(%dma_start3A_70 : memref<96xi32, #tpu.memory_space<vmem>>) target_semaphore(%arg27 : memref<!tpu.dma_semaphore, #tpu.memory_space<semaphore_mem>>)
    %add3A_72 = arith.constant 96 : i32
    %add3A_73 = arith.addi %mul3A_39, %add3A_72 : i32
    %dma_start3A_74 = arith.constant 1 : i32
    %dma_start3A_75 = arith.constant 0 : i32
    %dma_start3A_76 = tpu.memref_slice %arg11[%dma_start3A_74, %dma_start3A_75] : memref<8x96xi32, #tpu.memory_space<vmem>> -> memref<1x96xi32, #tpu.memory_space<vmem>>
    %dma_start3A_77 = tpu.memref_squeeze %dma_start3A_76 : memref<1x96xi32, #tpu.memory_space<vmem>> -> memref<96xi32, #tpu.memory_space<vmem>>
    %dma_start3A_78 = tpu.memref_slice %arg4[%add3A_73] : memref<331776xi32, #tpu.memory_space<hbm>> -> memref<96xi32, #tpu.memory_space<hbm>>
    %dma_start3A_79 = arith.constant 0 : i32
    %dma_start3A_80 = tpu.memref_slice %arg11[%dma_start3A_74, %dma_start3A_79] : memref<8x96xi32, #tpu.memory_space<vmem>> -> memref<1x96xi32, #tpu.memory_space<vmem>>
    %dma_start3A_81 = tpu.memref_squeeze %dma_start3A_80 : memref<1x96xi32, #tpu.memory_space<vmem>> -> memref<96xi32, #tpu.memory_space<vmem>>
    %dma_start3A_82 = tpu.memref_slice %arg4[%add3A_73] : memref<331776xi32, #tpu.memory_space<hbm>> -> memref<96xi32, #tpu.memory_space<hbm>>
    tpu.enqueue_dma source(%dma_start3A_82 : memref<96xi32, #tpu.memory_space<hbm>>) target(%dma_start3A_81 : memref<96xi32, #tpu.memory_space<vmem>>) target_semaphore(%arg27 : memref<!tpu.dma_semaphore, #tpu.memory_space<semaphore_mem>>)
    %add3A_83 = arith.constant 192 : i32
    %add3A_84 = arith.addi %mul3A_39, %add3A_83 : i32
    %dma_start3A_85 = arith.constant 2 : i32
    %dma_start3A_86 = arith.constant 0 : i32
    %dma_start3A_87 = tpu.memref_slice %arg10[%dma_start3A_85, %dma_start3A_86] : memref<8x96xi32, #tpu.memory_space<vmem>> -> memref<1x96xi32, #tpu.memory_space<vmem>>
    %dma_start3A_88 = tpu.memref_squeeze %dma_start3A_87 : memref<1x96xi32, #tpu.memory_space<vmem>> -> memref<96xi32, #tpu.memory_space<vmem>>
    %dma_start3A_89 = tpu.memref_slice %arg3[%add3A_84] : memref<331776xi32, #tpu.memory_space<hbm>> -> memref<96xi32, #tpu.memory_space<hbm>>
    %dma_start3A_90 = arith.constant 0 : i32
    %dma_start3A_91 = tpu.memref_slice %arg10[%dma_start3A_85, %dma_start3A_90] : memref<8x96xi32, #tpu.memory_space<vmem>> -> memref<1x96xi32, #tpu.memory_space<vmem>>
    %dma_start3A_92 = tpu.memref_squeeze %dma_start3A_91 : memref<1x96xi32, #tpu.memory_space<vmem>> -> memref<96xi32, #tpu.memory_space<vmem>>
    %dma_start3A_93 = tpu.memref_slice %arg3[%add3A_84] : memref<331776xi32, #tpu.memory_space<hbm>> -> memref<96xi32, #tpu.memory_space<hbm>>
    tpu.enqueue_dma source(%dma_start3A_93 : memref<96xi32, #tpu.memory_space<hbm>>) target(%dma_start3A_92 : memref<96xi32, #tpu.memory_space<vmem>>) target_semaphore(%arg28 : memref<!tpu.dma_semaphore, #tpu.memory_space<semaphore_mem>>)
    %add3A_94 = arith.constant 192 : i32
    %add3A_95 = arith.addi %mul3A_39, %add3A_94 : i32
    %dma_start3A_96 = arith.constant 2 : i32
    %dma_start3A_97 = arith.constant 0 : i32
    %dma_start3A_98 = tpu.memref_slice %arg11[%dma_start3A_96, %dma_start3A_97] : memref<8x96xi32, #tpu.memory_space<vmem>> -> memref<1x96xi32, #tpu.memory_space<vmem>>
    %dma_start3A_99 = tpu.memref_squeeze %dma_start3A_98 : memref<1x96xi32, #tpu.memory_space<vmem>> -> memref<96xi32, #tpu.memory_space<vmem>>
    %dma_start3A_100 = tpu.memref_slice %arg4[%add3A_95] : memref<331776xi32, #tpu.memory_space<hbm>> -> memref<96xi32, #tpu.memory_space<hbm>>
    %dma_start3A_101 = arith.constant 0 : i32
    %dma_start3A_102 = tpu.memref_slice %arg11[%dma_start3A_96, %dma_start3A_101] : memref<8x96xi32, #tpu.memory_space<vmem>> -> memref<1x96xi32, #tpu.memory_space<vmem>>
    %dma_start3A_103 = tpu.memref_squeeze %dma_start3A_102 : memref<1x96xi32, #tpu.memory_space<vmem>> -> memref<96xi32, #tpu.memory_space<vmem>>
    %dma_start3A_104 = tpu.memref_slice %arg4[%add3A_95] : memref<331776xi32, #tpu.memory_space<hbm>> -> memref<96xi32, #tpu.memory_space<hbm>>
    tpu.enqueue_dma source(%dma_start3A_104 : memref<96xi32, #tpu.memory_space<hbm>>) target(%dma_start3A_103 : memref<96xi32, #tpu.memory_space<vmem>>) target_semaphore(%arg28 : memref<!tpu.dma_semaphore, #tpu.memory_space<semaphore_mem>>)
    %add3A_105 = arith.constant 288 : i32
    %add3A_106 = arith.addi %mul3A_39, %add3A_105 : i32
    %dma_start3A_107 = arith.constant 3 : i32
    %dma_start3A_108 = arith.constant 0 : i32
    %dma_start3A_109 = tpu.memref_slice %arg10[%dma_start3A_107, %dma_start3A_108] : memref<8x96xi32, #tpu.memory_space<vmem>> -> memref<1x96xi32, #tpu.memory_space<vmem>>
    %dma_start3A_110 = tpu.memref_squeeze %dma_start3A_109 : memref<1x96xi32, #tpu.memory_space<vmem>> -> memref<96xi32, #tpu.memory_space<vmem>>
    %dma_start3A_111 = tpu.memref_slice %arg3[%add3A_106] : memref<331776xi32, #tpu.memory_space<hbm>> -> memref<96xi32, #tpu.memory_space<hbm>>
    %dma_start3A_112 = arith.constant 0 : i32
    %dma_start3A_113 = tpu.memref_slice %arg10[%dma_start3A_107, %dma_start3A_112] : memref<8x96xi32, #tpu.memory_space<vmem>> -> memref<1x96xi32, #tpu.memory_space<vmem>>
    %dma_start3A_114 = tpu.memref_squeeze %dma_start3A_113 : memref<1x96xi32, #tpu.memory_space<vmem>> -> memref<96xi32, #tpu.memory_space<vmem>>
    %dma_start3A_115 = tpu.memref_slice %arg3[%add3A_106] : memref<331776xi32, #tpu.memory_space<hbm>> -> memref<96xi32, #tpu.memory_space<hbm>>
    tpu.enqueue_dma source(%dma_start3A_115 : memref<96xi32, #tpu.memory_space<hbm>>) target(%dma_start3A_114 : memref<96xi32, #tpu.memory_space<vmem>>) target_semaphore(%arg29 : memref<!tpu.dma_semaphore, #tpu.memory_space<semaphore_mem>>)
    %add3A_116 = arith.constant 288 : i32
    %add3A_117 = arith.addi %mul3A_39, %add3A_116 : i32
    %dma_start3A_118 = arith.constant 3 : i32
    %dma_start3A_119 = arith.constant 0 : i32
    %dma_start3A_120 = tpu.memref_slice %arg11[%dma_start3A_118, %dma_start3A_119] : memref<8x96xi32, #tpu.memory_space<vmem>> -> memref<1x96xi32, #tpu.memory_space<vmem>>
    %dma_start3A_121 = tpu.memref_squeeze %dma_start3A_120 : memref<1x96xi32, #tpu.memory_space<vmem>> -> memref<96xi32, #tpu.memory_space<vmem>>
    %dma_start3A_122 = tpu.memref_slice %arg4[%add3A_117] : memref<331776xi32, #tpu.memory_space<hbm>> -> memref<96xi32, #tpu.memory_space<hbm>>
    %dma_start3A_123 = arith.constant 0 : i32
    %dma_start3A_124 = tpu.memref_slice %arg11[%dma_start3A_118, %dma_start3A_123] : memref<8x96xi32, #tpu.memory_space<vmem>> -> memref<1x96xi32, #tpu.memory_space<vmem>>
    %dma_start3A_125 = tpu.memref_squeeze %dma_start3A_124 : memref<1x96xi32, #tpu.memory_space<vmem>> -> memref<96xi32, #tpu.memory_space<vmem>>
    %dma_start3A_126 = tpu.memref_slice %arg4[%add3A_117] : memref<331776xi32, #tpu.memory_space<hbm>> -> memref<96xi32, #tpu.memory_space<hbm>>
    tpu.enqueue_dma source(%dma_start3A_126 : memref<96xi32, #tpu.memory_space<hbm>>) target(%dma_start3A_125 : memref<96xi32, #tpu.memory_space<vmem>>) target_semaphore(%arg29 : memref<!tpu.dma_semaphore, #tpu.memory_space<semaphore_mem>>)
    %add3A_127 = arith.constant 384 : i32
    %add3A_128 = arith.addi %mul3A_39, %add3A_127 : i32
    %dma_start3A_129 = arith.constant 4 : i32
    %dma_start3A_130 = arith.constant 0 : i32
    %dma_start3A_131 = tpu.memref_slice %arg10[%dma_start3A_129, %dma_start3A_130] : memref<8x96xi32, #tpu.memory_space<vmem>> -> memref<1x96xi32, #tpu.memory_space<vmem>>
    %dma_start3A_132 = tpu.memref_squeeze %dma_start3A_131 : memref<1x96xi32, #tpu.memory_space<vmem>> -> memref<96xi32, #tpu.memory_space<vmem>>
    %dma_start3A_133 = tpu.memref_slice %arg3[%add3A_128] : memref<331776xi32, #tpu.memory_space<hbm>> -> memref<96xi32, #tpu.memory_space<hbm>>
    %dma_start3A_134 = arith.constant 0 : i32
    %dma_start3A_135 = tpu.memref_slice %arg10[%dma_start3A_129, %dma_start3A_134] : memref<8x96xi32, #tpu.memory_space<vmem>> -> memref<1x96xi32, #tpu.memory_space<vmem>>
    %dma_start3A_136 = tpu.memref_squeeze %dma_start3A_135 : memref<1x96xi32, #tpu.memory_space<vmem>> -> memref<96xi32, #tpu.memory_space<vmem>>
    %dma_start3A_137 = tpu.memref_slice %arg3[%add3A_128] : memref<331776xi32, #tpu.memory_space<hbm>> -> memref<96xi32, #tpu.memory_space<hbm>>
    tpu.enqueue_dma source(%dma_start3A_137 : memref<96xi32, #tpu.memory_space<hbm>>) target(%dma_start3A_136 : memref<96xi32, #tpu.memory_space<vmem>>) target_semaphore(%arg30 : memref<!tpu.dma_semaphore, #tpu.memory_space<semaphore_mem>>)
    %add3A_138 = arith.constant 384 : i32
    %add3A_139 = arith.addi %mul3A_39, %add3A_138 : i32
    %dma_start3A_140 = arith.constant 4 : i32
    %dma_start3A_141 = arith.constant 0 : i32
    %dma_start3A_142 = tpu.memref_slice %arg11[%dma_start3A_140, %dma_start3A_141] : memref<8x96xi32, #tpu.memory_space<vmem>> -> memref<1x96xi32, #tpu.memory_space<vmem>>
    %dma_start3A_143 = tpu.memref_squeeze %dma_start3A_142 : memref<1x96xi32, #tpu.memory_space<vmem>> -> memref<96xi32, #tpu.memory_space<vmem>>
    %dma_start3A_144 = tpu.memref_slice %arg4[%add3A_139] : memref<331776xi32, #tpu.memory_space<hbm>> -> memref<96xi32, #tpu.memory_space<hbm>>
    %dma_start3A_145 = arith.constant 0 : i32
    %dma_start3A_146 = tpu.memref_slice %arg11[%dma_start3A_140, %dma_start3A_145] : memref<8x96xi32, #tpu.memory_space<vmem>> -> memref<1x96xi32, #tpu.memory_space<vmem>>
    %dma_start3A_147 = tpu.memref_squeeze %dma_start3A_146 : memref<1x96xi32, #tpu.memory_space<vmem>> -> memref<96xi32, #tpu.memory_space<vmem>>
    %dma_start3A_148 = tpu.memref_slice %arg4[%add3A_139] : memref<331776xi32, #tpu.memory_space<hbm>> -> memref<96xi32, #tpu.memory_space<hbm>>
    tpu.enqueue_dma source(%dma_start3A_148 : memref<96xi32, #tpu.memory_space<hbm>>) target(%dma_start3A_147 : memref<96xi32, #tpu.memory_space<vmem>>) target_semaphore(%arg30 : memref<!tpu.dma_semaphore, #tpu.memory_space<semaphore_mem>>)
    %add3A_149 = arith.constant 0 : i32
    %add3A_150 = arith.addi %mul3A_39, %add3A_149 : i32
    %dma_wait3A = arith.constant 0 : i32
    %dma_wait3A_151 = arith.constant 0 : i32
    %dma_wait3A_152 = tpu.memref_slice %arg10[%dma_wait3A, %dma_wait3A_151] : memref<8x96xi32, #tpu.memory_space<vmem>> -> memref<1x96xi32, #tpu.memory_space<vmem>>
    %dma_wait3A_153 = tpu.memref_squeeze %dma_wait3A_152 : memref<1x96xi32, #tpu.memory_space<vmem>> -> memref<96xi32, #tpu.memory_space<vmem>>
    %dma_wait3A_154 = tpu.memref_slice %arg3[%add3A_150] : memref<331776xi32, #tpu.memory_space<hbm>> -> memref<96xi32, #tpu.memory_space<hbm>>
    %dma_wait3A_155 = arith.constant 0 : i32
    %dma_wait3A_156 = tpu.memref_slice %arg10[%dma_wait3A, %dma_wait3A_155] : memref<8x96xi32, #tpu.memory_space<vmem>> -> memref<1x96xi32, #tpu.memory_space<vmem>>
    %dma_wait3A_157 = tpu.memref_squeeze %dma_wait3A_156 : memref<1x96xi32, #tpu.memory_space<vmem>> -> memref<96xi32, #tpu.memory_space<vmem>>
    %dma_wait3A_158 = tpu.memref_slice %arg3[%add3A_150] : memref<331776xi32, #tpu.memory_space<hbm>> -> memref<96xi32, #tpu.memory_space<hbm>>
    tpu.wait_dma2 semaphore(%arg26 : memref<!tpu.dma_semaphore, #tpu.memory_space<semaphore_mem>>) src(%dma_wait3A_158 : memref<96xi32, #tpu.memory_space<hbm>>) dst(%dma_wait3A_157 : memref<96xi32, #tpu.memory_space<vmem>>)
    %add3A_159 = arith.constant 0 : i32
    %add3A_160 = arith.addi %mul3A_39, %add3A_159 : i32
    %dma_wait3A_161 = arith.constant 0 : i32
    %dma_wait3A_162 = arith.constant 0 : i32
    %dma_wait3A_163 = tpu.memref_slice %arg11[%dma_wait3A_161, %dma_wait3A_162] : memref<8x96xi32, #tpu.memory_space<vmem>> -> memref<1x96xi32, #tpu.memory_space<vmem>>
    %dma_wait3A_164 = tpu.memref_squeeze %dma_wait3A_163 : memref<1x96xi32, #tpu.memory_space<vmem>> -> memref<96xi32, #tpu.memory_space<vmem>>
    %dma_wait3A_165 = tpu.memref_slice %arg4[%add3A_160] : memref<331776xi32, #tpu.memory_space<hbm>> -> memref<96xi32, #tpu.memory_space<hbm>>
    %dma_wait3A_166 = arith.constant 0 : i32
    %dma_wait3A_167 = tpu.memref_slice %arg11[%dma_wait3A_161, %dma_wait3A_166] : memref<8x96xi32, #tpu.memory_space<vmem>> -> memref<1x96xi32, #tpu.memory_space<vmem>>
    %dma_wait3A_168 = tpu.memref_squeeze %dma_wait3A_167 : memref<1x96xi32, #tpu.memory_space<vmem>> -> memref<96xi32, #tpu.memory_space<vmem>>
    %dma_wait3A_169 = tpu.memref_slice %arg4[%add3A_160] : memref<331776xi32, #tpu.memory_space<hbm>> -> memref<96xi32, #tpu.memory_space<hbm>>
    tpu.wait_dma2 semaphore(%arg26 : memref<!tpu.dma_semaphore, #tpu.memory_space<semaphore_mem>>) src(%dma_wait3A_169 : memref<96xi32, #tpu.memory_space<hbm>>) dst(%dma_wait3A_168 : memref<96xi32, #tpu.memory_space<vmem>>)
    %dma_start3A_170 = arith.constant 0 : i32
    %dma_start3A_171 = arith.constant 0 : i32
    %dma_start3A_172 = arith.constant 0 : i32
    %dma_start3A_173 = arith.constant 0 : i32
    %dma_start3A_174 = tpu.memref_slice %arg12[%dma_start3A_171, %dma_start3A_172, %dma_start3A_173] : memref<4x96x64xf32, #tpu.memory_space<vmem>> -> memref<1x96x64xf32, #tpu.memory_space<vmem>>
    %dma_start3A_175 = tpu.memref_squeeze %dma_start3A_174 : memref<1x96x64xf32, #tpu.memory_space<vmem>> -> memref<96x64xf32, #tpu.memory_space<vmem>>
    %dma_start3A_176 = arith.constant 0 : i32
    %dma_start3A_177 = tpu.memref_slice %arg10[%dma_start3A_170, %dma_start3A_176] : memref<8x96xi32, #tpu.memory_space<vmem>> -> memref<1x96xi32, #tpu.memory_space<vmem>>
    %dma_start3A_178 = tpu.memref_squeeze %dma_start3A_177 : memref<1x96xi32, #tpu.memory_space<vmem>> -> memref<96xi32, #tpu.memory_space<vmem>>
    %dma_start3A_179 = arith.constant 0 : i32
    %dma_start3A_180 = arith.constant 0 : i32
    %dma_start3A_181 = tpu.memref_slice %arg8[%dma_start3A_179, %dma_start3A_180] : memref<10000x64xf32, #tpu.memory_space<vmem_shared>> -> memref<10000x64xf32, #tpu.memory_space<vmem_shared>>
    tpu.enqueue_indirect_dma source(%dma_start3A_181 : memref<10000x64xf32, #tpu.memory_space<vmem_shared>>) target(%dma_start3A_175 : memref<96x64xf32, #tpu.memory_space<vmem>>) offsets(%dma_start3A_178 : memref<96xi32, #tpu.memory_space<vmem>>) semaphore(%arg14 : memref<!tpu.dma_semaphore, #tpu.memory_space<semaphore_mem>>)
    %add3A_182 = arith.constant 96 : i32
    %add3A_183 = arith.addi %mul3A_39, %add3A_182 : i32
    %dma_wait3A_184 = arith.constant 1 : i32
    %dma_wait3A_185 = arith.constant 0 : i32
    %dma_wait3A_186 = tpu.memref_slice %arg10[%dma_wait3A_184, %dma_wait3A_185] : memref<8x96xi32, #tpu.memory_space<vmem>> -> memref<1x96xi32, #tpu.memory_space<vmem>>
    %dma_wait3A_187 = tpu.memref_squeeze %dma_wait3A_186 : memref<1x96xi32, #tpu.memory_space<vmem>> -> memref<96xi32, #tpu.memory_space<vmem>>
    %dma_wait3A_188 = tpu.memref_slice %arg3[%add3A_183] : memref<331776xi32, #tpu.memory_space<hbm>> -> memref<96xi32, #tpu.memory_space<hbm>>
    %dma_wait3A_189 = arith.constant 0 : i32
    %dma_wait3A_190 = tpu.memref_slice %arg10[%dma_wait3A_184, %dma_wait3A_189] : memref<8x96xi32, #tpu.memory_space<vmem>> -> memref<1x96xi32, #tpu.memory_space<vmem>>
    %dma_wait3A_191 = tpu.memref_squeeze %dma_wait3A_190 : memref<1x96xi32, #tpu.memory_space<vmem>> -> memref<96xi32, #tpu.memory_space<vmem>>
    %dma_wait3A_192 = tpu.memref_slice %arg3[%add3A_183] : memref<331776xi32, #tpu.memory_space<hbm>> -> memref<96xi32, #tpu.memory_space<hbm>>
    tpu.wait_dma2 semaphore(%arg27 : memref<!tpu.dma_semaphore, #tpu.memory_space<semaphore_mem>>) src(%dma_wait3A_192 : memref<96xi32, #tpu.memory_space<hbm>>) dst(%dma_wait3A_191 : memref<96xi32, #tpu.memory_space<vmem>>)
    %add3A_193 = arith.constant 96 : i32
    %add3A_194 = arith.addi %mul3A_39, %add3A_193 : i32
    %dma_wait3A_195 = arith.constant 1 : i32
    %dma_wait3A_196 = arith.constant 0 : i32
    %dma_wait3A_197 = tpu.memref_slice %arg11[%dma_wait3A_195, %dma_wait3A_196] : memref<8x96xi32, #tpu.memory_space<vmem>> -> memref<1x96xi32, #tpu.memory_space<vmem>>
    %dma_wait3A_198 = tpu.memref_squeeze %dma_wait3A_197 : memref<1x96xi32, #tpu.memory_space<vmem>> -> memref<96xi32, #tpu.memory_space<vmem>>
    %dma_wait3A_199 = tpu.memref_slice %arg4[%add3A_194] : memref<331776xi32, #tpu.memory_space<hbm>> -> memref<96xi32, #tpu.memory_space<hbm>>
    %dma_wait3A_200 = arith.constant 0 : i32
    %dma_wait3A_201 = tpu.memref_slice %arg11[%dma_wait3A_195, %dma_wait3A_200] : memref<8x96xi32, #tpu.memory_space<vmem>> -> memref<1x96xi32, #tpu.memory_space<vmem>>
    %dma_wait3A_202 = tpu.memref_squeeze %dma_wait3A_201 : memref<1x96xi32, #tpu.memory_space<vmem>> -> memref<96xi32, #tpu.memory_space<vmem>>
    %dma_wait3A_203 = tpu.memref_slice %arg4[%add3A_194] : memref<331776xi32, #tpu.memory_space<hbm>> -> memref<96xi32, #tpu.memory_space<hbm>>
    tpu.wait_dma2 semaphore(%arg27 : memref<!tpu.dma_semaphore, #tpu.memory_space<semaphore_mem>>) src(%dma_wait3A_203 : memref<96xi32, #tpu.memory_space<hbm>>) dst(%dma_wait3A_202 : memref<96xi32, #tpu.memory_space<vmem>>)
    %dma_start3A_204 = arith.constant 1 : i32
    %dma_start3A_205 = arith.constant 1 : i32
    %dma_start3A_206 = arith.constant 0 : i32
    %dma_start3A_207 = arith.constant 0 : i32
    %dma_start3A_208 = tpu.memref_slice %arg12[%dma_start3A_205, %dma_start3A_206, %dma_start3A_207] : memref<4x96x64xf32, #tpu.memory_space<vmem>> -> memref<1x96x64xf32, #tpu.memory_space<vmem>>
    %dma_start3A_209 = tpu.memref_squeeze %dma_start3A_208 : memref<1x96x64xf32, #tpu.memory_space<vmem>> -> memref<96x64xf32, #tpu.memory_space<vmem>>
    %dma_start3A_210 = arith.constant 0 : i32
    %dma_start3A_211 = tpu.memref_slice %arg10[%dma_start3A_204, %dma_start3A_210] : memref<8x96xi32, #tpu.memory_space<vmem>> -> memref<1x96xi32, #tpu.memory_space<vmem>>
    %dma_start3A_212 = tpu.memref_squeeze %dma_start3A_211 : memref<1x96xi32, #tpu.memory_space<vmem>> -> memref<96xi32, #tpu.memory_space<vmem>>
    %dma_start3A_213 = arith.constant 0 : i32
    %dma_start3A_214 = arith.constant 0 : i32
    %dma_start3A_215 = tpu.memref_slice %arg8[%dma_start3A_213, %dma_start3A_214] : memref<10000x64xf32, #tpu.memory_space<vmem_shared>> -> memref<10000x64xf32, #tpu.memory_space<vmem_shared>>
    tpu.enqueue_indirect_dma source(%dma_start3A_215 : memref<10000x64xf32, #tpu.memory_space<vmem_shared>>) target(%dma_start3A_209 : memref<96x64xf32, #tpu.memory_space<vmem>>) offsets(%dma_start3A_212 : memref<96xi32, #tpu.memory_space<vmem>>) semaphore(%arg15 : memref<!tpu.dma_semaphore, #tpu.memory_space<semaphore_mem>>)
    %add3A_216 = arith.constant 192 : i32
    %add3A_217 = arith.addi %mul3A_39, %add3A_216 : i32
    %dma_wait3A_218 = arith.constant 2 : i32
    %dma_wait3A_219 = arith.constant 0 : i32
    %dma_wait3A_220 = tpu.memref_slice %arg10[%dma_wait3A_218, %dma_wait3A_219] : memref<8x96xi32, #tpu.memory_space<vmem>> -> memref<1x96xi32, #tpu.memory_space<vmem>>
    %dma_wait3A_221 = tpu.memref_squeeze %dma_wait3A_220 : memref<1x96xi32, #tpu.memory_space<vmem>> -> memref<96xi32, #tpu.memory_space<vmem>>
    %dma_wait3A_222 = tpu.memref_slice %arg3[%add3A_217] : memref<331776xi32, #tpu.memory_space<hbm>> -> memref<96xi32, #tpu.memory_space<hbm>>
    %dma_wait3A_223 = arith.constant 0 : i32
    %dma_wait3A_224 = tpu.memref_slice %arg10[%dma_wait3A_218, %dma_wait3A_223] : memref<8x96xi32, #tpu.memory_space<vmem>> -> memref<1x96xi32, #tpu.memory_space<vmem>>
    %dma_wait3A_225 = tpu.memref_squeeze %dma_wait3A_224 : memref<1x96xi32, #tpu.memory_space<vmem>> -> memref<96xi32, #tpu.memory_space<vmem>>
    %dma_wait3A_226 = tpu.memref_slice %arg3[%add3A_217] : memref<331776xi32, #tpu.memory_space<hbm>> -> memref<96xi32, #tpu.memory_space<hbm>>
    tpu.wait_dma2 semaphore(%arg28 : memref<!tpu.dma_semaphore, #tpu.memory_space<semaphore_mem>>) src(%dma_wait3A_226 : memref<96xi32, #tpu.memory_space<hbm>>) dst(%dma_wait3A_225 : memref<96xi32, #tpu.memory_space<vmem>>)
    %add3A_227 = arith.constant 192 : i32
    %add3A_228 = arith.addi %mul3A_39, %add3A_227 : i32
    %dma_wait3A_229 = arith.constant 2 : i32
    %dma_wait3A_230 = arith.constant 0 : i32
    %dma_wait3A_231 = tpu.memref_slice %arg11[%dma_wait3A_229, %dma_wait3A_230] : memref<8x96xi32, #tpu.memory_space<vmem>> -> memref<1x96xi32, #tpu.memory_space<vmem>>
    %dma_wait3A_232 = tpu.memref_squeeze %dma_wait3A_231 : memref<1x96xi32, #tpu.memory_space<vmem>> -> memref<96xi32, #tpu.memory_space<vmem>>
    %dma_wait3A_233 = tpu.memref_slice %arg4[%add3A_228] : memref<331776xi32, #tpu.memory_space<hbm>> -> memref<96xi32, #tpu.memory_space<hbm>>
    %dma_wait3A_234 = arith.constant 0 : i32
    %dma_wait3A_235 = tpu.memref_slice %arg11[%dma_wait3A_229, %dma_wait3A_234] : memref<8x96xi32, #tpu.memory_space<vmem>> -> memref<1x96xi32, #tpu.memory_space<vmem>>
    %dma_wait3A_236 = tpu.memref_squeeze %dma_wait3A_235 : memref<1x96xi32, #tpu.memory_space<vmem>> -> memref<96xi32, #tpu.memory_space<vmem>>
    %dma_wait3A_237 = tpu.memref_slice %arg4[%add3A_228] : memref<331776xi32, #tpu.memory_space<hbm>> -> memref<96xi32, #tpu.memory_space<hbm>>
    tpu.wait_dma2 semaphore(%arg28 : memref<!tpu.dma_semaphore, #tpu.memory_space<semaphore_mem>>) src(%dma_wait3A_237 : memref<96xi32, #tpu.memory_space<hbm>>) dst(%dma_wait3A_236 : memref<96xi32, #tpu.memory_space<vmem>>)
    %dma_start3A_238 = arith.constant 2 : i32
    %dma_start3A_239 = arith.constant 2 : i32
    %dma_start3A_240 = arith.constant 0 : i32
    %dma_start3A_241 = arith.constant 0 : i32
    %dma_start3A_242 = tpu.memref_slice %arg12[%dma_start3A_239, %dma_start3A_240, %dma_start3A_241] : memref<4x96x64xf32, #tpu.memory_space<vmem>> -> memref<1x96x64xf32, #tpu.memory_space<vmem>>
    %dma_start3A_243 = tpu.memref_squeeze %dma_start3A_242 : memref<1x96x64xf32, #tpu.memory_space<vmem>> -> memref<96x64xf32, #tpu.memory_space<vmem>>
    %dma_start3A_244 = arith.constant 0 : i32
    %dma_start3A_245 = tpu.memref_slice %arg10[%dma_start3A_238, %dma_start3A_244] : memref<8x96xi32, #tpu.memory_space<vmem>> -> memref<1x96xi32, #tpu.memory_space<vmem>>
    %dma_start3A_246 = tpu.memref_squeeze %dma_start3A_245 : memref<1x96xi32, #tpu.memory_space<vmem>> -> memref<96xi32, #tpu.memory_space<vmem>>
    %dma_start3A_247 = arith.constant 0 : i32
    %dma_start3A_248 = arith.constant 0 : i32
    %dma_start3A_249 = tpu.memref_slice %arg8[%dma_start3A_247, %dma_start3A_248] : memref<10000x64xf32, #tpu.memory_space<vmem_shared>> -> memref<10000x64xf32, #tpu.memory_space<vmem_shared>>
    tpu.enqueue_indirect_dma source(%dma_start3A_249 : memref<10000x64xf32, #tpu.memory_space<vmem_shared>>) target(%dma_start3A_243 : memref<96x64xf32, #tpu.memory_space<vmem>>) offsets(%dma_start3A_246 : memref<96xi32, #tpu.memory_space<vmem>>) semaphore(%arg16 : memref<!tpu.dma_semaphore, #tpu.memory_space<semaphore_mem>>)
    %scan3A_250 = arith.constant 0 : i32
    %scan3A_251 = arith.constant 0 : i32
    %scan3A_252 = arith.constant 27 : i32
    %scan3A_253 = arith.addi %scan3A_251, %scan3A_252 : i32
    %scan3A_254 = arith.constant 1 : i32
    %scan3A_255 = scf.for %scan3A_272 = %scan3A_251 to %scan3A_253 step %scan3A_254 iter_args(%scan3A_273 = %scan3A_250) -> (i32)  : i32 {
      %mul3A_274 = arith.constant 8 : i32
      %mul3A_275 = arith.muli %mul3A_274, %scan3A_272 : i32
      %add3A_276 = arith.constant 0 : i32
      %add3A_277 = arith.addi %mul3A_275, %add3A_276 : i32
      %dma_wait3A_278 = arith.constant 0 : i32
      %dma_wait3A_279 = arith.constant 0 : i32
      %dma_wait3A_280 = arith.constant 0 : i32
      %dma_wait3A_281 = arith.constant 0 : i32
      %dma_wait3A_282 = tpu.memref_slice %arg12[%dma_wait3A_279, %dma_wait3A_280, %dma_wait3A_281] : memref<4x96x64xf32, #tpu.memory_space<vmem>> -> memref<1x96x64xf32, #tpu.memory_space<vmem>>
      %dma_wait3A_283 = tpu.memref_squeeze %dma_wait3A_282 : memref<1x96x64xf32, #tpu.memory_space<vmem>> -> memref<96x64xf32, #tpu.memory_space<vmem>>
      %dma_wait3A_284 = arith.constant 0 : i32
      %dma_wait3A_285 = tpu.memref_slice %arg10[%dma_wait3A_278, %dma_wait3A_284] : memref<8x96xi32, #tpu.memory_space<vmem>> -> memref<1x96xi32, #tpu.memory_space<vmem>>
      %dma_wait3A_286 = tpu.memref_squeeze %dma_wait3A_285 : memref<1x96xi32, #tpu.memory_space<vmem>> -> memref<96xi32, #tpu.memory_space<vmem>>
      %dma_wait3A_287 = arith.constant 0 : i32
      %dma_wait3A_288 = arith.constant 0 : i32
      %dma_wait3A_289 = tpu.memref_slice %arg8[%dma_wait3A_287, %dma_wait3A_288] : memref<10000x64xf32, #tpu.memory_space<vmem_shared>> -> memref<10000x64xf32, #tpu.memory_space<vmem_shared>>
      tpu.wait_indirect_dma semaphore(%arg14 : memref<!tpu.dma_semaphore, #tpu.memory_space<semaphore_mem>>) src(%dma_wait3A_289 : memref<10000x64xf32, #tpu.memory_space<vmem_shared>>) dst(%dma_wait3A_283 : memref<96x64xf32, #tpu.memory_space<vmem>>)
      %dma_start3A_290 = arith.constant 0 : i32
      %dma_start3A_291 = arith.constant 0 : i32
      %dma_start3A_292 = arith.constant 0 : i32
      %dma_start3A_293 = arith.constant 0 : i32
      %dma_start3A_294 = tpu.memref_slice %arg12[%dma_start3A_290, %dma_start3A_292, %dma_start3A_293] : memref<4x96x64xf32, #tpu.memory_space<vmem>> -> memref<1x96x64xf32, #tpu.memory_space<vmem>>
      %dma_start3A_295 = tpu.memref_squeeze %dma_start3A_294 : memref<1x96x64xf32, #tpu.memory_space<vmem>> -> memref<96x64xf32, #tpu.memory_space<vmem>>
      %dma_start3A_296 = arith.constant 0 : i32
      %dma_start3A_297 = tpu.memref_slice %arg11[%dma_start3A_291, %dma_start3A_296] : memref<8x96xi32, #tpu.memory_space<vmem>> -> memref<1x96xi32, #tpu.memory_space<vmem>>
      %dma_start3A_298 = tpu.memref_squeeze %dma_start3A_297 : memref<1x96xi32, #tpu.memory_space<vmem>> -> memref<96xi32, #tpu.memory_space<vmem>>
      %dma_start3A_299 = arith.constant 0 : i32
      %dma_start3A_300 = arith.constant 0 : i32
      %dma_start3A_301 = tpu.memref_slice %arg7[%dma_start3A_299, %dma_start3A_300] : memref<10240x64xf32, #tpu.memory_space<vmem_shared>> -> memref<10240x64xf32, #tpu.memory_space<vmem_shared>>
      tpu.enqueue_indirect_dma source(%dma_start3A_295 : memref<96x64xf32, #tpu.memory_space<vmem>>) target(%dma_start3A_301 : memref<10240x64xf32, #tpu.memory_space<vmem_shared>>) offsets(%dma_start3A_298 : memref<96xi32, #tpu.memory_space<vmem>>) semaphore(%arg18 : memref<!tpu.dma_semaphore, #tpu.memory_space<semaphore_mem>>) {add = true}
      %eq3A_302 = arith.constant 0 : i32
      %eq3A_303 = arith.cmpi eq, %arg0, %eq3A_302 : i32
      %convert_element_type3A_304 = arith.extui %eq3A_303 : i1 to i32
      %cond3A_305 = arith.constant 0 : i32
      %cond3A_306 = arith.cmpi ne, %convert_element_type3A_304, %cond3A_305 : i32
      scf.if %cond3A_306 {
        %dma_start3A_689 = arith.constant 0 : i32
        %dma_start3A_690 = arith.constant 0 : i32
        %dma_start3A_691 = tpu.memref_slice %arg11[%dma_start3A_689, %dma_start3A_690] : memref<8x96xi32, #tpu.memory_space<vmem>> -> memref<1x96xi32, #tpu.memory_space<vmem>>
        %dma_start3A_692 = tpu.memref_squeeze %dma_start3A_691 : memref<1x96xi32, #tpu.memory_space<vmem>> -> memref<96xi32, #tpu.memory_space<vmem>>
        %dma_start3A_693 = arith.constant 0 : i32
        %dma_start3A_694 = arith.constant 0 : i32
        %dma_start3A_695 = tpu.memref_slice %arg9[%dma_start3A_693, %dma_start3A_694] : memref<10240x16xf32, #tpu.memory_space<vmem_shared>> -> memref<10240x16xf32, #tpu.memory_space<vmem_shared>>
        tpu.enqueue_indirect_dma source(%arg13 : memref<96x16xf32, #tpu.memory_space<vmem>>) target(%dma_start3A_695 : memref<10240x16xf32, #tpu.memory_space<vmem_shared>>) offsets(%dma_start3A_692 : memref<96xi32, #tpu.memory_space<vmem>>) semaphore(%arg22 : memref<!tpu.dma_semaphore, #tpu.memory_space<semaphore_mem>>) {add = true}
      } else {
      }
      %ge3A = arith.constant 1 : i32
      %ge3A_307 = arith.cmpi sge, %add3A_277, %ge3A : i32
      %convert_element_type3A_308 = arith.extui %ge3A_307 : i1 to i32
      %cond3A_309 = arith.constant 0 : i32
      %cond3A_310 = arith.cmpi ne, %convert_element_type3A_308, %cond3A_309 : i32
      scf.if %cond3A_310 {
        %dma_wait3A_689 = arith.constant 3 : i32
        %dma_wait3A_690 = arith.constant 7 : i32
        %dma_wait3A_691 = arith.constant 0 : i32
        %dma_wait3A_692 = arith.constant 0 : i32
        %dma_wait3A_693 = tpu.memref_slice %arg12[%dma_wait3A_689, %dma_wait3A_691, %dma_wait3A_692] : memref<4x96x64xf32, #tpu.memory_space<vmem>> -> memref<1x96x64xf32, #tpu.memory_space<vmem>>
        %dma_wait3A_694 = tpu.memref_squeeze %dma_wait3A_693 : memref<1x96x64xf32, #tpu.memory_space<vmem>> -> memref<96x64xf32, #tpu.memory_space<vmem>>
        %dma_wait3A_695 = arith.constant 0 : i32
        %dma_wait3A_696 = tpu.memref_slice %arg11[%dma_wait3A_690, %dma_wait3A_695] : memref<8x96xi32, #tpu.memory_space<vmem>> -> memref<1x96xi32, #tpu.memory_space<vmem>>
        %dma_wait3A_697 = tpu.memref_squeeze %dma_wait3A_696 : memref<1x96xi32, #tpu.memory_space<vmem>> -> memref<96xi32, #tpu.memory_space<vmem>>
        %dma_wait3A_698 = arith.constant 0 : i32
        %dma_wait3A_699 = arith.constant 0 : i32
        %dma_wait3A_700 = tpu.memref_slice %arg7[%dma_wait3A_698, %dma_wait3A_699] : memref<10240x64xf32, #tpu.memory_space<vmem_shared>> -> memref<10240x64xf32, #tpu.memory_space<vmem_shared>>
        tpu.wait_indirect_dma semaphore(%arg21 : memref<!tpu.dma_semaphore, #tpu.memory_space<semaphore_mem>>) src(%dma_wait3A_694 : memref<96x64xf32, #tpu.memory_space<vmem>>) dst(%dma_wait3A_700 : memref<10240x64xf32, #tpu.memory_space<vmem_shared>>)
        %eq3A_701 = arith.constant 1 : i32
        %eq3A_702 = arith.cmpi eq, %arg0, %eq3A_701 : i32
        %convert_element_type3A_703 = arith.extui %eq3A_702 : i1 to i32
        %cond3A_704 = arith.constant 0 : i32
        %cond3A_705 = arith.cmpi ne, %convert_element_type3A_703, %cond3A_704 : i32
        scf.if %cond3A_705 {
          %dma_wait3A_706 = arith.constant 7 : i32
          %dma_wait3A_707 = arith.constant 0 : i32
          %dma_wait3A_708 = tpu.memref_slice %arg11[%dma_wait3A_706, %dma_wait3A_707] : memref<8x96xi32, #tpu.memory_space<vmem>> -> memref<1x96xi32, #tpu.memory_space<vmem>>
          %dma_wait3A_709 = tpu.memref_squeeze %dma_wait3A_708 : memref<1x96xi32, #tpu.memory_space<vmem>> -> memref<96xi32, #tpu.memory_space<vmem>>
          %dma_wait3A_710 = arith.constant 0 : i32
          %dma_wait3A_711 = arith.constant 0 : i32
          %dma_wait3A_712 = tpu.memref_slice %arg9[%dma_wait3A_710, %dma_wait3A_711] : memref<10240x16xf32, #tpu.memory_space<vmem_shared>> -> memref<10240x16xf32, #tpu.memory_space<vmem_shared>>
          tpu.wait_indirect_dma semaphore(%arg25 : memref<!tpu.dma_semaphore, #tpu.memory_space<semaphore_mem>>) src(%arg13 : memref<96x16xf32, #tpu.memory_space<vmem>>) dst(%dma_wait3A_712 : memref<10240x16xf32, #tpu.memory_space<vmem_shared>>)
        } else {
        }
      } else {
      }
      %add3A_311 = arith.constant 5 : i32
      %add3A_312 = arith.addi %add3A_277, %add3A_311 : i32
      %lt3A = arith.constant 216 : i32
      %lt3A_313 = arith.cmpi slt, %add3A_312, %lt3A : i32
      %convert_element_type3A_314 = arith.extui %lt3A_313 : i1 to i32
      %cond3A_315 = arith.constant 0 : i32
      %cond3A_316 = arith.cmpi ne, %convert_element_type3A_314, %cond3A_315 : i32
      scf.if %cond3A_316 {
        %add3A_689 = arith.constant 5 : i32
        %add3A_690 = arith.addi %add3A_277, %add3A_689 : i32
        %mul3A_691 = arith.constant 96 : i32
        %mul3A_692 = arith.muli %add3A_690, %mul3A_691 : i32
        %add3A_693 = arith.addi %mul3A_39, %mul3A_692 : i32
        %dma_start3A_694 = arith.constant 5 : i32
        %dma_start3A_695 = arith.constant 0 : i32
        %dma_start3A_696 = tpu.memref_slice %arg10[%dma_start3A_694, %dma_start3A_695] : memref<8x96xi32, #tpu.memory_space<vmem>> -> memref<1x96xi32, #tpu.memory_space<vmem>>
        %dma_start3A_697 = tpu.memref_squeeze %dma_start3A_696 : memref<1x96xi32, #tpu.memory_space<vmem>> -> memref<96xi32, #tpu.memory_space<vmem>>
        %dma_start3A_698 = tpu.memref_slice %arg3[%add3A_693] : memref<331776xi32, #tpu.memory_space<hbm>> -> memref<96xi32, #tpu.memory_space<hbm>>
        %dma_start3A_699 = arith.constant 0 : i32
        %dma_start3A_700 = tpu.memref_slice %arg10[%dma_start3A_694, %dma_start3A_699] : memref<8x96xi32, #tpu.memory_space<vmem>> -> memref<1x96xi32, #tpu.memory_space<vmem>>
        %dma_start3A_701 = tpu.memref_squeeze %dma_start3A_700 : memref<1x96xi32, #tpu.memory_space<vmem>> -> memref<96xi32, #tpu.memory_space<vmem>>
        %dma_start3A_702 = tpu.memref_slice %arg3[%add3A_693] : memref<331776xi32, #tpu.memory_space<hbm>> -> memref<96xi32, #tpu.memory_space<hbm>>
        tpu.enqueue_dma source(%dma_start3A_702 : memref<96xi32, #tpu.memory_space<hbm>>) target(%dma_start3A_701 : memref<96xi32, #tpu.memory_space<vmem>>) target_semaphore(%arg31 : memref<!tpu.dma_semaphore, #tpu.memory_space<semaphore_mem>>)
        %mul3A_703 = arith.constant 96 : i32
        %mul3A_704 = arith.muli %add3A_690, %mul3A_703 : i32
        %add3A_705 = arith.addi %mul3A_39, %mul3A_704 : i32
        %dma_start3A_706 = arith.constant 5 : i32
        %dma_start3A_707 = arith.constant 0 : i32
        %dma_start3A_708 = tpu.memref_slice %arg11[%dma_start3A_706, %dma_start3A_707] : memref<8x96xi32, #tpu.memory_space<vmem>> -> memref<1x96xi32, #tpu.memory_space<vmem>>
        %dma_start3A_709 = tpu.memref_squeeze %dma_start3A_708 : memref<1x96xi32, #tpu.memory_space<vmem>> -> memref<96xi32, #tpu.memory_space<vmem>>
        %dma_start3A_710 = tpu.memref_slice %arg4[%add3A_705] : memref<331776xi32, #tpu.memory_space<hbm>> -> memref<96xi32, #tpu.memory_space<hbm>>
        %dma_start3A_711 = arith.constant 0 : i32
        %dma_start3A_712 = tpu.memref_slice %arg11[%dma_start3A_706, %dma_start3A_711] : memref<8x96xi32, #tpu.memory_space<vmem>> -> memref<1x96xi32, #tpu.memory_space<vmem>>
        %dma_start3A_713 = tpu.memref_squeeze %dma_start3A_712 : memref<1x96xi32, #tpu.memory_space<vmem>> -> memref<96xi32, #tpu.memory_space<vmem>>
        %dma_start3A_714 = tpu.memref_slice %arg4[%add3A_705] : memref<331776xi32, #tpu.memory_space<hbm>> -> memref<96xi32, #tpu.memory_space<hbm>>
        tpu.enqueue_dma source(%dma_start3A_714 : memref<96xi32, #tpu.memory_space<hbm>>) target(%dma_start3A_713 : memref<96xi32, #tpu.memory_space<vmem>>) target_semaphore(%arg31 : memref<!tpu.dma_semaphore, #tpu.memory_space<semaphore_mem>>)
      } else {
      }
      %add3A_317 = arith.constant 3 : i32
      %add3A_318 = arith.addi %add3A_277, %add3A_317 : i32
      %lt3A_319 = arith.constant 216 : i32
      %lt3A_320 = arith.cmpi slt, %add3A_318, %lt3A_319 : i32
      %convert_element_type3A_321 = arith.extui %lt3A_320 : i1 to i32
      %cond3A_322 = arith.constant 0 : i32
      %cond3A_323 = arith.cmpi ne, %convert_element_type3A_321, %cond3A_322 : i32
      scf.if %cond3A_323 {
        %add3A_689 = arith.constant 3 : i32
        %add3A_690 = arith.addi %add3A_277, %add3A_689 : i32
        %mul3A_691 = arith.constant 96 : i32
        %mul3A_692 = arith.muli %add3A_690, %mul3A_691 : i32
        %add3A_693 = arith.addi %mul3A_39, %mul3A_692 : i32
        %dma_wait3A_694 = arith.constant 3 : i32
        %dma_wait3A_695 = arith.constant 0 : i32
        %dma_wait3A_696 = tpu.memref_slice %arg10[%dma_wait3A_694, %dma_wait3A_695] : memref<8x96xi32, #tpu.memory_space<vmem>> -> memref<1x96xi32, #tpu.memory_space<vmem>>
        %dma_wait3A_697 = tpu.memref_squeeze %dma_wait3A_696 : memref<1x96xi32, #tpu.memory_space<vmem>> -> memref<96xi32, #tpu.memory_space<vmem>>
        %dma_wait3A_698 = tpu.memref_slice %arg3[%add3A_693] : memref<331776xi32, #tpu.memory_space<hbm>> -> memref<96xi32, #tpu.memory_space<hbm>>
        %dma_wait3A_699 = arith.constant 0 : i32
        %dma_wait3A_700 = tpu.memref_slice %arg10[%dma_wait3A_694, %dma_wait3A_699] : memref<8x96xi32, #tpu.memory_space<vmem>> -> memref<1x96xi32, #tpu.memory_space<vmem>>
        %dma_wait3A_701 = tpu.memref_squeeze %dma_wait3A_700 : memref<1x96xi32, #tpu.memory_space<vmem>> -> memref<96xi32, #tpu.memory_space<vmem>>
        %dma_wait3A_702 = tpu.memref_slice %arg3[%add3A_693] : memref<331776xi32, #tpu.memory_space<hbm>> -> memref<96xi32, #tpu.memory_space<hbm>>
        tpu.wait_dma2 semaphore(%arg29 : memref<!tpu.dma_semaphore, #tpu.memory_space<semaphore_mem>>) src(%dma_wait3A_702 : memref<96xi32, #tpu.memory_space<hbm>>) dst(%dma_wait3A_701 : memref<96xi32, #tpu.memory_space<vmem>>)
        %mul3A_703 = arith.constant 96 : i32
        %mul3A_704 = arith.muli %add3A_690, %mul3A_703 : i32
        %add3A_705 = arith.addi %mul3A_39, %mul3A_704 : i32
        %dma_wait3A_706 = arith.constant 3 : i32
        %dma_wait3A_707 = arith.constant 0 : i32
        %dma_wait3A_708 = tpu.memref_slice %arg11[%dma_wait3A_706, %dma_wait3A_707] : memref<8x96xi32, #tpu.memory_space<vmem>> -> memref<1x96xi32, #tpu.memory_space<vmem>>
        %dma_wait3A_709 = tpu.memref_squeeze %dma_wait3A_708 : memref<1x96xi32, #tpu.memory_space<vmem>> -> memref<96xi32, #tpu.memory_space<vmem>>
        %dma_wait3A_710 = tpu.memref_slice %arg4[%add3A_705] : memref<331776xi32, #tpu.memory_space<hbm>> -> memref<96xi32, #tpu.memory_space<hbm>>
        %dma_wait3A_711 = arith.constant 0 : i32
        %dma_wait3A_712 = tpu.memref_slice %arg11[%dma_wait3A_706, %dma_wait3A_711] : memref<8x96xi32, #tpu.memory_space<vmem>> -> memref<1x96xi32, #tpu.memory_space<vmem>>
        %dma_wait3A_713 = tpu.memref_squeeze %dma_wait3A_712 : memref<1x96xi32, #tpu.memory_space<vmem>> -> memref<96xi32, #tpu.memory_space<vmem>>
        %dma_wait3A_714 = tpu.memref_slice %arg4[%add3A_705] : memref<331776xi32, #tpu.memory_space<hbm>> -> memref<96xi32, #tpu.memory_space<hbm>>
        tpu.wait_dma2 semaphore(%arg29 : memref<!tpu.dma_semaphore, #tpu.memory_space<semaphore_mem>>) src(%dma_wait3A_714 : memref<96xi32, #tpu.memory_space<hbm>>) dst(%dma_wait3A_713 : memref<96xi32, #tpu.memory_space<vmem>>)
        %dma_start3A_715 = arith.constant 3 : i32
        %dma_start3A_716 = arith.constant 3 : i32
        %dma_start3A_717 = arith.constant 0 : i32
        %dma_start3A_718 = arith.constant 0 : i32
        %dma_start3A_719 = tpu.memref_slice %arg12[%dma_start3A_716, %dma_start3A_717, %dma_start3A_718] : memref<4x96x64xf32, #tpu.memory_space<vmem>> -> memref<1x96x64xf32, #tpu.memory_space<vmem>>
        %dma_start3A_720 = tpu.memref_squeeze %dma_start3A_719 : memref<1x96x64xf32, #tpu.memory_space<vmem>> -> memref<96x64xf32, #tpu.memory_space<vmem>>
        %dma_start3A_721 = arith.constant 0 : i32
        %dma_start3A_722 = tpu.memref_slice %arg10[%dma_start3A_715, %dma_start3A_721] : memref<8x96xi32, #tpu.memory_space<vmem>> -> memref<1x96xi32, #tpu.memory_space<vmem>>
        %dma_start3A_723 = tpu.memref_squeeze %dma_start3A_722 : memref<1x96xi32, #tpu.memory_space<vmem>> -> memref<96xi32, #tpu.memory_space<vmem>>
        %dma_start3A_724 = arith.constant 0 : i32
        %dma_start3A_725 = arith.constant 0 : i32
        %dma_start3A_726 = tpu.memref_slice %arg8[%dma_start3A_724, %dma_start3A_725] : memref<10000x64xf32, #tpu.memory_space<vmem_shared>> -> memref<10000x64xf32, #tpu.memory_space<vmem_shared>>
        tpu.enqueue_indirect_dma source(%dma_start3A_726 : memref<10000x64xf32, #tpu.memory_space<vmem_shared>>) target(%dma_start3A_720 : memref<96x64xf32, #tpu.memory_space<vmem>>) offsets(%dma_start3A_723 : memref<96xi32, #tpu.memory_space<vmem>>) semaphore(%arg17 : memref<!tpu.dma_semaphore, #tpu.memory_space<semaphore_mem>>)
      } else {
      }
      %mul3A_324 = arith.constant 8 : i32
      %mul3A_325 = arith.muli %mul3A_324, %scan3A_272 : i32
      %add3A_326 = arith.constant 1 : i32
      %add3A_327 = arith.addi %mul3A_325, %add3A_326 : i32
      %dma_wait3A_328 = arith.constant 1 : i32
      %dma_wait3A_329 = arith.constant 1 : i32
      %dma_wait3A_330 = arith.constant 0 : i32
      %dma_wait3A_331 = arith.constant 0 : i32
      %dma_wait3A_332 = tpu.memref_slice %arg12[%dma_wait3A_329, %dma_wait3A_330, %dma_wait3A_331] : memref<4x96x64xf32, #tpu.memory_space<vmem>> -> memref<1x96x64xf32, #tpu.memory_space<vmem>>
      %dma_wait3A_333 = tpu.memref_squeeze %dma_wait3A_332 : memref<1x96x64xf32, #tpu.memory_space<vmem>> -> memref<96x64xf32, #tpu.memory_space<vmem>>
      %dma_wait3A_334 = arith.constant 0 : i32
      %dma_wait3A_335 = tpu.memref_slice %arg10[%dma_wait3A_328, %dma_wait3A_334] : memref<8x96xi32, #tpu.memory_space<vmem>> -> memref<1x96xi32, #tpu.memory_space<vmem>>
      %dma_wait3A_336 = tpu.memref_squeeze %dma_wait3A_335 : memref<1x96xi32, #tpu.memory_space<vmem>> -> memref<96xi32, #tpu.memory_space<vmem>>
      %dma_wait3A_337 = arith.constant 0 : i32
      %dma_wait3A_338 = arith.constant 0 : i32
      %dma_wait3A_339 = tpu.memref_slice %arg8[%dma_wait3A_337, %dma_wait3A_338] : memref<10000x64xf32, #tpu.memory_space<vmem_shared>> -> memref<10000x64xf32, #tpu.memory_space<vmem_shared>>
      tpu.wait_indirect_dma semaphore(%arg15 : memref<!tpu.dma_semaphore, #tpu.memory_space<semaphore_mem>>) src(%dma_wait3A_339 : memref<10000x64xf32, #tpu.memory_space<vmem_shared>>) dst(%dma_wait3A_333 : memref<96x64xf32, #tpu.memory_space<vmem>>)
      %dma_start3A_340 = arith.constant 1 : i32
      %dma_start3A_341 = arith.constant 1 : i32
      %dma_start3A_342 = arith.constant 0 : i32
      %dma_start3A_343 = arith.constant 0 : i32
      %dma_start3A_344 = tpu.memref_slice %arg12[%dma_start3A_340, %dma_start3A_342, %dma_start3A_343] : memref<4x96x64xf32, #tpu.memory_space<vmem>> -> memref<1x96x64xf32, #tpu.memory_space<vmem>>
      %dma_start3A_345 = tpu.memref_squeeze %dma_start3A_344 : memref<1x96x64xf32, #tpu.memory_space<vmem>> -> memref<96x64xf32, #tpu.memory_space<vmem>>
      %dma_start3A_346 = arith.constant 0 : i32
      %dma_start3A_347 = tpu.memref_slice %arg11[%dma_start3A_341, %dma_start3A_346] : memref<8x96xi32, #tpu.memory_space<vmem>> -> memref<1x96xi32, #tpu.memory_space<vmem>>
      %dma_start3A_348 = tpu.memref_squeeze %dma_start3A_347 : memref<1x96xi32, #tpu.memory_space<vmem>> -> memref<96xi32, #tpu.memory_space<vmem>>
      %dma_start3A_349 = arith.constant 0 : i32
      %dma_start3A_350 = arith.constant 0 : i32
      %dma_start3A_351 = tpu.memref_slice %arg7[%dma_start3A_349, %dma_start3A_350] : memref<10240x64xf32, #tpu.memory_space<vmem_shared>> -> memref<10240x64xf32, #tpu.memory_space<vmem_shared>>
      tpu.enqueue_indirect_dma source(%dma_start3A_345 : memref<96x64xf32, #tpu.memory_space<vmem>>) target(%dma_start3A_351 : memref<10240x64xf32, #tpu.memory_space<vmem_shared>>) offsets(%dma_start3A_348 : memref<96xi32, #tpu.memory_space<vmem>>) semaphore(%arg19 : memref<!tpu.dma_semaphore, #tpu.memory_space<semaphore_mem>>) {add = true}
      %eq3A_352 = arith.constant 1 : i32
      %eq3A_353 = arith.cmpi eq, %arg0, %eq3A_352 : i32
      %convert_element_type3A_354 = arith.extui %eq3A_353 : i1 to i32
      %cond3A_355 = arith.constant 0 : i32
      %cond3A_356 = arith.cmpi ne, %convert_element_type3A_354, %cond3A_355 : i32
      scf.if %cond3A_356 {
        %dma_start3A_689 = arith.constant 1 : i32
        %dma_start3A_690 = arith.constant 0 : i32
        %dma_start3A_691 = tpu.memref_slice %arg11[%dma_start3A_689, %dma_start3A_690] : memref<8x96xi32, #tpu.memory_space<vmem>> -> memref<1x96xi32, #tpu.memory_space<vmem>>
        %dma_start3A_692 = tpu.memref_squeeze %dma_start3A_691 : memref<1x96xi32, #tpu.memory_space<vmem>> -> memref<96xi32, #tpu.memory_space<vmem>>
        %dma_start3A_693 = arith.constant 0 : i32
        %dma_start3A_694 = arith.constant 0 : i32
        %dma_start3A_695 = tpu.memref_slice %arg9[%dma_start3A_693, %dma_start3A_694] : memref<10240x16xf32, #tpu.memory_space<vmem_shared>> -> memref<10240x16xf32, #tpu.memory_space<vmem_shared>>
        tpu.enqueue_indirect_dma source(%arg13 : memref<96x16xf32, #tpu.memory_space<vmem>>) target(%dma_start3A_695 : memref<10240x16xf32, #tpu.memory_space<vmem_shared>>) offsets(%dma_start3A_692 : memref<96xi32, #tpu.memory_space<vmem>>) semaphore(%arg23 : memref<!tpu.dma_semaphore, #tpu.memory_space<semaphore_mem>>) {add = true}
      } else {
      }
      %ge3A_357 = arith.constant 1 : i32
      %ge3A_358 = arith.cmpi sge, %add3A_327, %ge3A_357 : i32
      %convert_element_type3A_359 = arith.extui %ge3A_358 : i1 to i32
      %cond3A_360 = arith.constant 0 : i32
      %cond3A_361 = arith.cmpi ne, %convert_element_type3A_359, %cond3A_360 : i32
      scf.if %cond3A_361 {
        %dma_wait3A_689 = arith.constant 0 : i32
        %dma_wait3A_690 = arith.constant 0 : i32
        %dma_wait3A_691 = arith.constant 0 : i32
        %dma_wait3A_692 = arith.constant 0 : i32
        %dma_wait3A_693 = tpu.memref_slice %arg12[%dma_wait3A_689, %dma_wait3A_691, %dma_wait3A_692] : memref<4x96x64xf32, #tpu.memory_space<vmem>> -> memref<1x96x64xf32, #tpu.memory_space<vmem>>
        %dma_wait3A_694 = tpu.memref_squeeze %dma_wait3A_693 : memref<1x96x64xf32, #tpu.memory_space<vmem>> -> memref<96x64xf32, #tpu.memory_space<vmem>>
        %dma_wait3A_695 = arith.constant 0 : i32
        %dma_wait3A_696 = tpu.memref_slice %arg11[%dma_wait3A_690, %dma_wait3A_695] : memref<8x96xi32, #tpu.memory_space<vmem>> -> memref<1x96xi32, #tpu.memory_space<vmem>>
        %dma_wait3A_697 = tpu.memref_squeeze %dma_wait3A_696 : memref<1x96xi32, #tpu.memory_space<vmem>> -> memref<96xi32, #tpu.memory_space<vmem>>
        %dma_wait3A_698 = arith.constant 0 : i32
        %dma_wait3A_699 = arith.constant 0 : i32
        %dma_wait3A_700 = tpu.memref_slice %arg7[%dma_wait3A_698, %dma_wait3A_699] : memref<10240x64xf32, #tpu.memory_space<vmem_shared>> -> memref<10240x64xf32, #tpu.memory_space<vmem_shared>>
        tpu.wait_indirect_dma semaphore(%arg18 : memref<!tpu.dma_semaphore, #tpu.memory_space<semaphore_mem>>) src(%dma_wait3A_694 : memref<96x64xf32, #tpu.memory_space<vmem>>) dst(%dma_wait3A_700 : memref<10240x64xf32, #tpu.memory_space<vmem_shared>>)
        %eq3A_701 = arith.constant 0 : i32
        %eq3A_702 = arith.cmpi eq, %arg0, %eq3A_701 : i32
        %convert_element_type3A_703 = arith.extui %eq3A_702 : i1 to i32
        %cond3A_704 = arith.constant 0 : i32
        %cond3A_705 = arith.cmpi ne, %convert_element_type3A_703, %cond3A_704 : i32
        scf.if %cond3A_705 {
          %dma_wait3A_706 = arith.constant 0 : i32
          %dma_wait3A_707 = arith.constant 0 : i32
          %dma_wait3A_708 = tpu.memref_slice %arg11[%dma_wait3A_706, %dma_wait3A_707] : memref<8x96xi32, #tpu.memory_space<vmem>> -> memref<1x96xi32, #tpu.memory_space<vmem>>
          %dma_wait3A_709 = tpu.memref_squeeze %dma_wait3A_708 : memref<1x96xi32, #tpu.memory_space<vmem>> -> memref<96xi32, #tpu.memory_space<vmem>>
          %dma_wait3A_710 = arith.constant 0 : i32
          %dma_wait3A_711 = arith.constant 0 : i32
          %dma_wait3A_712 = tpu.memref_slice %arg9[%dma_wait3A_710, %dma_wait3A_711] : memref<10240x16xf32, #tpu.memory_space<vmem_shared>> -> memref<10240x16xf32, #tpu.memory_space<vmem_shared>>
          tpu.wait_indirect_dma semaphore(%arg22 : memref<!tpu.dma_semaphore, #tpu.memory_space<semaphore_mem>>) src(%arg13 : memref<96x16xf32, #tpu.memory_space<vmem>>) dst(%dma_wait3A_712 : memref<10240x16xf32, #tpu.memory_space<vmem_shared>>)
        } else {
        }
      } else {
      }
      %add3A_362 = arith.constant 5 : i32
      %add3A_363 = arith.addi %add3A_327, %add3A_362 : i32
      %lt3A_364 = arith.constant 216 : i32
      %lt3A_365 = arith.cmpi slt, %add3A_363, %lt3A_364 : i32
      %convert_element_type3A_366 = arith.extui %lt3A_365 : i1 to i32
      %cond3A_367 = arith.constant 0 : i32
      %cond3A_368 = arith.cmpi ne, %convert_element_type3A_366, %cond3A_367 : i32
      scf.if %cond3A_368 {
        %add3A_689 = arith.constant 5 : i32
        %add3A_690 = arith.addi %add3A_327, %add3A_689 : i32
        %mul3A_691 = arith.constant 96 : i32
        %mul3A_692 = arith.muli %add3A_690, %mul3A_691 : i32
        %add3A_693 = arith.addi %mul3A_39, %mul3A_692 : i32
        %dma_start3A_694 = arith.constant 6 : i32
        %dma_start3A_695 = arith.constant 0 : i32
        %dma_start3A_696 = tpu.memref_slice %arg10[%dma_start3A_694, %dma_start3A_695] : memref<8x96xi32, #tpu.memory_space<vmem>> -> memref<1x96xi32, #tpu.memory_space<vmem>>
        %dma_start3A_697 = tpu.memref_squeeze %dma_start3A_696 : memref<1x96xi32, #tpu.memory_space<vmem>> -> memref<96xi32, #tpu.memory_space<vmem>>
        %dma_start3A_698 = tpu.memref_slice %arg3[%add3A_693] : memref<331776xi32, #tpu.memory_space<hbm>> -> memref<96xi32, #tpu.memory_space<hbm>>
        %dma_start3A_699 = arith.constant 0 : i32
        %dma_start3A_700 = tpu.memref_slice %arg10[%dma_start3A_694, %dma_start3A_699] : memref<8x96xi32, #tpu.memory_space<vmem>> -> memref<1x96xi32, #tpu.memory_space<vmem>>
        %dma_start3A_701 = tpu.memref_squeeze %dma_start3A_700 : memref<1x96xi32, #tpu.memory_space<vmem>> -> memref<96xi32, #tpu.memory_space<vmem>>
        %dma_start3A_702 = tpu.memref_slice %arg3[%add3A_693] : memref<331776xi32, #tpu.memory_space<hbm>> -> memref<96xi32, #tpu.memory_space<hbm>>
        tpu.enqueue_dma source(%dma_start3A_702 : memref<96xi32, #tpu.memory_space<hbm>>) target(%dma_start3A_701 : memref<96xi32, #tpu.memory_space<vmem>>) target_semaphore(%arg32 : memref<!tpu.dma_semaphore, #tpu.memory_space<semaphore_mem>>)
        %mul3A_703 = arith.constant 96 : i32
        %mul3A_704 = arith.muli %add3A_690, %mul3A_703 : i32
        %add3A_705 = arith.addi %mul3A_39, %mul3A_704 : i32
        %dma_start3A_706 = arith.constant 6 : i32
        %dma_start3A_707 = arith.constant 0 : i32
        %dma_start3A_708 = tpu.memref_slice %arg11[%dma_start3A_706, %dma_start3A_707] : memref<8x96xi32, #tpu.memory_space<vmem>> -> memref<1x96xi32, #tpu.memory_space<vmem>>
        %dma_start3A_709 = tpu.memref_squeeze %dma_start3A_708 : memref<1x96xi32, #tpu.memory_space<vmem>> -> memref<96xi32, #tpu.memory_space<vmem>>
        %dma_start3A_710 = tpu.memref_slice %arg4[%add3A_705] : memref<331776xi32, #tpu.memory_space<hbm>> -> memref<96xi32, #tpu.memory_space<hbm>>
        %dma_start3A_711 = arith.constant 0 : i32
        %dma_start3A_712 = tpu.memref_slice %arg11[%dma_start3A_706, %dma_start3A_711] : memref<8x96xi32, #tpu.memory_space<vmem>> -> memref<1x96xi32, #tpu.memory_space<vmem>>
        %dma_start3A_713 = tpu.memref_squeeze %dma_start3A_712 : memref<1x96xi32, #tpu.memory_space<vmem>> -> memref<96xi32, #tpu.memory_space<vmem>>
        %dma_start3A_714 = tpu.memref_slice %arg4[%add3A_705] : memref<331776xi32, #tpu.memory_space<hbm>> -> memref<96xi32, #tpu.memory_space<hbm>>
        tpu.enqueue_dma source(%dma_start3A_714 : memref<96xi32, #tpu.memory_space<hbm>>) target(%dma_start3A_713 : memref<96xi32, #tpu.memory_space<vmem>>) target_semaphore(%arg32 : memref<!tpu.dma_semaphore, #tpu.memory_space<semaphore_mem>>)
      } else {
      }
      %add3A_369 = arith.constant 3 : i32
      %add3A_370 = arith.addi %add3A_327, %add3A_369 : i32
      %lt3A_371 = arith.constant 216 : i32
      %lt3A_372 = arith.cmpi slt, %add3A_370, %lt3A_371 : i32
      %convert_element_type3A_373 = arith.extui %lt3A_372 : i1 to i32
      %cond3A_374 = arith.constant 0 : i32
      %cond3A_375 = arith.cmpi ne, %convert_element_type3A_373, %cond3A_374 : i32
      scf.if %cond3A_375 {
        %add3A_689 = arith.constant 3 : i32
        %add3A_690 = arith.addi %add3A_327, %add3A_689 : i32
        %mul3A_691 = arith.constant 96 : i32
        %mul3A_692 = arith.muli %add3A_690, %mul3A_691 : i32
        %add3A_693 = arith.addi %mul3A_39, %mul3A_692 : i32
        %dma_wait3A_694 = arith.constant 4 : i32
        %dma_wait3A_695 = arith.constant 0 : i32
        %dma_wait3A_696 = tpu.memref_slice %arg10[%dma_wait3A_694, %dma_wait3A_695] : memref<8x96xi32, #tpu.memory_space<vmem>> -> memref<1x96xi32, #tpu.memory_space<vmem>>
        %dma_wait3A_697 = tpu.memref_squeeze %dma_wait3A_696 : memref<1x96xi32, #tpu.memory_space<vmem>> -> memref<96xi32, #tpu.memory_space<vmem>>
        %dma_wait3A_698 = tpu.memref_slice %arg3[%add3A_693] : memref<331776xi32, #tpu.memory_space<hbm>> -> memref<96xi32, #tpu.memory_space<hbm>>
        %dma_wait3A_699 = arith.constant 0 : i32
        %dma_wait3A_700 = tpu.memref_slice %arg10[%dma_wait3A_694, %dma_wait3A_699] : memref<8x96xi32, #tpu.memory_space<vmem>> -> memref<1x96xi32, #tpu.memory_space<vmem>>
        %dma_wait3A_701 = tpu.memref_squeeze %dma_wait3A_700 : memref<1x96xi32, #tpu.memory_space<vmem>> -> memref<96xi32, #tpu.memory_space<vmem>>
        %dma_wait3A_702 = tpu.memref_slice %arg3[%add3A_693] : memref<331776xi32, #tpu.memory_space<hbm>> -> memref<96xi32, #tpu.memory_space<hbm>>
        tpu.wait_dma2 semaphore(%arg30 : memref<!tpu.dma_semaphore, #tpu.memory_space<semaphore_mem>>) src(%dma_wait3A_702 : memref<96xi32, #tpu.memory_space<hbm>>) dst(%dma_wait3A_701 : memref<96xi32, #tpu.memory_space<vmem>>)
        %mul3A_703 = arith.constant 96 : i32
        %mul3A_704 = arith.muli %add3A_690, %mul3A_703 : i32
        %add3A_705 = arith.addi %mul3A_39, %mul3A_704 : i32
        %dma_wait3A_706 = arith.constant 4 : i32
        %dma_wait3A_707 = arith.constant 0 : i32
        %dma_wait3A_708 = tpu.memref_slice %arg11[%dma_wait3A_706, %dma_wait3A_707] : memref<8x96xi32, #tpu.memory_space<vmem>> -> memref<1x96xi32, #tpu.memory_space<vmem>>
        %dma_wait3A_709 = tpu.memref_squeeze %dma_wait3A_708 : memref<1x96xi32, #tpu.memory_space<vmem>> -> memref<96xi32, #tpu.memory_space<vmem>>
        %dma_wait3A_710 = tpu.memref_slice %arg4[%add3A_705] : memref<331776xi32, #tpu.memory_space<hbm>> -> memref<96xi32, #tpu.memory_space<hbm>>
        %dma_wait3A_711 = arith.constant 0 : i32
        %dma_wait3A_712 = tpu.memref_slice %arg11[%dma_wait3A_706, %dma_wait3A_711] : memref<8x96xi32, #tpu.memory_space<vmem>> -> memref<1x96xi32, #tpu.memory_space<vmem>>
        %dma_wait3A_713 = tpu.memref_squeeze %dma_wait3A_712 : memref<1x96xi32, #tpu.memory_space<vmem>> -> memref<96xi32, #tpu.memory_space<vmem>>
        %dma_wait3A_714 = tpu.memref_slice %arg4[%add3A_705] : memref<331776xi32, #tpu.memory_space<hbm>> -> memref<96xi32, #tpu.memory_space<hbm>>
        tpu.wait_dma2 semaphore(%arg30 : memref<!tpu.dma_semaphore, #tpu.memory_space<semaphore_mem>>) src(%dma_wait3A_714 : memref<96xi32, #tpu.memory_space<hbm>>) dst(%dma_wait3A_713 : memref<96xi32, #tpu.memory_space<vmem>>)
        %dma_start3A_715 = arith.constant 4 : i32
        %dma_start3A_716 = arith.constant 0 : i32
        %dma_start3A_717 = arith.constant 0 : i32
        %dma_start3A_718 = arith.constant 0 : i32
        %dma_start3A_719 = tpu.memref_slice %arg12[%dma_start3A_716, %dma_start3A_717, %dma_start3A_718] : memref<4x96x64xf32, #tpu.memory_space<vmem>> -> memref<1x96x64xf32, #tpu.memory_space<vmem>>
        %dma_start3A_720 = tpu.memref_squeeze %dma_start3A_719 : memref<1x96x64xf32, #tpu.memory_space<vmem>> -> memref<96x64xf32, #tpu.memory_space<vmem>>
        %dma_start3A_721 = arith.constant 0 : i32
        %dma_start3A_722 = tpu.memref_slice %arg10[%dma_start3A_715, %dma_start3A_721] : memref<8x96xi32, #tpu.memory_space<vmem>> -> memref<1x96xi32, #tpu.memory_space<vmem>>
        %dma_start3A_723 = tpu.memref_squeeze %dma_start3A_722 : memref<1x96xi32, #tpu.memory_space<vmem>> -> memref<96xi32, #tpu.memory_space<vmem>>
        %dma_start3A_724 = arith.constant 0 : i32
        %dma_start3A_725 = arith.constant 0 : i32
        %dma_start3A_726 = tpu.memref_slice %arg8[%dma_start3A_724, %dma_start3A_725] : memref<10000x64xf32, #tpu.memory_space<vmem_shared>> -> memref<10000x64xf32, #tpu.memory_space<vmem_shared>>
        tpu.enqueue_indirect_dma source(%dma_start3A_726 : memref<10000x64xf32, #tpu.memory_space<vmem_shared>>) target(%dma_start3A_720 : memref<96x64xf32, #tpu.memory_space<vmem>>) offsets(%dma_start3A_723 : memref<96xi32, #tpu.memory_space<vmem>>) semaphore(%arg14 : memref<!tpu.dma_semaphore, #tpu.memory_space<semaphore_mem>>)
      } else {
      }
      %mul3A_376 = arith.constant 8 : i32
      %mul3A_377 = arith.muli %mul3A_376, %scan3A_272 : i32
      %add3A_378 = arith.constant 2 : i32
      %add3A_379 = arith.addi %mul3A_377, %add3A_378 : i32
      %dma_wait3A_380 = arith.constant 2 : i32
      %dma_wait3A_381 = arith.constant 2 : i32
      %dma_wait3A_382 = arith.constant 0 : i32
      %dma_wait3A_383 = arith.constant 0 : i32
      %dma_wait3A_384 = tpu.memref_slice %arg12[%dma_wait3A_381, %dma_wait3A_382, %dma_wait3A_383] : memref<4x96x64xf32, #tpu.memory_space<vmem>> -> memref<1x96x64xf32, #tpu.memory_space<vmem>>
      %dma_wait3A_385 = tpu.memref_squeeze %dma_wait3A_384 : memref<1x96x64xf32, #tpu.memory_space<vmem>> -> memref<96x64xf32, #tpu.memory_space<vmem>>
      %dma_wait3A_386 = arith.constant 0 : i32
      %dma_wait3A_387 = tpu.memref_slice %arg10[%dma_wait3A_380, %dma_wait3A_386] : memref<8x96xi32, #tpu.memory_space<vmem>> -> memref<1x96xi32, #tpu.memory_space<vmem>>
      %dma_wait3A_388 = tpu.memref_squeeze %dma_wait3A_387 : memref<1x96xi32, #tpu.memory_space<vmem>> -> memref<96xi32, #tpu.memory_space<vmem>>
      %dma_wait3A_389 = arith.constant 0 : i32
      %dma_wait3A_390 = arith.constant 0 : i32
      %dma_wait3A_391 = tpu.memref_slice %arg8[%dma_wait3A_389, %dma_wait3A_390] : memref<10000x64xf32, #tpu.memory_space<vmem_shared>> -> memref<10000x64xf32, #tpu.memory_space<vmem_shared>>
      tpu.wait_indirect_dma semaphore(%arg16 : memref<!tpu.dma_semaphore, #tpu.memory_space<semaphore_mem>>) src(%dma_wait3A_391 : memref<10000x64xf32, #tpu.memory_space<vmem_shared>>) dst(%dma_wait3A_385 : memref<96x64xf32, #tpu.memory_space<vmem>>)
      %dma_start3A_392 = arith.constant 2 : i32
      %dma_start3A_393 = arith.constant 2 : i32
      %dma_start3A_394 = arith.constant 0 : i32
      %dma_start3A_395 = arith.constant 0 : i32
      %dma_start3A_396 = tpu.memref_slice %arg12[%dma_start3A_392, %dma_start3A_394, %dma_start3A_395] : memref<4x96x64xf32, #tpu.memory_space<vmem>> -> memref<1x96x64xf32, #tpu.memory_space<vmem>>
      %dma_start3A_397 = tpu.memref_squeeze %dma_start3A_396 : memref<1x96x64xf32, #tpu.memory_space<vmem>> -> memref<96x64xf32, #tpu.memory_space<vmem>>
      %dma_start3A_398 = arith.constant 0 : i32
      %dma_start3A_399 = tpu.memref_slice %arg11[%dma_start3A_393, %dma_start3A_398] : memref<8x96xi32, #tpu.memory_space<vmem>> -> memref<1x96xi32, #tpu.memory_space<vmem>>
      %dma_start3A_400 = tpu.memref_squeeze %dma_start3A_399 : memref<1x96xi32, #tpu.memory_space<vmem>> -> memref<96xi32, #tpu.memory_space<vmem>>
      %dma_start3A_401 = arith.constant 0 : i32
      %dma_start3A_402 = arith.constant 0 : i32
      %dma_start3A_403 = tpu.memref_slice %arg7[%dma_start3A_401, %dma_start3A_402] : memref<10240x64xf32, #tpu.memory_space<vmem_shared>> -> memref<10240x64xf32, #tpu.memory_space<vmem_shared>>
      tpu.enqueue_indirect_dma source(%dma_start3A_397 : memref<96x64xf32, #tpu.memory_space<vmem>>) target(%dma_start3A_403 : memref<10240x64xf32, #tpu.memory_space<vmem_shared>>) offsets(%dma_start3A_400 : memref<96xi32, #tpu.memory_space<vmem>>) semaphore(%arg20 : memref<!tpu.dma_semaphore, #tpu.memory_space<semaphore_mem>>) {add = true}
      %eq3A_404 = arith.constant 0 : i32
      %eq3A_405 = arith.cmpi eq, %arg0, %eq3A_404 : i32
      %convert_element_type3A_406 = arith.extui %eq3A_405 : i1 to i32
      %cond3A_407 = arith.constant 0 : i32
      %cond3A_408 = arith.cmpi ne, %convert_element_type3A_406, %cond3A_407 : i32
      scf.if %cond3A_408 {
        %dma_start3A_689 = arith.constant 2 : i32
        %dma_start3A_690 = arith.constant 0 : i32
        %dma_start3A_691 = tpu.memref_slice %arg11[%dma_start3A_689, %dma_start3A_690] : memref<8x96xi32, #tpu.memory_space<vmem>> -> memref<1x96xi32, #tpu.memory_space<vmem>>
        %dma_start3A_692 = tpu.memref_squeeze %dma_start3A_691 : memref<1x96xi32, #tpu.memory_space<vmem>> -> memref<96xi32, #tpu.memory_space<vmem>>
        %dma_start3A_693 = arith.constant 0 : i32
        %dma_start3A_694 = arith.constant 0 : i32
        %dma_start3A_695 = tpu.memref_slice %arg9[%dma_start3A_693, %dma_start3A_694] : memref<10240x16xf32, #tpu.memory_space<vmem_shared>> -> memref<10240x16xf32, #tpu.memory_space<vmem_shared>>
        tpu.enqueue_indirect_dma source(%arg13 : memref<96x16xf32, #tpu.memory_space<vmem>>) target(%dma_start3A_695 : memref<10240x16xf32, #tpu.memory_space<vmem_shared>>) offsets(%dma_start3A_692 : memref<96xi32, #tpu.memory_space<vmem>>) semaphore(%arg24 : memref<!tpu.dma_semaphore, #tpu.memory_space<semaphore_mem>>) {add = true}
      } else {
      }
      %ge3A_409 = arith.constant 1 : i32
      %ge3A_410 = arith.cmpi sge, %add3A_379, %ge3A_409 : i32
      %convert_element_type3A_411 = arith.extui %ge3A_410 : i1 to i32
      %cond3A_412 = arith.constant 0 : i32
      %cond3A_413 = arith.cmpi ne, %convert_element_type3A_411, %cond3A_412 : i32
      scf.if %cond3A_413 {
        %dma_wait3A_689 = arith.constant 1 : i32
        %dma_wait3A_690 = arith.constant 1 : i32
        %dma_wait3A_691 = arith.constant 0 : i32
        %dma_wait3A_692 = arith.constant 0 : i32
        %dma_wait3A_693 = tpu.memref_slice %arg12[%dma_wait3A_689, %dma_wait3A_691, %dma_wait3A_692] : memref<4x96x64xf32, #tpu.memory_space<vmem>> -> memref<1x96x64xf32, #tpu.memory_space<vmem>>
        %dma_wait3A_694 = tpu.memref_squeeze %dma_wait3A_693 : memref<1x96x64xf32, #tpu.memory_space<vmem>> -> memref<96x64xf32, #tpu.memory_space<vmem>>
        %dma_wait3A_695 = arith.constant 0 : i32
        %dma_wait3A_696 = tpu.memref_slice %arg11[%dma_wait3A_690, %dma_wait3A_695] : memref<8x96xi32, #tpu.memory_space<vmem>> -> memref<1x96xi32, #tpu.memory_space<vmem>>
        %dma_wait3A_697 = tpu.memref_squeeze %dma_wait3A_696 : memref<1x96xi32, #tpu.memory_space<vmem>> -> memref<96xi32, #tpu.memory_space<vmem>>
        %dma_wait3A_698 = arith.constant 0 : i32
        %dma_wait3A_699 = arith.constant 0 : i32
        %dma_wait3A_700 = tpu.memref_slice %arg7[%dma_wait3A_698, %dma_wait3A_699] : memref<10240x64xf32, #tpu.memory_space<vmem_shared>> -> memref<10240x64xf32, #tpu.memory_space<vmem_shared>>
        tpu.wait_indirect_dma semaphore(%arg19 : memref<!tpu.dma_semaphore, #tpu.memory_space<semaphore_mem>>) src(%dma_wait3A_694 : memref<96x64xf32, #tpu.memory_space<vmem>>) dst(%dma_wait3A_700 : memref<10240x64xf32, #tpu.memory_space<vmem_shared>>)
        %eq3A_701 = arith.constant 1 : i32
        %eq3A_702 = arith.cmpi eq, %arg0, %eq3A_701 : i32
        %convert_element_type3A_703 = arith.extui %eq3A_702 : i1 to i32
        %cond3A_704 = arith.constant 0 : i32
        %cond3A_705 = arith.cmpi ne, %convert_element_type3A_703, %cond3A_704 : i32
        scf.if %cond3A_705 {
          %dma_wait3A_706 = arith.constant 1 : i32
          %dma_wait3A_707 = arith.constant 0 : i32
          %dma_wait3A_708 = tpu.memref_slice %arg11[%dma_wait3A_706, %dma_wait3A_707] : memref<8x96xi32, #tpu.memory_space<vmem>> -> memref<1x96xi32, #tpu.memory_space<vmem>>
          %dma_wait3A_709 = tpu.memref_squeeze %dma_wait3A_708 : memref<1x96xi32, #tpu.memory_space<vmem>> -> memref<96xi32, #tpu.memory_space<vmem>>
          %dma_wait3A_710 = arith.constant 0 : i32
          %dma_wait3A_711 = arith.constant 0 : i32
          %dma_wait3A_712 = tpu.memref_slice %arg9[%dma_wait3A_710, %dma_wait3A_711] : memref<10240x16xf32, #tpu.memory_space<vmem_shared>> -> memref<10240x16xf32, #tpu.memory_space<vmem_shared>>
          tpu.wait_indirect_dma semaphore(%arg23 : memref<!tpu.dma_semaphore, #tpu.memory_space<semaphore_mem>>) src(%arg13 : memref<96x16xf32, #tpu.memory_space<vmem>>) dst(%dma_wait3A_712 : memref<10240x16xf32, #tpu.memory_space<vmem_shared>>)
        } else {
        }
      } else {
      }
      %add3A_414 = arith.constant 5 : i32
      %add3A_415 = arith.addi %add3A_379, %add3A_414 : i32
      %lt3A_416 = arith.constant 216 : i32
      %lt3A_417 = arith.cmpi slt, %add3A_415, %lt3A_416 : i32
      %convert_element_type3A_418 = arith.extui %lt3A_417 : i1 to i32
      %cond3A_419 = arith.constant 0 : i32
      %cond3A_420 = arith.cmpi ne, %convert_element_type3A_418, %cond3A_419 : i32
      scf.if %cond3A_420 {
        %add3A_689 = arith.constant 5 : i32
        %add3A_690 = arith.addi %add3A_379, %add3A_689 : i32
        %mul3A_691 = arith.constant 96 : i32
        %mul3A_692 = arith.muli %add3A_690, %mul3A_691 : i32
        %add3A_693 = arith.addi %mul3A_39, %mul3A_692 : i32
        %dma_start3A_694 = arith.constant 7 : i32
        %dma_start3A_695 = arith.constant 0 : i32
        %dma_start3A_696 = tpu.memref_slice %arg10[%dma_start3A_694, %dma_start3A_695] : memref<8x96xi32, #tpu.memory_space<vmem>> -> memref<1x96xi32, #tpu.memory_space<vmem>>
        %dma_start3A_697 = tpu.memref_squeeze %dma_start3A_696 : memref<1x96xi32, #tpu.memory_space<vmem>> -> memref<96xi32, #tpu.memory_space<vmem>>
        %dma_start3A_698 = tpu.memref_slice %arg3[%add3A_693] : memref<331776xi32, #tpu.memory_space<hbm>> -> memref<96xi32, #tpu.memory_space<hbm>>
        %dma_start3A_699 = arith.constant 0 : i32
        %dma_start3A_700 = tpu.memref_slice %arg10[%dma_start3A_694, %dma_start3A_699] : memref<8x96xi32, #tpu.memory_space<vmem>> -> memref<1x96xi32, #tpu.memory_space<vmem>>
        %dma_start3A_701 = tpu.memref_squeeze %dma_start3A_700 : memref<1x96xi32, #tpu.memory_space<vmem>> -> memref<96xi32, #tpu.memory_space<vmem>>
        %dma_start3A_702 = tpu.memref_slice %arg3[%add3A_693] : memref<331776xi32, #tpu.memory_space<hbm>> -> memref<96xi32, #tpu.memory_space<hbm>>
        tpu.enqueue_dma source(%dma_start3A_702 : memref<96xi32, #tpu.memory_space<hbm>>) target(%dma_start3A_701 : memref<96xi32, #tpu.memory_space<vmem>>) target_semaphore(%arg33 : memref<!tpu.dma_semaphore, #tpu.memory_space<semaphore_mem>>)
        %mul3A_703 = arith.constant 96 : i32
        %mul3A_704 = arith.muli %add3A_690, %mul3A_703 : i32
        %add3A_705 = arith.addi %mul3A_39, %mul3A_704 : i32
        %dma_start3A_706 = arith.constant 7 : i32
        %dma_start3A_707 = arith.constant 0 : i32
        %dma_start3A_708 = tpu.memref_slice %arg11[%dma_start3A_706, %dma_start3A_707] : memref<8x96xi32, #tpu.memory_space<vmem>> -> memref<1x96xi32, #tpu.memory_space<vmem>>
        %dma_start3A_709 = tpu.memref_squeeze %dma_start3A_708 : memref<1x96xi32, #tpu.memory_space<vmem>> -> memref<96xi32, #tpu.memory_space<vmem>>
        %dma_start3A_710 = tpu.memref_slice %arg4[%add3A_705] : memref<331776xi32, #tpu.memory_space<hbm>> -> memref<96xi32, #tpu.memory_space<hbm>>
        %dma_start3A_711 = arith.constant 0 : i32
        %dma_start3A_712 = tpu.memref_slice %arg11[%dma_start3A_706, %dma_start3A_711] : memref<8x96xi32, #tpu.memory_space<vmem>> -> memref<1x96xi32, #tpu.memory_space<vmem>>
        %dma_start3A_713 = tpu.memref_squeeze %dma_start3A_712 : memref<1x96xi32, #tpu.memory_space<vmem>> -> memref<96xi32, #tpu.memory_space<vmem>>
        %dma_start3A_714 = tpu.memref_slice %arg4[%add3A_705] : memref<331776xi32, #tpu.memory_space<hbm>> -> memref<96xi32, #tpu.memory_space<hbm>>
        tpu.enqueue_dma source(%dma_start3A_714 : memref<96xi32, #tpu.memory_space<hbm>>) target(%dma_start3A_713 : memref<96xi32, #tpu.memory_space<vmem>>) target_semaphore(%arg33 : memref<!tpu.dma_semaphore, #tpu.memory_space<semaphore_mem>>)
      } else {
      }
      %add3A_421 = arith.constant 3 : i32
      %add3A_422 = arith.addi %add3A_379, %add3A_421 : i32
      %lt3A_423 = arith.constant 216 : i32
      %lt3A_424 = arith.cmpi slt, %add3A_422, %lt3A_423 : i32
      %convert_element_type3A_425 = arith.extui %lt3A_424 : i1 to i32
      %cond3A_426 = arith.constant 0 : i32
      %cond3A_427 = arith.cmpi ne, %convert_element_type3A_425, %cond3A_426 : i32
      scf.if %cond3A_427 {
        %add3A_689 = arith.constant 3 : i32
        %add3A_690 = arith.addi %add3A_379, %add3A_689 : i32
        %mul3A_691 = arith.constant 96 : i32
        %mul3A_692 = arith.muli %add3A_690, %mul3A_691 : i32
        %add3A_693 = arith.addi %mul3A_39, %mul3A_692 : i32
        %dma_wait3A_694 = arith.constant 5 : i32
        %dma_wait3A_695 = arith.constant 0 : i32
        %dma_wait3A_696 = tpu.memref_slice %arg10[%dma_wait3A_694, %dma_wait3A_695] : memref<8x96xi32, #tpu.memory_space<vmem>> -> memref<1x96xi32, #tpu.memory_space<vmem>>
        %dma_wait3A_697 = tpu.memref_squeeze %dma_wait3A_696 : memref<1x96xi32, #tpu.memory_space<vmem>> -> memref<96xi32, #tpu.memory_space<vmem>>
        %dma_wait3A_698 = tpu.memref_slice %arg3[%add3A_693] : memref<331776xi32, #tpu.memory_space<hbm>> -> memref<96xi32, #tpu.memory_space<hbm>>
        %dma_wait3A_699 = arith.constant 0 : i32
        %dma_wait3A_700 = tpu.memref_slice %arg10[%dma_wait3A_694, %dma_wait3A_699] : memref<8x96xi32, #tpu.memory_space<vmem>> -> memref<1x96xi32, #tpu.memory_space<vmem>>
        %dma_wait3A_701 = tpu.memref_squeeze %dma_wait3A_700 : memref<1x96xi32, #tpu.memory_space<vmem>> -> memref<96xi32, #tpu.memory_space<vmem>>
        %dma_wait3A_702 = tpu.memref_slice %arg3[%add3A_693] : memref<331776xi32, #tpu.memory_space<hbm>> -> memref<96xi32, #tpu.memory_space<hbm>>
        tpu.wait_dma2 semaphore(%arg31 : memref<!tpu.dma_semaphore, #tpu.memory_space<semaphore_mem>>) src(%dma_wait3A_702 : memref<96xi32, #tpu.memory_space<hbm>>) dst(%dma_wait3A_701 : memref<96xi32, #tpu.memory_space<vmem>>)
        %mul3A_703 = arith.constant 96 : i32
        %mul3A_704 = arith.muli %add3A_690, %mul3A_703 : i32
        %add3A_705 = arith.addi %mul3A_39, %mul3A_704 : i32
        %dma_wait3A_706 = arith.constant 5 : i32
        %dma_wait3A_707 = arith.constant 0 : i32
        %dma_wait3A_708 = tpu.memref_slice %arg11[%dma_wait3A_706, %dma_wait3A_707] : memref<8x96xi32, #tpu.memory_space<vmem>> -> memref<1x96xi32, #tpu.memory_space<vmem>>
        %dma_wait3A_709 = tpu.memref_squeeze %dma_wait3A_708 : memref<1x96xi32, #tpu.memory_space<vmem>> -> memref<96xi32, #tpu.memory_space<vmem>>
        %dma_wait3A_710 = tpu.memref_slice %arg4[%add3A_705] : memref<331776xi32, #tpu.memory_space<hbm>> -> memref<96xi32, #tpu.memory_space<hbm>>
        %dma_wait3A_711 = arith.constant 0 : i32
        %dma_wait3A_712 = tpu.memref_slice %arg11[%dma_wait3A_706, %dma_wait3A_711] : memref<8x96xi32, #tpu.memory_space<vmem>> -> memref<1x96xi32, #tpu.memory_space<vmem>>
        %dma_wait3A_713 = tpu.memref_squeeze %dma_wait3A_712 : memref<1x96xi32, #tpu.memory_space<vmem>> -> memref<96xi32, #tpu.memory_space<vmem>>
        %dma_wait3A_714 = tpu.memref_slice %arg4[%add3A_705] : memref<331776xi32, #tpu.memory_space<hbm>> -> memref<96xi32, #tpu.memory_space<hbm>>
        tpu.wait_dma2 semaphore(%arg31 : memref<!tpu.dma_semaphore, #tpu.memory_space<semaphore_mem>>) src(%dma_wait3A_714 : memref<96xi32, #tpu.memory_space<hbm>>) dst(%dma_wait3A_713 : memref<96xi32, #tpu.memory_space<vmem>>)
        %dma_start3A_715 = arith.constant 5 : i32
        %dma_start3A_716 = arith.constant 1 : i32
        %dma_start3A_717 = arith.constant 0 : i32
        %dma_start3A_718 = arith.constant 0 : i32
        %dma_start3A_719 = tpu.memref_slice %arg12[%dma_start3A_716, %dma_start3A_717, %dma_start3A_718] : memref<4x96x64xf32, #tpu.memory_space<vmem>> -> memref<1x96x64xf32, #tpu.memory_space<vmem>>
        %dma_start3A_720 = tpu.memref_squeeze %dma_start3A_719 : memref<1x96x64xf32, #tpu.memory_space<vmem>> -> memref<96x64xf32, #tpu.memory_space<vmem>>
        %dma_start3A_721 = arith.constant 0 : i32
        %dma_start3A_722 = tpu.memref_slice %arg10[%dma_start3A_715, %dma_start3A_721] : memref<8x96xi32, #tpu.memory_space<vmem>> -> memref<1x96xi32, #tpu.memory_space<vmem>>
        %dma_start3A_723 = tpu.memref_squeeze %dma_start3A_722 : memref<1x96xi32, #tpu.memory_space<vmem>> -> memref<96xi32, #tpu.memory_space<vmem>>
        %dma_start3A_724 = arith.constant 0 : i32
        %dma_start3A_725 = arith.constant 0 : i32
        %dma_start3A_726 = tpu.memref_slice %arg8[%dma_start3A_724, %dma_start3A_725] : memref<10000x64xf32, #tpu.memory_space<vmem_shared>> -> memref<10000x64xf32, #tpu.memory_space<vmem_shared>>
        tpu.enqueue_indirect_dma source(%dma_start3A_726 : memref<10000x64xf32, #tpu.memory_space<vmem_shared>>) target(%dma_start3A_720 : memref<96x64xf32, #tpu.memory_space<vmem>>) offsets(%dma_start3A_723 : memref<96xi32, #tpu.memory_space<vmem>>) semaphore(%arg15 : memref<!tpu.dma_semaphore, #tpu.memory_space<semaphore_mem>>)
      } else {
      }
      %mul3A_428 = arith.constant 8 : i32
      %mul3A_429 = arith.muli %mul3A_428, %scan3A_272 : i32
      %add3A_430 = arith.constant 3 : i32
      %add3A_431 = arith.addi %mul3A_429, %add3A_430 : i32
      %dma_wait3A_432 = arith.constant 3 : i32
      %dma_wait3A_433 = arith.constant 3 : i32
      %dma_wait3A_434 = arith.constant 0 : i32
      %dma_wait3A_435 = arith.constant 0 : i32
      %dma_wait3A_436 = tpu.memref_slice %arg12[%dma_wait3A_433, %dma_wait3A_434, %dma_wait3A_435] : memref<4x96x64xf32, #tpu.memory_space<vmem>> -> memref<1x96x64xf32, #tpu.memory_space<vmem>>
      %dma_wait3A_437 = tpu.memref_squeeze %dma_wait3A_436 : memref<1x96x64xf32, #tpu.memory_space<vmem>> -> memref<96x64xf32, #tpu.memory_space<vmem>>
      %dma_wait3A_438 = arith.constant 0 : i32
      %dma_wait3A_439 = tpu.memref_slice %arg10[%dma_wait3A_432, %dma_wait3A_438] : memref<8x96xi32, #tpu.memory_space<vmem>> -> memref<1x96xi32, #tpu.memory_space<vmem>>
      %dma_wait3A_440 = tpu.memref_squeeze %dma_wait3A_439 : memref<1x96xi32, #tpu.memory_space<vmem>> -> memref<96xi32, #tpu.memory_space<vmem>>
      %dma_wait3A_441 = arith.constant 0 : i32
      %dma_wait3A_442 = arith.constant 0 : i32
      %dma_wait3A_443 = tpu.memref_slice %arg8[%dma_wait3A_441, %dma_wait3A_442] : memref<10000x64xf32, #tpu.memory_space<vmem_shared>> -> memref<10000x64xf32, #tpu.memory_space<vmem_shared>>
      tpu.wait_indirect_dma semaphore(%arg17 : memref<!tpu.dma_semaphore, #tpu.memory_space<semaphore_mem>>) src(%dma_wait3A_443 : memref<10000x64xf32, #tpu.memory_space<vmem_shared>>) dst(%dma_wait3A_437 : memref<96x64xf32, #tpu.memory_space<vmem>>)
      %dma_start3A_444 = arith.constant 3 : i32
      %dma_start3A_445 = arith.constant 3 : i32
      %dma_start3A_446 = arith.constant 0 : i32
      %dma_start3A_447 = arith.constant 0 : i32
      %dma_start3A_448 = tpu.memref_slice %arg12[%dma_start3A_444, %dma_start3A_446, %dma_start3A_447] : memref<4x96x64xf32, #tpu.memory_space<vmem>> -> memref<1x96x64xf32, #tpu.memory_space<vmem>>
      %dma_start3A_449 = tpu.memref_squeeze %dma_start3A_448 : memref<1x96x64xf32, #tpu.memory_space<vmem>> -> memref<96x64xf32, #tpu.memory_space<vmem>>
      %dma_start3A_450 = arith.constant 0 : i32
      %dma_start3A_451 = tpu.memref_slice %arg11[%dma_start3A_445, %dma_start3A_450] : memref<8x96xi32, #tpu.memory_space<vmem>> -> memref<1x96xi32, #tpu.memory_space<vmem>>
      %dma_start3A_452 = tpu.memref_squeeze %dma_start3A_451 : memref<1x96xi32, #tpu.memory_space<vmem>> -> memref<96xi32, #tpu.memory_space<vmem>>
      %dma_start3A_453 = arith.constant 0 : i32
      %dma_start3A_454 = arith.constant 0 : i32
      %dma_start3A_455 = tpu.memref_slice %arg7[%dma_start3A_453, %dma_start3A_454] : memref<10240x64xf32, #tpu.memory_space<vmem_shared>> -> memref<10240x64xf32, #tpu.memory_space<vmem_shared>>
      tpu.enqueue_indirect_dma source(%dma_start3A_449 : memref<96x64xf32, #tpu.memory_space<vmem>>) target(%dma_start3A_455 : memref<10240x64xf32, #tpu.memory_space<vmem_shared>>) offsets(%dma_start3A_452 : memref<96xi32, #tpu.memory_space<vmem>>) semaphore(%arg21 : memref<!tpu.dma_semaphore, #tpu.memory_space<semaphore_mem>>) {add = true}
      %eq3A_456 = arith.constant 1 : i32
      %eq3A_457 = arith.cmpi eq, %arg0, %eq3A_456 : i32
      %convert_element_type3A_458 = arith.extui %eq3A_457 : i1 to i32
      %cond3A_459 = arith.constant 0 : i32
      %cond3A_460 = arith.cmpi ne, %convert_element_type3A_458, %cond3A_459 : i32
      scf.if %cond3A_460 {
        %dma_start3A_689 = arith.constant 3 : i32
        %dma_start3A_690 = arith.constant 0 : i32
        %dma_start3A_691 = tpu.memref_slice %arg11[%dma_start3A_689, %dma_start3A_690] : memref<8x96xi32, #tpu.memory_space<vmem>> -> memref<1x96xi32, #tpu.memory_space<vmem>>
        %dma_start3A_692 = tpu.memref_squeeze %dma_start3A_691 : memref<1x96xi32, #tpu.memory_space<vmem>> -> memref<96xi32, #tpu.memory_space<vmem>>
        %dma_start3A_693 = arith.constant 0 : i32
        %dma_start3A_694 = arith.constant 0 : i32
        %dma_start3A_695 = tpu.memref_slice %arg9[%dma_start3A_693, %dma_start3A_694] : memref<10240x16xf32, #tpu.memory_space<vmem_shared>> -> memref<10240x16xf32, #tpu.memory_space<vmem_shared>>
        tpu.enqueue_indirect_dma source(%arg13 : memref<96x16xf32, #tpu.memory_space<vmem>>) target(%dma_start3A_695 : memref<10240x16xf32, #tpu.memory_space<vmem_shared>>) offsets(%dma_start3A_692 : memref<96xi32, #tpu.memory_space<vmem>>) semaphore(%arg25 : memref<!tpu.dma_semaphore, #tpu.memory_space<semaphore_mem>>) {add = true}
      } else {
      }
      %ge3A_461 = arith.constant 1 : i32
      %ge3A_462 = arith.cmpi sge, %add3A_431, %ge3A_461 : i32
      %convert_element_type3A_463 = arith.extui %ge3A_462 : i1 to i32
      %cond3A_464 = arith.constant 0 : i32
      %cond3A_465 = arith.cmpi ne, %convert_element_type3A_463, %cond3A_464 : i32
      scf.if %cond3A_465 {
        %dma_wait3A_689 = arith.constant 2 : i32
        %dma_wait3A_690 = arith.constant 2 : i32
        %dma_wait3A_691 = arith.constant 0 : i32
        %dma_wait3A_692 = arith.constant 0 : i32
        %dma_wait3A_693 = tpu.memref_slice %arg12[%dma_wait3A_689, %dma_wait3A_691, %dma_wait3A_692] : memref<4x96x64xf32, #tpu.memory_space<vmem>> -> memref<1x96x64xf32, #tpu.memory_space<vmem>>
        %dma_wait3A_694 = tpu.memref_squeeze %dma_wait3A_693 : memref<1x96x64xf32, #tpu.memory_space<vmem>> -> memref<96x64xf32, #tpu.memory_space<vmem>>
        %dma_wait3A_695 = arith.constant 0 : i32
        %dma_wait3A_696 = tpu.memref_slice %arg11[%dma_wait3A_690, %dma_wait3A_695] : memref<8x96xi32, #tpu.memory_space<vmem>> -> memref<1x96xi32, #tpu.memory_space<vmem>>
        %dma_wait3A_697 = tpu.memref_squeeze %dma_wait3A_696 : memref<1x96xi32, #tpu.memory_space<vmem>> -> memref<96xi32, #tpu.memory_space<vmem>>
        %dma_wait3A_698 = arith.constant 0 : i32
        %dma_wait3A_699 = arith.constant 0 : i32
        %dma_wait3A_700 = tpu.memref_slice %arg7[%dma_wait3A_698, %dma_wait3A_699] : memref<10240x64xf32, #tpu.memory_space<vmem_shared>> -> memref<10240x64xf32, #tpu.memory_space<vmem_shared>>
        tpu.wait_indirect_dma semaphore(%arg20 : memref<!tpu.dma_semaphore, #tpu.memory_space<semaphore_mem>>) src(%dma_wait3A_694 : memref<96x64xf32, #tpu.memory_space<vmem>>) dst(%dma_wait3A_700 : memref<10240x64xf32, #tpu.memory_space<vmem_shared>>)
        %eq3A_701 = arith.constant 0 : i32
        %eq3A_702 = arith.cmpi eq, %arg0, %eq3A_701 : i32
        %convert_element_type3A_703 = arith.extui %eq3A_702 : i1 to i32
        %cond3A_704 = arith.constant 0 : i32
        %cond3A_705 = arith.cmpi ne, %convert_element_type3A_703, %cond3A_704 : i32
        scf.if %cond3A_705 {
          %dma_wait3A_706 = arith.constant 2 : i32
          %dma_wait3A_707 = arith.constant 0 : i32
          %dma_wait3A_708 = tpu.memref_slice %arg11[%dma_wait3A_706, %dma_wait3A_707] : memref<8x96xi32, #tpu.memory_space<vmem>> -> memref<1x96xi32, #tpu.memory_space<vmem>>
          %dma_wait3A_709 = tpu.memref_squeeze %dma_wait3A_708 : memref<1x96xi32, #tpu.memory_space<vmem>> -> memref<96xi32, #tpu.memory_space<vmem>>
          %dma_wait3A_710 = arith.constant 0 : i32
          %dma_wait3A_711 = arith.constant 0 : i32
          %dma_wait3A_712 = tpu.memref_slice %arg9[%dma_wait3A_710, %dma_wait3A_711] : memref<10240x16xf32, #tpu.memory_space<vmem_shared>> -> memref<10240x16xf32, #tpu.memory_space<vmem_shared>>
          tpu.wait_indirect_dma semaphore(%arg24 : memref<!tpu.dma_semaphore, #tpu.memory_space<semaphore_mem>>) src(%arg13 : memref<96x16xf32, #tpu.memory_space<vmem>>) dst(%dma_wait3A_712 : memref<10240x16xf32, #tpu.memory_space<vmem_shared>>)
        } else {
        }
      } else {
      }
      %add3A_466 = arith.constant 5 : i32
      %add3A_467 = arith.addi %add3A_431, %add3A_466 : i32
      %lt3A_468 = arith.constant 216 : i32
      %lt3A_469 = arith.cmpi slt, %add3A_467, %lt3A_468 : i32
      %convert_element_type3A_470 = arith.extui %lt3A_469 : i1 to i32
      %cond3A_471 = arith.constant 0 : i32
      %cond3A_472 = arith.cmpi ne, %convert_element_type3A_470, %cond3A_471 : i32
      scf.if %cond3A_472 {
        %add3A_689 = arith.constant 5 : i32
        %add3A_690 = arith.addi %add3A_431, %add3A_689 : i32
        %mul3A_691 = arith.constant 96 : i32
        %mul3A_692 = arith.muli %add3A_690, %mul3A_691 : i32
        %add3A_693 = arith.addi %mul3A_39, %mul3A_692 : i32
        %dma_start3A_694 = arith.constant 0 : i32
        %dma_start3A_695 = arith.constant 0 : i32
        %dma_start3A_696 = tpu.memref_slice %arg10[%dma_start3A_694, %dma_start3A_695] : memref<8x96xi32, #tpu.memory_space<vmem>> -> memref<1x96xi32, #tpu.memory_space<vmem>>
        %dma_start3A_697 = tpu.memref_squeeze %dma_start3A_696 : memref<1x96xi32, #tpu.memory_space<vmem>> -> memref<96xi32, #tpu.memory_space<vmem>>
        %dma_start3A_698 = tpu.memref_slice %arg3[%add3A_693] : memref<331776xi32, #tpu.memory_space<hbm>> -> memref<96xi32, #tpu.memory_space<hbm>>
        %dma_start3A_699 = arith.constant 0 : i32
        %dma_start3A_700 = tpu.memref_slice %arg10[%dma_start3A_694, %dma_start3A_699] : memref<8x96xi32, #tpu.memory_space<vmem>> -> memref<1x96xi32, #tpu.memory_space<vmem>>
        %dma_start3A_701 = tpu.memref_squeeze %dma_start3A_700 : memref<1x96xi32, #tpu.memory_space<vmem>> -> memref<96xi32, #tpu.memory_space<vmem>>
        %dma_start3A_702 = tpu.memref_slice %arg3[%add3A_693] : memref<331776xi32, #tpu.memory_space<hbm>> -> memref<96xi32, #tpu.memory_space<hbm>>
        tpu.enqueue_dma source(%dma_start3A_702 : memref<96xi32, #tpu.memory_space<hbm>>) target(%dma_start3A_701 : memref<96xi32, #tpu.memory_space<vmem>>) target_semaphore(%arg26 : memref<!tpu.dma_semaphore, #tpu.memory_space<semaphore_mem>>)
        %mul3A_703 = arith.constant 96 : i32
        %mul3A_704 = arith.muli %add3A_690, %mul3A_703 : i32
        %add3A_705 = arith.addi %mul3A_39, %mul3A_704 : i32
        %dma_start3A_706 = arith.constant 0 : i32
        %dma_start3A_707 = arith.constant 0 : i32
        %dma_start3A_708 = tpu.memref_slice %arg11[%dma_start3A_706, %dma_start3A_707] : memref<8x96xi32, #tpu.memory_space<vmem>> -> memref<1x96xi32, #tpu.memory_space<vmem>>
        %dma_start3A_709 = tpu.memref_squeeze %dma_start3A_708 : memref<1x96xi32, #tpu.memory_space<vmem>> -> memref<96xi32, #tpu.memory_space<vmem>>
        %dma_start3A_710 = tpu.memref_slice %arg4[%add3A_705] : memref<331776xi32, #tpu.memory_space<hbm>> -> memref<96xi32, #tpu.memory_space<hbm>>
        %dma_start3A_711 = arith.constant 0 : i32
        %dma_start3A_712 = tpu.memref_slice %arg11[%dma_start3A_706, %dma_start3A_711] : memref<8x96xi32, #tpu.memory_space<vmem>> -> memref<1x96xi32, #tpu.memory_space<vmem>>
        %dma_start3A_713 = tpu.memref_squeeze %dma_start3A_712 : memref<1x96xi32, #tpu.memory_space<vmem>> -> memref<96xi32, #tpu.memory_space<vmem>>
        %dma_start3A_714 = tpu.memref_slice %arg4[%add3A_705] : memref<331776xi32, #tpu.memory_space<hbm>> -> memref<96xi32, #tpu.memory_space<hbm>>
        tpu.enqueue_dma source(%dma_start3A_714 : memref<96xi32, #tpu.memory_space<hbm>>) target(%dma_start3A_713 : memref<96xi32, #tpu.memory_space<vmem>>) target_semaphore(%arg26 : memref<!tpu.dma_semaphore, #tpu.memory_space<semaphore_mem>>)
      } else {
      }
      %add3A_473 = arith.constant 3 : i32
      %add3A_474 = arith.addi %add3A_431, %add3A_473 : i32
      %lt3A_475 = arith.constant 216 : i32
      %lt3A_476 = arith.cmpi slt, %add3A_474, %lt3A_475 : i32
      %convert_element_type3A_477 = arith.extui %lt3A_476 : i1 to i32
      %cond3A_478 = arith.constant 0 : i32
      %cond3A_479 = arith.cmpi ne, %convert_element_type3A_477, %cond3A_478 : i32
      scf.if %cond3A_479 {
        %add3A_689 = arith.constant 3 : i32
        %add3A_690 = arith.addi %add3A_431, %add3A_689 : i32
        %mul3A_691 = arith.constant 96 : i32
        %mul3A_692 = arith.muli %add3A_690, %mul3A_691 : i32
        %add3A_693 = arith.addi %mul3A_39, %mul3A_692 : i32
        %dma_wait3A_694 = arith.constant 6 : i32
        %dma_wait3A_695 = arith.constant 0 : i32
        %dma_wait3A_696 = tpu.memref_slice %arg10[%dma_wait3A_694, %dma_wait3A_695] : memref<8x96xi32, #tpu.memory_space<vmem>> -> memref<1x96xi32, #tpu.memory_space<vmem>>
        %dma_wait3A_697 = tpu.memref_squeeze %dma_wait3A_696 : memref<1x96xi32, #tpu.memory_space<vmem>> -> memref<96xi32, #tpu.memory_space<vmem>>
        %dma_wait3A_698 = tpu.memref_slice %arg3[%add3A_693] : memref<331776xi32, #tpu.memory_space<hbm>> -> memref<96xi32, #tpu.memory_space<hbm>>
        %dma_wait3A_699 = arith.constant 0 : i32
        %dma_wait3A_700 = tpu.memref_slice %arg10[%dma_wait3A_694, %dma_wait3A_699] : memref<8x96xi32, #tpu.memory_space<vmem>> -> memref<1x96xi32, #tpu.memory_space<vmem>>
        %dma_wait3A_701 = tpu.memref_squeeze %dma_wait3A_700 : memref<1x96xi32, #tpu.memory_space<vmem>> -> memref<96xi32, #tpu.memory_space<vmem>>
        %dma_wait3A_702 = tpu.memref_slice %arg3[%add3A_693] : memref<331776xi32, #tpu.memory_space<hbm>> -> memref<96xi32, #tpu.memory_space<hbm>>
        tpu.wait_dma2 semaphore(%arg32 : memref<!tpu.dma_semaphore, #tpu.memory_space<semaphore_mem>>) src(%dma_wait3A_702 : memref<96xi32, #tpu.memory_space<hbm>>) dst(%dma_wait3A_701 : memref<96xi32, #tpu.memory_space<vmem>>)
        %mul3A_703 = arith.constant 96 : i32
        %mul3A_704 = arith.muli %add3A_690, %mul3A_703 : i32
        %add3A_705 = arith.addi %mul3A_39, %mul3A_704 : i32
        %dma_wait3A_706 = arith.constant 6 : i32
        %dma_wait3A_707 = arith.constant 0 : i32
        %dma_wait3A_708 = tpu.memref_slice %arg11[%dma_wait3A_706, %dma_wait3A_707] : memref<8x96xi32, #tpu.memory_space<vmem>> -> memref<1x96xi32, #tpu.memory_space<vmem>>
        %dma_wait3A_709 = tpu.memref_squeeze %dma_wait3A_708 : memref<1x96xi32, #tpu.memory_space<vmem>> -> memref<96xi32, #tpu.memory_space<vmem>>
        %dma_wait3A_710 = tpu.memref_slice %arg4[%add3A_705] : memref<331776xi32, #tpu.memory_space<hbm>> -> memref<96xi32, #tpu.memory_space<hbm>>
        %dma_wait3A_711 = arith.constant 0 : i32
        %dma_wait3A_712 = tpu.memref_slice %arg11[%dma_wait3A_706, %dma_wait3A_711] : memref<8x96xi32, #tpu.memory_space<vmem>> -> memref<1x96xi32, #tpu.memory_space<vmem>>
        %dma_wait3A_713 = tpu.memref_squeeze %dma_wait3A_712 : memref<1x96xi32, #tpu.memory_space<vmem>> -> memref<96xi32, #tpu.memory_space<vmem>>
        %dma_wait3A_714 = tpu.memref_slice %arg4[%add3A_705] : memref<331776xi32, #tpu.memory_space<hbm>> -> memref<96xi32, #tpu.memory_space<hbm>>
        tpu.wait_dma2 semaphore(%arg32 : memref<!tpu.dma_semaphore, #tpu.memory_space<semaphore_mem>>) src(%dma_wait3A_714 : memref<96xi32, #tpu.memory_space<hbm>>) dst(%dma_wait3A_713 : memref<96xi32, #tpu.memory_space<vmem>>)
        %dma_start3A_715 = arith.constant 6 : i32
        %dma_start3A_716 = arith.constant 2 : i32
        %dma_start3A_717 = arith.constant 0 : i32
        %dma_start3A_718 = arith.constant 0 : i32
        %dma_start3A_719 = tpu.memref_slice %arg12[%dma_start3A_716, %dma_start3A_717, %dma_start3A_718] : memref<4x96x64xf32, #tpu.memory_space<vmem>> -> memref<1x96x64xf32, #tpu.memory_space<vmem>>
        %dma_start3A_720 = tpu.memref_squeeze %dma_start3A_719 : memref<1x96x64xf32, #tpu.memory_space<vmem>> -> memref<96x64xf32, #tpu.memory_space<vmem>>
        %dma_start3A_721 = arith.constant 0 : i32
        %dma_start3A_722 = tpu.memref_slice %arg10[%dma_start3A_715, %dma_start3A_721] : memref<8x96xi32, #tpu.memory_space<vmem>> -> memref<1x96xi32, #tpu.memory_space<vmem>>
        %dma_start3A_723 = tpu.memref_squeeze %dma_start3A_722 : memref<1x96xi32, #tpu.memory_space<vmem>> -> memref<96xi32, #tpu.memory_space<vmem>>
        %dma_start3A_724 = arith.constant 0 : i32
        %dma_start3A_725 = arith.constant 0 : i32
        %dma_start3A_726 = tpu.memref_slice %arg8[%dma_start3A_724, %dma_start3A_725] : memref<10000x64xf32, #tpu.memory_space<vmem_shared>> -> memref<10000x64xf32, #tpu.memory_space<vmem_shared>>
        tpu.enqueue_indirect_dma source(%dma_start3A_726 : memref<10000x64xf32, #tpu.memory_space<vmem_shared>>) target(%dma_start3A_720 : memref<96x64xf32, #tpu.memory_space<vmem>>) offsets(%dma_start3A_723 : memref<96xi32, #tpu.memory_space<vmem>>) semaphore(%arg16 : memref<!tpu.dma_semaphore, #tpu.memory_space<semaphore_mem>>)
      } else {
      }
      %mul3A_480 = arith.constant 8 : i32
      %mul3A_481 = arith.muli %mul3A_480, %scan3A_272 : i32
      %add3A_482 = arith.constant 4 : i32
      %add3A_483 = arith.addi %mul3A_481, %add3A_482 : i32
      %dma_wait3A_484 = arith.constant 4 : i32
      %dma_wait3A_485 = arith.constant 0 : i32
      %dma_wait3A_486 = arith.constant 0 : i32
      %dma_wait3A_487 = arith.constant 0 : i32
      %dma_wait3A_488 = tpu.memref_slice %arg12[%dma_wait3A_485, %dma_wait3A_486, %dma_wait3A_487] : memref<4x96x64xf32, #tpu.memory_space<vmem>> -> memref<1x96x64xf32, #tpu.memory_space<vmem>>
      %dma_wait3A_489 = tpu.memref_squeeze %dma_wait3A_488 : memref<1x96x64xf32, #tpu.memory_space<vmem>> -> memref<96x64xf32, #tpu.memory_space<vmem>>
      %dma_wait3A_490 = arith.constant 0 : i32
      %dma_wait3A_491 = tpu.memref_slice %arg10[%dma_wait3A_484, %dma_wait3A_490] : memref<8x96xi32, #tpu.memory_space<vmem>> -> memref<1x96xi32, #tpu.memory_space<vmem>>
      %dma_wait3A_492 = tpu.memref_squeeze %dma_wait3A_491 : memref<1x96xi32, #tpu.memory_space<vmem>> -> memref<96xi32, #tpu.memory_space<vmem>>
      %dma_wait3A_493 = arith.constant 0 : i32
      %dma_wait3A_494 = arith.constant 0 : i32
      %dma_wait3A_495 = tpu.memref_slice %arg8[%dma_wait3A_493, %dma_wait3A_494] : memref<10000x64xf32, #tpu.memory_space<vmem_shared>> -> memref<10000x64xf32, #tpu.memory_space<vmem_shared>>
      tpu.wait_indirect_dma semaphore(%arg14 : memref<!tpu.dma_semaphore, #tpu.memory_space<semaphore_mem>>) src(%dma_wait3A_495 : memref<10000x64xf32, #tpu.memory_space<vmem_shared>>) dst(%dma_wait3A_489 : memref<96x64xf32, #tpu.memory_space<vmem>>)
      %dma_start3A_496 = arith.constant 0 : i32
      %dma_start3A_497 = arith.constant 4 : i32
      %dma_start3A_498 = arith.constant 0 : i32
      %dma_start3A_499 = arith.constant 0 : i32
      %dma_start3A_500 = tpu.memref_slice %arg12[%dma_start3A_496, %dma_start3A_498, %dma_start3A_499] : memref<4x96x64xf32, #tpu.memory_space<vmem>> -> memref<1x96x64xf32, #tpu.memory_space<vmem>>
      %dma_start3A_501 = tpu.memref_squeeze %dma_start3A_500 : memref<1x96x64xf32, #tpu.memory_space<vmem>> -> memref<96x64xf32, #tpu.memory_space<vmem>>
      %dma_start3A_502 = arith.constant 0 : i32
      %dma_start3A_503 = tpu.memref_slice %arg11[%dma_start3A_497, %dma_start3A_502] : memref<8x96xi32, #tpu.memory_space<vmem>> -> memref<1x96xi32, #tpu.memory_space<vmem>>
      %dma_start3A_504 = tpu.memref_squeeze %dma_start3A_503 : memref<1x96xi32, #tpu.memory_space<vmem>> -> memref<96xi32, #tpu.memory_space<vmem>>
      %dma_start3A_505 = arith.constant 0 : i32
      %dma_start3A_506 = arith.constant 0 : i32
      %dma_start3A_507 = tpu.memref_slice %arg7[%dma_start3A_505, %dma_start3A_506] : memref<10240x64xf32, #tpu.memory_space<vmem_shared>> -> memref<10240x64xf32, #tpu.memory_space<vmem_shared>>
      tpu.enqueue_indirect_dma source(%dma_start3A_501 : memref<96x64xf32, #tpu.memory_space<vmem>>) target(%dma_start3A_507 : memref<10240x64xf32, #tpu.memory_space<vmem_shared>>) offsets(%dma_start3A_504 : memref<96xi32, #tpu.memory_space<vmem>>) semaphore(%arg18 : memref<!tpu.dma_semaphore, #tpu.memory_space<semaphore_mem>>) {add = true}
      %eq3A_508 = arith.constant 0 : i32
      %eq3A_509 = arith.cmpi eq, %arg0, %eq3A_508 : i32
      %convert_element_type3A_510 = arith.extui %eq3A_509 : i1 to i32
      %cond3A_511 = arith.constant 0 : i32
      %cond3A_512 = arith.cmpi ne, %convert_element_type3A_510, %cond3A_511 : i32
      scf.if %cond3A_512 {
        %dma_start3A_689 = arith.constant 4 : i32
        %dma_start3A_690 = arith.constant 0 : i32
        %dma_start3A_691 = tpu.memref_slice %arg11[%dma_start3A_689, %dma_start3A_690] : memref<8x96xi32, #tpu.memory_space<vmem>> -> memref<1x96xi32, #tpu.memory_space<vmem>>
        %dma_start3A_692 = tpu.memref_squeeze %dma_start3A_691 : memref<1x96xi32, #tpu.memory_space<vmem>> -> memref<96xi32, #tpu.memory_space<vmem>>
        %dma_start3A_693 = arith.constant 0 : i32
        %dma_start3A_694 = arith.constant 0 : i32
        %dma_start3A_695 = tpu.memref_slice %arg9[%dma_start3A_693, %dma_start3A_694] : memref<10240x16xf32, #tpu.memory_space<vmem_shared>> -> memref<10240x16xf32, #tpu.memory_space<vmem_shared>>
        tpu.enqueue_indirect_dma source(%arg13 : memref<96x16xf32, #tpu.memory_space<vmem>>) target(%dma_start3A_695 : memref<10240x16xf32, #tpu.memory_space<vmem_shared>>) offsets(%dma_start3A_692 : memref<96xi32, #tpu.memory_space<vmem>>) semaphore(%arg22 : memref<!tpu.dma_semaphore, #tpu.memory_space<semaphore_mem>>) {add = true}
      } else {
      }
      %ge3A_513 = arith.constant 1 : i32
      %ge3A_514 = arith.cmpi sge, %add3A_483, %ge3A_513 : i32
      %convert_element_type3A_515 = arith.extui %ge3A_514 : i1 to i32
      %cond3A_516 = arith.constant 0 : i32
      %cond3A_517 = arith.cmpi ne, %convert_element_type3A_515, %cond3A_516 : i32
      scf.if %cond3A_517 {
        %dma_wait3A_689 = arith.constant 3 : i32
        %dma_wait3A_690 = arith.constant 3 : i32
        %dma_wait3A_691 = arith.constant 0 : i32
        %dma_wait3A_692 = arith.constant 0 : i32
        %dma_wait3A_693 = tpu.memref_slice %arg12[%dma_wait3A_689, %dma_wait3A_691, %dma_wait3A_692] : memref<4x96x64xf32, #tpu.memory_space<vmem>> -> memref<1x96x64xf32, #tpu.memory_space<vmem>>
        %dma_wait3A_694 = tpu.memref_squeeze %dma_wait3A_693 : memref<1x96x64xf32, #tpu.memory_space<vmem>> -> memref<96x64xf32, #tpu.memory_space<vmem>>
        %dma_wait3A_695 = arith.constant 0 : i32
        %dma_wait3A_696 = tpu.memref_slice %arg11[%dma_wait3A_690, %dma_wait3A_695] : memref<8x96xi32, #tpu.memory_space<vmem>> -> memref<1x96xi32, #tpu.memory_space<vmem>>
        %dma_wait3A_697 = tpu.memref_squeeze %dma_wait3A_696 : memref<1x96xi32, #tpu.memory_space<vmem>> -> memref<96xi32, #tpu.memory_space<vmem>>
        %dma_wait3A_698 = arith.constant 0 : i32
        %dma_wait3A_699 = arith.constant 0 : i32
        %dma_wait3A_700 = tpu.memref_slice %arg7[%dma_wait3A_698, %dma_wait3A_699] : memref<10240x64xf32, #tpu.memory_space<vmem_shared>> -> memref<10240x64xf32, #tpu.memory_space<vmem_shared>>
        tpu.wait_indirect_dma semaphore(%arg21 : memref<!tpu.dma_semaphore, #tpu.memory_space<semaphore_mem>>) src(%dma_wait3A_694 : memref<96x64xf32, #tpu.memory_space<vmem>>) dst(%dma_wait3A_700 : memref<10240x64xf32, #tpu.memory_space<vmem_shared>>)
        %eq3A_701 = arith.constant 1 : i32
        %eq3A_702 = arith.cmpi eq, %arg0, %eq3A_701 : i32
        %convert_element_type3A_703 = arith.extui %eq3A_702 : i1 to i32
        %cond3A_704 = arith.constant 0 : i32
        %cond3A_705 = arith.cmpi ne, %convert_element_type3A_703, %cond3A_704 : i32
        scf.if %cond3A_705 {
          %dma_wait3A_706 = arith.constant 3 : i32
          %dma_wait3A_707 = arith.constant 0 : i32
          %dma_wait3A_708 = tpu.memref_slice %arg11[%dma_wait3A_706, %dma_wait3A_707] : memref<8x96xi32, #tpu.memory_space<vmem>> -> memref<1x96xi32, #tpu.memory_space<vmem>>
          %dma_wait3A_709 = tpu.memref_squeeze %dma_wait3A_708 : memref<1x96xi32, #tpu.memory_space<vmem>> -> memref<96xi32, #tpu.memory_space<vmem>>
          %dma_wait3A_710 = arith.constant 0 : i32
          %dma_wait3A_711 = arith.constant 0 : i32
          %dma_wait3A_712 = tpu.memref_slice %arg9[%dma_wait3A_710, %dma_wait3A_711] : memref<10240x16xf32, #tpu.memory_space<vmem_shared>> -> memref<10240x16xf32, #tpu.memory_space<vmem_shared>>
          tpu.wait_indirect_dma semaphore(%arg25 : memref<!tpu.dma_semaphore, #tpu.memory_space<semaphore_mem>>) src(%arg13 : memref<96x16xf32, #tpu.memory_space<vmem>>) dst(%dma_wait3A_712 : memref<10240x16xf32, #tpu.memory_space<vmem_shared>>)
        } else {
        }
      } else {
      }
      %add3A_518 = arith.constant 5 : i32
      %add3A_519 = arith.addi %add3A_483, %add3A_518 : i32
      %lt3A_520 = arith.constant 216 : i32
      %lt3A_521 = arith.cmpi slt, %add3A_519, %lt3A_520 : i32
      %convert_element_type3A_522 = arith.extui %lt3A_521 : i1 to i32
      %cond3A_523 = arith.constant 0 : i32
      %cond3A_524 = arith.cmpi ne, %convert_element_type3A_522, %cond3A_523 : i32
      scf.if %cond3A_524 {
        %add3A_689 = arith.constant 5 : i32
        %add3A_690 = arith.addi %add3A_483, %add3A_689 : i32
        %mul3A_691 = arith.constant 96 : i32
        %mul3A_692 = arith.muli %add3A_690, %mul3A_691 : i32
        %add3A_693 = arith.addi %mul3A_39, %mul3A_692 : i32
        %dma_start3A_694 = arith.constant 1 : i32
        %dma_start3A_695 = arith.constant 0 : i32
        %dma_start3A_696 = tpu.memref_slice %arg10[%dma_start3A_694, %dma_start3A_695] : memref<8x96xi32, #tpu.memory_space<vmem>> -> memref<1x96xi32, #tpu.memory_space<vmem>>
        %dma_start3A_697 = tpu.memref_squeeze %dma_start3A_696 : memref<1x96xi32, #tpu.memory_space<vmem>> -> memref<96xi32, #tpu.memory_space<vmem>>
        %dma_start3A_698 = tpu.memref_slice %arg3[%add3A_693] : memref<331776xi32, #tpu.memory_space<hbm>> -> memref<96xi32, #tpu.memory_space<hbm>>
        %dma_start3A_699 = arith.constant 0 : i32
        %dma_start3A_700 = tpu.memref_slice %arg10[%dma_start3A_694, %dma_start3A_699] : memref<8x96xi32, #tpu.memory_space<vmem>> -> memref<1x96xi32, #tpu.memory_space<vmem>>
        %dma_start3A_701 = tpu.memref_squeeze %dma_start3A_700 : memref<1x96xi32, #tpu.memory_space<vmem>> -> memref<96xi32, #tpu.memory_space<vmem>>
        %dma_start3A_702 = tpu.memref_slice %arg3[%add3A_693] : memref<331776xi32, #tpu.memory_space<hbm>> -> memref<96xi32, #tpu.memory_space<hbm>>
        tpu.enqueue_dma source(%dma_start3A_702 : memref<96xi32, #tpu.memory_space<hbm>>) target(%dma_start3A_701 : memref<96xi32, #tpu.memory_space<vmem>>) target_semaphore(%arg27 : memref<!tpu.dma_semaphore, #tpu.memory_space<semaphore_mem>>)
        %mul3A_703 = arith.constant 96 : i32
        %mul3A_704 = arith.muli %add3A_690, %mul3A_703 : i32
        %add3A_705 = arith.addi %mul3A_39, %mul3A_704 : i32
        %dma_start3A_706 = arith.constant 1 : i32
        %dma_start3A_707 = arith.constant 0 : i32
        %dma_start3A_708 = tpu.memref_slice %arg11[%dma_start3A_706, %dma_start3A_707] : memref<8x96xi32, #tpu.memory_space<vmem>> -> memref<1x96xi32, #tpu.memory_space<vmem>>
        %dma_start3A_709 = tpu.memref_squeeze %dma_start3A_708 : memref<1x96xi32, #tpu.memory_space<vmem>> -> memref<96xi32, #tpu.memory_space<vmem>>
        %dma_start3A_710 = tpu.memref_slice %arg4[%add3A_705] : memref<331776xi32, #tpu.memory_space<hbm>> -> memref<96xi32, #tpu.memory_space<hbm>>
        %dma_start3A_711 = arith.constant 0 : i32
        %dma_start3A_712 = tpu.memref_slice %arg11[%dma_start3A_706, %dma_start3A_711] : memref<8x96xi32, #tpu.memory_space<vmem>> -> memref<1x96xi32, #tpu.memory_space<vmem>>
        %dma_start3A_713 = tpu.memref_squeeze %dma_start3A_712 : memref<1x96xi32, #tpu.memory_space<vmem>> -> memref<96xi32, #tpu.memory_space<vmem>>
        %dma_start3A_714 = tpu.memref_slice %arg4[%add3A_705] : memref<331776xi32, #tpu.memory_space<hbm>> -> memref<96xi32, #tpu.memory_space<hbm>>
        tpu.enqueue_dma source(%dma_start3A_714 : memref<96xi32, #tpu.memory_space<hbm>>) target(%dma_start3A_713 : memref<96xi32, #tpu.memory_space<vmem>>) target_semaphore(%arg27 : memref<!tpu.dma_semaphore, #tpu.memory_space<semaphore_mem>>)
      } else {
      }
      %add3A_525 = arith.constant 3 : i32
      %add3A_526 = arith.addi %add3A_483, %add3A_525 : i32
      %lt3A_527 = arith.constant 216 : i32
      %lt3A_528 = arith.cmpi slt, %add3A_526, %lt3A_527 : i32
      %convert_element_type3A_529 = arith.extui %lt3A_528 : i1 to i32
      %cond3A_530 = arith.constant 0 : i32
      %cond3A_531 = arith.cmpi ne, %convert_element_type3A_529, %cond3A_530 : i32
      scf.if %cond3A_531 {
        %add3A_689 = arith.constant 3 : i32
        %add3A_690 = arith.addi %add3A_483, %add3A_689 : i32
        %mul3A_691 = arith.constant 96 : i32
        %mul3A_692 = arith.muli %add3A_690, %mul3A_691 : i32
        %add3A_693 = arith.addi %mul3A_39, %mul3A_692 : i32
        %dma_wait3A_694 = arith.constant 7 : i32
        %dma_wait3A_695 = arith.constant 0 : i32
        %dma_wait3A_696 = tpu.memref_slice %arg10[%dma_wait3A_694, %dma_wait3A_695] : memref<8x96xi32, #tpu.memory_space<vmem>> -> memref<1x96xi32, #tpu.memory_space<vmem>>
        %dma_wait3A_697 = tpu.memref_squeeze %dma_wait3A_696 : memref<1x96xi32, #tpu.memory_space<vmem>> -> memref<96xi32, #tpu.memory_space<vmem>>
        %dma_wait3A_698 = tpu.memref_slice %arg3[%add3A_693] : memref<331776xi32, #tpu.memory_space<hbm>> -> memref<96xi32, #tpu.memory_space<hbm>>
        %dma_wait3A_699 = arith.constant 0 : i32
        %dma_wait3A_700 = tpu.memref_slice %arg10[%dma_wait3A_694, %dma_wait3A_699] : memref<8x96xi32, #tpu.memory_space<vmem>> -> memref<1x96xi32, #tpu.memory_space<vmem>>
        %dma_wait3A_701 = tpu.memref_squeeze %dma_wait3A_700 : memref<1x96xi32, #tpu.memory_space<vmem>> -> memref<96xi32, #tpu.memory_space<vmem>>
        %dma_wait3A_702 = tpu.memref_slice %arg3[%add3A_693] : memref<331776xi32, #tpu.memory_space<hbm>> -> memref<96xi32, #tpu.memory_space<hbm>>
        tpu.wait_dma2 semaphore(%arg33 : memref<!tpu.dma_semaphore, #tpu.memory_space<semaphore_mem>>) src(%dma_wait3A_702 : memref<96xi32, #tpu.memory_space<hbm>>) dst(%dma_wait3A_701 : memref<96xi32, #tpu.memory_space<vmem>>)
        %mul3A_703 = arith.constant 96 : i32
        %mul3A_704 = arith.muli %add3A_690, %mul3A_703 : i32
        %add3A_705 = arith.addi %mul3A_39, %mul3A_704 : i32
        %dma_wait3A_706 = arith.constant 7 : i32
        %dma_wait3A_707 = arith.constant 0 : i32
        %dma_wait3A_708 = tpu.memref_slice %arg11[%dma_wait3A_706, %dma_wait3A_707] : memref<8x96xi32, #tpu.memory_space<vmem>> -> memref<1x96xi32, #tpu.memory_space<vmem>>
        %dma_wait3A_709 = tpu.memref_squeeze %dma_wait3A_708 : memref<1x96xi32, #tpu.memory_space<vmem>> -> memref<96xi32, #tpu.memory_space<vmem>>
        %dma_wait3A_710 = tpu.memref_slice %arg4[%add3A_705] : memref<331776xi32, #tpu.memory_space<hbm>> -> memref<96xi32, #tpu.memory_space<hbm>>
        %dma_wait3A_711 = arith.constant 0 : i32
        %dma_wait3A_712 = tpu.memref_slice %arg11[%dma_wait3A_706, %dma_wait3A_711] : memref<8x96xi32, #tpu.memory_space<vmem>> -> memref<1x96xi32, #tpu.memory_space<vmem>>
        %dma_wait3A_713 = tpu.memref_squeeze %dma_wait3A_712 : memref<1x96xi32, #tpu.memory_space<vmem>> -> memref<96xi32, #tpu.memory_space<vmem>>
        %dma_wait3A_714 = tpu.memref_slice %arg4[%add3A_705] : memref<331776xi32, #tpu.memory_space<hbm>> -> memref<96xi32, #tpu.memory_space<hbm>>
        tpu.wait_dma2 semaphore(%arg33 : memref<!tpu.dma_semaphore, #tpu.memory_space<semaphore_mem>>) src(%dma_wait3A_714 : memref<96xi32, #tpu.memory_space<hbm>>) dst(%dma_wait3A_713 : memref<96xi32, #tpu.memory_space<vmem>>)
        %dma_start3A_715 = arith.constant 7 : i32
        %dma_start3A_716 = arith.constant 3 : i32
        %dma_start3A_717 = arith.constant 0 : i32
        %dma_start3A_718 = arith.constant 0 : i32
        %dma_start3A_719 = tpu.memref_slice %arg12[%dma_start3A_716, %dma_start3A_717, %dma_start3A_718] : memref<4x96x64xf32, #tpu.memory_space<vmem>> -> memref<1x96x64xf32, #tpu.memory_space<vmem>>
        %dma_start3A_720 = tpu.memref_squeeze %dma_start3A_719 : memref<1x96x64xf32, #tpu.memory_space<vmem>> -> memref<96x64xf32, #tpu.memory_space<vmem>>
        %dma_start3A_721 = arith.constant 0 : i32
        %dma_start3A_722 = tpu.memref_slice %arg10[%dma_start3A_715, %dma_start3A_721] : memref<8x96xi32, #tpu.memory_space<vmem>> -> memref<1x96xi32, #tpu.memory_space<vmem>>
        %dma_start3A_723 = tpu.memref_squeeze %dma_start3A_722 : memref<1x96xi32, #tpu.memory_space<vmem>> -> memref<96xi32, #tpu.memory_space<vmem>>
        %dma_start3A_724 = arith.constant 0 : i32
        %dma_start3A_725 = arith.constant 0 : i32
        %dma_start3A_726 = tpu.memref_slice %arg8[%dma_start3A_724, %dma_start3A_725] : memref<10000x64xf32, #tpu.memory_space<vmem_shared>> -> memref<10000x64xf32, #tpu.memory_space<vmem_shared>>
        tpu.enqueue_indirect_dma source(%dma_start3A_726 : memref<10000x64xf32, #tpu.memory_space<vmem_shared>>) target(%dma_start3A_720 : memref<96x64xf32, #tpu.memory_space<vmem>>) offsets(%dma_start3A_723 : memref<96xi32, #tpu.memory_space<vmem>>) semaphore(%arg17 : memref<!tpu.dma_semaphore, #tpu.memory_space<semaphore_mem>>)
      } else {
      }
      %mul3A_532 = arith.constant 8 : i32
      %mul3A_533 = arith.muli %mul3A_532, %scan3A_272 : i32
      %add3A_534 = arith.constant 5 : i32
      %add3A_535 = arith.addi %mul3A_533, %add3A_534 : i32
      %dma_wait3A_536 = arith.constant 5 : i32
      %dma_wait3A_537 = arith.constant 1 : i32
      %dma_wait3A_538 = arith.constant 0 : i32
      %dma_wait3A_539 = arith.constant 0 : i32
      %dma_wait3A_540 = tpu.memref_slice %arg12[%dma_wait3A_537, %dma_wait3A_538, %dma_wait3A_539] : memref<4x96x64xf32, #tpu.memory_space<vmem>> -> memref<1x96x64xf32, #tpu.memory_space<vmem>>
      %dma_wait3A_541 = tpu.memref_squeeze %dma_wait3A_540 : memref<1x96x64xf32, #tpu.memory_space<vmem>> -> memref<96x64xf32, #tpu.memory_space<vmem>>
      %dma_wait3A_542 = arith.constant 0 : i32
      %dma_wait3A_543 = tpu.memref_slice %arg10[%dma_wait3A_536, %dma_wait3A_542] : memref<8x96xi32, #tpu.memory_space<vmem>> -> memref<1x96xi32, #tpu.memory_space<vmem>>
      %dma_wait3A_544 = tpu.memref_squeeze %dma_wait3A_543 : memref<1x96xi32, #tpu.memory_space<vmem>> -> memref<96xi32, #tpu.memory_space<vmem>>
      %dma_wait3A_545 = arith.constant 0 : i32
      %dma_wait3A_546 = arith.constant 0 : i32
      %dma_wait3A_547 = tpu.memref_slice %arg8[%dma_wait3A_545, %dma_wait3A_546] : memref<10000x64xf32, #tpu.memory_space<vmem_shared>> -> memref<10000x64xf32, #tpu.memory_space<vmem_shared>>
      tpu.wait_indirect_dma semaphore(%arg15 : memref<!tpu.dma_semaphore, #tpu.memory_space<semaphore_mem>>) src(%dma_wait3A_547 : memref<10000x64xf32, #tpu.memory_space<vmem_shared>>) dst(%dma_wait3A_541 : memref<96x64xf32, #tpu.memory_space<vmem>>)
      %dma_start3A_548 = arith.constant 1 : i32
      %dma_start3A_549 = arith.constant 5 : i32
      %dma_start3A_550 = arith.constant 0 : i32
      %dma_start3A_551 = arith.constant 0 : i32
      %dma_start3A_552 = tpu.memref_slice %arg12[%dma_start3A_548, %dma_start3A_550, %dma_start3A_551] : memref<4x96x64xf32, #tpu.memory_space<vmem>> -> memref<1x96x64xf32, #tpu.memory_space<vmem>>
      %dma_start3A_553 = tpu.memref_squeeze %dma_start3A_552 : memref<1x96x64xf32, #tpu.memory_space<vmem>> -> memref<96x64xf32, #tpu.memory_space<vmem>>
      %dma_start3A_554 = arith.constant 0 : i32
      %dma_start3A_555 = tpu.memref_slice %arg11[%dma_start3A_549, %dma_start3A_554] : memref<8x96xi32, #tpu.memory_space<vmem>> -> memref<1x96xi32, #tpu.memory_space<vmem>>
      %dma_start3A_556 = tpu.memref_squeeze %dma_start3A_555 : memref<1x96xi32, #tpu.memory_space<vmem>> -> memref<96xi32, #tpu.memory_space<vmem>>
      %dma_start3A_557 = arith.constant 0 : i32
      %dma_start3A_558 = arith.constant 0 : i32
      %dma_start3A_559 = tpu.memref_slice %arg7[%dma_start3A_557, %dma_start3A_558] : memref<10240x64xf32, #tpu.memory_space<vmem_shared>> -> memref<10240x64xf32, #tpu.memory_space<vmem_shared>>
      tpu.enqueue_indirect_dma source(%dma_start3A_553 : memref<96x64xf32, #tpu.memory_space<vmem>>) target(%dma_start3A_559 : memref<10240x64xf32, #tpu.memory_space<vmem_shared>>) offsets(%dma_start3A_556 : memref<96xi32, #tpu.memory_space<vmem>>) semaphore(%arg19 : memref<!tpu.dma_semaphore, #tpu.memory_space<semaphore_mem>>) {add = true}
      %eq3A_560 = arith.constant 1 : i32
      %eq3A_561 = arith.cmpi eq, %arg0, %eq3A_560 : i32
      %convert_element_type3A_562 = arith.extui %eq3A_561 : i1 to i32
      %cond3A_563 = arith.constant 0 : i32
      %cond3A_564 = arith.cmpi ne, %convert_element_type3A_562, %cond3A_563 : i32
      scf.if %cond3A_564 {
        %dma_start3A_689 = arith.constant 5 : i32
        %dma_start3A_690 = arith.constant 0 : i32
        %dma_start3A_691 = tpu.memref_slice %arg11[%dma_start3A_689, %dma_start3A_690] : memref<8x96xi32, #tpu.memory_space<vmem>> -> memref<1x96xi32, #tpu.memory_space<vmem>>
        %dma_start3A_692 = tpu.memref_squeeze %dma_start3A_691 : memref<1x96xi32, #tpu.memory_space<vmem>> -> memref<96xi32, #tpu.memory_space<vmem>>
        %dma_start3A_693 = arith.constant 0 : i32
        %dma_start3A_694 = arith.constant 0 : i32
        %dma_start3A_695 = tpu.memref_slice %arg9[%dma_start3A_693, %dma_start3A_694] : memref<10240x16xf32, #tpu.memory_space<vmem_shared>> -> memref<10240x16xf32, #tpu.memory_space<vmem_shared>>
        tpu.enqueue_indirect_dma source(%arg13 : memref<96x16xf32, #tpu.memory_space<vmem>>) target(%dma_start3A_695 : memref<10240x16xf32, #tpu.memory_space<vmem_shared>>) offsets(%dma_start3A_692 : memref<96xi32, #tpu.memory_space<vmem>>) semaphore(%arg23 : memref<!tpu.dma_semaphore, #tpu.memory_space<semaphore_mem>>) {add = true}
      } else {
      }
      %ge3A_565 = arith.constant 1 : i32
      %ge3A_566 = arith.cmpi sge, %add3A_535, %ge3A_565 : i32
      %convert_element_type3A_567 = arith.extui %ge3A_566 : i1 to i32
      %cond3A_568 = arith.constant 0 : i32
      %cond3A_569 = arith.cmpi ne, %convert_element_type3A_567, %cond3A_568 : i32
      scf.if %cond3A_569 {
        %dma_wait3A_689 = arith.constant 0 : i32
        %dma_wait3A_690 = arith.constant 4 : i32
        %dma_wait3A_691 = arith.constant 0 : i32
        %dma_wait3A_692 = arith.constant 0 : i32
        %dma_wait3A_693 = tpu.memref_slice %arg12[%dma_wait3A_689, %dma_wait3A_691, %dma_wait3A_692] : memref<4x96x64xf32, #tpu.memory_space<vmem>> -> memref<1x96x64xf32, #tpu.memory_space<vmem>>
        %dma_wait3A_694 = tpu.memref_squeeze %dma_wait3A_693 : memref<1x96x64xf32, #tpu.memory_space<vmem>> -> memref<96x64xf32, #tpu.memory_space<vmem>>
        %dma_wait3A_695 = arith.constant 0 : i32
        %dma_wait3A_696 = tpu.memref_slice %arg11[%dma_wait3A_690, %dma_wait3A_695] : memref<8x96xi32, #tpu.memory_space<vmem>> -> memref<1x96xi32, #tpu.memory_space<vmem>>
        %dma_wait3A_697 = tpu.memref_squeeze %dma_wait3A_696 : memref<1x96xi32, #tpu.memory_space<vmem>> -> memref<96xi32, #tpu.memory_space<vmem>>
        %dma_wait3A_698 = arith.constant 0 : i32
        %dma_wait3A_699 = arith.constant 0 : i32
        %dma_wait3A_700 = tpu.memref_slice %arg7[%dma_wait3A_698, %dma_wait3A_699] : memref<10240x64xf32, #tpu.memory_space<vmem_shared>> -> memref<10240x64xf32, #tpu.memory_space<vmem_shared>>
        tpu.wait_indirect_dma semaphore(%arg18 : memref<!tpu.dma_semaphore, #tpu.memory_space<semaphore_mem>>) src(%dma_wait3A_694 : memref<96x64xf32, #tpu.memory_space<vmem>>) dst(%dma_wait3A_700 : memref<10240x64xf32, #tpu.memory_space<vmem_shared>>)
        %eq3A_701 = arith.constant 0 : i32
        %eq3A_702 = arith.cmpi eq, %arg0, %eq3A_701 : i32
        %convert_element_type3A_703 = arith.extui %eq3A_702 : i1 to i32
        %cond3A_704 = arith.constant 0 : i32
        %cond3A_705 = arith.cmpi ne, %convert_element_type3A_703, %cond3A_704 : i32
        scf.if %cond3A_705 {
          %dma_wait3A_706 = arith.constant 4 : i32
          %dma_wait3A_707 = arith.constant 0 : i32
          %dma_wait3A_708 = tpu.memref_slice %arg11[%dma_wait3A_706, %dma_wait3A_707] : memref<8x96xi32, #tpu.memory_space<vmem>> -> memref<1x96xi32, #tpu.memory_space<vmem>>
          %dma_wait3A_709 = tpu.memref_squeeze %dma_wait3A_708 : memref<1x96xi32, #tpu.memory_space<vmem>> -> memref<96xi32, #tpu.memory_space<vmem>>
          %dma_wait3A_710 = arith.constant 0 : i32
          %dma_wait3A_711 = arith.constant 0 : i32
          %dma_wait3A_712 = tpu.memref_slice %arg9[%dma_wait3A_710, %dma_wait3A_711] : memref<10240x16xf32, #tpu.memory_space<vmem_shared>> -> memref<10240x16xf32, #tpu.memory_space<vmem_shared>>
          tpu.wait_indirect_dma semaphore(%arg22 : memref<!tpu.dma_semaphore, #tpu.memory_space<semaphore_mem>>) src(%arg13 : memref<96x16xf32, #tpu.memory_space<vmem>>) dst(%dma_wait3A_712 : memref<10240x16xf32, #tpu.memory_space<vmem_shared>>)
        } else {
        }
      } else {
      }
      %add3A_570 = arith.constant 5 : i32
      %add3A_571 = arith.addi %add3A_535, %add3A_570 : i32
      %lt3A_572 = arith.constant 216 : i32
      %lt3A_573 = arith.cmpi slt, %add3A_571, %lt3A_572 : i32
      %convert_element_type3A_574 = arith.extui %lt3A_573 : i1 to i32
      %cond3A_575 = arith.constant 0 : i32
      %cond3A_576 = arith.cmpi ne, %convert_element_type3A_574, %cond3A_575 : i32
      scf.if %cond3A_576 {
        %add3A_689 = arith.constant 5 : i32
        %add3A_690 = arith.addi %add3A_535, %add3A_689 : i32
        %mul3A_691 = arith.constant 96 : i32
        %mul3A_692 = arith.muli %add3A_690, %mul3A_691 : i32
        %add3A_693 = arith.addi %mul3A_39, %mul3A_692 : i32
        %dma_start3A_694 = arith.constant 2 : i32
        %dma_start3A_695 = arith.constant 0 : i32
        %dma_start3A_696 = tpu.memref_slice %arg10[%dma_start3A_694, %dma_start3A_695] : memref<8x96xi32, #tpu.memory_space<vmem>> -> memref<1x96xi32, #tpu.memory_space<vmem>>
        %dma_start3A_697 = tpu.memref_squeeze %dma_start3A_696 : memref<1x96xi32, #tpu.memory_space<vmem>> -> memref<96xi32, #tpu.memory_space<vmem>>
        %dma_start3A_698 = tpu.memref_slice %arg3[%add3A_693] : memref<331776xi32, #tpu.memory_space<hbm>> -> memref<96xi32, #tpu.memory_space<hbm>>
        %dma_start3A_699 = arith.constant 0 : i32
        %dma_start3A_700 = tpu.memref_slice %arg10[%dma_start3A_694, %dma_start3A_699] : memref<8x96xi32, #tpu.memory_space<vmem>> -> memref<1x96xi32, #tpu.memory_space<vmem>>
        %dma_start3A_701 = tpu.memref_squeeze %dma_start3A_700 : memref<1x96xi32, #tpu.memory_space<vmem>> -> memref<96xi32, #tpu.memory_space<vmem>>
        %dma_start3A_702 = tpu.memref_slice %arg3[%add3A_693] : memref<331776xi32, #tpu.memory_space<hbm>> -> memref<96xi32, #tpu.memory_space<hbm>>
        tpu.enqueue_dma source(%dma_start3A_702 : memref<96xi32, #tpu.memory_space<hbm>>) target(%dma_start3A_701 : memref<96xi32, #tpu.memory_space<vmem>>) target_semaphore(%arg28 : memref<!tpu.dma_semaphore, #tpu.memory_space<semaphore_mem>>)
        %mul3A_703 = arith.constant 96 : i32
        %mul3A_704 = arith.muli %add3A_690, %mul3A_703 : i32
        %add3A_705 = arith.addi %mul3A_39, %mul3A_704 : i32
        %dma_start3A_706 = arith.constant 2 : i32
        %dma_start3A_707 = arith.constant 0 : i32
        %dma_start3A_708 = tpu.memref_slice %arg11[%dma_start3A_706, %dma_start3A_707] : memref<8x96xi32, #tpu.memory_space<vmem>> -> memref<1x96xi32, #tpu.memory_space<vmem>>
        %dma_start3A_709 = tpu.memref_squeeze %dma_start3A_708 : memref<1x96xi32, #tpu.memory_space<vmem>> -> memref<96xi32, #tpu.memory_space<vmem>>
        %dma_start3A_710 = tpu.memref_slice %arg4[%add3A_705] : memref<331776xi32, #tpu.memory_space<hbm>> -> memref<96xi32, #tpu.memory_space<hbm>>
        %dma_start3A_711 = arith.constant 0 : i32
        %dma_start3A_712 = tpu.memref_slice %arg11[%dma_start3A_706, %dma_start3A_711] : memref<8x96xi32, #tpu.memory_space<vmem>> -> memref<1x96xi32, #tpu.memory_space<vmem>>
        %dma_start3A_713 = tpu.memref_squeeze %dma_start3A_712 : memref<1x96xi32, #tpu.memory_space<vmem>> -> memref<96xi32, #tpu.memory_space<vmem>>
        %dma_start3A_714 = tpu.memref_slice %arg4[%add3A_705] : memref<331776xi32, #tpu.memory_space<hbm>> -> memref<96xi32, #tpu.memory_space<hbm>>
        tpu.enqueue_dma source(%dma_start3A_714 : memref<96xi32, #tpu.memory_space<hbm>>) target(%dma_start3A_713 : memref<96xi32, #tpu.memory_space<vmem>>) target_semaphore(%arg28 : memref<!tpu.dma_semaphore, #tpu.memory_space<semaphore_mem>>)
      } else {
      }
      %add3A_577 = arith.constant 3 : i32
      %add3A_578 = arith.addi %add3A_535, %add3A_577 : i32
      %lt3A_579 = arith.constant 216 : i32
      %lt3A_580 = arith.cmpi slt, %add3A_578, %lt3A_579 : i32
      %convert_element_type3A_581 = arith.extui %lt3A_580 : i1 to i32
      %cond3A_582 = arith.constant 0 : i32
      %cond3A_583 = arith.cmpi ne, %convert_element_type3A_581, %cond3A_582 : i32
      scf.if %cond3A_583 {
        %add3A_689 = arith.constant 3 : i32
        %add3A_690 = arith.addi %add3A_535, %add3A_689 : i32
        %mul3A_691 = arith.constant 96 : i32
        %mul3A_692 = arith.muli %add3A_690, %mul3A_691 : i32
        %add3A_693 = arith.addi %mul3A_39, %mul3A_692 : i32
        %dma_wait3A_694 = arith.constant 0 : i32
        %dma_wait3A_695 = arith.constant 0 : i32
        %dma_wait3A_696 = tpu.memref_slice %arg10[%dma_wait3A_694, %dma_wait3A_695] : memref<8x96xi32, #tpu.memory_space<vmem>> -> memref<1x96xi32, #tpu.memory_space<vmem>>
        %dma_wait3A_697 = tpu.memref_squeeze %dma_wait3A_696 : memref<1x96xi32, #tpu.memory_space<vmem>> -> memref<96xi32, #tpu.memory_space<vmem>>
        %dma_wait3A_698 = tpu.memref_slice %arg3[%add3A_693] : memref<331776xi32, #tpu.memory_space<hbm>> -> memref<96xi32, #tpu.memory_space<hbm>>
        %dma_wait3A_699 = arith.constant 0 : i32
        %dma_wait3A_700 = tpu.memref_slice %arg10[%dma_wait3A_694, %dma_wait3A_699] : memref<8x96xi32, #tpu.memory_space<vmem>> -> memref<1x96xi32, #tpu.memory_space<vmem>>
        %dma_wait3A_701 = tpu.memref_squeeze %dma_wait3A_700 : memref<1x96xi32, #tpu.memory_space<vmem>> -> memref<96xi32, #tpu.memory_space<vmem>>
        %dma_wait3A_702 = tpu.memref_slice %arg3[%add3A_693] : memref<331776xi32, #tpu.memory_space<hbm>> -> memref<96xi32, #tpu.memory_space<hbm>>
        tpu.wait_dma2 semaphore(%arg26 : memref<!tpu.dma_semaphore, #tpu.memory_space<semaphore_mem>>) src(%dma_wait3A_702 : memref<96xi32, #tpu.memory_space<hbm>>) dst(%dma_wait3A_701 : memref<96xi32, #tpu.memory_space<vmem>>)
        %mul3A_703 = arith.constant 96 : i32
        %mul3A_704 = arith.muli %add3A_690, %mul3A_703 : i32
        %add3A_705 = arith.addi %mul3A_39, %mul3A_704 : i32
        %dma_wait3A_706 = arith.constant 0 : i32
        %dma_wait3A_707 = arith.constant 0 : i32
        %dma_wait3A_708 = tpu.memref_slice %arg11[%dma_wait3A_706, %dma_wait3A_707] : memref<8x96xi32, #tpu.memory_space<vmem>> -> memref<1x96xi32, #tpu.memory_space<vmem>>
        %dma_wait3A_709 = tpu.memref_squeeze %dma_wait3A_708 : memref<1x96xi32, #tpu.memory_space<vmem>> -> memref<96xi32, #tpu.memory_space<vmem>>
        %dma_wait3A_710 = tpu.memref_slice %arg4[%add3A_705] : memref<331776xi32, #tpu.memory_space<hbm>> -> memref<96xi32, #tpu.memory_space<hbm>>
        %dma_wait3A_711 = arith.constant 0 : i32
        %dma_wait3A_712 = tpu.memref_slice %arg11[%dma_wait3A_706, %dma_wait3A_711] : memref<8x96xi32, #tpu.memory_space<vmem>> -> memref<1x96xi32, #tpu.memory_space<vmem>>
        %dma_wait3A_713 = tpu.memref_squeeze %dma_wait3A_712 : memref<1x96xi32, #tpu.memory_space<vmem>> -> memref<96xi32, #tpu.memory_space<vmem>>
        %dma_wait3A_714 = tpu.memref_slice %arg4[%add3A_705] : memref<331776xi32, #tpu.memory_space<hbm>> -> memref<96xi32, #tpu.memory_space<hbm>>
        tpu.wait_dma2 semaphore(%arg26 : memref<!tpu.dma_semaphore, #tpu.memory_space<semaphore_mem>>) src(%dma_wait3A_714 : memref<96xi32, #tpu.memory_space<hbm>>) dst(%dma_wait3A_713 : memref<96xi32, #tpu.memory_space<vmem>>)
        %dma_start3A_715 = arith.constant 0 : i32
        %dma_start3A_716 = arith.constant 0 : i32
        %dma_start3A_717 = arith.constant 0 : i32
        %dma_start3A_718 = arith.constant 0 : i32
        %dma_start3A_719 = tpu.memref_slice %arg12[%dma_start3A_716, %dma_start3A_717, %dma_start3A_718] : memref<4x96x64xf32, #tpu.memory_space<vmem>> -> memref<1x96x64xf32, #tpu.memory_space<vmem>>
        %dma_start3A_720 = tpu.memref_squeeze %dma_start3A_719 : memref<1x96x64xf32, #tpu.memory_space<vmem>> -> memref<96x64xf32, #tpu.memory_space<vmem>>
        %dma_start3A_721 = arith.constant 0 : i32
        %dma_start3A_722 = tpu.memref_slice %arg10[%dma_start3A_715, %dma_start3A_721] : memref<8x96xi32, #tpu.memory_space<vmem>> -> memref<1x96xi32, #tpu.memory_space<vmem>>
        %dma_start3A_723 = tpu.memref_squeeze %dma_start3A_722 : memref<1x96xi32, #tpu.memory_space<vmem>> -> memref<96xi32, #tpu.memory_space<vmem>>
        %dma_start3A_724 = arith.constant 0 : i32
        %dma_start3A_725 = arith.constant 0 : i32
        %dma_start3A_726 = tpu.memref_slice %arg8[%dma_start3A_724, %dma_start3A_725] : memref<10000x64xf32, #tpu.memory_space<vmem_shared>> -> memref<10000x64xf32, #tpu.memory_space<vmem_shared>>
        tpu.enqueue_indirect_dma source(%dma_start3A_726 : memref<10000x64xf32, #tpu.memory_space<vmem_shared>>) target(%dma_start3A_720 : memref<96x64xf32, #tpu.memory_space<vmem>>) offsets(%dma_start3A_723 : memref<96xi32, #tpu.memory_space<vmem>>) semaphore(%arg14 : memref<!tpu.dma_semaphore, #tpu.memory_space<semaphore_mem>>)
      } else {
      }
      %mul3A_584 = arith.constant 8 : i32
      %mul3A_585 = arith.muli %mul3A_584, %scan3A_272 : i32
      %add3A_586 = arith.constant 6 : i32
      %add3A_587 = arith.addi %mul3A_585, %add3A_586 : i32
      %dma_wait3A_588 = arith.constant 6 : i32
      %dma_wait3A_589 = arith.constant 2 : i32
      %dma_wait3A_590 = arith.constant 0 : i32
      %dma_wait3A_591 = arith.constant 0 : i32
      %dma_wait3A_592 = tpu.memref_slice %arg12[%dma_wait3A_589, %dma_wait3A_590, %dma_wait3A_591] : memref<4x96x64xf32, #tpu.memory_space<vmem>> -> memref<1x96x64xf32, #tpu.memory_space<vmem>>
      %dma_wait3A_593 = tpu.memref_squeeze %dma_wait3A_592 : memref<1x96x64xf32, #tpu.memory_space<vmem>> -> memref<96x64xf32, #tpu.memory_space<vmem>>
      %dma_wait3A_594 = arith.constant 0 : i32
      %dma_wait3A_595 = tpu.memref_slice %arg10[%dma_wait3A_588, %dma_wait3A_594] : memref<8x96xi32, #tpu.memory_space<vmem>> -> memref<1x96xi32, #tpu.memory_space<vmem>>
      %dma_wait3A_596 = tpu.memref_squeeze %dma_wait3A_595 : memref<1x96xi32, #tpu.memory_space<vmem>> -> memref<96xi32, #tpu.memory_space<vmem>>
      %dma_wait3A_597 = arith.constant 0 : i32
      %dma_wait3A_598 = arith.constant 0 : i32
      %dma_wait3A_599 = tpu.memref_slice %arg8[%dma_wait3A_597, %dma_wait3A_598] : memref<10000x64xf32, #tpu.memory_space<vmem_shared>> -> memref<10000x64xf32, #tpu.memory_space<vmem_shared>>
      tpu.wait_indirect_dma semaphore(%arg16 : memref<!tpu.dma_semaphore, #tpu.memory_space<semaphore_mem>>) src(%dma_wait3A_599 : memref<10000x64xf32, #tpu.memory_space<vmem_shared>>) dst(%dma_wait3A_593 : memref<96x64xf32, #tpu.memory_space<vmem>>)
      %dma_start3A_600 = arith.constant 2 : i32
      %dma_start3A_601 = arith.constant 6 : i32
      %dma_start3A_602 = arith.constant 0 : i32
      %dma_start3A_603 = arith.constant 0 : i32
      %dma_start3A_604 = tpu.memref_slice %arg12[%dma_start3A_600, %dma_start3A_602, %dma_start3A_603] : memref<4x96x64xf32, #tpu.memory_space<vmem>> -> memref<1x96x64xf32, #tpu.memory_space<vmem>>
      %dma_start3A_605 = tpu.memref_squeeze %dma_start3A_604 : memref<1x96x64xf32, #tpu.memory_space<vmem>> -> memref<96x64xf32, #tpu.memory_space<vmem>>
      %dma_start3A_606 = arith.constant 0 : i32
      %dma_start3A_607 = tpu.memref_slice %arg11[%dma_start3A_601, %dma_start3A_606] : memref<8x96xi32, #tpu.memory_space<vmem>> -> memref<1x96xi32, #tpu.memory_space<vmem>>
      %dma_start3A_608 = tpu.memref_squeeze %dma_start3A_607 : memref<1x96xi32, #tpu.memory_space<vmem>> -> memref<96xi32, #tpu.memory_space<vmem>>
      %dma_start3A_609 = arith.constant 0 : i32
      %dma_start3A_610 = arith.constant 0 : i32
      %dma_start3A_611 = tpu.memref_slice %arg7[%dma_start3A_609, %dma_start3A_610] : memref<10240x64xf32, #tpu.memory_space<vmem_shared>> -> memref<10240x64xf32, #tpu.memory_space<vmem_shared>>
      tpu.enqueue_indirect_dma source(%dma_start3A_605 : memref<96x64xf32, #tpu.memory_space<vmem>>) target(%dma_start3A_611 : memref<10240x64xf32, #tpu.memory_space<vmem_shared>>) offsets(%dma_start3A_608 : memref<96xi32, #tpu.memory_space<vmem>>) semaphore(%arg20 : memref<!tpu.dma_semaphore, #tpu.memory_space<semaphore_mem>>) {add = true}
      %eq3A_612 = arith.constant 0 : i32
      %eq3A_613 = arith.cmpi eq, %arg0, %eq3A_612 : i32
      %convert_element_type3A_614 = arith.extui %eq3A_613 : i1 to i32
      %cond3A_615 = arith.constant 0 : i32
      %cond3A_616 = arith.cmpi ne, %convert_element_type3A_614, %cond3A_615 : i32
      scf.if %cond3A_616 {
        %dma_start3A_689 = arith.constant 6 : i32
        %dma_start3A_690 = arith.constant 0 : i32
        %dma_start3A_691 = tpu.memref_slice %arg11[%dma_start3A_689, %dma_start3A_690] : memref<8x96xi32, #tpu.memory_space<vmem>> -> memref<1x96xi32, #tpu.memory_space<vmem>>
        %dma_start3A_692 = tpu.memref_squeeze %dma_start3A_691 : memref<1x96xi32, #tpu.memory_space<vmem>> -> memref<96xi32, #tpu.memory_space<vmem>>
        %dma_start3A_693 = arith.constant 0 : i32
        %dma_start3A_694 = arith.constant 0 : i32
        %dma_start3A_695 = tpu.memref_slice %arg9[%dma_start3A_693, %dma_start3A_694] : memref<10240x16xf32, #tpu.memory_space<vmem_shared>> -> memref<10240x16xf32, #tpu.memory_space<vmem_shared>>
        tpu.enqueue_indirect_dma source(%arg13 : memref<96x16xf32, #tpu.memory_space<vmem>>) target(%dma_start3A_695 : memref<10240x16xf32, #tpu.memory_space<vmem_shared>>) offsets(%dma_start3A_692 : memref<96xi32, #tpu.memory_space<vmem>>) semaphore(%arg24 : memref<!tpu.dma_semaphore, #tpu.memory_space<semaphore_mem>>) {add = true}
      } else {
      }
      %ge3A_617 = arith.constant 1 : i32
      %ge3A_618 = arith.cmpi sge, %add3A_587, %ge3A_617 : i32
      %convert_element_type3A_619 = arith.extui %ge3A_618 : i1 to i32
      %cond3A_620 = arith.constant 0 : i32
      %cond3A_621 = arith.cmpi ne, %convert_element_type3A_619, %cond3A_620 : i32
      scf.if %cond3A_621 {
        %dma_wait3A_689 = arith.constant 1 : i32
        %dma_wait3A_690 = arith.constant 5 : i32
        %dma_wait3A_691 = arith.constant 0 : i32
        %dma_wait3A_692 = arith.constant 0 : i32
        %dma_wait3A_693 = tpu.memref_slice %arg12[%dma_wait3A_689, %dma_wait3A_691, %dma_wait3A_692] : memref<4x96x64xf32, #tpu.memory_space<vmem>> -> memref<1x96x64xf32, #tpu.memory_space<vmem>>
        %dma_wait3A_694 = tpu.memref_squeeze %dma_wait3A_693 : memref<1x96x64xf32, #tpu.memory_space<vmem>> -> memref<96x64xf32, #tpu.memory_space<vmem>>
        %dma_wait3A_695 = arith.constant 0 : i32
        %dma_wait3A_696 = tpu.memref_slice %arg11[%dma_wait3A_690, %dma_wait3A_695] : memref<8x96xi32, #tpu.memory_space<vmem>> -> memref<1x96xi32, #tpu.memory_space<vmem>>
        %dma_wait3A_697 = tpu.memref_squeeze %dma_wait3A_696 : memref<1x96xi32, #tpu.memory_space<vmem>> -> memref<96xi32, #tpu.memory_space<vmem>>
        %dma_wait3A_698 = arith.constant 0 : i32
        %dma_wait3A_699 = arith.constant 0 : i32
        %dma_wait3A_700 = tpu.memref_slice %arg7[%dma_wait3A_698, %dma_wait3A_699] : memref<10240x64xf32, #tpu.memory_space<vmem_shared>> -> memref<10240x64xf32, #tpu.memory_space<vmem_shared>>
        tpu.wait_indirect_dma semaphore(%arg19 : memref<!tpu.dma_semaphore, #tpu.memory_space<semaphore_mem>>) src(%dma_wait3A_694 : memref<96x64xf32, #tpu.memory_space<vmem>>) dst(%dma_wait3A_700 : memref<10240x64xf32, #tpu.memory_space<vmem_shared>>)
        %eq3A_701 = arith.constant 1 : i32
        %eq3A_702 = arith.cmpi eq, %arg0, %eq3A_701 : i32
        %convert_element_type3A_703 = arith.extui %eq3A_702 : i1 to i32
        %cond3A_704 = arith.constant 0 : i32
        %cond3A_705 = arith.cmpi ne, %convert_element_type3A_703, %cond3A_704 : i32
        scf.if %cond3A_705 {
          %dma_wait3A_706 = arith.constant 5 : i32
          %dma_wait3A_707 = arith.constant 0 : i32
          %dma_wait3A_708 = tpu.memref_slice %arg11[%dma_wait3A_706, %dma_wait3A_707] : memref<8x96xi32, #tpu.memory_space<vmem>> -> memref<1x96xi32, #tpu.memory_space<vmem>>
          %dma_wait3A_709 = tpu.memref_squeeze %dma_wait3A_708 : memref<1x96xi32, #tpu.memory_space<vmem>> -> memref<96xi32, #tpu.memory_space<vmem>>
          %dma_wait3A_710 = arith.constant 0 : i32
          %dma_wait3A_711 = arith.constant 0 : i32
          %dma_wait3A_712 = tpu.memref_slice %arg9[%dma_wait3A_710, %dma_wait3A_711] : memref<10240x16xf32, #tpu.memory_space<vmem_shared>> -> memref<10240x16xf32, #tpu.memory_space<vmem_shared>>
          tpu.wait_indirect_dma semaphore(%arg23 : memref<!tpu.dma_semaphore, #tpu.memory_space<semaphore_mem>>) src(%arg13 : memref<96x16xf32, #tpu.memory_space<vmem>>) dst(%dma_wait3A_712 : memref<10240x16xf32, #tpu.memory_space<vmem_shared>>)
        } else {
        }
      } else {
      }
      %add3A_622 = arith.constant 5 : i32
      %add3A_623 = arith.addi %add3A_587, %add3A_622 : i32
      %lt3A_624 = arith.constant 216 : i32
      %lt3A_625 = arith.cmpi slt, %add3A_623, %lt3A_624 : i32
      %convert_element_type3A_626 = arith.extui %lt3A_625 : i1 to i32
      %cond3A_627 = arith.constant 0 : i32
      %cond3A_628 = arith.cmpi ne, %convert_element_type3A_626, %cond3A_627 : i32
      scf.if %cond3A_628 {
        %add3A_689 = arith.constant 5 : i32
        %add3A_690 = arith.addi %add3A_587, %add3A_689 : i32
        %mul3A_691 = arith.constant 96 : i32
        %mul3A_692 = arith.muli %add3A_690, %mul3A_691 : i32
        %add3A_693 = arith.addi %mul3A_39, %mul3A_692 : i32
        %dma_start3A_694 = arith.constant 3 : i32
        %dma_start3A_695 = arith.constant 0 : i32
        %dma_start3A_696 = tpu.memref_slice %arg10[%dma_start3A_694, %dma_start3A_695] : memref<8x96xi32, #tpu.memory_space<vmem>> -> memref<1x96xi32, #tpu.memory_space<vmem>>
        %dma_start3A_697 = tpu.memref_squeeze %dma_start3A_696 : memref<1x96xi32, #tpu.memory_space<vmem>> -> memref<96xi32, #tpu.memory_space<vmem>>
        %dma_start3A_698 = tpu.memref_slice %arg3[%add3A_693] : memref<331776xi32, #tpu.memory_space<hbm>> -> memref<96xi32, #tpu.memory_space<hbm>>
        %dma_start3A_699 = arith.constant 0 : i32
        %dma_start3A_700 = tpu.memref_slice %arg10[%dma_start3A_694, %dma_start3A_699] : memref<8x96xi32, #tpu.memory_space<vmem>> -> memref<1x96xi32, #tpu.memory_space<vmem>>
        %dma_start3A_701 = tpu.memref_squeeze %dma_start3A_700 : memref<1x96xi32, #tpu.memory_space<vmem>> -> memref<96xi32, #tpu.memory_space<vmem>>
        %dma_start3A_702 = tpu.memref_slice %arg3[%add3A_693] : memref<331776xi32, #tpu.memory_space<hbm>> -> memref<96xi32, #tpu.memory_space<hbm>>
        tpu.enqueue_dma source(%dma_start3A_702 : memref<96xi32, #tpu.memory_space<hbm>>) target(%dma_start3A_701 : memref<96xi32, #tpu.memory_space<vmem>>) target_semaphore(%arg29 : memref<!tpu.dma_semaphore, #tpu.memory_space<semaphore_mem>>)
        %mul3A_703 = arith.constant 96 : i32
        %mul3A_704 = arith.muli %add3A_690, %mul3A_703 : i32
        %add3A_705 = arith.addi %mul3A_39, %mul3A_704 : i32
        %dma_start3A_706 = arith.constant 3 : i32
        %dma_start3A_707 = arith.constant 0 : i32
        %dma_start3A_708 = tpu.memref_slice %arg11[%dma_start3A_706, %dma_start3A_707] : memref<8x96xi32, #tpu.memory_space<vmem>> -> memref<1x96xi32, #tpu.memory_space<vmem>>
        %dma_start3A_709 = tpu.memref_squeeze %dma_start3A_708 : memref<1x96xi32, #tpu.memory_space<vmem>> -> memref<96xi32, #tpu.memory_space<vmem>>
        %dma_start3A_710 = tpu.memref_slice %arg4[%add3A_705] : memref<331776xi32, #tpu.memory_space<hbm>> -> memref<96xi32, #tpu.memory_space<hbm>>
        %dma_start3A_711 = arith.constant 0 : i32
        %dma_start3A_712 = tpu.memref_slice %arg11[%dma_start3A_706, %dma_start3A_711] : memref<8x96xi32, #tpu.memory_space<vmem>> -> memref<1x96xi32, #tpu.memory_space<vmem>>
        %dma_start3A_713 = tpu.memref_squeeze %dma_start3A_712 : memref<1x96xi32, #tpu.memory_space<vmem>> -> memref<96xi32, #tpu.memory_space<vmem>>
        %dma_start3A_714 = tpu.memref_slice %arg4[%add3A_705] : memref<331776xi32, #tpu.memory_space<hbm>> -> memref<96xi32, #tpu.memory_space<hbm>>
        tpu.enqueue_dma source(%dma_start3A_714 : memref<96xi32, #tpu.memory_space<hbm>>) target(%dma_start3A_713 : memref<96xi32, #tpu.memory_space<vmem>>) target_semaphore(%arg29 : memref<!tpu.dma_semaphore, #tpu.memory_space<semaphore_mem>>)
      } else {
      }
      %add3A_629 = arith.constant 3 : i32
      %add3A_630 = arith.addi %add3A_587, %add3A_629 : i32
      %lt3A_631 = arith.constant 216 : i32
      %lt3A_632 = arith.cmpi slt, %add3A_630, %lt3A_631 : i32
      %convert_element_type3A_633 = arith.extui %lt3A_632 : i1 to i32
      %cond3A_634 = arith.constant 0 : i32
      %cond3A_635 = arith.cmpi ne, %convert_element_type3A_633, %cond3A_634 : i32
      scf.if %cond3A_635 {
        %add3A_689 = arith.constant 3 : i32
        %add3A_690 = arith.addi %add3A_587, %add3A_689 : i32
        %mul3A_691 = arith.constant 96 : i32
        %mul3A_692 = arith.muli %add3A_690, %mul3A_691 : i32
        %add3A_693 = arith.addi %mul3A_39, %mul3A_692 : i32
        %dma_wait3A_694 = arith.constant 1 : i32
        %dma_wait3A_695 = arith.constant 0 : i32
        %dma_wait3A_696 = tpu.memref_slice %arg10[%dma_wait3A_694, %dma_wait3A_695] : memref<8x96xi32, #tpu.memory_space<vmem>> -> memref<1x96xi32, #tpu.memory_space<vmem>>
        %dma_wait3A_697 = tpu.memref_squeeze %dma_wait3A_696 : memref<1x96xi32, #tpu.memory_space<vmem>> -> memref<96xi32, #tpu.memory_space<vmem>>
        %dma_wait3A_698 = tpu.memref_slice %arg3[%add3A_693] : memref<331776xi32, #tpu.memory_space<hbm>> -> memref<96xi32, #tpu.memory_space<hbm>>
        %dma_wait3A_699 = arith.constant 0 : i32
        %dma_wait3A_700 = tpu.memref_slice %arg10[%dma_wait3A_694, %dma_wait3A_699] : memref<8x96xi32, #tpu.memory_space<vmem>> -> memref<1x96xi32, #tpu.memory_space<vmem>>
        %dma_wait3A_701 = tpu.memref_squeeze %dma_wait3A_700 : memref<1x96xi32, #tpu.memory_space<vmem>> -> memref<96xi32, #tpu.memory_space<vmem>>
        %dma_wait3A_702 = tpu.memref_slice %arg3[%add3A_693] : memref<331776xi32, #tpu.memory_space<hbm>> -> memref<96xi32, #tpu.memory_space<hbm>>
        tpu.wait_dma2 semaphore(%arg27 : memref<!tpu.dma_semaphore, #tpu.memory_space<semaphore_mem>>) src(%dma_wait3A_702 : memref<96xi32, #tpu.memory_space<hbm>>) dst(%dma_wait3A_701 : memref<96xi32, #tpu.memory_space<vmem>>)
        %mul3A_703 = arith.constant 96 : i32
        %mul3A_704 = arith.muli %add3A_690, %mul3A_703 : i32
        %add3A_705 = arith.addi %mul3A_39, %mul3A_704 : i32
        %dma_wait3A_706 = arith.constant 1 : i32
        %dma_wait3A_707 = arith.constant 0 : i32
        %dma_wait3A_708 = tpu.memref_slice %arg11[%dma_wait3A_706, %dma_wait3A_707] : memref<8x96xi32, #tpu.memory_space<vmem>> -> memref<1x96xi32, #tpu.memory_space<vmem>>
        %dma_wait3A_709 = tpu.memref_squeeze %dma_wait3A_708 : memref<1x96xi32, #tpu.memory_space<vmem>> -> memref<96xi32, #tpu.memory_space<vmem>>
        %dma_wait3A_710 = tpu.memref_slice %arg4[%add3A_705] : memref<331776xi32, #tpu.memory_space<hbm>> -> memref<96xi32, #tpu.memory_space<hbm>>
        %dma_wait3A_711 = arith.constant 0 : i32
        %dma_wait3A_712 = tpu.memref_slice %arg11[%dma_wait3A_706, %dma_wait3A_711] : memref<8x96xi32, #tpu.memory_space<vmem>> -> memref<1x96xi32, #tpu.memory_space<vmem>>
        %dma_wait3A_713 = tpu.memref_squeeze %dma_wait3A_712 : memref<1x96xi32, #tpu.memory_space<vmem>> -> memref<96xi32, #tpu.memory_space<vmem>>
        %dma_wait3A_714 = tpu.memref_slice %arg4[%add3A_705] : memref<331776xi32, #tpu.memory_space<hbm>> -> memref<96xi32, #tpu.memory_space<hbm>>
        tpu.wait_dma2 semaphore(%arg27 : memref<!tpu.dma_semaphore, #tpu.memory_space<semaphore_mem>>) src(%dma_wait3A_714 : memref<96xi32, #tpu.memory_space<hbm>>) dst(%dma_wait3A_713 : memref<96xi32, #tpu.memory_space<vmem>>)
        %dma_start3A_715 = arith.constant 1 : i32
        %dma_start3A_716 = arith.constant 1 : i32
        %dma_start3A_717 = arith.constant 0 : i32
        %dma_start3A_718 = arith.constant 0 : i32
        %dma_start3A_719 = tpu.memref_slice %arg12[%dma_start3A_716, %dma_start3A_717, %dma_start3A_718] : memref<4x96x64xf32, #tpu.memory_space<vmem>> -> memref<1x96x64xf32, #tpu.memory_space<vmem>>
        %dma_start3A_720 = tpu.memref_squeeze %dma_start3A_719 : memref<1x96x64xf32, #tpu.memory_space<vmem>> -> memref<96x64xf32, #tpu.memory_space<vmem>>
        %dma_start3A_721 = arith.constant 0 : i32
        %dma_start3A_722 = tpu.memref_slice %arg10[%dma_start3A_715, %dma_start3A_721] : memref<8x96xi32, #tpu.memory_space<vmem>> -> memref<1x96xi32, #tpu.memory_space<vmem>>
        %dma_start3A_723 = tpu.memref_squeeze %dma_start3A_722 : memref<1x96xi32, #tpu.memory_space<vmem>> -> memref<96xi32, #tpu.memory_space<vmem>>
        %dma_start3A_724 = arith.constant 0 : i32
        %dma_start3A_725 = arith.constant 0 : i32
        %dma_start3A_726 = tpu.memref_slice %arg8[%dma_start3A_724, %dma_start3A_725] : memref<10000x64xf32, #tpu.memory_space<vmem_shared>> -> memref<10000x64xf32, #tpu.memory_space<vmem_shared>>
        tpu.enqueue_indirect_dma source(%dma_start3A_726 : memref<10000x64xf32, #tpu.memory_space<vmem_shared>>) target(%dma_start3A_720 : memref<96x64xf32, #tpu.memory_space<vmem>>) offsets(%dma_start3A_723 : memref<96xi32, #tpu.memory_space<vmem>>) semaphore(%arg15 : memref<!tpu.dma_semaphore, #tpu.memory_space<semaphore_mem>>)
      } else {
      }
      %mul3A_636 = arith.constant 8 : i32
      %mul3A_637 = arith.muli %mul3A_636, %scan3A_272 : i32
      %add3A_638 = arith.constant 7 : i32
      %add3A_639 = arith.addi %mul3A_637, %add3A_638 : i32
      %dma_wait3A_640 = arith.constant 7 : i32
      %dma_wait3A_641 = arith.constant 3 : i32
      %dma_wait3A_642 = arith.constant 0 : i32
      %dma_wait3A_643 = arith.constant 0 : i32
      %dma_wait3A_644 = tpu.memref_slice %arg12[%dma_wait3A_641, %dma_wait3A_642, %dma_wait3A_643] : memref<4x96x64xf32, #tpu.memory_space<vmem>> -> memref<1x96x64xf32, #tpu.memory_space<vmem>>
      %dma_wait3A_645 = tpu.memref_squeeze %dma_wait3A_644 : memref<1x96x64xf32, #tpu.memory_space<vmem>> -> memref<96x64xf32, #tpu.memory_space<vmem>>
      %dma_wait3A_646 = arith.constant 0 : i32
      %dma_wait3A_647 = tpu.memref_slice %arg10[%dma_wait3A_640, %dma_wait3A_646] : memref<8x96xi32, #tpu.memory_space<vmem>> -> memref<1x96xi32, #tpu.memory_space<vmem>>
      %dma_wait3A_648 = tpu.memref_squeeze %dma_wait3A_647 : memref<1x96xi32, #tpu.memory_space<vmem>> -> memref<96xi32, #tpu.memory_space<vmem>>
      %dma_wait3A_649 = arith.constant 0 : i32
      %dma_wait3A_650 = arith.constant 0 : i32
      %dma_wait3A_651 = tpu.memref_slice %arg8[%dma_wait3A_649, %dma_wait3A_650] : memref<10000x64xf32, #tpu.memory_space<vmem_shared>> -> memref<10000x64xf32, #tpu.memory_space<vmem_shared>>
      tpu.wait_indirect_dma semaphore(%arg17 : memref<!tpu.dma_semaphore, #tpu.memory_space<semaphore_mem>>) src(%dma_wait3A_651 : memref<10000x64xf32, #tpu.memory_space<vmem_shared>>) dst(%dma_wait3A_645 : memref<96x64xf32, #tpu.memory_space<vmem>>)
      %dma_start3A_652 = arith.constant 3 : i32
      %dma_start3A_653 = arith.constant 7 : i32
      %dma_start3A_654 = arith.constant 0 : i32
      %dma_start3A_655 = arith.constant 0 : i32
      %dma_start3A_656 = tpu.memref_slice %arg12[%dma_start3A_652, %dma_start3A_654, %dma_start3A_655] : memref<4x96x64xf32, #tpu.memory_space<vmem>> -> memref<1x96x64xf32, #tpu.memory_space<vmem>>
      %dma_start3A_657 = tpu.memref_squeeze %dma_start3A_656 : memref<1x96x64xf32, #tpu.memory_space<vmem>> -> memref<96x64xf32, #tpu.memory_space<vmem>>
      %dma_start3A_658 = arith.constant 0 : i32
      %dma_start3A_659 = tpu.memref_slice %arg11[%dma_start3A_653, %dma_start3A_658] : memref<8x96xi32, #tpu.memory_space<vmem>> -> memref<1x96xi32, #tpu.memory_space<vmem>>
      %dma_start3A_660 = tpu.memref_squeeze %dma_start3A_659 : memref<1x96xi32, #tpu.memory_space<vmem>> -> memref<96xi32, #tpu.memory_space<vmem>>
      %dma_start3A_661 = arith.constant 0 : i32
      %dma_start3A_662 = arith.constant 0 : i32
      %dma_start3A_663 = tpu.memref_slice %arg7[%dma_start3A_661, %dma_start3A_662] : memref<10240x64xf32, #tpu.memory_space<vmem_shared>> -> memref<10240x64xf32, #tpu.memory_space<vmem_shared>>
      tpu.enqueue_indirect_dma source(%dma_start3A_657 : memref<96x64xf32, #tpu.memory_space<vmem>>) target(%dma_start3A_663 : memref<10240x64xf32, #tpu.memory_space<vmem_shared>>) offsets(%dma_start3A_660 : memref<96xi32, #tpu.memory_space<vmem>>) semaphore(%arg21 : memref<!tpu.dma_semaphore, #tpu.memory_space<semaphore_mem>>) {add = true}
      %eq3A_664 = arith.constant 1 : i32
      %eq3A_665 = arith.cmpi eq, %arg0, %eq3A_664 : i32
      %convert_element_type3A_666 = arith.extui %eq3A_665 : i1 to i32
      %cond3A_667 = arith.constant 0 : i32
      %cond3A_668 = arith.cmpi ne, %convert_element_type3A_666, %cond3A_667 : i32
      scf.if %cond3A_668 {
        %dma_start3A_689 = arith.constant 7 : i32
        %dma_start3A_690 = arith.constant 0 : i32
        %dma_start3A_691 = tpu.memref_slice %arg11[%dma_start3A_689, %dma_start3A_690] : memref<8x96xi32, #tpu.memory_space<vmem>> -> memref<1x96xi32, #tpu.memory_space<vmem>>
        %dma_start3A_692 = tpu.memref_squeeze %dma_start3A_691 : memref<1x96xi32, #tpu.memory_space<vmem>> -> memref<96xi32, #tpu.memory_space<vmem>>
        %dma_start3A_693 = arith.constant 0 : i32
        %dma_start3A_694 = arith.constant 0 : i32
        %dma_start3A_695 = tpu.memref_slice %arg9[%dma_start3A_693, %dma_start3A_694] : memref<10240x16xf32, #tpu.memory_space<vmem_shared>> -> memref<10240x16xf32, #tpu.memory_space<vmem_shared>>
        tpu.enqueue_indirect_dma source(%arg13 : memref<96x16xf32, #tpu.memory_space<vmem>>) target(%dma_start3A_695 : memref<10240x16xf32, #tpu.memory_space<vmem_shared>>) offsets(%dma_start3A_692 : memref<96xi32, #tpu.memory_space<vmem>>) semaphore(%arg25 : memref<!tpu.dma_semaphore, #tpu.memory_space<semaphore_mem>>) {add = true}
      } else {
      }
      %ge3A_669 = arith.constant 1 : i32
      %ge3A_670 = arith.cmpi sge, %add3A_639, %ge3A_669 : i32
      %convert_element_type3A_671 = arith.extui %ge3A_670 : i1 to i32
      %cond3A_672 = arith.constant 0 : i32
      %cond3A_673 = arith.cmpi ne, %convert_element_type3A_671, %cond3A_672 : i32
      scf.if %cond3A_673 {
        %dma_wait3A_689 = arith.constant 2 : i32
        %dma_wait3A_690 = arith.constant 6 : i32
        %dma_wait3A_691 = arith.constant 0 : i32
        %dma_wait3A_692 = arith.constant 0 : i32
        %dma_wait3A_693 = tpu.memref_slice %arg12[%dma_wait3A_689, %dma_wait3A_691, %dma_wait3A_692] : memref<4x96x64xf32, #tpu.memory_space<vmem>> -> memref<1x96x64xf32, #tpu.memory_space<vmem>>
        %dma_wait3A_694 = tpu.memref_squeeze %dma_wait3A_693 : memref<1x96x64xf32, #tpu.memory_space<vmem>> -> memref<96x64xf32, #tpu.memory_space<vmem>>
        %dma_wait3A_695 = arith.constant 0 : i32
        %dma_wait3A_696 = tpu.memref_slice %arg11[%dma_wait3A_690, %dma_wait3A_695] : memref<8x96xi32, #tpu.memory_space<vmem>> -> memref<1x96xi32, #tpu.memory_space<vmem>>
        %dma_wait3A_697 = tpu.memref_squeeze %dma_wait3A_696 : memref<1x96xi32, #tpu.memory_space<vmem>> -> memref<96xi32, #tpu.memory_space<vmem>>
        %dma_wait3A_698 = arith.constant 0 : i32
        %dma_wait3A_699 = arith.constant 0 : i32
        %dma_wait3A_700 = tpu.memref_slice %arg7[%dma_wait3A_698, %dma_wait3A_699] : memref<10240x64xf32, #tpu.memory_space<vmem_shared>> -> memref<10240x64xf32, #tpu.memory_space<vmem_shared>>
        tpu.wait_indirect_dma semaphore(%arg20 : memref<!tpu.dma_semaphore, #tpu.memory_space<semaphore_mem>>) src(%dma_wait3A_694 : memref<96x64xf32, #tpu.memory_space<vmem>>) dst(%dma_wait3A_700 : memref<10240x64xf32, #tpu.memory_space<vmem_shared>>)
        %eq3A_701 = arith.constant 0 : i32
        %eq3A_702 = arith.cmpi eq, %arg0, %eq3A_701 : i32
        %convert_element_type3A_703 = arith.extui %eq3A_702 : i1 to i32
        %cond3A_704 = arith.constant 0 : i32
        %cond3A_705 = arith.cmpi ne, %convert_element_type3A_703, %cond3A_704 : i32
        scf.if %cond3A_705 {
          %dma_wait3A_706 = arith.constant 6 : i32
          %dma_wait3A_707 = arith.constant 0 : i32
          %dma_wait3A_708 = tpu.memref_slice %arg11[%dma_wait3A_706, %dma_wait3A_707] : memref<8x96xi32, #tpu.memory_space<vmem>> -> memref<1x96xi32, #tpu.memory_space<vmem>>
          %dma_wait3A_709 = tpu.memref_squeeze %dma_wait3A_708 : memref<1x96xi32, #tpu.memory_space<vmem>> -> memref<96xi32, #tpu.memory_space<vmem>>
          %dma_wait3A_710 = arith.constant 0 : i32
          %dma_wait3A_711 = arith.constant 0 : i32
          %dma_wait3A_712 = tpu.memref_slice %arg9[%dma_wait3A_710, %dma_wait3A_711] : memref<10240x16xf32, #tpu.memory_space<vmem_shared>> -> memref<10240x16xf32, #tpu.memory_space<vmem_shared>>
          tpu.wait_indirect_dma semaphore(%arg24 : memref<!tpu.dma_semaphore, #tpu.memory_space<semaphore_mem>>) src(%arg13 : memref<96x16xf32, #tpu.memory_space<vmem>>) dst(%dma_wait3A_712 : memref<10240x16xf32, #tpu.memory_space<vmem_shared>>)
        } else {
        }
      } else {
      }
      %add3A_674 = arith.constant 5 : i32
      %add3A_675 = arith.addi %add3A_639, %add3A_674 : i32
      %lt3A_676 = arith.constant 216 : i32
      %lt3A_677 = arith.cmpi slt, %add3A_675, %lt3A_676 : i32
      %convert_element_type3A_678 = arith.extui %lt3A_677 : i1 to i32
      %cond3A_679 = arith.constant 0 : i32
      %cond3A_680 = arith.cmpi ne, %convert_element_type3A_678, %cond3A_679 : i32
      scf.if %cond3A_680 {
        %add3A_689 = arith.constant 5 : i32
        %add3A_690 = arith.addi %add3A_639, %add3A_689 : i32
        %mul3A_691 = arith.constant 96 : i32
        %mul3A_692 = arith.muli %add3A_690, %mul3A_691 : i32
        %add3A_693 = arith.addi %mul3A_39, %mul3A_692 : i32
        %dma_start3A_694 = arith.constant 4 : i32
        %dma_start3A_695 = arith.constant 0 : i32
        %dma_start3A_696 = tpu.memref_slice %arg10[%dma_start3A_694, %dma_start3A_695] : memref<8x96xi32, #tpu.memory_space<vmem>> -> memref<1x96xi32, #tpu.memory_space<vmem>>
        %dma_start3A_697 = tpu.memref_squeeze %dma_start3A_696 : memref<1x96xi32, #tpu.memory_space<vmem>> -> memref<96xi32, #tpu.memory_space<vmem>>
        %dma_start3A_698 = tpu.memref_slice %arg3[%add3A_693] : memref<331776xi32, #tpu.memory_space<hbm>> -> memref<96xi32, #tpu.memory_space<hbm>>
        %dma_start3A_699 = arith.constant 0 : i32
        %dma_start3A_700 = tpu.memref_slice %arg10[%dma_start3A_694, %dma_start3A_699] : memref<8x96xi32, #tpu.memory_space<vmem>> -> memref<1x96xi32, #tpu.memory_space<vmem>>
        %dma_start3A_701 = tpu.memref_squeeze %dma_start3A_700 : memref<1x96xi32, #tpu.memory_space<vmem>> -> memref<96xi32, #tpu.memory_space<vmem>>
        %dma_start3A_702 = tpu.memref_slice %arg3[%add3A_693] : memref<331776xi32, #tpu.memory_space<hbm>> -> memref<96xi32, #tpu.memory_space<hbm>>
        tpu.enqueue_dma source(%dma_start3A_702 : memref<96xi32, #tpu.memory_space<hbm>>) target(%dma_start3A_701 : memref<96xi32, #tpu.memory_space<vmem>>) target_semaphore(%arg30 : memref<!tpu.dma_semaphore, #tpu.memory_space<semaphore_mem>>)
        %mul3A_703 = arith.constant 96 : i32
        %mul3A_704 = arith.muli %add3A_690, %mul3A_703 : i32
        %add3A_705 = arith.addi %mul3A_39, %mul3A_704 : i32
        %dma_start3A_706 = arith.constant 4 : i32
        %dma_start3A_707 = arith.constant 0 : i32
        %dma_start3A_708 = tpu.memref_slice %arg11[%dma_start3A_706, %dma_start3A_707] : memref<8x96xi32, #tpu.memory_space<vmem>> -> memref<1x96xi32, #tpu.memory_space<vmem>>
        %dma_start3A_709 = tpu.memref_squeeze %dma_start3A_708 : memref<1x96xi32, #tpu.memory_space<vmem>> -> memref<96xi32, #tpu.memory_space<vmem>>
        %dma_start3A_710 = tpu.memref_slice %arg4[%add3A_705] : memref<331776xi32, #tpu.memory_space<hbm>> -> memref<96xi32, #tpu.memory_space<hbm>>
        %dma_start3A_711 = arith.constant 0 : i32
        %dma_start3A_712 = tpu.memref_slice %arg11[%dma_start3A_706, %dma_start3A_711] : memref<8x96xi32, #tpu.memory_space<vmem>> -> memref<1x96xi32, #tpu.memory_space<vmem>>
        %dma_start3A_713 = tpu.memref_squeeze %dma_start3A_712 : memref<1x96xi32, #tpu.memory_space<vmem>> -> memref<96xi32, #tpu.memory_space<vmem>>
        %dma_start3A_714 = tpu.memref_slice %arg4[%add3A_705] : memref<331776xi32, #tpu.memory_space<hbm>> -> memref<96xi32, #tpu.memory_space<hbm>>
        tpu.enqueue_dma source(%dma_start3A_714 : memref<96xi32, #tpu.memory_space<hbm>>) target(%dma_start3A_713 : memref<96xi32, #tpu.memory_space<vmem>>) target_semaphore(%arg30 : memref<!tpu.dma_semaphore, #tpu.memory_space<semaphore_mem>>)
      } else {
      }
      %add3A_681 = arith.constant 3 : i32
      %add3A_682 = arith.addi %add3A_639, %add3A_681 : i32
      %lt3A_683 = arith.constant 216 : i32
      %lt3A_684 = arith.cmpi slt, %add3A_682, %lt3A_683 : i32
      %convert_element_type3A_685 = arith.extui %lt3A_684 : i1 to i32
      %cond3A_686 = arith.constant 0 : i32
      %cond3A_687 = arith.cmpi ne, %convert_element_type3A_685, %cond3A_686 : i32
      scf.if %cond3A_687 {
        %add3A_689 = arith.constant 3 : i32
        %add3A_690 = arith.addi %add3A_639, %add3A_689 : i32
        %mul3A_691 = arith.constant 96 : i32
        %mul3A_692 = arith.muli %add3A_690, %mul3A_691 : i32
        %add3A_693 = arith.addi %mul3A_39, %mul3A_692 : i32
        %dma_wait3A_694 = arith.constant 2 : i32
        %dma_wait3A_695 = arith.constant 0 : i32
        %dma_wait3A_696 = tpu.memref_slice %arg10[%dma_wait3A_694, %dma_wait3A_695] : memref<8x96xi32, #tpu.memory_space<vmem>> -> memref<1x96xi32, #tpu.memory_space<vmem>>
        %dma_wait3A_697 = tpu.memref_squeeze %dma_wait3A_696 : memref<1x96xi32, #tpu.memory_space<vmem>> -> memref<96xi32, #tpu.memory_space<vmem>>
        %dma_wait3A_698 = tpu.memref_slice %arg3[%add3A_693] : memref<331776xi32, #tpu.memory_space<hbm>> -> memref<96xi32, #tpu.memory_space<hbm>>
        %dma_wait3A_699 = arith.constant 0 : i32
        %dma_wait3A_700 = tpu.memref_slice %arg10[%dma_wait3A_694, %dma_wait3A_699] : memref<8x96xi32, #tpu.memory_space<vmem>> -> memref<1x96xi32, #tpu.memory_space<vmem>>
        %dma_wait3A_701 = tpu.memref_squeeze %dma_wait3A_700 : memref<1x96xi32, #tpu.memory_space<vmem>> -> memref<96xi32, #tpu.memory_space<vmem>>
        %dma_wait3A_702 = tpu.memref_slice %arg3[%add3A_693] : memref<331776xi32, #tpu.memory_space<hbm>> -> memref<96xi32, #tpu.memory_space<hbm>>
        tpu.wait_dma2 semaphore(%arg28 : memref<!tpu.dma_semaphore, #tpu.memory_space<semaphore_mem>>) src(%dma_wait3A_702 : memref<96xi32, #tpu.memory_space<hbm>>) dst(%dma_wait3A_701 : memref<96xi32, #tpu.memory_space<vmem>>)
        %mul3A_703 = arith.constant 96 : i32
        %mul3A_704 = arith.muli %add3A_690, %mul3A_703 : i32
        %add3A_705 = arith.addi %mul3A_39, %mul3A_704 : i32
        %dma_wait3A_706 = arith.constant 2 : i32
        %dma_wait3A_707 = arith.constant 0 : i32
        %dma_wait3A_708 = tpu.memref_slice %arg11[%dma_wait3A_706, %dma_wait3A_707] : memref<8x96xi32, #tpu.memory_space<vmem>> -> memref<1x96xi32, #tpu.memory_space<vmem>>
        %dma_wait3A_709 = tpu.memref_squeeze %dma_wait3A_708 : memref<1x96xi32, #tpu.memory_space<vmem>> -> memref<96xi32, #tpu.memory_space<vmem>>
        %dma_wait3A_710 = tpu.memref_slice %arg4[%add3A_705] : memref<331776xi32, #tpu.memory_space<hbm>> -> memref<96xi32, #tpu.memory_space<hbm>>
        %dma_wait3A_711 = arith.constant 0 : i32
        %dma_wait3A_712 = tpu.memref_slice %arg11[%dma_wait3A_706, %dma_wait3A_711] : memref<8x96xi32, #tpu.memory_space<vmem>> -> memref<1x96xi32, #tpu.memory_space<vmem>>
        %dma_wait3A_713 = tpu.memref_squeeze %dma_wait3A_712 : memref<1x96xi32, #tpu.memory_space<vmem>> -> memref<96xi32, #tpu.memory_space<vmem>>
        %dma_wait3A_714 = tpu.memref_slice %arg4[%add3A_705] : memref<331776xi32, #tpu.memory_space<hbm>> -> memref<96xi32, #tpu.memory_space<hbm>>
        tpu.wait_dma2 semaphore(%arg28 : memref<!tpu.dma_semaphore, #tpu.memory_space<semaphore_mem>>) src(%dma_wait3A_714 : memref<96xi32, #tpu.memory_space<hbm>>) dst(%dma_wait3A_713 : memref<96xi32, #tpu.memory_space<vmem>>)
        %dma_start3A_715 = arith.constant 2 : i32
        %dma_start3A_716 = arith.constant 2 : i32
        %dma_start3A_717 = arith.constant 0 : i32
        %dma_start3A_718 = arith.constant 0 : i32
        %dma_start3A_719 = tpu.memref_slice %arg12[%dma_start3A_716, %dma_start3A_717, %dma_start3A_718] : memref<4x96x64xf32, #tpu.memory_space<vmem>> -> memref<1x96x64xf32, #tpu.memory_space<vmem>>
        %dma_start3A_720 = tpu.memref_squeeze %dma_start3A_719 : memref<1x96x64xf32, #tpu.memory_space<vmem>> -> memref<96x64xf32, #tpu.memory_space<vmem>>
        %dma_start3A_721 = arith.constant 0 : i32
        %dma_start3A_722 = tpu.memref_slice %arg10[%dma_start3A_715, %dma_start3A_721] : memref<8x96xi32, #tpu.memory_space<vmem>> -> memref<1x96xi32, #tpu.memory_space<vmem>>
        %dma_start3A_723 = tpu.memref_squeeze %dma_start3A_722 : memref<1x96xi32, #tpu.memory_space<vmem>> -> memref<96xi32, #tpu.memory_space<vmem>>
        %dma_start3A_724 = arith.constant 0 : i32
        %dma_start3A_725 = arith.constant 0 : i32
        %dma_start3A_726 = tpu.memref_slice %arg8[%dma_start3A_724, %dma_start3A_725] : memref<10000x64xf32, #tpu.memory_space<vmem_shared>> -> memref<10000x64xf32, #tpu.memory_space<vmem_shared>>
        tpu.enqueue_indirect_dma source(%dma_start3A_726 : memref<10000x64xf32, #tpu.memory_space<vmem_shared>>) target(%dma_start3A_720 : memref<96x64xf32, #tpu.memory_space<vmem>>) offsets(%dma_start3A_723 : memref<96xi32, #tpu.memory_space<vmem>>) semaphore(%arg16 : memref<!tpu.dma_semaphore, #tpu.memory_space<semaphore_mem>>)
      } else {
      }
      %scan3A_688 = arith.constant 0 : i32
      scf.yield %scan3A_688 : i32
    }
    %scan3A_256 = arith.constant 27 : i32
    %dma_wait3A_257 = arith.constant 3 : i32
    %dma_wait3A_258 = arith.constant 7 : i32
    %dma_wait3A_259 = arith.constant 0 : i32
    %dma_wait3A_260 = arith.constant 0 : i32
    %dma_wait3A_261 = tpu.memref_slice %arg12[%dma_wait3A_257, %dma_wait3A_259, %dma_wait3A_260] : memref<4x96x64xf32, #tpu.memory_space<vmem>> -> memref<1x96x64xf32, #tpu.memory_space<vmem>>
    %dma_wait3A_262 = tpu.memref_squeeze %dma_wait3A_261 : memref<1x96x64xf32, #tpu.memory_space<vmem>> -> memref<96x64xf32, #tpu.memory_space<vmem>>
    %dma_wait3A_263 = arith.constant 0 : i32
    %dma_wait3A_264 = tpu.memref_slice %arg11[%dma_wait3A_258, %dma_wait3A_263] : memref<8x96xi32, #tpu.memory_space<vmem>> -> memref<1x96xi32, #tpu.memory_space<vmem>>
    %dma_wait3A_265 = tpu.memref_squeeze %dma_wait3A_264 : memref<1x96xi32, #tpu.memory_space<vmem>> -> memref<96xi32, #tpu.memory_space<vmem>>
    %dma_wait3A_266 = arith.constant 0 : i32
    %dma_wait3A_267 = arith.constant 0 : i32
    %dma_wait3A_268 = tpu.memref_slice %arg7[%dma_wait3A_266, %dma_wait3A_267] : memref<10240x64xf32, #tpu.memory_space<vmem_shared>> -> memref<10240x64xf32, #tpu.memory_space<vmem_shared>>
    tpu.wait_indirect_dma semaphore(%arg21 : memref<!tpu.dma_semaphore, #tpu.memory_space<semaphore_mem>>) src(%dma_wait3A_262 : memref<96x64xf32, #tpu.memory_space<vmem>>) dst(%dma_wait3A_268 : memref<10240x64xf32, #tpu.memory_space<vmem_shared>>)
    %eq3A = arith.constant 1 : i32
    %eq3A_269 = arith.cmpi eq, %arg0, %eq3A : i32
    %convert_element_type3A = arith.extui %eq3A_269 : i1 to i32
    %cond3A = arith.constant 0 : i32
    %cond3A_270 = arith.cmpi ne, %convert_element_type3A, %cond3A : i32
    scf.if %cond3A_270 {
      %dma_wait3A_272 = arith.constant 7 : i32
      %dma_wait3A_273 = arith.constant 0 : i32
      %dma_wait3A_274 = tpu.memref_slice %arg11[%dma_wait3A_272, %dma_wait3A_273] : memref<8x96xi32, #tpu.memory_space<vmem>> -> memref<1x96xi32, #tpu.memory_space<vmem>>
      %dma_wait3A_275 = tpu.memref_squeeze %dma_wait3A_274 : memref<1x96xi32, #tpu.memory_space<vmem>> -> memref<96xi32, #tpu.memory_space<vmem>>
      %dma_wait3A_276 = arith.constant 0 : i32
      %dma_wait3A_277 = arith.constant 0 : i32
      %dma_wait3A_278 = tpu.memref_slice %arg9[%dma_wait3A_276, %dma_wait3A_277] : memref<10240x16xf32, #tpu.memory_space<vmem_shared>> -> memref<10240x16xf32, #tpu.memory_space<vmem_shared>>
      tpu.wait_indirect_dma semaphore(%arg25 : memref<!tpu.dma_semaphore, #tpu.memory_space<semaphore_mem>>) src(%arg13 : memref<96x16xf32, #tpu.memory_space<vmem>>) dst(%dma_wait3A_278 : memref<10240x16xf32, #tpu.memory_space<vmem_shared>>)
    } else {
    }
    %barrier3A_271 = arith.constant 0 : index
    tpu.barrier barrier_id(%barrier3A_271)
    "tpu.region"() ({
      %run_scoped3A_272 = tpu.sem_alloc : memref<!tpu.dma_semaphore, #tpu.memory_space<semaphore_mem>>
      %dma_start3A_273 = arith.constant 0 : i32
      %dma_start3A_274 = tpu.memref_slice %arg5[%arg0, %mul3A_13, %dma_start3A_273] : memref<2x10240x64xf32, #tpu.memory_space<hbm>> -> memref<1x640x64xf32, #tpu.memory_space<hbm>>
      %dma_start3A_275 = tpu.memref_squeeze %dma_start3A_274 : memref<1x640x64xf32, #tpu.memory_space<hbm>> -> memref<640x64xf32, #tpu.memory_space<hbm>>
      %dma_start3A_276 = arith.constant 0 : i32
      %dma_start3A_277 = tpu.memref_slice %arg7[%mul3A_13, %dma_start3A_276] : memref<10240x64xf32, #tpu.memory_space<vmem_shared>> -> memref<640x64xf32, #tpu.memory_space<vmem_shared>>
      tpu.enqueue_dma source(%dma_start3A_277 : memref<640x64xf32, #tpu.memory_space<vmem_shared>>) target(%dma_start3A_275 : memref<640x64xf32, #tpu.memory_space<hbm>>) target_semaphore(%run_scoped3A_272 : memref<!tpu.dma_semaphore, #tpu.memory_space<semaphore_mem>>)
      %dma_wait3A_278 = arith.constant 0 : i32
      %dma_wait3A_279 = tpu.memref_slice %arg5[%arg0, %mul3A_13, %dma_wait3A_278] : memref<2x10240x64xf32, #tpu.memory_space<hbm>> -> memref<1x640x64xf32, #tpu.memory_space<hbm>>
      %dma_wait3A_280 = tpu.memref_squeeze %dma_wait3A_279 : memref<1x640x64xf32, #tpu.memory_space<hbm>> -> memref<640x64xf32, #tpu.memory_space<hbm>>
      %dma_wait3A_281 = arith.constant 0 : i32
      %dma_wait3A_282 = tpu.memref_slice %arg7[%mul3A_13, %dma_wait3A_281] : memref<10240x64xf32, #tpu.memory_space<vmem_shared>> -> memref<640x64xf32, #tpu.memory_space<vmem_shared>>
      tpu.wait_dma2 semaphore(%run_scoped3A_272 : memref<!tpu.dma_semaphore, #tpu.memory_space<semaphore_mem>>) src(%dma_wait3A_282 : memref<640x64xf32, #tpu.memory_space<vmem_shared>>) dst(%dma_wait3A_280 : memref<640x64xf32, #tpu.memory_space<hbm>>)
      tpu.yield
    }) : () -> ()
    "tpu.region"() ({
      %run_scoped3A_272 = tpu.sem_alloc : memref<!tpu.dma_semaphore, #tpu.memory_space<semaphore_mem>>
      %dma_start3A_273 = arith.constant 0 : i32
      %dma_start3A_274 = tpu.memref_slice %arg6[%arg0, %mul3A_13, %dma_start3A_273] : memref<2x10240x16xf32, #tpu.memory_space<hbm>> -> memref<1x640x16xf32, #tpu.memory_space<hbm>>
      %dma_start3A_275 = tpu.memref_squeeze %dma_start3A_274 : memref<1x640x16xf32, #tpu.memory_space<hbm>> -> memref<640x16xf32, #tpu.memory_space<hbm>>
      %dma_start3A_276 = arith.constant 0 : i32
      %dma_start3A_277 = tpu.memref_slice %arg9[%mul3A_13, %dma_start3A_276] : memref<10240x16xf32, #tpu.memory_space<vmem_shared>> -> memref<640x16xf32, #tpu.memory_space<vmem_shared>>
      tpu.enqueue_dma source(%dma_start3A_277 : memref<640x16xf32, #tpu.memory_space<vmem_shared>>) target(%dma_start3A_275 : memref<640x16xf32, #tpu.memory_space<hbm>>) target_semaphore(%run_scoped3A_272 : memref<!tpu.dma_semaphore, #tpu.memory_space<semaphore_mem>>)
      %dma_wait3A_278 = arith.constant 0 : i32
      %dma_wait3A_279 = tpu.memref_slice %arg6[%arg0, %mul3A_13, %dma_wait3A_278] : memref<2x10240x16xf32, #tpu.memory_space<hbm>> -> memref<1x640x16xf32, #tpu.memory_space<hbm>>
      %dma_wait3A_280 = tpu.memref_squeeze %dma_wait3A_279 : memref<1x640x16xf32, #tpu.memory_space<hbm>> -> memref<640x16xf32, #tpu.memory_space<hbm>>
      %dma_wait3A_281 = arith.constant 0 : i32
      %dma_wait3A_282 = tpu.memref_slice %arg9[%mul3A_13, %dma_wait3A_281] : memref<10240x16xf32, #tpu.memory_space<vmem_shared>> -> memref<640x16xf32, #tpu.memory_space<vmem_shared>>
      tpu.wait_dma2 semaphore(%run_scoped3A_272 : memref<!tpu.dma_semaphore, #tpu.memory_space<semaphore_mem>>) src(%dma_wait3A_282 : memref<640x16xf32, #tpu.memory_space<vmem_shared>>) dst(%dma_wait3A_280 : memref<640x16xf32, #tpu.memory_space<hbm>>)
      tpu.yield
    }) : () -> ()
    return
  }
}

module attributes {stable_mosaic.version = 14 : i64} {
  func.func @_tc_layer_body(%arg0: i32, %arg1: memref<2x1000x64xf32, #tpu.memory_space<vmem>>, %arg2: memref<2x1000x16xf32, #tpu.memory_space<vmem>>, %arg3: memref<1000x128xf32, #tpu.memory_space<vmem>>, %arg4: memref<128x128xf32, #tpu.memory_space<vmem>>, %arg5: memref<128x128xf32, #tpu.memory_space<vmem>>, %arg6: memref<1x128xf32, #tpu.memory_space<vmem>>, %arg7: memref<128x1xf32, #tpu.memory_space<vmem>>, %arg8: memref<1x1xf32, #tpu.memory_space<vmem>>, %arg9: memref<1000x128xf32, #tpu.memory_space<vmem>>, %arg10: memref<2x1000x64xf32, #tpu.memory_space<vmem>>, %arg11: memref<1000x1xf32, #tpu.memory_space<vmem>>) attributes {dimension_semantics = [#tpu.dimension_semantics<arbitrary>], iteration_bounds = array<i64: 10>, scalar_prefetch = 0 : i64, scratch_operands = 0 : i64, tpu.core_type = #tpu.core_type<tc>, window_params = [{transform_indices = @transform_0, window_bounds = array<i64: 2, 1000, 64>}, {transform_indices = @transform_1, window_bounds = array<i64: 2, 1000, 16>}, {transform_indices = @transform_2, window_bounds = array<i64: 1000, 128>}, {pipeline_mode = #tpu.pipeline_mode<synchronous>, transform_indices = @transform_3, window_bounds = array<i64: 128, 128>}, {pipeline_mode = #tpu.pipeline_mode<synchronous>, transform_indices = @transform_4, window_bounds = array<i64: 128, 128>}, {pipeline_mode = #tpu.pipeline_mode<synchronous>, transform_indices = @transform_5, window_bounds = array<i64: 1, 128>}, {pipeline_mode = #tpu.pipeline_mode<synchronous>, transform_indices = @transform_6, window_bounds = array<i64: 128, 1>}, {pipeline_mode = #tpu.pipeline_mode<synchronous>, transform_indices = @transform_7, window_bounds = array<i64: 1, 1>}, {transform_indices = @transform_8, window_bounds = array<i64: 1000, 128>}, {transform_indices = @transform_9, window_bounds = array<i64: 2, 1000, 64>}, {transform_indices = @transform_10, window_bounds = array<i64: 1000, 1>}]} {
    %get3A = arith.constant 0 : index
    %get3A_0 = arith.constant 0 : index
    %get3A_1 = arith.constant 0 : index
    %get3A_2 = vector.load %arg1[%get3A, %get3A_0, %get3A_1] : memref<2x1000x64xf32, #tpu.memory_space<vmem>>, vector<1x1000x64xf32>
    %get3A_3 = vector.shape_cast %get3A_2 : vector<1x1000x64xf32> to vector<1000x64xf32>
    %get3A_4 = arith.constant 1 : index
    %get3A_5 = arith.constant 0 : index
    %get3A_6 = arith.constant 0 : index
    %get3A_7 = vector.load %arg1[%get3A_4, %get3A_5, %get3A_6] : memref<2x1000x64xf32, #tpu.memory_space<vmem>>, vector<1x1000x64xf32>
    %get3A_8 = vector.shape_cast %get3A_7 : vector<1x1000x64xf32> to vector<1000x64xf32>
    %concatenate3A = tpu.concatenate %get3A_3, %get3A_8 in 1 : vector<1000x64xf32>, vector<1000x64xf32> -> vector<1000x128xf32>
    %get3A_9 = arith.constant 0 : index
    %get3A_10 = arith.constant 0 : index
    %get3A_11 = arith.constant 0 : index
    %get3A_12 = vector.load %arg2[%get3A_9, %get3A_10, %get3A_11] : memref<2x1000x16xf32, #tpu.memory_space<vmem>>, vector<1x1000x1xf32>
    %get3A_13 = vector.shape_cast %get3A_12 : vector<1x1000x1xf32> to vector<1000x1xf32>
    %get3A_14 = arith.constant 1 : index
    %get3A_15 = arith.constant 0 : index
    %get3A_16 = arith.constant 0 : index
    %get3A_17 = vector.load %arg2[%get3A_14, %get3A_15, %get3A_16] : memref<2x1000x16xf32, #tpu.memory_space<vmem>>, vector<1x1000x1xf32>
    %get3A_18 = vector.shape_cast %get3A_17 : vector<1x1000x1xf32> to vector<1000x1xf32>
    %add3A = arith.addf %get3A_13, %get3A_18 : vector<1000x1xf32>
    %max3A = arith.constant 1.000000e+00 : f32
    %max3A_19 = vector.broadcast %max3A : f32 to vector<1000x1xf32>
    %max3A_20 = arith.maximumf %add3A, %max3A_19 : vector<1000x1xf32>
    %div3A = arith.constant 1.000000e+00 : f32
    %div3A_21 = vector.broadcast %div3A : f32 to vector<1000x1xf32>
    %div3A_22 = arith.divf %div3A_21, %max3A_20 : vector<1000x1xf32>
    %mul3A = vector.broadcast %div3A_22 : vector<1000x1xf32> to vector<1000x128xf32>
    %mul3A_23 = arith.mulf %concatenate3A, %mul3A : vector<1000x128xf32>
    %get3A_24 = arith.constant 0 : index
    %get3A_25 = arith.constant 0 : index
    %get3A_26 = vector.load %arg4[%get3A_24, %get3A_25] : memref<128x128xf32, #tpu.memory_space<vmem>>, vector<128x128xf32>
    %dot_general3A = arith.constant dense<0.000000e+00> : vector<1000x128xf32>
    %dot_general3A_27 = tpu.matmul %mul3A_23, %get3A_26, %dot_general3A {dimension_numbers = #tpu.dot_dimension_numbers<[1], [0], [0], [1], [0, 0, 1, 1], [], []>, transpose_lhs_hint = false} : vector<1000x128xf32>, vector<128x128xf32>, vector<1000x128xf32> -> vector<1000x128xf32>
    %get3A_28 = arith.constant 0 : index
    %get3A_29 = arith.constant 0 : index
    %get3A_30 = vector.load %arg3[%get3A_28, %get3A_29] : memref<1000x128xf32, #tpu.memory_space<vmem>>, vector<1000x128xf32>
    %get3A_31 = arith.constant 0 : index
    %get3A_32 = arith.constant 0 : index
    %get3A_33 = vector.load %arg5[%get3A_31, %get3A_32] : memref<128x128xf32, #tpu.memory_space<vmem>>, vector<128x128xf32>
    %dot_general3A_34 = arith.constant dense<0.000000e+00> : vector<1000x128xf32>
    %dot_general3A_35 = tpu.matmul %get3A_30, %get3A_33, %dot_general3A_34 {dimension_numbers = #tpu.dot_dimension_numbers<[1], [0], [0], [1], [0, 0, 1, 1], [], []>, transpose_lhs_hint = false} : vector<1000x128xf32>, vector<128x128xf32>, vector<1000x128xf32> -> vector<1000x128xf32>
    %add3A_36 = arith.addf %dot_general3A_27, %dot_general3A_35 : vector<1000x128xf32>
    %get3A_37 = arith.constant 0 : index
    %get3A_38 = arith.constant 0 : index
    %get3A_39 = vector.load %arg6[%get3A_37, %get3A_38] : memref<1x128xf32, #tpu.memory_space<vmem>>, vector<1x128xf32>
    %add3A_40 = vector.broadcast %get3A_39 : vector<1x128xf32> to vector<1000x128xf32>
    %add3A_41 = arith.addf %add3A_36, %add3A_40 : vector<1000x128xf32>
    %max3A_42 = arith.constant 0.000000e+00 : f32
    %max3A_43 = vector.broadcast %max3A_42 : f32 to vector<1000x128xf32>
    %max3A_44 = arith.maximumf %add3A_41, %max3A_43 : vector<1000x128xf32>
    %swap3A = arith.constant 0 : index
    %swap3A_45 = arith.constant 0 : index
    %swap3A_46 = vector.load %arg9[%swap3A, %swap3A_45] : memref<1000x128xf32, #tpu.memory_space<vmem>>, vector<1000x128xf32>
    tpu.vector_store %arg9[%swap3A, %swap3A_45], %max3A_44 {strides = array<i32>} : memref<1000x128xf32, #tpu.memory_space<vmem>>, vector<1000x128xf32>,
    %slice3A = vector.extract_strided_slice %max3A_44 {offsets = [0, 0], sizes = [1000, 64], strides = [1, 1]} : vector<1000x128xf32> to vector<1000x64xf32>
    %swap3A_47 = arith.constant 0 : index
    %swap3A_48 = arith.constant 0 : index
    %swap3A_49 = arith.constant 0 : index
    %swap3A_50 = vector.load %arg10[%swap3A_47, %swap3A_48, %swap3A_49] : memref<2x1000x64xf32, #tpu.memory_space<vmem>>, vector<1x1000x64xf32>
    %swap3A_51 = vector.shape_cast %swap3A_50 : vector<1x1000x64xf32> to vector<1000x64xf32>
    %swap3A_52 = vector.shape_cast %slice3A : vector<1000x64xf32> to vector<1x1000x64xf32>
    tpu.vector_store %arg10[%swap3A_47, %swap3A_48, %swap3A_49], %swap3A_52 {strides = array<i32>} : memref<2x1000x64xf32, #tpu.memory_space<vmem>>, vector<1x1000x64xf32>,
    %slice3A_53 = vector.extract_strided_slice %max3A_44 {offsets = [0, 64], sizes = [1000, 64], strides = [1, 1]} : vector<1000x128xf32> to vector<1000x64xf32>
    %swap3A_54 = arith.constant 1 : index
    %swap3A_55 = arith.constant 0 : index
    %swap3A_56 = arith.constant 0 : index
    %swap3A_57 = vector.load %arg10[%swap3A_54, %swap3A_55, %swap3A_56] : memref<2x1000x64xf32, #tpu.memory_space<vmem>>, vector<1x1000x64xf32>
    %swap3A_58 = vector.shape_cast %swap3A_57 : vector<1x1000x64xf32> to vector<1000x64xf32>
    %swap3A_59 = vector.shape_cast %slice3A_53 : vector<1000x64xf32> to vector<1x1000x64xf32>
    tpu.vector_store %arg10[%swap3A_54, %swap3A_55, %swap3A_56], %swap3A_59 {strides = array<i32>} : memref<2x1000x64xf32, #tpu.memory_space<vmem>>, vector<1x1000x64xf32>,
    %get3A_60 = arith.constant 0 : index
    %get3A_61 = arith.constant 0 : index
    %get3A_62 = vector.load %arg7[%get3A_60, %get3A_61] : memref<128x1xf32, #tpu.memory_space<vmem>>, vector<128x1xf32>
    %dot_general3A_63 = arith.constant dense<0.000000e+00> : vector<1000x1xf32>
    %dot_general3A_64 = tpu.matmul %max3A_44, %get3A_62, %dot_general3A_63 {dimension_numbers = #tpu.dot_dimension_numbers<[1], [0], [0], [1], [0, 0, 1, 1], [], []>, transpose_lhs_hint = false} : vector<1000x128xf32>, vector<128x1xf32>, vector<1000x1xf32> -> vector<1000x1xf32>
    %get3A_65 = arith.constant 0 : index
    %get3A_66 = arith.constant 0 : index
    %get3A_67 = vector.load %arg8[%get3A_65, %get3A_66] : memref<1x1xf32, #tpu.memory_space<vmem>>, vector<1x1xf32>
    %add3A_68 = vector.broadcast %get3A_67 : vector<1x1xf32> to vector<1000x1xf32>
    %add3A_69 = arith.addf %dot_general3A_64, %add3A_68 : vector<1000x1xf32>
    %swap3A_70 = arith.constant 0 : index
    %swap3A_71 = arith.constant 0 : index
    %swap3A_72 = vector.load %arg11[%swap3A_70, %swap3A_71] : memref<1000x1xf32, #tpu.memory_space<vmem>>, vector<1000x1xf32>
    tpu.vector_store %arg11[%swap3A_70, %swap3A_71], %add3A_69 {strides = array<i32>} : memref<1000x1xf32, #tpu.memory_space<vmem>>, vector<1000x1xf32>,
    return
  }
  func.func @transform_0(%arg0: i32) -> (i32, i32, i32) {
    %c0_i32 = arith.constant 0 : i32
    %c0_i32_0 = arith.constant 0 : i32
    %c0_i32_1 = arith.constant 0 : i32
    return %c0_i32, %arg0, %c0_i32_0 : i32, i32, i32
  }
  func.func @transform_1(%arg0: i32) -> (i32, i32, i32) {
    %c0_i32 = arith.constant 0 : i32
    %c0_i32_0 = arith.constant 0 : i32
    %c0_i32_1 = arith.constant 0 : i32
    return %c0_i32, %arg0, %c0_i32_0 : i32, i32, i32
  }
  func.func @transform_2(%arg0: i32) -> (i32, i32) {
    %c0_i32 = arith.constant 0 : i32
    %c0_i32_0 = arith.constant 0 : i32
    return %arg0, %c0_i32 : i32, i32
  }
  func.func @transform_3(%arg0: i32) -> (i32, i32) {
    %c0_i32 = arith.constant 0 : i32
    %c0_i32_0 = arith.constant 0 : i32
    %c0_i32_1 = arith.constant 0 : i32
    return %c0_i32, %c0_i32_0 : i32, i32
  }
  func.func @transform_4(%arg0: i32) -> (i32, i32) {
    %c0_i32 = arith.constant 0 : i32
    %c0_i32_0 = arith.constant 0 : i32
    %c0_i32_1 = arith.constant 0 : i32
    return %c0_i32, %c0_i32_0 : i32, i32
  }
  func.func @transform_5(%arg0: i32) -> (i32, i32) {
    %c0_i32 = arith.constant 0 : i32
    %c0_i32_0 = arith.constant 0 : i32
    %c0_i32_1 = arith.constant 0 : i32
    return %c0_i32, %c0_i32_0 : i32, i32
  }
  func.func @transform_6(%arg0: i32) -> (i32, i32) {
    %c0_i32 = arith.constant 0 : i32
    %c0_i32_0 = arith.constant 0 : i32
    %c0_i32_1 = arith.constant 0 : i32
    return %c0_i32, %c0_i32_0 : i32, i32
  }
  func.func @transform_7(%arg0: i32) -> (i32, i32) {
    %c0_i32 = arith.constant 0 : i32
    %c0_i32_0 = arith.constant 0 : i32
    %c0_i32_1 = arith.constant 0 : i32
    return %c0_i32, %c0_i32_0 : i32, i32
  }
  func.func @transform_8(%arg0: i32) -> (i32, i32) {
    %c0_i32 = arith.constant 0 : i32
    %c0_i32_0 = arith.constant 0 : i32
    return %arg0, %c0_i32 : i32, i32
  }
  func.func @transform_9(%arg0: i32) -> (i32, i32, i32) {
    %c0_i32 = arith.constant 0 : i32
    %c0_i32_0 = arith.constant 0 : i32
    %c0_i32_1 = arith.constant 0 : i32
    return %c0_i32, %arg0, %c0_i32_0 : i32, i32, i32
  }
  func.func @transform_10(%arg0: i32) -> (i32, i32) {
    %c0_i32 = arith.constant 0 : i32
    %c0_i32_0 = arith.constant 0 : i32
    return %arg0, %c0_i32 : i32, i32
  }
}

module attributes {stable_mosaic.version = 14 : i64} {
  func.func @_tc_layer_body(%arg0: i32, %arg1: memref<2x1000x64xf32, #tpu.memory_space<vmem>>, %arg2: memref<2x1000x16xf32, #tpu.memory_space<vmem>>, %arg3: memref<1000x128xf32, #tpu.memory_space<vmem>>, %arg4: memref<128x128xf32, #tpu.memory_space<vmem>>, %arg5: memref<128x128xf32, #tpu.memory_space<vmem>>, %arg6: memref<1x128xf32, #tpu.memory_space<vmem>>, %arg7: memref<128x1xf32, #tpu.memory_space<vmem>>, %arg8: memref<1x1xf32, #tpu.memory_space<vmem>>, %arg9: memref<1000x128xf32, #tpu.memory_space<vmem>>, %arg10: memref<2x1000x64xf32, #tpu.memory_space<vmem>>, %arg11: memref<1000x1xf32, #tpu.memory_space<vmem>>) attributes {dimension_semantics = [#tpu.dimension_semantics<arbitrary>], iteration_bounds = array<i64: 10>, scalar_prefetch = 0 : i64, scratch_operands = 0 : i64, tpu.core_type = #tpu.core_type<tc>, window_params = [{transform_indices = @transform_0, window_bounds = array<i64: 2, 1000, 64>}, {transform_indices = @transform_1, window_bounds = array<i64: 2, 1000, 16>}, {transform_indices = @transform_2, window_bounds = array<i64: 1000, 128>}, {pipeline_mode = #tpu.pipeline_mode<synchronous>, transform_indices = @transform_3, window_bounds = array<i64: 128, 128>}, {pipeline_mode = #tpu.pipeline_mode<synchronous>, transform_indices = @transform_4, window_bounds = array<i64: 128, 128>}, {pipeline_mode = #tpu.pipeline_mode<synchronous>, transform_indices = @transform_5, window_bounds = array<i64: 1, 128>}, {pipeline_mode = #tpu.pipeline_mode<synchronous>, transform_indices = @transform_6, window_bounds = array<i64: 128, 1>}, {pipeline_mode = #tpu.pipeline_mode<synchronous>, transform_indices = @transform_7, window_bounds = array<i64: 1, 1>}, {transform_indices = @transform_8, window_bounds = array<i64: 1000, 128>}, {transform_indices = @transform_9, window_bounds = array<i64: 2, 1000, 64>}, {transform_indices = @transform_10, window_bounds = array<i64: 1000, 1>}]} {
    %get3A = arith.constant 0 : index
    %get3A_0 = arith.constant 0 : index
    %get3A_1 = arith.constant 0 : index
    %get3A_2 = vector.load %arg1[%get3A, %get3A_0, %get3A_1] : memref<2x1000x64xf32, #tpu.memory_space<vmem>>, vector<1x1000x64xf32>
    %get3A_3 = vector.shape_cast %get3A_2 : vector<1x1000x64xf32> to vector<1000x64xf32>
    %get3A_4 = arith.constant 1 : index
    %get3A_5 = arith.constant 0 : index
    %get3A_6 = arith.constant 0 : index
    %get3A_7 = vector.load %arg1[%get3A_4, %get3A_5, %get3A_6] : memref<2x1000x64xf32, #tpu.memory_space<vmem>>, vector<1x1000x64xf32>
    %get3A_8 = vector.shape_cast %get3A_7 : vector<1x1000x64xf32> to vector<1000x64xf32>
    %concatenate3A = tpu.concatenate %get3A_3, %get3A_8 in 1 : vector<1000x64xf32>, vector<1000x64xf32> -> vector<1000x128xf32>
    %get3A_9 = arith.constant 0 : index
    %get3A_10 = arith.constant 0 : index
    %get3A_11 = arith.constant 0 : index
    %get3A_12 = vector.load %arg2[%get3A_9, %get3A_10, %get3A_11] : memref<2x1000x16xf32, #tpu.memory_space<vmem>>, vector<1x1000x1xf32>
    %get3A_13 = vector.shape_cast %get3A_12 : vector<1x1000x1xf32> to vector<1000x1xf32>
    %get3A_14 = arith.constant 1 : index
    %get3A_15 = arith.constant 0 : index
    %get3A_16 = arith.constant 0 : index
    %get3A_17 = vector.load %arg2[%get3A_14, %get3A_15, %get3A_16] : memref<2x1000x16xf32, #tpu.memory_space<vmem>>, vector<1x1000x1xf32>
    %get3A_18 = vector.shape_cast %get3A_17 : vector<1x1000x1xf32> to vector<1000x1xf32>
    %add3A = arith.addf %get3A_13, %get3A_18 : vector<1000x1xf32>
    %max3A = arith.constant 1.000000e+00 : f32
    %max3A_19 = vector.broadcast %max3A : f32 to vector<1000x1xf32>
    %max3A_20 = arith.maximumf %add3A, %max3A_19 : vector<1000x1xf32>
    %div3A = arith.constant 1.000000e+00 : f32
    %div3A_21 = vector.broadcast %div3A : f32 to vector<1000x1xf32>
    %div3A_22 = arith.divf %div3A_21, %max3A_20 : vector<1000x1xf32>
    %mul3A = vector.broadcast %div3A_22 : vector<1000x1xf32> to vector<1000x128xf32>
    %mul3A_23 = arith.mulf %concatenate3A, %mul3A : vector<1000x128xf32>
    %get3A_24 = arith.constant 0 : index
    %get3A_25 = arith.constant 0 : index
    %get3A_26 = vector.load %arg4[%get3A_24, %get3A_25] : memref<128x128xf32, #tpu.memory_space<vmem>>, vector<128x128xf32>
    %dot_general3A = arith.constant dense<0.000000e+00> : vector<1000x128xf32>
    %dot_general3A_27 = tpu.matmul %mul3A_23, %get3A_26, %dot_general3A {dimension_numbers = #tpu.dot_dimension_numbers<[1], [0], [0], [1], [0, 0, 1, 1], [], []>, transpose_lhs_hint = false} : vector<1000x128xf32>, vector<128x128xf32>, vector<1000x128xf32> -> vector<1000x128xf32>
    %get3A_28 = arith.constant 0 : index
    %get3A_29 = arith.constant 0 : index
    %get3A_30 = vector.load %arg3[%get3A_28, %get3A_29] : memref<1000x128xf32, #tpu.memory_space<vmem>>, vector<1000x128xf32>
    %get3A_31 = arith.constant 0 : index
    %get3A_32 = arith.constant 0 : index
    %get3A_33 = vector.load %arg5[%get3A_31, %get3A_32] : memref<128x128xf32, #tpu.memory_space<vmem>>, vector<128x128xf32>
    %dot_general3A_34 = arith.constant dense<0.000000e+00> : vector<1000x128xf32>
    %dot_general3A_35 = tpu.matmul %get3A_30, %get3A_33, %dot_general3A_34 {dimension_numbers = #tpu.dot_dimension_numbers<[1], [0], [0], [1], [0, 0, 1, 1], [], []>, transpose_lhs_hint = false} : vector<1000x128xf32>, vector<128x128xf32>, vector<1000x128xf32> -> vector<1000x128xf32>
    %add3A_36 = arith.addf %dot_general3A_27, %dot_general3A_35 : vector<1000x128xf32>
    %get3A_37 = arith.constant 0 : index
    %get3A_38 = arith.constant 0 : index
    %get3A_39 = vector.load %arg6[%get3A_37, %get3A_38] : memref<1x128xf32, #tpu.memory_space<vmem>>, vector<1x128xf32>
    %add3A_40 = vector.broadcast %get3A_39 : vector<1x128xf32> to vector<1000x128xf32>
    %add3A_41 = arith.addf %add3A_36, %add3A_40 : vector<1000x128xf32>
    %max3A_42 = arith.constant 0.000000e+00 : f32
    %max3A_43 = vector.broadcast %max3A_42 : f32 to vector<1000x128xf32>
    %max3A_44 = arith.maximumf %add3A_41, %max3A_43 : vector<1000x128xf32>
    %swap3A = arith.constant 0 : index
    %swap3A_45 = arith.constant 0 : index
    %swap3A_46 = vector.load %arg9[%swap3A, %swap3A_45] : memref<1000x128xf32, #tpu.memory_space<vmem>>, vector<1000x128xf32>
    tpu.vector_store %arg9[%swap3A, %swap3A_45], %max3A_44 {strides = array<i32>} : memref<1000x128xf32, #tpu.memory_space<vmem>>, vector<1000x128xf32>,
    %slice3A = vector.extract_strided_slice %max3A_44 {offsets = [0, 0], sizes = [1000, 64], strides = [1, 1]} : vector<1000x128xf32> to vector<1000x64xf32>
    %swap3A_47 = arith.constant 0 : index
    %swap3A_48 = arith.constant 0 : index
    %swap3A_49 = arith.constant 0 : index
    %swap3A_50 = vector.load %arg10[%swap3A_47, %swap3A_48, %swap3A_49] : memref<2x1000x64xf32, #tpu.memory_space<vmem>>, vector<1x1000x64xf32>
    %swap3A_51 = vector.shape_cast %swap3A_50 : vector<1x1000x64xf32> to vector<1000x64xf32>
    %swap3A_52 = vector.shape_cast %slice3A : vector<1000x64xf32> to vector<1x1000x64xf32>
    tpu.vector_store %arg10[%swap3A_47, %swap3A_48, %swap3A_49], %swap3A_52 {strides = array<i32>} : memref<2x1000x64xf32, #tpu.memory_space<vmem>>, vector<1x1000x64xf32>,
    %slice3A_53 = vector.extract_strided_slice %max3A_44 {offsets = [0, 64], sizes = [1000, 64], strides = [1, 1]} : vector<1000x128xf32> to vector<1000x64xf32>
    %swap3A_54 = arith.constant 1 : index
    %swap3A_55 = arith.constant 0 : index
    %swap3A_56 = arith.constant 0 : index
    %swap3A_57 = vector.load %arg10[%swap3A_54, %swap3A_55, %swap3A_56] : memref<2x1000x64xf32, #tpu.memory_space<vmem>>, vector<1x1000x64xf32>
    %swap3A_58 = vector.shape_cast %swap3A_57 : vector<1x1000x64xf32> to vector<1000x64xf32>
    %swap3A_59 = vector.shape_cast %slice3A_53 : vector<1000x64xf32> to vector<1x1000x64xf32>
    tpu.vector_store %arg10[%swap3A_54, %swap3A_55, %swap3A_56], %swap3A_59 {strides = array<i32>} : memref<2x1000x64xf32, #tpu.memory_space<vmem>>, vector<1x1000x64xf32>,
    %get3A_60 = arith.constant 0 : index
    %get3A_61 = arith.constant 0 : index
    %get3A_62 = vector.load %arg7[%get3A_60, %get3A_61] : memref<128x1xf32, #tpu.memory_space<vmem>>, vector<128x1xf32>
    %dot_general3A_63 = arith.constant dense<0.000000e+00> : vector<1000x1xf32>
    %dot_general3A_64 = tpu.matmul %max3A_44, %get3A_62, %dot_general3A_63 {dimension_numbers = #tpu.dot_dimension_numbers<[1], [0], [0], [1], [0, 0, 1, 1], [], []>, transpose_lhs_hint = false} : vector<1000x128xf32>, vector<128x1xf32>, vector<1000x1xf32> -> vector<1000x1xf32>
    %get3A_65 = arith.constant 0 : index
    %get3A_66 = arith.constant 0 : index
    %get3A_67 = vector.load %arg8[%get3A_65, %get3A_66] : memref<1x1xf32, #tpu.memory_space<vmem>>, vector<1x1xf32>
    %add3A_68 = vector.broadcast %get3A_67 : vector<1x1xf32> to vector<1000x1xf32>
    %add3A_69 = arith.addf %dot_general3A_64, %add3A_68 : vector<1000x1xf32>
    %swap3A_70 = arith.constant 0 : index
    %swap3A_71 = arith.constant 0 : index
    %swap3A_72 = vector.load %arg11[%swap3A_70, %swap3A_71] : memref<1000x1xf32, #tpu.memory_space<vmem>>, vector<1000x1xf32>
    tpu.vector_store %arg11[%swap3A_70, %swap3A_71], %add3A_69 {strides = array<i32>} : memref<1000x1xf32, #tpu.memory_space<vmem>>, vector<1000x1xf32>,
    return
  }
  func.func @transform_0(%arg0: i32) -> (i32, i32, i32) {
    %c0_i32 = arith.constant 0 : i32
    %c0_i32_0 = arith.constant 0 : i32
    %c0_i32_1 = arith.constant 0 : i32
    return %c0_i32, %arg0, %c0_i32_0 : i32, i32, i32
  }
  func.func @transform_1(%arg0: i32) -> (i32, i32, i32) {
    %c0_i32 = arith.constant 0 : i32
    %c0_i32_0 = arith.constant 0 : i32
    %c0_i32_1 = arith.constant 0 : i32
    return %c0_i32, %arg0, %c0_i32_0 : i32, i32, i32
  }
  func.func @transform_2(%arg0: i32) -> (i32, i32) {
    %c0_i32 = arith.constant 0 : i32
    %c0_i32_0 = arith.constant 0 : i32
    return %arg0, %c0_i32 : i32, i32
  }
  func.func @transform_3(%arg0: i32) -> (i32, i32) {
    %c0_i32 = arith.constant 0 : i32
    %c0_i32_0 = arith.constant 0 : i32
    %c0_i32_1 = arith.constant 0 : i32
    return %c0_i32, %c0_i32_0 : i32, i32
  }
  func.func @transform_4(%arg0: i32) -> (i32, i32) {
    %c0_i32 = arith.constant 0 : i32
    %c0_i32_0 = arith.constant 0 : i32
    %c0_i32_1 = arith.constant 0 : i32
    return %c0_i32, %c0_i32_0 : i32, i32
  }
  func.func @transform_5(%arg0: i32) -> (i32, i32) {
    %c0_i32 = arith.constant 0 : i32
    %c0_i32_0 = arith.constant 0 : i32
    %c0_i32_1 = arith.constant 0 : i32
    return %c0_i32, %c0_i32_0 : i32, i32
  }
  func.func @transform_6(%arg0: i32) -> (i32, i32) {
    %c0_i32 = arith.constant 0 : i32
    %c0_i32_0 = arith.constant 0 : i32
    %c0_i32_1 = arith.constant 0 : i32
    return %c0_i32, %c0_i32_0 : i32, i32
  }
  func.func @transform_7(%arg0: i32) -> (i32, i32) {
    %c0_i32 = arith.constant 0 : i32
    %c0_i32_0 = arith.constant 0 : i32
    %c0_i32_1 = arith.constant 0 : i32
    return %c0_i32, %c0_i32_0 : i32, i32
  }
  func.func @transform_8(%arg0: i32) -> (i32, i32) {
    %c0_i32 = arith.constant 0 : i32
    %c0_i32_0 = arith.constant 0 : i32
    return %arg0, %c0_i32 : i32, i32
  }
  func.func @transform_9(%arg0: i32) -> (i32, i32, i32) {
    %c0_i32 = arith.constant 0 : i32
    %c0_i32_0 = arith.constant 0 : i32
    %c0_i32_1 = arith.constant 0 : i32
    return %c0_i32, %arg0, %c0_i32_0 : i32, i32, i32
  }
  func.func @transform_10(%arg0: i32) -> (i32, i32) {
    %c0_i32 = arith.constant 0 : i32
    %c0_i32_0 = arith.constant 0 : i32
    return %arg0, %c0_i32 : i32, i32
  }
}

</mosaic_0001>

<sc_bundles>
// kernel: kernel.6.cloned.1.call-start
scs
__scs_entry_jumppad:
0x0: {  	(pc) =	sbr.rel $0x88, $3  }
0x1: {  	(tag) =	ssettag $0x0;
	lr =	simm.s32 $0x1  }
0x2: {  	[smem:$0x3F97] =	sst lr;
	_ =	strace $0xD0000000  }
0x3: {  	_ = 	snop  }
0x4: {  	_ = 	snop  }
0x5: {  	_ = 	snop  }
0x6: {  	_ = 	snop  }
0x7: {  	_ = 	snop  }
__scs_overlays_trampoline_lowered:
0x8: {  	[smem:$0x3FA6] =	sst s0  }
0x9: {  	[smem:$0x3FA7] =	sst s1  }
0xa: {  	[smem:$0x3FA8] =	sst s2  }
0xb: {  	[smem:$0x3FA9] =	sst s3  }
0xc: {  	[smem:$0x3FAA] =	sst s4  }
0xd: {  	[smem:$0x3FAB] =	sst s5  }
0xe: {  	[smem:$0x3FAC] =	sst s6  }
0xf: {  	[smem:$0x3FAD] =	sst s7  }
0x10: {  	[smem:$0x3FAE] =	sst s8  }
0x11: {  	[smem:$0x3FAF] =	sst s9;
	s0 =	simm.s32 @!p0 $0x0  }
0x12: {  	s1 =	sld [smem:$0x3F95];
	s0 =	simm.s32 @p0 $0x1  }
0x13: {  	[smem:$0x3FB0] =	sst s0;
	s0 =	simm.s32 @!p1 $0x0  }
0x14: {  	s2 =	sld [smem:$0x3F94];
	s0 =	simm.s32 @p1 $0x1  }
0x15: {  	[smem:$0x3FB1] =	sst s0;
	s0 =	simm.s32 @!p2 $0x0  }
0x16: {  	s3 =	sld [smem:$0x3FDB];
	s0 =	simm.s32 @p2 $0x1  }
0x17: {  	s4 =	simm.s32 $0x1BF5;
	[smem:$0x3FB3] =	sst s0  }
0x18: {  	s0 =	sld [smem:$0x3F96];
	_ =	swait.ge [sflag:s4], $0x0  }
0x19: {  	s7 =	sld [smem:$0x3F97]  }
0x1a: {  	s8 =	sadd.s32 $0xFFFFE003, lr  }
0x1b: {  	s9 =	sadd.s32 $0xFFFFFEF7, lr;
	s5 =	simm.s32 $0xFFFFFFFF;
	p2 =	slt.u32 s8, $0xFFFFF086  }
0x1c: {  	p1 =	slt.u32 s9, $0xF7A;
	s5 =	simm.s32 @!p2 $0x0  }
0x1d: {  	s5 =	simm.s32 @p1 $0x1;
	p0 =	seq.s32 s7, s2  }
0x1e: {  	s7 =	smul.u32 @!p0 $0xF7A, s2;
	p2 =	seq.s32 @!p0 s5, $0x0  }
0x1f: {  	s9 =	smul.u32 $0xF7A, s1;
	s8 =	simm.s32 @!p0 $0x1BF5;
	p2 =	por !p2, p0  }
0x20: {  	[sflag:s8] =	ssyncset.s32 @!p0 $0xFFFFF086;
	s6 =	sadd.s32 @!p0 s3, s7;
	s7 =	simm.s32 @!p0 $0x108  }
0x21: {  	s3 =	sadd.s32 s3, s9;
	s6 =	sadd.s32 @!p0 $0x88, s6;
	s7 =	simm.s32 @p2 $0x1082  }
0x22: {  	[simem:s7], [sflag:s8] =	dma.local @!p0 [hbm:s6], $0xF7A  }
0x23: {  	s9 =	sor.u32 $0xD0000000, s2;
	s6 =	simm.s32 $0x108;
	_ =	swait.ge @!p0 [sflag:s8], $0x0  }
0x24: {  	s3 =	sadd.s32 $0x88, s3;
	s6 =	simm.s32 @!p1 $0x1082;
	[sflag:s4] =	ssyncset.s32 $0xFFFFF086  }
0x25: {  	[simem:s6], [sflag:s4] =	dma.local [hbm:s3], $0xF7A  }
0x26: {  	[smem:$0x3F97] =	sst s1;
	(tag) =	ssettag s2;
	_ =	strace s9  }
0x27: {  	s1 =	sld [smem:$0x3FA7]  }
0x28: {  	s2 =	sld [smem:$0x3FA8]  }
0x29: {  	s4 =	sld [smem:$0x3FAA]  }
0x2a: {  	p0 =	seq.s32 s5, $0x0;
	s5 =	sld [smem:$0x3FAB]  }
0x2b: {  	s6 =	sld [smem:$0x3FAC]  }
0x2c: {  	s7 =	sld [smem:$0x3FAD]  }
0x2d: {  	s3 =	simm.s32 $0x108;
	s8 =	sld [smem:$0x3FAE]  }
0x2e: {  	s3 =	simm.s32 @!p0 $0x1082;
	s9 =	sld [smem:$0x3FAF]  }
0x2f: {  	lr =	sadd.s32 s0, s3;
	s0 =	sld [smem:$0x3FA6]  }
0x30: {  	s3 =	sld [smem:$0x3FA9]  }
0x31: {  	[smem:$0x3FB2] =	sst s10  }
0x32: {  	s10 =	sld [smem:$0x3FB0];
	_ =	sdelay $0x3  }
0x33: {  	p0 =	seq.s32 s10, $0x1;
	s10 =	sld [smem:$0x3FB2];
	_ =	sdelay $0x3  }
0x34: {  	[smem:$0x3FB2] =	sst s10  }
0x35: {  	s10 =	sld [smem:$0x3FB1];
	_ =	sdelay $0x3  }
0x36: {  	p1 =	seq.s32 s10, $0x1;
	s10 =	sld [smem:$0x3FB2];
	_ =	sdelay $0x3  }
0x37: {  	[smem:$0x3FB2] =	sst s10  }
0x38: {  	s10 =	sld [smem:$0x3FB3]  }
0x39: {  	_ = 	snop;
	(pc) =	sbr.ind lr, $3  }
0x3a: {  	_ = 	snop  }
0x3b: {  	_ = 	snop  }
0x3c: {  	p2 =	seq.s32 s10, $0x1;
	s10 =	sld [smem:$0x3FB2]  }
0x3d: {  	_ =	shalt  }
0x3e: {  	_ =	shalt  }
0x3f: {  	_ =	shalt  }
0x40: {  	_ =	shalt  }
0x41: {  	_ =	shalt  }
0x42: {  	_ =	shalt  }
0x43: {  	_ =	shalt  }
0x44: {  	_ =	shalt  }
0x45: {  	_ =	shalt  }
0x46: {  	_ =	shalt  }
0x47: {  	_ =	shalt  }
0x48: {  	_ =	shalt  }
0x49: {  	_ =	shalt  }
0x4a: {  	_ =	shalt  }
0x4b: {  	_ =	shalt  }
0x4c: {  	_ =	shalt  }
0x4d: {  	_ =	shalt  }
0x4e: {  	_ =	shalt  }
0x4f: {  	_ =	shalt  }
0x50: {  	_ =	shalt  }
0x51: {  	_ =	shalt  }
0x52: {  	_ =	shalt  }
0x53: {  	_ =	shalt  }
0x54: {  	_ =	shalt  }
0x55: {  	_ =	shalt  }
0x56: {  	_ =	shalt  }
0x57: {  	_ =	shalt  }
0x58: {  	_ =	shalt  }
0x59: {  	_ =	shalt  }
0x5a: {  	_ =	shalt  }
0x5b: {  	_ =	shalt  }
0x5c: {  	_ =	shalt  }
0x5d: {  	_ =	shalt  }
0x5e: {  	_ =	shalt  }
0x5f: {  	_ =	shalt  }
0x60: {  	_ =	shalt  }
0x61: {  	_ =	shalt  }
0x62: {  	_ =	shalt  }
0x63: {  	_ =	shalt  }
0x64: {  	_ =	shalt  }
0x65: {  	_ =	shalt  }
0x66: {  	_ =	shalt  }
0x67: {  	_ =	shalt  }
0x68: {  	_ =	shalt  }
0x69: {  	_ =	shalt  }
0x6a: {  	_ =	shalt  }
0x6b: {  	_ =	shalt  }
0x6c: {  	_ =	shalt  }
0x6d: {  	_ =	shalt  }
0x6e: {  	_ =	shalt  }
0x6f: {  	_ =	shalt  }
0x70: {  	_ =	shalt  }
0x71: {  	_ =	shalt  }
0x72: {  	_ =	shalt  }
0x73: {  	_ =	shalt  }
0x74: {  	_ =	shalt  }
0x75: {  	_ =	shalt  }
0x76: {  	_ =	shalt  }
0x77: {  	_ =	shalt  }
0x78: {  	_ =	shalt  }
0x79: {  	_ =	shalt  }
0x7a: {  	_ =	shalt  }
0x7b: {  	_ =	shalt  }
0x7c: {  	_ =	shalt  }
0x7d: {  	_ =	shalt  }
0x7e: {  	_ =	shalt  }
0x7f: {  	_ =	shalt  }
0x80: {  	_ =	shalt  }
0x81: {  	_ =	shalt  }
0x82: {  	_ =	shalt  }
0x83: {  	_ =	shalt  }
0x84: {  	_ =	shalt  }
0x85: {  	_ =	shalt  }
0x86: {  	_ =	shalt  }
0x87: {  	_ =	shalt  }
.Lfunc_end0:
.L_simem_size_0:
called_computation_lowered:
.L_overlay_start_0:
0x88: {  	s2 =	sld [smem:$0x3FD9]  }
0x89: {  	s3 =	sld [smem:$0x3FFE];
	_ =	sdelay $0x1  }
0x8a: {  	s1 =	srdreg.scid  }
0x8b: {  	s0 =	sand.u32 $0x1, s1  }
0x8c: {  	s14 =	sshll.u32 s0, $0xA;
	s2 =	sadd.s32 s3, s2  }
0x8d: {  	s2 =	sadd.s32 s2, s14  }
0x8e: {  	[smem:$0x3FBE] =	sst s2  }
0x8f: {  	_ = 	snop  }
0x90: {  	s2 =	sld [smem:$0x3FD0];
	_ =	sdelay $0x2  }
0x91: {  	s15 =	simm.s32 $0xA;
	s4 =	simm.s32 $0x10  }
0x92: {  	[smem:s4], [sflag:s15] =	dma.local [hbm:s2], $0x1  }
0x93: {  	_ =	swait.eq [sflag:s15], $0x1  }
0x94: {  	[sflag:s15] =	ssyncset.done $0x0  }
0x95: {  	[sflag:s15] =	ssyncadd.s32 $0xFFFFFFFF  }
0x96: {  	s16 =	sld [smem:$0x11];
	(tm) =	ssettm $0x1  }
0x97: {  	s17 =	sld [smem:$0x3FFB];
	_ =	sdelay $0x3  }
0x98: {  	_ =	strace s17  }
0x99: {  	s3 =	sld [smem:$0x3FFC];
	_ =	sdelay $0x3  }
0x9a: {  	_ =	strace s3  }
0x9b: {  	s3 =	sld [smem:$0x3FFD];
	_ =	sdelay $0x3  }
0x9c: {  	_ =	strace s3  }
0x9d: {  	_ =	strace $0x8FFFFFFF  }
0x9e: {  	s18 =	sld [smem:$0x3FDB];
	_ =	sdelay $0x1  }
0x9f: {  	s19 =	simm.s32 $_scs_section_size  }
0xa0: {  	s5 =	simm.s32 $_size__tile_overlayer_lowered;
	s6 =	simm.s32 $_tile_overlayer_lowered  }
0xa1: {  	s22 =	simm.s32 $0x1BFF;
	s21 =	sshll.u32 s6, $0x1;
	s3 =	sadd.s32 s19, s18  }
0xa2: {  	s7 =	simm.s32 $0x0;
	s20 =	sshll.u32 s5, $0x1;
	s5 =	sadd.s32 s21, s3  }
0xa3: {  	[timem:s7], [sflag:s22] =	dma.local [hbm:s5], s20  }
0xa4: {  	_ =	swait.ge [sflag:s22], s20  }
0xa5: {  	s4 =	ssub.s32 $0x0, s20;
	[sflag:s22] =	ssyncset.done $0x0  }
0xa6: {  	[sflag:s22] =	ssyncadd.s32 s4;
	_ =	sdelay $0x1  }
0xa7: {  	s23 =	simm.s32 $0x1B8B  }
0xa8: {  	_ =	swait.ge [sflag:s23], $0x1  }
0xa9: {  	[sflag:s23] =	ssyncset.done $0x0  }
0xaa: {  	s25 =	simm.s32 $0x1B8E;
	s24 =	sld [smem:$0x3FFE];
	[sflag:s23] =	ssyncadd.s32 $0xFFFFFFFF  }
0xab: {  	s26 =	simm.s32 $execute0_lowered;
	[smem:$0x3FD2] =	sst s25  }
0xac: {  	s5 =	sshll.u32 s26, $0x1;
	_ =	strace $0x80000046;
	[dreg:$0x1] =	wrdreg $0xFFFFFFFF  }
0xad: {  	s28 =	simm.s32 $_size_execute0_lowered;
	s3 =	sadd.s32 s3, s5;
	[dreg:$0x0] =	wrdreg $0x0  }
0xae: {  	s5 =	sshll.u32 s28, $0x1;
	[dreg:$0x2] =	wrdreg s3  }
0xaf: {  	[dreg:$0x3] =	wrdreg s5  }
0xb0: {  	[dreg:$0x4] =	wrdreg $0xC0  }
0xb1: {  	_ =	task [dreg:s7], $0x5FFFF  }
0xb2: {  	[dreg:$0x1] =	wrdreg $0xFFFFFFFF  }
0xb3: {  	[dreg:$0x0] =	wrdreg $0x60  }
0xb4: {  	[dreg:$0x2] =	wrdreg s16  }
0xb5: {  	[dreg:$0x3] =	wrdreg s24  }
0xb6: {  	[dreg:$0x4] =	wrdreg $0x0  }
0xb7: {  	[dreg:$0x5] =	wrdreg $0x13C400  }
0xb8: {  	[dreg:$0x6] =	wrdreg $0xA0000  }
0xb9: {  	[dreg:$0x7] =	wrdreg $0x9  }
0xba: {  	_ =	task.clear_ibuf [dreg:s7], $0x8FFFF;
	_ =	strace $0x90000046  }
0xbb: {  	s29 =	simm.s32 $0x9;
	_ =	strace $0x80000048  }
0xbc: {  	_ =	swait.ge [sflag:s29], $0x1  }
0xbd: {  	[sflag:s29] =	ssyncadd.s32 $0xFFFFFFFF  }
0xbe: {  	_ =	strace $0x90000048  }
0xbf: {  	_ =	sfence  }
0xc0: {  	s30 =	sld [smem:$0x0];
	_ =	sdelay $0x2  }
0xc1: {  	s31 =	sshll.u32 s1, $0xD;
	s1 =	sshrl.u32 s1, $0x2  }
0xc2: {  	s3 =	sand.u32 $0x4000, s31;
	s1 =	sadd.s32 s1, s30  }
0xc3: {  	s0 =	sor.u32 s3, s0;
	s1 =	sshll.u32 s1, $0x11  }
0xc4: {  	s0 =	sor.u32 s1, s0  }
0xc5: {  	s0 =	sadd.s32 $0x8F2B, s0  }
0xc6: {  	[sflag:s0] =	ssyncadd.remote.s32 $0x1  }
0xc7: {  	_ =	sfence.sel $0xFFFF  }
0xc8: {  	[dreg:$0x0] =	wrdreg $0xFFFFFFFF;
	(pc) =	sbr.abs _section_cstart, $3  }
0xc9: {  	[dreg:$0x1] =	wrdreg $0xFFFFFFFF  }
0xca: {  	_ =	task.clear_ibuf [dreg:s7], $0x2FFFF;
	_ =	strace $0x9FFFFFFF  }
0xcb: {  	(tm) =	ssettm $0x7FFFFFFF  }
tec
execute0_lowered:
.L_overlay_start_1:
0x0: {  	(tag) =	ssettag $0x1  }
0x1: {  	s2 =	rddreg [dreg:$0x0]  }
0x2: {  	s5 =	rddreg [dreg:$0x1]  }
0x3: {  	s0 =	rddreg [dreg:$0x2];
	s19 =	stileid.u32  }
0x4: {  	s3 =	rddreg [dreg:$0x3];
	s9 =	smul.u32 $0xA000, s19  }
0x5: {  	s1 =	srdreg.scid;
	s11 =	smul.u32 $0x2800, s19  }
0x6: {  	s4 =	rddreg [dreg:$0x4];
	s14 =	smul.u32 $0x27100, s19  }
0x7: {  	s21 =	simm.s32 $0x0;
	s28 =	simm.s32 $0x2;
	s16 =	smul.u32 $0x1388, s19  }
0x8: {  	s20 =	sand.u32 $0x1, s1;
	[smem:$0x7FF] =	sst s21;
	s18 =	smul.u32 $0x5100, s19  }
0x9: {  	s7 =	sadd.s32 $0xB800, s5;
	s8 =	sadd.s32 $0x1600, s5;
	s1 =	smul.u32 $0xA0000, s20  }
0xa: {  	s10 =	smul.u32 $0x28000, s20;
	_ =	strace $0x80000047;
	s13 =	ssub.s32 $0x2, s20  }
0xb: {  	s15 =	smul.u32 $0x13880, s20;
	p0 =	sne.s32 s20, $0x0;
	[dreg:$0x6] =	wrdreg s20  }
0xc: {  	p1 =	seq.s32 s20, $0x0;
	s23 =	sshrl.u32 s13, $0x1;
	s25 =	sshrl.u32 s14, $0x2  }
0xd: {  	s29 =	sshrl.u32 s18, $0x3;
	s1 =	sadd.s32 s9, s1;
	s10 =	sadd.s32 s11, s10  }
0xe: {  	s26 =	sadd.s32 s16, s15;
	s30 =	sadd.s32 s7, s29;
	s31 =	sor.u32 $0xC, s29  }
0xf: {  	s1 =	sshrl.u32 s1, $0x3;
	s10 =	sshrl.u32 s10, $0x3;
	s2 =	sadd.s32 s2, s26  }
0x10: {  	[dreg:$0xa] =	wrdreg s30;
	s6 =	sadd.s32 s7, s31;
	s30 =	sadd.s32 s9, s0  }
0x11: {  	s9 =	sshrl.u32 s9, $0x2;
	s12 =	sadd.s32 s1, s5;
	[dreg:$0x9] =	wrdreg s2  }
0x12: {  	s5 =	sadd.s32 s10, s5;
	[dreg:$0xb] =	wrdreg s6;
	s2 =	sadd.s32 s8, s31  }
0x13: {  	s10 =	ssub.s32 s13, s23;
	s23 =	sadd.s32 s8, s29;
	[dreg:$0xc] =	wrdreg s2  }
0x14: {  	s16 =	sor.u32 $0x18, s29;
	s6 =	sadd.s32 s9, s3;
	[dreg:$0xf] =	wrdreg s23  }
0x15: {  	s22 =	sadd.s32 $0x24, s29;
	s30 =	sshrl.u32 s30, $0x3;
	[dreg:$0x18] =	wrdreg s6  }
0x16: {  	s1 =	smul.u32 $0x280, s19;
	s2 =	sadd.s32 s8, s16;
	[smem:$0x7FC] =	sst s30  }
0x17: {  	s12 =	sadd.s32 $0x15A00, s12;
	s5 =	sadd.s32 $0x3DA00, s5;
	[dreg:$0xe] =	wrdreg s2  }
0x18: {  	s10 =	smax.u32 s10, $0x1;
	s24 =	sadd.s32 $0x240, s1;
	[dreg:$0x14] =	wrdreg s12  }
0x19: {  	s2 =	sadd.s32 s8, s22;
	[dreg:$0x15] =	wrdreg s5;
	s5 =	sadd.s32 s11, s3  }
0x1a: {  	[dreg:$0x16] =	wrdreg s10;
	s31 =	sor.u32 $0x60, s1;
	s17 =	sshll.u32 s24, $0x6  }
0x1b: {  	s13 =	sshll.u32 s24, $0x4;
	s24 =	sadd.s32 $0x30, s29;
	[dreg:$0x11] =	wrdreg s2  }
0x1c: {  	s9 =	sshll.u32 s31, $0x6;
	s12 =	sshll.u32 s31, $0x4;
	s31 =	sshrl.u32 s5, $0x3  }
0x1d: {  	s29 =	smul.u32 $0x28000, s19;
	s17 =	sadd.s32 s17, s0;
	[smem:$0x7FD] =	sst s31  }
0x1e: {  	s13 =	sadd.s32 s13, s3;
	s26 =	sadd.s32 s7, s24;
	[dreg:$0x7] =	wrdreg s17  }
0x1f: {  	s14 =	sadd.s32 s8, s24;
	[dreg:$0x8] =	wrdreg s13;
	s13 =	sadd.s32 s25, s4  }
0x20: {  	s17 =	sadd.s32 s7, s16;
	s25 =	sadd.s32 s7, s22;
	[dreg:$0x12] =	wrdreg s26  }
0x21: {  	[dreg:$0x13] =	wrdreg s14;
	s2 =	sshrl.u32 s29, $0x2;
	s14 =	sadd.s32 $0xC0, s1  }
0x22: {  	s22 =	sadd.s32 $0x180, s1;
	s26 =	sadd.s32 $0x480, s18;
	[dreg:$0xd] =	wrdreg s17  }
0x23: {  	s18 =	simm.s32 $0x19A40;
	[dreg:$0x10] =	wrdreg s25;
	s2 =	sadd.s32 s2, s0  }
0x24: {  	s15 =	sshll.u32 s14, $0x6;
	s17 =	sadd.s32 $0x120, s1;
	s23 =	sshll.u32 s22, $0x6  }
0x25: {  	s24 =	sshll.u32 s22, $0x4;
	s1 =	sadd.s32 $0x1E0, s1;
	[smem:$0x7FA] =	sst s26  }
0x26: {  	s29 =	sshrl.u32 s13, $0x3;
	s22 =	simm.s32 $0x18240;
	[dreg:$0x17] =	wrdreg s2  }
0x27: {  	s26 =	simm.s32 $0x1B240;
	s2 =	sadd.s32 s9, s0;
	[smem:$0x7FB] =	sst s29  }
0x28: {  	s9 =	sshll.u32 s14, $0x4;
	[dreg:$0x19] =	wrdreg s2;
	s2 =	sadd.s32 s12, s3  }
0x29: {  	s19 =	sshll.u32 s17, $0x6;
	s16 =	sadd.s32 s9, s3;
	[dreg:$0x1a] =	wrdreg s2  }
0x2a: {  	s25 =	sshll.u32 s1, $0x6;
	s9 =	sadd.s32 s19, s0;
	[dreg:$0x1c] =	wrdreg s16  }
0x2b: {  	s1 =	sshll.u32 s1, $0x4;
	s2 =	sadd.s32 s15, s0;
	[dreg:$0x1d] =	wrdreg s9  }
0x2c: {  	s1 =	sadd.s32 s1, s3;
	[dreg:$0x1b] =	wrdreg s2;
	s2 =	sshll.u32 s17, $0x4  }
.Ltmp0:
0x2d: {  	[smem:$0x7F9] =	sst s1;
	s2 =	sadd.s32 s2, s3;
	(pc) =	sbr.rel .LBB2_1-.Ltmp0, $4  }
0x2e: {  	s12 =	simm.s32 $0x15;
	[dreg:$0x1e] =	wrdreg s2;
	s2 =	sadd.s32 s23, s0  }
0x2f: {  	s1 =	simm.s32 $0x60;
	[dreg:$0x1f] =	wrdreg s2;
	s2 =	sadd.s32 s24, s3  }
0x30: {  	s17 =	simm.s32 $0x168C0;
	[smem:$0x7F7] =	sst s2;
	s2 =	sadd.s32 s25, s0  }
0x31: {  	v0 =	vimm.f32 $0.0e+00;
	v1 =	vimm.f32 $1.000000000e+00;
	s23 =	simm.s32 $0x165C0;
	s0 =	simm.s32 $0x0;
	[smem:$0x7F8] =	sst s2  }
.LBB2_13:
0x32: {  	s0 =	simm.s32 $0x8  }
0x33: {  	_ =	swait.ge [sflag:s0], $0x1800  }
0x34: {  	[sflag:s0] =	ssyncset.done $0x0  }
0x35: {  	s31 =	simm.s32 $0xC;
	[sflag:s0] =	ssyncadd.s32 $0xFFFFE800  }
0x36: {  	_ =	swait.ge [sflag:s31], $0x600  }
0x37: {  	s23 =	simm.s32 $0x165C0;
	s17 =	simm.s32 $0x168C0;
	[sflag:s31] =	ssyncset.done $0x0  }
0x38: {  	s21 =	simm.s32 $0x0;
	s0 =	sld [smem:$0x7F6];
	[sflag:s31] =	ssyncadd.s32 $0xFFFFFA00  }
.LBB2_14:
0x39: {  	[bflag:$0x0] =	sbarrier.arrive $0xFFFF  }
0x3a: {  	s9 =	sld [smem:$0x7FC]  }
0x3b: {  	s2 =	sld [smem:$0x7F5];
	_ =	sdelay $0x1  }
0x3c: {  	s12 =	simm.s32 $0x15;
	s5 =	rddreg [dreg:$0x14]  }
0x3d: {  	[hbm:s5], [sflag:s2] =	dma.local [spmem:s9], $0x1400  }
0x3e: {  	_ =	swait.ge [sflag:s12], $0x1400  }
0x3f: {  	s30 =	sld [smem:$0x7FD]  }
0x40: {  	[sflag:s12] =	ssyncset.done $0x0  }
0x41: {  	s29 =	rddreg [dreg:$0x15];
	[sflag:s12] =	ssyncadd.s32 $0xFFFFEC00  }
0x42: {  	[hbm:s29], [sflag:s2] =	dma.local [spmem:s30], $0x500  }
0x43: {  	_ =	swait.ge [sflag:s12], $0x500  }
0x44: {  	s0 =	sadd.s32 $0x1, s0;
	s31 =	rddreg [dreg:$0x16]  }
0x45: {  	p2 =	sne.s32 s0, s31  }
.Ltmp1:
0x46: {  	_ = 	snop;
	(pc) =	sbr.rel @!p2 .LBB2_15-.Ltmp1, $3  }
0x47: {  	_ =	sdelay $0x1  }
0x48: {  	[sflag:s12] =	ssyncset.done $0x0  }
0x49: {  	[sflag:s12] =	ssyncadd.s32 $0xFFFFFB00  }
.LBB2_1:
0x4a: {  	s5 =	simm.s32 $0x0;
	s9 =	simm.s32 $0x0  }
.LBB2_2:
0x4b: {  	p2 =	sne.s32 s9, $0x5FC0  }
.Ltmp2:
0x4c: {  	_ = 	snop;
	(pc) =	sbr.rel @p2 .LBB2_2-.Ltmp2, $4  }
0x4d: {  	s10 =	sand.u32 $0x7F00, s9  }
0x4e: {  	s11 =	sand.u32 $0x30, s5;
	s10 =	sshrl.u32 s10, $0x2  }
0x4f: {  	s10 =	sor.u32 s11, s10  }
0x50: {  	s5 =	sadd.s32 $0x10, s5;
	s9 =	sadd.s32 $0x40, s9;
	[tilespmem:s10+$0x16A40] =	vst v0  }
0x51: {  	s5 =	simm.s32 $0x40;
	s9 =	simm.s32 $0x0  }
.LBB2_4:
0x52: {  	p2 =	sne.s32 s5, $0x17C0;
	[tilespmem:s9+$0x1CA40] =	vst v0;
	s9 =	smov.u32 s5;
	s5 =	sadd.s32 $0x40, s5  }
.Ltmp3:
0x53: {  	(pc) =	sbr.rel @p2 .LBB2_4-.Ltmp3, $2  }
0x54: {  	_ =	sdelay $0x2  }
0x55: {  	s9 =	sshra.s32 s9, $0x2  }
0x56: {  	[smem:$0x7F6] =	sst s0  }
0x57: {  	[tilespmem:s9+$0x1CA40] =	vst v0;
	s5 =	rddreg [dreg:$0x17];
	s2 =	simm.s32 $0x16A40  }
0x58: {  	[spmem:s5] =	stream.linear.scatter [tilespmem:s2], [sflag:$0x15], $0x1800, $0x38;
	[tilespmem:$0x1D040] =	vst v63  }
0x59: {  	_ =	swait.ge [sflag:s12], $0x1800  }
0x5a: {  	[sflag:s12] =	ssyncset.done $0x0  }
0x5b: {  	s11 =	simm.s32 $0x1CA40;
	s6 =	rddreg [dreg:$0x18];
	[sflag:s12] =	ssyncadd.s32 $0xFFFFE800  }
0x5c: {  	[spmem:s6] =	stream.linear.scatter [tilespmem:s11], [sflag:$0x15], $0x600, $0x38;
	[tilespmem:$0x1D040] =	vst v63  }
0x5d: {  	_ =	swait.ge [sflag:s12], $0x600  }
0x5e: {  	[sflag:s12] =	ssyncset.done $0x0  }
0x5f: {  	s10 =	rddreg [dreg:$0x19];
	[sflag:s12] =	ssyncadd.s32 $0xFFFFFA00  }
0x60: {  	[spmem:s10] =	stream.linear.scatter [tilespmem:s2], [sflag:$0x15], $0x1800, $0x38;
	[tilespmem:$0x1D040] =	vst v63  }
0x61: {  	_ =	swait.ge [sflag:s12], $0x1800  }
0x62: {  	[sflag:s12] =	ssyncset.done $0x0  }
0x63: {  	s13 =	rddreg [dreg:$0x1a];
	[sflag:s12] =	ssyncadd.s32 $0xFFFFE800  }
0x64: {  	[spmem:s13] =	stream.linear.scatter [tilespmem:s11], [sflag:$0x15], $0x600, $0x38;
	[tilespmem:$0x1D040] =	vst v63  }
0x65: {  	_ =	swait.ge [sflag:s12], $0x600  }
0x66: {  	[sflag:s12] =	ssyncset.done $0x0  }
0x67: {  	s14 =	rddreg [dreg:$0x1b];
	[sflag:s12] =	ssyncadd.s32 $0xFFFFFA00  }
0x68: {  	[spmem:s14] =	stream.linear.scatter [tilespmem:s2], [sflag:$0x15], $0x1800, $0x38;
	[tilespmem:$0x1D040] =	vst v63  }
0x69: {  	_ =	swait.ge [sflag:s12], $0x1800  }
0x6a: {  	[sflag:s12] =	ssyncset.done $0x0  }
0x6b: {  	s15 =	rddreg [dreg:$0x1c];
	[sflag:s12] =	ssyncadd.s32 $0xFFFFE800  }
0x6c: {  	[spmem:s15] =	stream.linear.scatter [tilespmem:s11], [sflag:$0x15], $0x600, $0x38;
	[tilespmem:$0x1D040] =	vst v63  }
0x6d: {  	_ =	swait.ge [sflag:s12], $0x600  }
0x6e: {  	[sflag:s12] =	ssyncset.done $0x0  }
0x6f: {  	s16 =	rddreg [dreg:$0x1d];
	[sflag:s12] =	ssyncadd.s32 $0xFFFFFA00  }
0x70: {  	[spmem:s16] =	stream.linear.scatter [tilespmem:s2], [sflag:$0x15], $0x1800, $0x38;
	[tilespmem:$0x1D040] =	vst v63  }
0x71: {  	_ =	swait.ge [sflag:s12], $0x1800  }
0x72: {  	[sflag:s12] =	ssyncset.done $0x0  }
0x73: {  	s19 =	rddreg [dreg:$0x1e];
	[sflag:s12] =	ssyncadd.s32 $0xFFFFE800  }
0x74: {  	[spmem:s19] =	stream.linear.scatter [tilespmem:s11], [sflag:$0x15], $0x600, $0x38;
	[tilespmem:$0x1D040] =	vst v63  }
0x75: {  	_ =	swait.ge [sflag:s12], $0x600  }
0x76: {  	[sflag:s12] =	ssyncset.done $0x0  }
0x77: {  	s20 =	rddreg [dreg:$0x1f];
	[sflag:s12] =	ssyncadd.s32 $0xFFFFFA00  }
0x78: {  	[spmem:s20] =	stream.linear.scatter [tilespmem:s2], [sflag:$0x15], $0x1800, $0x38;
	[tilespmem:$0x1D040] =	vst v63  }
0x79: {  	_ =	swait.ge [sflag:s12], $0x1800  }
0x7a: {  	s24 =	sld [smem:$0x7F7]  }
0x7b: {  	[sflag:s12] =	ssyncset.done $0x0  }
0x7c: {  	[sflag:s12] =	ssyncadd.s32 $0xFFFFE800  }
0x7d: {  	[spmem:s24] =	stream.linear.scatter [tilespmem:s11], [sflag:$0x15], $0x600, $0x38;
	[tilespmem:$0x1D040] =	vst v63  }
0x7e: {  	_ =	swait.ge [sflag:s12], $0x600  }
0x7f: {  	s25 =	sld [smem:$0x7F8]  }
0x80: {  	[sflag:s12] =	ssyncset.done $0x0  }
0x81: {  	[sflag:s12] =	ssyncadd.s32 $0xFFFFFA00  }
0x82: {  	[spmem:s25] =	stream.linear.scatter [tilespmem:s2], [sflag:$0x15], $0x1800, $0x38;
	[tilespmem:$0x1D040] =	vst v63  }
0x83: {  	_ =	swait.ge [sflag:s12], $0x1800  }
0x84: {  	s29 =	sld [smem:$0x7F9]  }
0x85: {  	[sflag:s12] =	ssyncset.done $0x0  }
0x86: {  	[sflag:s12] =	ssyncadd.s32 $0xFFFFE800  }
0x87: {  	[spmem:s29] =	stream.linear.scatter [tilespmem:s11], [sflag:$0x15], $0x600, $0x38;
	[tilespmem:$0x1D040] =	vst v63  }
0x88: {  	_ =	swait.ge [sflag:s12], $0x600  }
0x89: {  	[sflag:s12] =	ssyncset.done $0x0  }
0x8a: {  	s30 =	rddreg [dreg:$0x7];
	[sflag:s12] =	ssyncadd.s32 $0xFFFFFA00  }
0x8b: {  	[spmem:s30] =	stream.linear.scatter [tilespmem:s2], [sflag:$0x15], $0x1000, $0x38;
	[tilespmem:$0x1D040] =	vst v63  }
0x8c: {  	_ =	swait.ge [sflag:s12], $0x1000  }
0x8d: {  	[sflag:s12] =	ssyncset.done $0x0  }
0x8e: {  	s31 =	rddreg [dreg:$0x8];
	[sflag:s12] =	ssyncadd.s32 $0xFFFFF000  }
0x8f: {  	[spmem:s31] =	stream.linear.scatter [tilespmem:s11], [sflag:$0x15], $0x400, $0x38;
	[tilespmem:$0x1D040] =	vst v63  }
0x90: {  	_ =	swait.ge [sflag:s12], $0x400  }
0x91: {  	s9 =	simm.s32 $0x0;
	[sflag:s12] =	ssyncset.done $0x0  }
0x92: {  	s5 =	simm.s32 $0x40;
	s10 =	simm.s32 $0x16A40;
	[sflag:s12] =	ssyncadd.s32 $0xFFFFFC00  }
.LBB2_6:
0x93: {  	p2 =	sne.s32 s5, $0x17C0;
	[tilespmem:s9+$0x1CA40] =	vst v1;
	s9 =	smov.u32 s5;
	s5 =	sadd.s32 $0x40, s5  }
.Ltmp4:
0x94: {  	(pc) =	sbr.rel @p2 .LBB2_6-.Ltmp4, $2  }
0x95: {  	_ =	sdelay $0x2  }
0x96: {  	s9 =	sshra.s32 s9, $0x2  }
0x97: {  	s5 =	stileid.u32  }
0x98: {  	s19 =	sld [smem:$0x7FB];
	s5 =	sshll.u32 s5, $0x6  }
0x99: {  	s16 =	rddreg [dreg:$0x9];
	s0 =	sor.u32 $0x1C15, s5  }
0x9a: {  	[tilespmem:s9+$0x1CA40] =	vst v1;
	[smem:$0x7F5] =	sst s0  }
0x9b: {  	[spmem:s19], [sflag:s0] =	dma.local [hbm:s16], $0x1388  }
0x9c: {  	_ =	swait.ge [sflag:s12], $0x1388  }
0x9d: {  	[sflag:s12] =	ssyncset.done $0x0  }
0x9e: {  	[sflag:s12] =	ssyncadd.s32 $0xFFFFEC78  }
0x9f: {  	[bflag:$0x0] =	sbarrier.arrive $0xFFFF  }
0xa0: {  	s30 =	simm.s32 $0x0;
	s11 =	simm.s32 $0x16440;
	s20 =	rddreg [dreg:$0xa]  }
0xa1: {  	[tilespmem:s11], [sflag:$0xD] =	stream.linear.gather [hbm4b:s20+s30], $0x60, $0x38;
	[tilespmem:$0x1D040] =	vst v63  }
0xa2: {  	s25 =	simm.s32 $0x16740;
	s24 =	rddreg [dreg:$0xf]  }
0xa3: {  	[tilespmem:s25], [sflag:$0xD] =	stream.linear.gather [hbm4b:s24+s30], $0x60, $0x38;
	[tilespmem:$0x1D040] =	vst v63  }
0xa4: {  	s12 =	simm.s32 $0x164A0;
	s31 =	rddreg [dreg:$0xb]  }
0xa5: {  	[tilespmem:s12], [sflag:$0xE] =	stream.linear.gather [hbm4b:s31+s30], $0x60, $0x38;
	[tilespmem:$0x1D040] =	vst v63  }
0xa6: {  	s13 =	simm.s32 $0x167A0;
	s0 =	rddreg [dreg:$0xc]  }
0xa7: {  	[tilespmem:s13], [sflag:$0xE] =	stream.linear.gather [hbm4b:s0+s30], $0x60, $0x38;
	[tilespmem:$0x1D040] =	vst v63  }
0xa8: {  	s5 =	simm.s32 $0x16500;
	s2 =	rddreg [dreg:$0xd]  }
0xa9: {  	[tilespmem:s5], [sflag:$0xF] =	stream.linear.gather [hbm4b:s2+s30], $0x60, $0x38;
	[tilespmem:$0x1D040] =	vst v63  }
0xaa: {  	s14 =	simm.s32 $0x16800;
	s6 =	rddreg [dreg:$0xe]  }
0xab: {  	[tilespmem:s14], [sflag:$0xF] =	stream.linear.gather [hbm4b:s6+s30], $0x60, $0x38;
	[tilespmem:$0x1D040] =	vst v63  }
0xac: {  	s15 =	simm.s32 $0x16560;
	s14 =	rddreg [dreg:$0x10]  }
0xad: {  	[tilespmem:s15], [sflag:$0x10] =	stream.linear.gather [hbm4b:s14+s30], $0x60, $0x38;
	[tilespmem:$0x1D040] =	vst v63  }
0xae: {  	s19 =	simm.s32 $0x16860;
	s16 =	rddreg [dreg:$0x11]  }
0xaf: {  	[tilespmem:s19], [sflag:$0x10] =	stream.linear.gather [hbm4b:s16+s30], $0x60, $0x38;
	[tilespmem:$0x1D040] =	vst v63  }
0xb0: {  	s20 =	rddreg [dreg:$0x12]  }
0xb1: {  	[tilespmem:s23], [sflag:$0x11] =	stream.linear.gather [hbm4b:s20+s30], $0x60, $0x38;
	[tilespmem:$0x1D040] =	vst v63  }
0xb2: {  	s24 =	rddreg [dreg:$0x13];
	s25 =	simm.s32 $0xD  }
0xb3: {  	[tilespmem:s17], [sflag:$0x11] =	stream.linear.gather [hbm4b:s24+s30], $0x60, $0x38;
	[tilespmem:$0x1D040] =	vst v63  }
0xb4: {  	_ =	swait.ge [sflag:s25], $0x60  }
0xb5: {  	[sflag:s25] =	ssyncset.done $0x0  }
0xb6: {  	[sflag:s25] =	ssyncadd.s32 $0xFFFFFFA0  }
0xb7: {  	_ =	swait.ge [sflag:s25], $0x60  }
0xb8: {  	[sflag:s25] =	ssyncset.done $0x0  }
0xb9: {  	s31 =	simm.s32 $0xE;
	[sflag:s25] =	ssyncadd.s32 $0xFFFFFFA0  }
0xba: {  	[tilespmem:s10], [sflag:$0x1] =	stream.indirect.gather [spmem:s4], $0x40, s11, s1, $0xb8;
	[tilespmem:$0x1D040] =	vst v63  }
0xbb: {  	_ =	swait.ge [sflag:s31], $0x60  }
0xbc: {  	[sflag:s31] =	ssyncset.done $0x0  }
0xbd: {  	[sflag:s31] =	ssyncadd.s32 $0xFFFFFFA0  }
0xbe: {  	_ =	swait.ge [sflag:s31], $0x60  }
0xbf: {  	[sflag:s31] =	ssyncset.done $0x0  }
0xc0: {  	s2 =	simm.s32 $0xF;
	[sflag:s31] =	ssyncadd.s32 $0xFFFFFFA0  }
0xc1: {  	[tilespmem:s22], [sflag:$0x2] =	stream.indirect.gather [spmem:s4], $0x40, s12, s1, $0xb8;
	[tilespmem:$0x1D040] =	vst v63  }
0xc2: {  	_ =	swait.ge [sflag:s2], $0x60  }
0xc3: {  	[sflag:s2] =	ssyncset.done $0x0  }
.Ltmp5:
0xc4: {  	[sflag:s2] =	ssyncadd.s32 $0xFFFFFFA0;
	(pc) =	sbr.rel .LBB2_8-.Ltmp5, $4  }
0xc5: {  	_ =	swait.ge [sflag:s2], $0x60  }
0xc6: {  	s16 =	simm.s32 $0x168C0;
	[sflag:s2] =	ssyncset.done $0x0  }
0xc7: {  	s19 =	simm.s32 $0x19A40;
	s29 =	sld [smem:$0x7FA];
	[sflag:s2] =	ssyncadd.s32 $0xFFFFFFA0  }
0xc8: {  	[tilespmem:s18], [sflag:$0x3] =	stream.indirect.gather [spmem:s4], $0x40, s5, s1, $0xb8;
	[tilespmem:$0x1D040] =	vst v63  }
.LBB2_11:
.Ltmp6:
0xc9: {  	s9 =	simm.s32 $0x1CA40;
	s31 =	simm.s32 $0x7;
	(pc) =	sbr.rel @p2 .LBB2_13-.Ltmp6, $4  }
0xca: {  	[spmem:s3] =	stream.indirect.scatter.add.f32 [tilespmem:s9], [sflag:$0xC], $0x10, s0, s1, $0xb8;
	[tilespmem:$0x1D040] =	vst v63  }
0xcb: {  	_ =	swait.ge [sflag:s31], $0x1800  }
0xcc: {  	[sflag:s31] =	ssyncset.done $0x0  }
0xcd: {  	[sflag:s31] =	ssyncadd.s32 $0xFFFFE800  }
.LBB2_12:
0xce: {  	s9 =	sshrl.u32 s29, $0x3  }
0xcf: {  	s23 =	simm.s32 $0x165C0;
	s21 =	simm.s32 $0x0;
	s10 =	sadd.s32 s7, s9  }
0xd0: {  	[tilespmem:s23], [sflag:$0x11] =	stream.linear.gather [hbm4b:s10+s21], $0x60, $0x38;
	[tilespmem:$0x1D040] =	vst v63  }
0xd1: {  	s16 =	simm.s32 $0x168C0;
	s2 =	simm.s32 $0xF;
	s9 =	sadd.s32 s8, s9  }
0xd2: {  	[tilespmem:s16], [sflag:$0x11] =	stream.linear.gather [hbm4b:s9+s21], $0x60, $0x38;
	[tilespmem:$0x1D040] =	vst v63  }
0xd3: {  	_ =	swait.ge [sflag:s2], $0x60  }
0xd4: {  	[sflag:s2] =	ssyncset.done $0x0  }
0xd5: {  	[sflag:s2] =	ssyncadd.s32 $0xFFFFFFA0  }
0xd6: {  	_ =	swait.ge [sflag:s2], $0x60  }
0xd7: {  	s31 =	simm.s32 $0x16500;
	s30 =	sadd.s32 $0xFFFFFFFF, s30;
	[sflag:s2] =	ssyncset.done $0x0  }
0xd8: {  	s29 =	sadd.s32 $0x300, s29;
	s19 =	simm.s32 $0x19A40;
	[sflag:s2] =	ssyncadd.s32 $0xFFFFFFA0  }
0xd9: {  	[tilespmem:s18], [sflag:$0x3] =	stream.indirect.gather [spmem:s4], $0x40, s31, s1, $0xb8;
	[tilespmem:$0x1D040] =	vst v63  }
.LBB2_8:
0xda: {  	s24 =	simm.s32 $0x1  }
0xdb: {  	_ =	swait.ge [sflag:s24], $0x1800  }
0xdc: {  	[sflag:s24] =	ssyncset.done $0x0  }
0xdd: {  	s22 =	simm.s32 $0x16A40;
	[sflag:s24] =	ssyncadd.s32 $0xFFFFE800  }
0xde: {  	s9 =	simm.s32 $0x16740;
	s0 =	simm.s32 @!p0 $0x60;
	s6 =	rddreg [dreg:$0x2]  }
0xdf: {  	[spmem:s6] =	stream.indirect.scatter.add.f32 [tilespmem:s22], [sflag:$0x5], $0x40, s9, s1, $0xb8;
	[tilespmem:$0x1D040] =	vst v63  }
0xe0: {  	s2 =	simm.s32 @!p0 $0x1CA40;
	p2 =	seq.s32 s30, $0x0;
	s9 =	simm.s32 @!p0 $0x16740  }
0xe1: {  	[spmem:s3] =	stream.indirect.scatter.add.f32 @!p0 [tilespmem:s2], [sflag:$0x9], $0x10, s9, s0, $0xb8;
	[tilespmem:$0x1D040] =	vst v63  }
0xe2: {  	s10 =	rddreg [dreg:$0x6];
	s9 =	simm.s32 @!p2 $0x8  }
0xe3: {  	p3 =	seq.s32 @!p2 s10, $0x0;
	_ =	swait.ge @!p2 [sflag:s9], $0x1800  }
0xe4: {  	p3 =	por p3, p2;
	[sflag:s9] =	ssyncset.done @!p2 $0x0  }
0xe5: {  	[sflag:s9] =	ssyncadd.s32 @!p2 $0xFFFFE800;
	s9 =	simm.s32 @!p3 $0xC  }
0xe6: {  	s15 =	sadd.s32 $0xFFFFFD60, s29;
	_ =	swait.ge @!p3 [sflag:s9], $0x600  }
0xe7: {  	s10 =	sshrl.u32 s15, $0x3;
	[sflag:s9] =	ssyncset.done @!p3 $0x0  }
0xe8: {  	s12 =	simm.s32 $0x16620;
	s17 =	sadd.s32 s7, s10;
	[sflag:s9] =	ssyncadd.s32 @!p3 $0xFFFFFA00  }
0xe9: {  	[tilespmem:s12], [sflag:$0x12] =	stream.linear.gather [hbm4b:s17+s21], $0x60, $0x38;
	[tilespmem:$0x1D040] =	vst v63  }
0xea: {  	s20 =	simm.s32 $0x16920;
	s18 =	sadd.s32 s8, s10  }
0xeb: {  	[tilespmem:s20], [sflag:$0x12] =	stream.linear.gather [hbm4b:s18+s21], $0x60, $0x38;
	[tilespmem:$0x1D040] =	vst v63  }
0xec: {  	s21 =	simm.s32 $0x10  }
0xed: {  	_ =	swait.ge [sflag:s21], $0x60  }
0xee: {  	[sflag:s21] =	ssyncset.done $0x0  }
0xef: {  	[sflag:s21] =	ssyncadd.s32 $0xFFFFFFA0  }
0xf0: {  	_ =	swait.ge [sflag:s21], $0x60  }
0xf1: {  	[sflag:s21] =	ssyncset.done $0x0  }
0xf2: {  	s0 =	simm.s32 $0x16560;
	[sflag:s21] =	ssyncadd.s32 $0xFFFFFFA0  }
0xf3: {  	[tilespmem:s26], [sflag:$0x4] =	stream.indirect.gather [spmem:s4], $0x40, s0, s1, $0xb8;
	[tilespmem:$0x1D040] =	vst v63  }
0xf4: {  	_ =	swait.ge [sflag:s28], $0x1800  }
0xf5: {  	s14 =	simm.s32 $0x18240;
	[sflag:s28] =	ssyncset.done $0x0  }
0xf6: {  	s2 =	simm.s32 $0x167A0;
	s20 =	simm.s32 @p1 $0x5;
	[sflag:s28] =	ssyncadd.s32 $0xFFFFE800  }
0xf7: {  	[spmem:s6] =	stream.indirect.scatter.add.f32 [tilespmem:s14], [sflag:$0x6], $0x40, s2, s1, $0xb8;
	[tilespmem:$0x1D040] =	vst v63  }
0xf8: {  	_ =	swait.ge @p1 [sflag:s20], $0x1800  }
0xf9: {  	[sflag:s20] =	ssyncset.done @p1 $0x0  }
0xfa: {  	s21 =	simm.s32 @p1 $0x9;
	[sflag:s20] =	ssyncadd.s32 @p1 $0xFFFFE800  }
0xfb: {  	_ =	swait.ge @p1 [sflag:s21], $0x600  }
0xfc: {  	s9 =	simm.s32 @!p1 $0x167A0;
	[sflag:s21] =	ssyncset.done @p1 $0x0  }
0xfd: {  	s17 =	simm.s32 @!p1 $0x1CA40;
	s18 =	simm.s32 @!p1 $0x60;
	[sflag:s21] =	ssyncadd.s32 @p1 $0xFFFFFA00  }
0xfe: {  	[spmem:s3] =	stream.indirect.scatter.add.f32 @!p1 [tilespmem:s17], [sflag:$0xA], $0x10, s9, s18, $0xb8;
	[tilespmem:$0x1D040] =	vst v63  }
0xff: {  	s9 =	simm.s32 @!p1 $0x5  }
0x100: {  	s5 =	sadd.s32 $0xFFFFFDC0, s29;
	_ =	swait.ge @!p1 [sflag:s9], $0x1800  }
0x101: {  	s15 =	simm.s32 $0x0;
	s10 =	sshrl.u32 s5, $0x3;
	[sflag:s9] =	ssyncset.done @!p1 $0x0  }
0x102: {  	s11 =	sadd.s32 s7, s10;
	s0 =	simm.s32 $0x16680;
	[sflag:s9] =	ssyncadd.s32 @!p1 $0xFFFFE800  }
0x103: {  	[tilespmem:s0], [sflag:$0x13] =	stream.linear.gather [hbm4b:s11+s15], $0x60, $0x38;
	[tilespmem:$0x1D040] =	vst v63  }
0x104: {  	s13 =	simm.s32 $0x11;
	s10 =	sadd.s32 s8, s10;
	s11 =	simm.s32 $0x16980  }
0x105: {  	[tilespmem:s11], [sflag:$0x13] =	stream.linear.gather [hbm4b:s10+s15], $0x60, $0x38;
	[tilespmem:$0x1D040] =	vst v63  }
0x106: {  	_ =	swait.ge [sflag:s13], $0x60  }
0x107: {  	[sflag:s13] =	ssyncset.done $0x0  }
0x108: {  	[sflag:s13] =	ssyncadd.s32 $0xFFFFFFA0  }
0x109: {  	_ =	swait.ge [sflag:s13], $0x60  }
0x10a: {  	[sflag:s13] =	ssyncset.done $0x0  }
0x10b: {  	s5 =	simm.s32 $0x3;
	[sflag:s13] =	ssyncadd.s32 $0xFFFFFFA0  }
0x10c: {  	[tilespmem:s22], [sflag:$0x1] =	stream.indirect.gather [spmem:s4], $0x40, s23, s1, $0xb8;
	[tilespmem:$0x1D040] =	vst v63  }
0x10d: {  	_ =	swait.ge [sflag:s5], $0x1800  }
0x10e: {  	[sflag:s5] =	ssyncset.done $0x0  }
0x10f: {  	s2 =	simm.s32 $0x16800;
	s13 =	simm.s32 @p0 $0x6;
	[sflag:s5] =	ssyncadd.s32 $0xFFFFE800  }
0x110: {  	[spmem:s6] =	stream.indirect.scatter.add.f32 [tilespmem:s19], [sflag:$0x7], $0x40, s2, s1, $0xb8;
	[tilespmem:$0x1D040] =	vst v63  }
0x111: {  	_ =	swait.ge @p0 [sflag:s13], $0x1800  }
0x112: {  	[sflag:s13] =	ssyncset.done @p0 $0x0  }
0x113: {  	s23 =	simm.s32 @p0 $0xA;
	[sflag:s13] =	ssyncadd.s32 @p0 $0xFFFFE800  }
0x114: {  	_ =	swait.ge @p0 [sflag:s23], $0x600  }
0x115: {  	s25 =	simm.s32 @!p0 $0x1CA40;
	[sflag:s23] =	ssyncset.done @p0 $0x0  }
0x116: {  	s31 =	simm.s32 @!p0 $0x60;
	s10 =	simm.s32 @!p0 $0x16800;
	[sflag:s23] =	ssyncadd.s32 @p0 $0xFFFFFA00  }
0x117: {  	[spmem:s3] =	stream.indirect.scatter.add.f32 @!p0 [tilespmem:s25], [sflag:$0xB], $0x10, s10, s31, $0xb8;
	[tilespmem:$0x1D040] =	vst v63  }
0x118: {  	s31 =	simm.s32 @!p0 $0x6  }
0x119: {  	s11 =	sadd.s32 $0xFFFFFE20, s29;
	_ =	swait.ge @!p0 [sflag:s31], $0x1800  }
0x11a: {  	s10 =	sshrl.u32 s11, $0x3;
	[sflag:s31] =	ssyncset.done @!p0 $0x0  }
0x11b: {  	s2 =	simm.s32 $0x166E0;
	s25 =	sadd.s32 s7, s10;
	[sflag:s31] =	ssyncadd.s32 @!p0 $0xFFFFE800  }
0x11c: {  	[tilespmem:s2], [sflag:$0x14] =	stream.linear.gather [hbm4b:s25+s15], $0x60, $0x38;
	[tilespmem:$0x1D040] =	vst v63  }
0x11d: {  	s10 =	sadd.s32 s8, s10;
	s25 =	simm.s32 $0x169E0  }
0x11e: {  	[tilespmem:s25], [sflag:$0x14] =	stream.linear.gather [hbm4b:s10+s15], $0x60, $0x38;
	[tilespmem:$0x1D040] =	vst v63  }
0x11f: {  	s25 =	simm.s32 $0x12  }
0x120: {  	_ =	swait.ge [sflag:s25], $0x60  }
0x121: {  	[sflag:s25] =	ssyncset.done $0x0  }
0x122: {  	[sflag:s25] =	ssyncadd.s32 $0xFFFFFFA0  }
0x123: {  	_ =	swait.ge [sflag:s25], $0x60  }
0x124: {  	[sflag:s25] =	ssyncset.done $0x0  }
0x125: {  	[sflag:s25] =	ssyncadd.s32 $0xFFFFFFA0;
	s25 =	simm.s32 $0x4  }
0x126: {  	[tilespmem:s14], [sflag:$0x2] =	stream.indirect.gather [spmem:s4], $0x40, s12, s1, $0xb8;
	[tilespmem:$0x1D040] =	vst v63  }
0x127: {  	_ =	swait.ge [sflag:s25], $0x1800  }
0x128: {  	[sflag:s25] =	ssyncset.done $0x0  }
0x129: {  	s11 =	simm.s32 $0x16860;
	s10 =	simm.s32 @p1 $0x7;
	[sflag:s25] =	ssyncadd.s32 $0xFFFFE800  }
0x12a: {  	[spmem:s6] =	stream.indirect.scatter.add.f32 [tilespmem:s26], [sflag:$0x8], $0x40, s11, s1, $0xb8;
	[tilespmem:$0x1D040] =	vst v63  }
0x12b: {  	_ =	swait.ge @p1 [sflag:s10], $0x1800  }
0x12c: {  	[sflag:s10] =	ssyncset.done @p1 $0x0  }
0x12d: {  	[sflag:s10] =	ssyncadd.s32 @p1 $0xFFFFE800;
	s10 =	simm.s32 @p1 $0xB  }
0x12e: {  	_ =	swait.ge @p1 [sflag:s10], $0x600  }
0x12f: {  	[sflag:s10] =	ssyncset.done @p1 $0x0  }
0x130: {  	[sflag:s10] =	ssyncadd.s32 @p1 $0xFFFFFA00;
	s10 =	simm.s32 @!p1 $0x16860  }
0x131: {  	[spmem:s3] =	stream.indirect.scatter.add.f32 @!p1 [tilespmem:s17], [sflag:$0xC], $0x10, s10, s18, $0xb8;
	[tilespmem:$0x1D040] =	vst v63  }
0x132: {  	s10 =	simm.s32 @!p1 $0x7  }
0x133: {  	p2 =	seq.s32 s30, $0xFFFFFFE6;
	_ =	swait.ge @!p1 [sflag:s10], $0x1800  }
0x134: {  	s11 =	sadd.s32 @!p2 $0xFFFFFE80, s29;
	[sflag:s10] =	ssyncset.done @!p1 $0x0  }
0x135: {  	[sflag:s10] =	ssyncadd.s32 @!p1 $0xFFFFE800;
	s10 =	sshrl.u32 @!p2 s11, $0x3  }
0x136: {  	s15 =	simm.s32 @!p2 $0x16440;
	s11 =	simm.s32 @!p2 $0x0;
	s12 =	sadd.s32 @!p2 s7, s10  }
0x137: {  	[tilespmem:s15], [sflag:$0xD] =	stream.linear.gather @!p2 [hbm4b:s12+s11], $0x60, $0x38;
	[tilespmem:$0x1D040] =	vst v63  }
0x138: {  	s10 =	sadd.s32 @!p2 s8, s10;
	s12 =	simm.s32 @!p2 $0x16740  }
0x139: {  	[tilespmem:s12], [sflag:$0xD] =	stream.linear.gather @!p2 [hbm4b:s10+s11], $0x60, $0x38;
	[tilespmem:$0x1D040] =	vst v63  }
0x13a: {  	s12 =	simm.s32 $0x13  }
0x13b: {  	_ =	swait.ge [sflag:s12], $0x60  }
0x13c: {  	[sflag:s12] =	ssyncset.done $0x0  }
0x13d: {  	[sflag:s12] =	ssyncadd.s32 $0xFFFFFFA0  }
0x13e: {  	_ =	swait.ge [sflag:s12], $0x60  }
0x13f: {  	[sflag:s12] =	ssyncset.done $0x0  }
0x140: {  	[sflag:s12] =	ssyncadd.s32 $0xFFFFFFA0  }
0x141: {  	[tilespmem:s19], [sflag:$0x3] =	stream.indirect.gather [spmem:s4], $0x40, s0, s1, $0xb8;
	[tilespmem:$0x1D040] =	vst v63  }
0x142: {  	_ =	swait.ge [sflag:s24], $0x1800  }
0x143: {  	[sflag:s24] =	ssyncset.done $0x0  }
0x144: {  	s10 =	simm.s32 @p0 $0x8;
	[sflag:s24] =	ssyncadd.s32 $0xFFFFE800  }
0x145: {  	[spmem:s6] =	stream.indirect.scatter.add.f32 [tilespmem:s22], [sflag:$0x5], $0x40, s16, s1, $0xb8;
	[tilespmem:$0x1D040] =	vst v63  }
0x146: {  	_ =	swait.ge @p0 [sflag:s10], $0x1800  }
0x147: {  	[sflag:s10] =	ssyncset.done @p0 $0x0  }
0x148: {  	[sflag:s10] =	ssyncadd.s32 @p0 $0xFFFFE800;
	s10 =	simm.s32 @p0 $0xC  }
0x149: {  	_ =	swait.ge @p0 [sflag:s10], $0x600  }
0x14a: {  	s12 =	simm.s32 @!p0 $0x60;
	[sflag:s10] =	ssyncset.done @p0 $0x0  }
0x14b: {  	s16 =	simm.s32 @!p0 $0x1CA40;
	[sflag:s10] =	ssyncadd.s32 @p0 $0xFFFFFA00;
	s10 =	simm.s32 @!p0 $0x168C0  }
0x14c: {  	[spmem:s3] =	stream.indirect.scatter.add.f32 @!p0 [tilespmem:s16], [sflag:$0x9], $0x10, s10, s12, $0xb8;
	[tilespmem:$0x1D040] =	vst v63  }
0x14d: {  	s10 =	simm.s32 @!p0 $0x8  }
0x14e: {  	s12 =	sadd.s32 @!p2 $0xFFFFFEE0, s29;
	_ =	swait.ge @!p0 [sflag:s10], $0x1800  }
0x14f: {  	s12 =	sshrl.u32 @!p2 s12, $0x3;
	[sflag:s10] =	ssyncset.done @!p0 $0x0  }
0x150: {  	s22 =	sadd.s32 @!p2 s7, s12;
	[sflag:s10] =	ssyncadd.s32 @!p0 $0xFFFFE800;
	s10 =	simm.s32 @!p2 $0x164A0  }
0x151: {  	[tilespmem:s10], [sflag:$0xE] =	stream.linear.gather @!p2 [hbm4b:s22+s11], $0x60, $0x38;
	[tilespmem:$0x1D040] =	vst v63  }
0x152: {  	s12 =	sadd.s32 @!p2 s8, s12;
	s22 =	simm.s32 @!p2 $0x167A0  }
0x153: {  	[tilespmem:s22], [sflag:$0xE] =	stream.linear.gather @!p2 [hbm4b:s12+s11], $0x60, $0x38;
	[tilespmem:$0x1D040] =	vst v63  }
0x154: {  	s22 =	simm.s32 $0x14  }
0x155: {  	_ =	swait.ge [sflag:s22], $0x60  }
0x156: {  	[sflag:s22] =	ssyncset.done $0x0  }
0x157: {  	[sflag:s22] =	ssyncadd.s32 $0xFFFFFFA0  }
0x158: {  	_ =	swait.ge [sflag:s22], $0x60  }
0x159: {  	[sflag:s22] =	ssyncset.done $0x0  }
0x15a: {  	[sflag:s22] =	ssyncadd.s32 $0xFFFFFFA0  }
0x15b: {  	[tilespmem:s26], [sflag:$0x4] =	stream.indirect.gather [spmem:s4], $0x40, s2, s1, $0xb8;
	[tilespmem:$0x1D040] =	vst v63  }
0x15c: {  	_ =	swait.ge [sflag:s28], $0x1800  }
0x15d: {  	[sflag:s28] =	ssyncset.done $0x0  }
0x15e: {  	s12 =	simm.s32 $0x16920;
	[sflag:s28] =	ssyncadd.s32 $0xFFFFE800  }
0x15f: {  	[spmem:s6] =	stream.indirect.scatter.add.f32 [tilespmem:s14], [sflag:$0x6], $0x40, s12, s1, $0xb8;
	[tilespmem:$0x1D040] =	vst v63  }
0x160: {  	_ =	swait.ge @p1 [sflag:s20], $0x1800  }
0x161: {  	[sflag:s20] =	ssyncset.done @p1 $0x0  }
0x162: {  	[sflag:s20] =	ssyncadd.s32 @p1 $0xFFFFE800  }
0x163: {  	_ =	swait.ge @p1 [sflag:s21], $0x600  }
0x164: {  	[sflag:s21] =	ssyncset.done @p1 $0x0  }
0x165: {  	s12 =	simm.s32 @!p1 $0x16920;
	[sflag:s21] =	ssyncadd.s32 @p1 $0xFFFFFA00  }
0x166: {  	[spmem:s3] =	stream.indirect.scatter.add.f32 @!p1 [tilespmem:s17], [sflag:$0xA], $0x10, s12, s18, $0xb8;
	[tilespmem:$0x1D040] =	vst v63  }
0x167: {  	s12 =	sadd.s32 @!p2 $0xFFFFFF40, s29;
	_ =	swait.ge @!p1 [sflag:s9], $0x1800  }
0x168: {  	s12 =	sshrl.u32 @!p2 s12, $0x3;
	[sflag:s9] =	ssyncset.done @!p1 $0x0  }
0x169: {  	s17 =	simm.s32 @!p2 $0x16500;
	[sflag:s9] =	ssyncadd.s32 @!p1 $0xFFFFE800;
	s9 =	sadd.s32 @!p2 s7, s12  }
0x16a: {  	[tilespmem:s17], [sflag:$0xF] =	stream.linear.gather @!p2 [hbm4b:s9+s11], $0x60, $0x38;
	[tilespmem:$0x1D040] =	vst v63  }
0x16b: {  	s9 =	sadd.s32 @!p2 s8, s12;
	s12 =	simm.s32 @!p2 $0x16800  }
0x16c: {  	[tilespmem:s12], [sflag:$0xF] =	stream.linear.gather @!p2 [hbm4b:s9+s11], $0x60, $0x38;
	[tilespmem:$0x1D040] =	vst v63  }
0x16d: {  	s9 =	simm.s32 @!p2 $0xD  }
0x16e: {  	_ =	swait.ge @!p2 [sflag:s9], $0x60  }
0x16f: {  	[sflag:s9] =	ssyncset.done @!p2 $0x0  }
0x170: {  	[sflag:s9] =	ssyncadd.s32 @!p2 $0xFFFFFFA0  }
0x171: {  	_ =	swait.ge @!p2 [sflag:s9], $0x60  }
0x172: {  	[sflag:s9] =	ssyncset.done @!p2 $0x0  }
0x173: {  	s12 =	simm.s32 @!p2 $0x16A40;
	[sflag:s9] =	ssyncadd.s32 @!p2 $0xFFFFFFA0;
	s9 =	simm.s32 @!p2 $0x60  }
0x174: {  	[tilespmem:s12], [sflag:$0x1] =	stream.indirect.gather @!p2 [spmem:s4], $0x40, s15, s9, $0xb8;
	[tilespmem:$0x1D040] =	vst v63  }
0x175: {  	_ =	swait.ge [sflag:s5], $0x1800  }
0x176: {  	[sflag:s5] =	ssyncset.done $0x0  }
0x177: {  	s21 =	simm.s32 $0x16980;
	[sflag:s5] =	ssyncadd.s32 $0xFFFFE800  }
0x178: {  	[spmem:s6] =	stream.indirect.scatter.add.f32 [tilespmem:s19], [sflag:$0x7], $0x40, s21, s1, $0xb8;
	[tilespmem:$0x1D040] =	vst v63  }
0x179: {  	_ =	swait.ge @p0 [sflag:s13], $0x1800  }
0x17a: {  	[sflag:s13] =	ssyncset.done @p0 $0x0  }
0x17b: {  	[sflag:s13] =	ssyncadd.s32 @p0 $0xFFFFE800  }
0x17c: {  	_ =	swait.ge @p0 [sflag:s23], $0x600  }
0x17d: {  	s24 =	simm.s32 @!p0 $0x60;
	[sflag:s23] =	ssyncset.done @p0 $0x0  }
0x17e: {  	s16 =	simm.s32 @!p0 $0x1CA40;
	s12 =	simm.s32 @!p0 $0x16980;
	[sflag:s23] =	ssyncadd.s32 @p0 $0xFFFFFA00  }
0x17f: {  	[spmem:s3] =	stream.indirect.scatter.add.f32 @!p0 [tilespmem:s16], [sflag:$0xB], $0x10, s12, s24, $0xb8;
	[tilespmem:$0x1D040] =	vst v63  }
0x180: {  	s12 =	sadd.s32 @!p2 $0xFFFFFFA0, s29;
	_ =	swait.ge @!p0 [sflag:s31], $0x1800  }
0x181: {  	s12 =	sshrl.u32 @!p2 s12, $0x3;
	[sflag:s31] =	ssyncset.done @!p0 $0x0  }
0x182: {  	s14 =	simm.s32 @!p2 $0x16560;
	s13 =	sadd.s32 @!p2 s7, s12;
	[sflag:s31] =	ssyncadd.s32 @!p0 $0xFFFFE800  }
0x183: {  	[tilespmem:s14], [sflag:$0x10] =	stream.linear.gather @!p2 [hbm4b:s13+s11], $0x60, $0x38;
	[tilespmem:$0x1D040] =	vst v63  }
0x184: {  	s12 =	sadd.s32 @!p2 s8, s12;
	s13 =	simm.s32 @!p2 $0x16860  }
0x185: {  	[tilespmem:s13], [sflag:$0x10] =	stream.linear.gather @!p2 [hbm4b:s12+s11], $0x60, $0x38;
	[tilespmem:$0x1D040] =	vst v63  }
0x186: {  	s11 =	simm.s32 @!p2 $0xE  }
0x187: {  	_ =	swait.ge @!p2 [sflag:s11], $0x60  }
0x188: {  	[sflag:s11] =	ssyncset.done @!p2 $0x0  }
0x189: {  	[sflag:s11] =	ssyncadd.s32 @!p2 $0xFFFFFFA0  }
0x18a: {  	_ =	swait.ge @!p2 [sflag:s11], $0x60  }
0x18b: {  	[sflag:s11] =	ssyncset.done @!p2 $0x0  }
0x18c: {  	[sflag:s11] =	ssyncadd.s32 @!p2 $0xFFFFFFA0;
	s11 =	simm.s32 @!p2 $0x18240  }
0x18d: {  	[tilespmem:s11], [sflag:$0x2] =	stream.indirect.gather @!p2 [spmem:s4], $0x40, s10, s9, $0xb8;
	[tilespmem:$0x1D040] =	vst v63  }
.Ltmp7:
0x18e: {  	_ = 	snop;
	(pc) =	sbr.rel @p0 .LBB2_11-.Ltmp7, $4  }
0x18f: {  	_ =	swait.ge [sflag:s25], $0x1800  }
0x190: {  	s0 =	simm.s32 $0x169E0;
	[sflag:s25] =	ssyncset.done $0x0  }
0x191: {  	s22 =	simm.s32 $0x18240;
	s18 =	simm.s32 $0x19A40;
	[sflag:s25] =	ssyncadd.s32 $0xFFFFE800  }
0x192: {  	[spmem:s6] =	stream.indirect.scatter.add.f32 [tilespmem:s26], [sflag:$0x8], $0x40, s0, s1, $0xb8;
	[tilespmem:$0x1D040] =	vst v63  }
0x193: {  	s0 =	simm.s32 $0x7  }
0x194: {  	_ =	swait.ge [sflag:s0], $0x1800  }
.Ltmp8:
0x195: {  	[sflag:s0] =	ssyncset.done $0x0;
	(pc) =	sbr.rel @!p2 .LBB2_12-.Ltmp8, $4  }
0x196: {  	s31 =	simm.s32 $0xB;
	[sflag:s0] =	ssyncadd.s32 $0xFFFFE800  }
0x197: {  	_ =	swait.ge [sflag:s31], $0x600  }
0x198: {  	[sflag:s31] =	ssyncset.done $0x0  }
0x199: {  	[sflag:s31] =	ssyncadd.s32 $0xFFFFFA00  }
.Ltmp9:
0x19a: {  	(pc) =	sbr.rel .LBB2_14-.Ltmp9, $4  }
0x19b: {  	s0 =	simm.s32 $0x8  }
0x19c: {  	_ =	swait.ge [sflag:s0], $0x1800  }
0x19d: {  	s23 =	simm.s32 $0x165C0;
	s17 =	simm.s32 $0x168C0;
	[sflag:s0] =	ssyncset.done $0x0  }
0x19e: {  	s21 =	simm.s32 $0x0;
	[sflag:s0] =	ssyncadd.s32 $0xFFFFE800;
	s0 =	sld [smem:$0x7F6]  }
.LBB2_15:
0x19f: {  	_ =	sfence.sel $0x180000  }
0x1a0: {  	[bflag:$0x0] =	sbarrier.arrive $0xFFFF  }
0x1a1: {  	_ =	strace $0x90000047  }
0x1a2: {  	s0 =	stileid.u32;
	[bflag:$0x2] =	sbarrier.arrive $0xFFFF  }
0x1a3: {  	p0 =	sne.s32 s0, $0x0;
	s0 =	rddreg [dreg:$0x5]  }
0x1a4: {  	s0 =	sadd.s32 @!p0 $0x100000, s0  }
0x1a5: {  	[sflag:s0] =	ssyncadd.tile.s32 @!p0 $0x1;
	_ =	shalt  }
.Lfunc_end2:
_tile_overlayer_lowered:
.L_overlay_start_2:
0x1a6: {  	(tag) =	ssettag $0x2  }
0x1a7: {  	s0 =	rddreg [dreg:$0x0];
	s2 =	stileid.u32  }
0x1a8: {  	s1 =	rddreg [dreg:$0x1];
	p0 =	sne.s32 s2, $0x0  }
0x1a9: {  	s3 =	rddreg [dreg:$0x2];
	[bflag:$0x3] =	sbarrier.arrive $0xFFFF;
	s2 =	simm.s32 @!p0 $0x1C15  }
0x1aa: {  	[timem:s3], [sflag:s2] =	dma.local @!p0 [hbm:s0], s1  }
0x1ab: {  	s0 =	simm.s32 @!p0 $0x15  }
0x1ac: {  	_ =	swait.ge @!p0 [sflag:s0], s1  }
0x1ad: {  	s1 =	ssub.s32 @!p0 $0x0, s1;
	[sflag:s0] =	ssyncset.done @!p0 $0x0  }
0x1ae: {  	[sflag:s0] =	ssyncadd.s32 @!p0 s1  }
0x1af: {  	[bflag:$0x3] =	sbarrier.arrive $0xFFFF  }
0x1b0: {  	_ =	shalt  }

// kernel: kernel.9.cloned.1.call-start
scs
__scs_entry_jumppad:
0x0: {  	(pc) =	sbr.rel $0x88, $3  }
0x1: {  	(tag) =	ssettag $0x0;
	lr =	simm.s32 $0x1  }
0x2: {  	[smem:$0x3F97] =	sst lr;
	_ =	strace $0xD0000000  }
0x3: {  	_ = 	snop  }
0x4: {  	_ = 	snop  }
0x5: {  	_ = 	snop  }
0x6: {  	_ = 	snop  }
0x7: {  	_ = 	snop  }
__scs_overlays_trampoline_lowered:
0x8: {  	[smem:$0x3FA6] =	sst s0  }
0x9: {  	[smem:$0x3FA7] =	sst s1  }
0xa: {  	[smem:$0x3FA8] =	sst s2  }
0xb: {  	[smem:$0x3FA9] =	sst s3  }
0xc: {  	[smem:$0x3FAA] =	sst s4  }
0xd: {  	[smem:$0x3FAB] =	sst s5  }
0xe: {  	[smem:$0x3FAC] =	sst s6  }
0xf: {  	[smem:$0x3FAD] =	sst s7  }
0x10: {  	[smem:$0x3FAE] =	sst s8  }
0x11: {  	[smem:$0x3FAF] =	sst s9;
	s0 =	simm.s32 @!p0 $0x0  }
0x12: {  	s1 =	sld [smem:$0x3F95];
	s0 =	simm.s32 @p0 $0x1  }
0x13: {  	[smem:$0x3FB0] =	sst s0;
	s0 =	simm.s32 @!p1 $0x0  }
0x14: {  	s2 =	sld [smem:$0x3F94];
	s0 =	simm.s32 @p1 $0x1  }
0x15: {  	[smem:$0x3FB1] =	sst s0;
	s0 =	simm.s32 @!p2 $0x0  }
0x16: {  	s3 =	sld [smem:$0x3FDB];
	s0 =	simm.s32 @p2 $0x1  }
0x17: {  	s4 =	simm.s32 $0x1BF5;
	[smem:$0x3FB3] =	sst s0  }
0x18: {  	s0 =	sld [smem:$0x3F96];
	_ =	swait.ge [sflag:s4], $0x0  }
0x19: {  	s7 =	sld [smem:$0x3F97]  }
0x1a: {  	s8 =	sadd.s32 $0xFFFFE003, lr  }
0x1b: {  	s9 =	sadd.s32 $0xFFFFFEF7, lr;
	s5 =	simm.s32 $0xFFFFFFFF;
	p2 =	slt.u32 s8, $0xFFFFF086  }
0x1c: {  	p1 =	slt.u32 s9, $0xF7A;
	s5 =	simm.s32 @!p2 $0x0  }
0x1d: {  	s5 =	simm.s32 @p1 $0x1;
	p0 =	seq.s32 s7, s2  }
0x1e: {  	s7 =	smul.u32 @!p0 $0xF7A, s2;
	p2 =	seq.s32 @!p0 s5, $0x0  }
0x1f: {  	s9 =	smul.u32 $0xF7A, s1;
	s8 =	simm.s32 @!p0 $0x1BF5;
	p2 =	por !p2, p0  }
0x20: {  	[sflag:s8] =	ssyncset.s32 @!p0 $0xFFFFF086;
	s6 =	sadd.s32 @!p0 s3, s7;
	s7 =	simm.s32 @!p0 $0x108  }
0x21: {  	s3 =	sadd.s32 s3, s9;
	s6 =	sadd.s32 @!p0 $0x88, s6;
	s7 =	simm.s32 @p2 $0x1082  }
0x22: {  	[simem:s7], [sflag:s8] =	dma.local @!p0 [hbm:s6], $0xF7A  }
0x23: {  	s9 =	sor.u32 $0xD0000000, s2;
	s6 =	simm.s32 $0x108;
	_ =	swait.ge @!p0 [sflag:s8], $0x0  }
0x24: {  	s3 =	sadd.s32 $0x88, s3;
	s6 =	simm.s32 @!p1 $0x1082;
	[sflag:s4] =	ssyncset.s32 $0xFFFFF086  }
0x25: {  	[simem:s6], [sflag:s4] =	dma.local [hbm:s3], $0xF7A  }
0x26: {  	[smem:$0x3F97] =	sst s1;
	(tag) =	ssettag s2;
	_ =	strace s9  }
0x27: {  	s1 =	sld [smem:$0x3FA7]  }
0x28: {  	s2 =	sld [smem:$0x3FA8]  }
0x29: {  	s4 =	sld [smem:$0x3FAA]  }
0x2a: {  	p0 =	seq.s32 s5, $0x0;
	s5 =	sld [smem:$0x3FAB]  }
0x2b: {  	s6 =	sld [smem:$0x3FAC]  }
0x2c: {  	s7 =	sld [smem:$0x3FAD]  }
0x2d: {  	s3 =	simm.s32 $0x108;
	s8 =	sld [smem:$0x3FAE]  }
0x2e: {  	s3 =	simm.s32 @!p0 $0x1082;
	s9 =	sld [smem:$0x3FAF]  }
0x2f: {  	lr =	sadd.s32 s0, s3;
	s0 =	sld [smem:$0x3FA6]  }
0x30: {  	s3 =	sld [smem:$0x3FA9]  }
0x31: {  	[smem:$0x3FB2] =	sst s10  }
0x32: {  	s10 =	sld [smem:$0x3FB0];
	_ =	sdelay $0x3  }
0x33: {  	p0 =	seq.s32 s10, $0x1;
	s10 =	sld [smem:$0x3FB2];
	_ =	sdelay $0x3  }
0x34: {  	[smem:$0x3FB2] =	sst s10  }
0x35: {  	s10 =	sld [smem:$0x3FB1];
	_ =	sdelay $0x3  }
0x36: {  	p1 =	seq.s32 s10, $0x1;
	s10 =	sld [smem:$0x3FB2];
	_ =	sdelay $0x3  }
0x37: {  	[smem:$0x3FB2] =	sst s10  }
0x38: {  	s10 =	sld [smem:$0x3FB3]  }
0x39: {  	_ = 	snop;
	(pc) =	sbr.ind lr, $3  }
0x3a: {  	_ = 	snop  }
0x3b: {  	_ = 	snop  }
0x3c: {  	p2 =	seq.s32 s10, $0x1;
	s10 =	sld [smem:$0x3FB2]  }
0x3d: {  	_ =	shalt  }
0x3e: {  	_ =	shalt  }
0x3f: {  	_ =	shalt  }
0x40: {  	_ =	shalt  }
0x41: {  	_ =	shalt  }
0x42: {  	_ =	shalt  }
0x43: {  	_ =	shalt  }
0x44: {  	_ =	shalt  }
0x45: {  	_ =	shalt  }
0x46: {  	_ =	shalt  }
0x47: {  	_ =	shalt  }
0x48: {  	_ =	shalt  }
0x49: {  	_ =	shalt  }
0x4a: {  	_ =	shalt  }
0x4b: {  	_ =	shalt  }
0x4c: {  	_ =	shalt  }
0x4d: {  	_ =	shalt  }
0x4e: {  	_ =	shalt  }
0x4f: {  	_ =	shalt  }
0x50: {  	_ =	shalt  }
0x51: {  	_ =	shalt  }
0x52: {  	_ =	shalt  }
0x53: {  	_ =	shalt  }
0x54: {  	_ =	shalt  }
0x55: {  	_ =	shalt  }
0x56: {  	_ =	shalt  }
0x57: {  	_ =	shalt  }
0x58: {  	_ =	shalt  }
0x59: {  	_ =	shalt  }
0x5a: {  	_ =	shalt  }
0x5b: {  	_ =	shalt  }
0x5c: {  	_ =	shalt  }
0x5d: {  	_ =	shalt  }
0x5e: {  	_ =	shalt  }
0x5f: {  	_ =	shalt  }
0x60: {  	_ =	shalt  }
0x61: {  	_ =	shalt  }
0x62: {  	_ =	shalt  }
0x63: {  	_ =	shalt  }
0x64: {  	_ =	shalt  }
0x65: {  	_ =	shalt  }
0x66: {  	_ =	shalt  }
0x67: {  	_ =	shalt  }
0x68: {  	_ =	shalt  }
0x69: {  	_ =	shalt  }
0x6a: {  	_ =	shalt  }
0x6b: {  	_ =	shalt  }
0x6c: {  	_ =	shalt  }
0x6d: {  	_ =	shalt  }
0x6e: {  	_ =	shalt  }
0x6f: {  	_ =	shalt  }
0x70: {  	_ =	shalt  }
0x71: {  	_ =	shalt  }
0x72: {  	_ =	shalt  }
0x73: {  	_ =	shalt  }
0x74: {  	_ =	shalt  }
0x75: {  	_ =	shalt  }
0x76: {  	_ =	shalt  }
0x77: {  	_ =	shalt  }
0x78: {  	_ =	shalt  }
0x79: {  	_ =	shalt  }
0x7a: {  	_ =	shalt  }
0x7b: {  	_ =	shalt  }
0x7c: {  	_ =	shalt  }
0x7d: {  	_ =	shalt  }
0x7e: {  	_ =	shalt  }
0x7f: {  	_ =	shalt  }
0x80: {  	_ =	shalt  }
0x81: {  	_ =	shalt  }
0x82: {  	_ =	shalt  }
0x83: {  	_ =	shalt  }
0x84: {  	_ =	shalt  }
0x85: {  	_ =	shalt  }
0x86: {  	_ =	shalt  }
0x87: {  	_ =	shalt  }
.Lfunc_end0:
.L_simem_size_0:
called_computation.1_lowered:
.L_overlay_start_0:
0x88: {  	s2 =	sld [smem:$0x3FD9]  }
0x89: {  	s3 =	sld [smem:$0x3FFE];
	_ =	sdelay $0x1  }
0x8a: {  	s1 =	srdreg.scid  }
0x8b: {  	s0 =	sand.u32 $0x1, s1  }
0x8c: {  	s14 =	sshll.u32 s0, $0xA;
	s2 =	sadd.s32 s3, s2  }
0x8d: {  	s2 =	sadd.s32 s2, s14  }
0x8e: {  	[smem:$0x3FBE] =	sst s2  }
0x8f: {  	_ = 	snop  }
0x90: {  	s2 =	sld [smem:$0x3FD0];
	_ =	sdelay $0x2  }
0x91: {  	s15 =	simm.s32 $0xA;
	s4 =	simm.s32 $0x10  }
0x92: {  	[smem:s4], [sflag:s15] =	dma.local [hbm:s2], $0x1  }
0x93: {  	_ =	swait.eq [sflag:s15], $0x1  }
0x94: {  	[sflag:s15] =	ssyncset.done $0x0  }
0x95: {  	[sflag:s15] =	ssyncadd.s32 $0xFFFFFFFF  }
0x96: {  	s16 =	sld [smem:$0x11];
	(tm) =	ssettm $0x1  }
0x97: {  	s17 =	sld [smem:$0x3FFB];
	_ =	sdelay $0x3  }
0x98: {  	_ =	strace s17  }
0x99: {  	s3 =	sld [smem:$0x3FFC];
	_ =	sdelay $0x3  }
0x9a: {  	_ =	strace s3  }
0x9b: {  	s3 =	sld [smem:$0x3FFD];
	_ =	sdelay $0x3  }
0x9c: {  	_ =	strace s3  }
0x9d: {  	_ =	strace $0x8FFFFFFF  }
0x9e: {  	s18 =	sld [smem:$0x3FDB];
	_ =	sdelay $0x1  }
0x9f: {  	s19 =	simm.s32 $_scs_section_size  }
0xa0: {  	s5 =	simm.s32 $_size__tile_overlayer_lowered;
	s6 =	simm.s32 $_tile_overlayer_lowered  }
0xa1: {  	s22 =	simm.s32 $0x1BFF;
	s21 =	sshll.u32 s6, $0x1;
	s3 =	sadd.s32 s19, s18  }
0xa2: {  	s7 =	simm.s32 $0x0;
	s20 =	sshll.u32 s5, $0x1;
	s5 =	sadd.s32 s21, s3  }
0xa3: {  	[timem:s7], [sflag:s22] =	dma.local [hbm:s5], s20  }
0xa4: {  	_ =	swait.ge [sflag:s22], s20  }
0xa5: {  	s4 =	ssub.s32 $0x0, s20;
	[sflag:s22] =	ssyncset.done $0x0  }
0xa6: {  	[sflag:s22] =	ssyncadd.s32 s4;
	_ =	sdelay $0x1  }
0xa7: {  	s23 =	simm.s32 $0x1B8B  }
0xa8: {  	_ =	swait.ge [sflag:s23], $0x1  }
0xa9: {  	[sflag:s23] =	ssyncset.done $0x0  }
0xaa: {  	s25 =	simm.s32 $0x1B8E;
	s24 =	sld [smem:$0x3FFE];
	[sflag:s23] =	ssyncadd.s32 $0xFFFFFFFF  }
0xab: {  	s26 =	simm.s32 $execute0_lowered;
	[smem:$0x3FD2] =	sst s25  }
0xac: {  	s5 =	sshll.u32 s26, $0x1;
	_ =	strace $0x80000049;
	[dreg:$0x1] =	wrdreg $0xFFFFFFFF  }
0xad: {  	s28 =	simm.s32 $_size_execute0_lowered;
	s3 =	sadd.s32 s3, s5;
	[dreg:$0x0] =	wrdreg $0x0  }
0xae: {  	s5 =	sshll.u32 s28, $0x1;
	[dreg:$0x2] =	wrdreg s3  }
0xaf: {  	[dreg:$0x3] =	wrdreg s5  }
0xb0: {  	[dreg:$0x4] =	wrdreg $0xC0  }
0xb1: {  	_ =	task [dreg:s7], $0x5FFFF  }
0xb2: {  	[dreg:$0x1] =	wrdreg $0xFFFFFFFF  }
0xb3: {  	[dreg:$0x0] =	wrdreg $0x60  }
0xb4: {  	[dreg:$0x2] =	wrdreg s16  }
0xb5: {  	[dreg:$0x3] =	wrdreg s24  }
0xb6: {  	[dreg:$0x4] =	wrdreg $0x0  }
0xb7: {  	[dreg:$0x5] =	wrdreg $0xA0000  }
0xb8: {  	[dreg:$0x6] =	wrdreg $0x9  }
0xb9: {  	_ =	task.clear_ibuf [dreg:s7], $0x7FFFF;
	_ =	strace $0x90000049  }
0xba: {  	s29 =	simm.s32 $0x9;
	_ =	strace $0x8000004B  }
0xbb: {  	_ =	swait.ge [sflag:s29], $0x1  }
0xbc: {  	[sflag:s29] =	ssyncadd.s32 $0xFFFFFFFF  }
0xbd: {  	_ =	strace $0x9000004B  }
0xbe: {  	_ =	sfence  }
0xbf: {  	s30 =	sld [smem:$0x0];
	_ =	sdelay $0x2  }
0xc0: {  	s31 =	sshll.u32 s1, $0xD;
	s1 =	sshrl.u32 s1, $0x2  }
0xc1: {  	s3 =	sand.u32 $0x4000, s31;
	s1 =	sadd.s32 s1, s30  }
0xc2: {  	s0 =	sor.u32 s3, s0;
	s1 =	sshll.u32 s1, $0x11  }
0xc3: {  	s0 =	sor.u32 s1, s0  }
0xc4: {  	s0 =	sadd.s32 $0x8F2B, s0  }
0xc5: {  	[sflag:s0] =	ssyncadd.remote.s32 $0x1  }
0xc6: {  	_ =	sfence.sel $0xFFFF  }
0xc7: {  	[dreg:$0x0] =	wrdreg $0xFFFFFFFF;
	(pc) =	sbr.abs _section_cstart, $3  }
0xc8: {  	[dreg:$0x1] =	wrdreg $0xFFFFFFFF  }
0xc9: {  	_ =	task.clear_ibuf [dreg:s7], $0x2FFFF;
	_ =	strace $0x9FFFFFFF  }
0xca: {  	(tm) =	ssettm $0x7FFFFFFF  }
0xcb: {  	_ =	shalt  }
tec
execute0_lowered:
.L_overlay_start_1:
0x0: {  	(tag) =	ssettag $0x1  }
0x1: {  	s0 =	rddreg [dreg:$0x0];
	s15 =	stileid.u32  }
0x2: {  	s3 =	rddreg [dreg:$0x1];
	s7 =	smul.u32 $0xA000, s15  }
0x3: {  	s1 =	rddreg [dreg:$0x2];
	s8 =	smul.u32 $0x28000, s15  }
0x4: {  	s2 =	rddreg [dreg:$0x3];
	s10 =	smul.u32 $0x27100, s15  }
0x5: {  	s4 =	srdreg.scid;
	s28 =	simm.s32 $0x14240;
	s23 =	smul.u32 $0x1388, s15  }
0x6: {  	s5 =	sand.u32 $0x1, s4;
	s4 =	simm.s32 $0x0;
	s14 =	smul.u32 $0x5000, s15  }
0x7: {  	s9 =	sadd.s32 $0x51A00, s3;
	s11 =	sadd.s32 $0x47A00, s3;
	s6 =	smul.u32 $0xA0000, s5  }
0x8: {  	[smem:$0x7FF] =	sst s4;
	s12 =	smul.u32 $0x13880, s5;
	s5 =	ssub.s32 $0x2, s5  }
0x9: {  	_ =	strace $0x8000004A;
	s13 =	sshrl.u32 s5, $0x1;
	s8 =	sshrl.u32 s8, $0x2  }
0xa: {  	s24 =	sshrl.u32 s10, $0x2;
	s25 =	sshrl.u32 s14, $0x3;
	s22 =	sadd.s32 s7, s1  }
0xb: {  	s6 =	sadd.s32 s7, s6;
	s5 =	ssub.s32 s5, s13;
	s13 =	sadd.s32 s8, s1  }
0xc: {  	s8 =	sadd.s32 s24, s2;
	s26 =	sadd.s32 s9, s25;
	s29 =	sor.u32 $0x10, s25  }
0xd: {  	s30 =	sadd.s32 s11, s25;
	s16 =	sor.u32 $0x30, s25;
	[dreg:$0x7] =	wrdreg s26  }
0xe: {  	s18 =	sor.u32 $0x40, s25;
	s7 =	simm.s32 $0x7;
	[dreg:$0x8] =	wrdreg s30  }
0xf: {  	s6 =	sshrl.u32 s6, $0x3;
	s31 =	sadd.s32 s9, s29;
	[dreg:$0x5] =	wrdreg s13  }
0x10: {  	s17 =	sadd.s32 s9, s16;
	s19 =	sadd.s32 s9, s18;
	[dreg:$0x9] =	wrdreg s31  }
0x11: {  	s20 =	sadd.s32 s11, s18;
	s5 =	smax.u32 s5, $0x1;
	[dreg:$0xd] =	wrdreg s17  }
0x12: {  	s24 =	sadd.s32 $0x2000, s13;
	s30 =	sshrl.u32 s8, $0x3;
	[dreg:$0xf] =	wrdreg s19  }
0x13: {  	s8 =	simm.s32 $0xF;
	s18 =	simm.s32 $0x1A440;
	[dreg:$0x10] =	wrdreg s20  }
0x14: {  	s3 =	sadd.s32 s6, s3;
	s6 =	sadd.s32 s23, s12;
	[dreg:$0x12] =	wrdreg s5  }
0x15: {  	s12 =	sor.u32 $0x20, s25;
	s23 =	smul.u32 $0xA00, s15;
	[dreg:$0x13] =	wrdreg s24  }
0x16: {  	s25 =	sadd.s32 $0x4000, s13;
	[dreg:$0x16] =	wrdreg s30;
	s31 =	sadd.s32 $0x8000, s13  }
0x17: {  	s20 =	simm.s32 $0x13E40;
	s5 =	simm.s32 $0x5;
	[dreg:$0x14] =	wrdreg s25  }
0x18: {  	s24 =	simm.s32 $0x13FC0;
	s0 =	sadd.s32 s0, s6;
	[dreg:$0x18] =	wrdreg s31  }
0x19: {  	s14 =	sadd.s32 s9, s12;
	s6 =	sadd.s32 s11, s12;
	[dreg:$0x6] =	wrdreg s0  }
0x1a: {  	s21 =	sadd.s32 $0x1600, s3;
	s12 =	simm.s32 $0x11;
	[dreg:$0xb] =	wrdreg s14  }
0x1b: {  	s25 =	simm.s32 $0x2;
	s0 =	sadd.s32 s11, s29;
	[dreg:$0xc] =	wrdreg s6  }
0x1c: {  	[dreg:$0x11] =	wrdreg s21;
	s26 =	sadd.s32 s23, s11;
	s3 =	sadd.s32 s23, s9  }
0x1d: {  	s29 =	sadd.s32 $0x6000, s13;
	s13 =	simm.s32 $0x80;
	[dreg:$0xa] =	wrdreg s0  }
.Ltmp0:
0x1e: {  	s21 =	simm.s32 $0x16440;
	[dreg:$0x19] =	wrdreg s26;
	(pc) =	sbr.rel .LBB2_1-.Ltmp0, $4  }
0x1f: {  	s6 =	simm.s32 $0x4;
	s23 =	simm.s32 $0x13F40;
	[dreg:$0x1a] =	wrdreg s3  }
0x20: {  	s0 =	sadd.s32 s11, s16;
	[dreg:$0x15] =	wrdreg s29;
	s26 =	simm.s32 $0x10  }
0x21: {  	s3 =	simm.s32 $0x0;
	[dreg:$0xe] =	wrdreg s0;
	s0 =	sshrl.u32 s22, $0x3  }
0x22: {  	v0 =	vimm.f32 $0.0e+00;
	s16 =	simm.s32 $0x142C0;
	s22 =	simm.s32 $0x16440;
	[dreg:$0x17] =	wrdreg s0  }
.LBB2_6:
0x23: {  	s0 =	simm.s32 $0x8  }
0x24: {  	_ =	swait.ge [sflag:s0], $0x2000  }
0x25: {  	[sflag:s0] =	ssyncset.done $0x0  }
0x26: {  	[sflag:s0] =	ssyncadd.s32 $0xFFFFE000  }
0x27: {  	[bflag:$0x0] =	sbarrier.arrive $0xFFFF  }
0x28: {  	s29 =	rddreg [dreg:$0x11]  }
0x29: {  	s10 =	rddreg [dreg:$0x17]  }
0x2a: {  	s12 =	simm.s32 $0x11;
	s3 =	rddreg [dreg:$0x1c]  }
0x2b: {  	[hbm:s29], [sflag:s3] =	dma.local [spmem:s10], $0x1400  }
0x2c: {  	_ =	swait.ge [sflag:s12], $0x1400  }
0x2d: {  	s30 =	rddreg [dreg:$0x1b]  }
0x2e: {  	s31 =	rddreg [dreg:$0x12];
	s3 =	sadd.s32 $0x1, s30  }
0x2f: {  	p0 =	sne.s32 s3, s31  }
.Ltmp1:
0x30: {  	_ = 	snop;
	(pc) =	sbr.rel @!p0 .LBB2_7-.Ltmp1, $3  }
0x31: {  	_ =	sdelay $0x1  }
0x32: {  	[sflag:s12] =	ssyncset.done $0x0  }
0x33: {  	s20 =	simm.s32 $0x13E40;
	s28 =	simm.s32 $0x14240;
	[sflag:s12] =	ssyncadd.s32 $0xFFFFEC00  }
.LBB2_1:
0x34: {  	s0 =	sand.u32 $0x7F00, s4  }
0x35: {  	[dreg:$0x1b] =	wrdreg s3;
	s10 =	sand.u32 $0x30, s4;
	s11 =	sshrl.u32 s0, $0x2  }
0x36: {  	s0 =	simm.s32 $0x40;
	s11 =	sor.u32 s10, s11;
	s10 =	simm.s32 $0x0  }
.LBB2_2:
0x37: {  	p0 =	sne.s32 s0, $0x7FC0  }
0x38: {  	[tilespmem:s11+$0x14440] =	vst v0;
	s10 =	sadd.s32 $0x10, s10;
	s11 =	smov.u32 s0;
	s0 =	sadd.s32 $0x40, s0  }
.Ltmp2:
0x39: {  	(pc) =	sbr.rel @p0 .LBB2_2-.Ltmp2, $4  }
0x3a: {  	_ = 	snop  }
0x3b: {  	s11 =	sand.u32 $0x7F00, s11  }
0x3c: {  	s17 =	sand.u32 $0x30, s10;
	s11 =	sshrl.u32 s11, $0x2  }
0x3d: {  	s11 =	sor.u32 s17, s11  }
0x3e: {  	[tilespmem:s11+$0x14440] =	vst v0;
	s0 =	rddreg [dreg:$0x5];
	s11 =	simm.s32 $0x14440  }
0x3f: {  	[spmem:s0] =	stream.linear.scatter [tilespmem:s11], [sflag:$0x11], $0x2000, $0x38;
	[tilespmem:$0x1C440] =	vst v63  }
0x40: {  	_ =	swait.ge [sflag:s12], $0x2000  }
0x41: {  	[sflag:s12] =	ssyncset.done $0x0  }
0x42: {  	s14 =	rddreg [dreg:$0x13];
	[sflag:s12] =	ssyncadd.s32 $0xFFFFE000  }
0x43: {  	[spmem:s14] =	stream.linear.scatter [tilespmem:s11], [sflag:$0x11], $0x2000, $0x38;
	[tilespmem:$0x1C440] =	vst v63  }
0x44: {  	_ =	swait.ge [sflag:s12], $0x2000  }
0x45: {  	[sflag:s12] =	ssyncset.done $0x0  }
0x46: {  	s15 =	rddreg [dreg:$0x14];
	[sflag:s12] =	ssyncadd.s32 $0xFFFFE000  }
0x47: {  	[spmem:s15] =	stream.linear.scatter [tilespmem:s11], [sflag:$0x11], $0x2000, $0x38;
	[tilespmem:$0x1C440] =	vst v63  }
0x48: {  	_ =	swait.ge [sflag:s12], $0x2000  }
0x49: {  	[sflag:s12] =	ssyncset.done $0x0  }
0x4a: {  	s17 =	rddreg [dreg:$0x15];
	[sflag:s12] =	ssyncadd.s32 $0xFFFFE000  }
0x4b: {  	[spmem:s17] =	stream.linear.scatter [tilespmem:s11], [sflag:$0x11], $0x2000, $0x38;
	[tilespmem:$0x1C440] =	vst v63  }
0x4c: {  	s29 =	stileid.u32;
	_ =	swait.ge [sflag:s12], $0x2000  }
0x4d: {  	s0 =	sshll.u32 s29, $0x6;
	[sflag:s12] =	ssyncset.done $0x0  }
0x4e: {  	s3 =	sor.u32 $0x1C11, s0;
	s19 =	rddreg [dreg:$0x18];
	[sflag:s12] =	ssyncadd.s32 $0xFFFFE000  }
0x4f: {  	[spmem:s19] =	stream.linear.scatter [tilespmem:s11], [sflag:$0x11], $0x2000, $0x38;
	[tilespmem:$0x1C440] =	vst v63  }
0x50: {  	_ =	swait.ge [sflag:s12], $0x2000;
	[dreg:$0x1c] =	wrdreg s3  }
0x51: {  	[sflag:s12] =	ssyncset.done $0x0;
	s30 =	rddreg [dreg:$0x6]  }
0x52: {  	s10 =	rddreg [dreg:$0x16];
	[sflag:s12] =	ssyncadd.s32 $0xFFFFE000  }
0x53: {  	[spmem:s10], [sflag:s3] =	dma.local [hbm:s30], $0x1388  }
0x54: {  	_ =	swait.ge [sflag:s12], $0x1388  }
0x55: {  	[sflag:s12] =	ssyncset.done $0x0  }
0x56: {  	[sflag:s12] =	ssyncadd.s32 $0xFFFFEC78  }
0x57: {  	[bflag:$0x0] =	sbarrier.arrive $0xFFFF  }
0x58: {  	s10 =	simm.s32 $0x0;
	s12 =	simm.s32 $0x13C40;
	s31 =	rddreg [dreg:$0x7]  }
0x59: {  	[tilespmem:s12], [sflag:$0x9] =	stream.linear.gather [hbm4b:s31+s10], $0x80, $0x38;
	[tilespmem:$0x1C440] =	vst v63  }
0x5a: {  	s15 =	simm.s32 $0x14040;
	s3 =	rddreg [dreg:$0x8]  }
0x5b: {  	[tilespmem:s15], [sflag:$0x9] =	stream.linear.gather [hbm4b:s3+s10], $0x80, $0x38;
	[tilespmem:$0x1C440] =	vst v63  }
0x5c: {  	s9 =	rddreg [dreg:$0x9];
	s15 =	simm.s32 $0x13CC0  }
0x5d: {  	[tilespmem:s15], [sflag:$0xA] =	stream.linear.gather [hbm4b:s9+s10], $0x80, $0x38;
	[tilespmem:$0x1C440] =	vst v63  }
0x5e: {  	s17 =	simm.s32 $0x140C0;
	s14 =	rddreg [dreg:$0xa]  }
0x5f: {  	[tilespmem:s17], [sflag:$0xA] =	stream.linear.gather [hbm4b:s14+s10], $0x80, $0x38;
	[tilespmem:$0x1C440] =	vst v63  }
0x60: {  	s19 =	rddreg [dreg:$0xb];
	s17 =	simm.s32 $0x13D40  }
0x61: {  	[tilespmem:s17], [sflag:$0xB] =	stream.linear.gather [hbm4b:s19+s10], $0x80, $0x38;
	[tilespmem:$0x1C440] =	vst v63  }
0x62: {  	s29 =	rddreg [dreg:$0xc];
	s19 =	simm.s32 $0x14140  }
0x63: {  	[tilespmem:s19], [sflag:$0xB] =	stream.linear.gather [hbm4b:s29+s10], $0x80, $0x38;
	[tilespmem:$0x1C440] =	vst v63  }
0x64: {  	s30 =	rddreg [dreg:$0xd];
	s31 =	simm.s32 $0x13DC0  }
0x65: {  	[tilespmem:s31], [sflag:$0xC] =	stream.linear.gather [hbm4b:s30+s10], $0x80, $0x38;
	[tilespmem:$0x1C440] =	vst v63  }
0x66: {  	s3 =	rddreg [dreg:$0xe];
	s9 =	simm.s32 $0x141C0  }
0x67: {  	[tilespmem:s9], [sflag:$0xC] =	stream.linear.gather [hbm4b:s3+s10], $0x80, $0x38;
	[tilespmem:$0x1C440] =	vst v63  }
0x68: {  	s14 =	rddreg [dreg:$0xf]  }
0x69: {  	[tilespmem:s20], [sflag:$0xD] =	stream.linear.gather [hbm4b:s14+s10], $0x80, $0x38;
	[tilespmem:$0x1C440] =	vst v63  }
0x6a: {  	s19 =	rddreg [dreg:$0x10];
	s29 =	simm.s32 $0x9  }
0x6b: {  	[tilespmem:s28], [sflag:$0xD] =	stream.linear.gather [hbm4b:s19+s10], $0x80, $0x38;
	[tilespmem:$0x1C440] =	vst v63  }
0x6c: {  	_ =	swait.ge [sflag:s29], $0x80  }
0x6d: {  	[sflag:s29] =	ssyncset.done $0x0  }
0x6e: {  	[sflag:s29] =	ssyncadd.s32 $0xFFFFFF80  }
0x6f: {  	_ =	swait.ge [sflag:s29], $0x80  }
0x70: {  	[sflag:s29] =	ssyncset.done $0x0  }
0x71: {  	s30 =	simm.s32 $0xA;
	[sflag:s29] =	ssyncadd.s32 $0xFFFFFF80  }
0x72: {  	[tilespmem:s11], [sflag:$0x1] =	stream.indirect.gather [spmem:s2], $0x40, s12, s13, $0xb8;
	[tilespmem:$0x1C440] =	vst v63  }
0x73: {  	_ =	swait.ge [sflag:s30], $0x80  }
0x74: {  	[sflag:s30] =	ssyncset.done $0x0  }
0x75: {  	[sflag:s30] =	ssyncadd.s32 $0xFFFFFF80  }
0x76: {  	_ =	swait.ge [sflag:s30], $0x80  }
0x77: {  	[sflag:s30] =	ssyncset.done $0x0  }
0x78: {  	s31 =	simm.s32 $0xB;
	[sflag:s30] =	ssyncadd.s32 $0xFFFFFF80  }
0x79: {  	[tilespmem:s21], [sflag:$0x2] =	stream.indirect.gather [spmem:s2], $0x40, s15, s13, $0xb8;
	[tilespmem:$0x1C440] =	vst v63  }
0x7a: {  	_ =	swait.ge [sflag:s31], $0x80  }
0x7b: {  	[sflag:s31] =	ssyncset.done $0x0  }
0x7c: {  	[sflag:s31] =	ssyncadd.s32 $0xFFFFFF80  }
0x7d: {  	_ =	swait.ge [sflag:s31], $0x80  }
0x7e: {  	[sflag:s31] =	ssyncset.done $0x0  }
0x7f: {  	s21 =	simm.s32 $0x18440;
	[sflag:s31] =	ssyncadd.s32 $0xFFFFFF80  }
0x80: {  	[tilespmem:s21], [sflag:$0x3] =	stream.indirect.gather [spmem:s2], $0x40, s17, s13, $0xb8;
	[tilespmem:$0x1C440] =	vst v63  }
.LBB2_4:
0x81: {  	s30 =	simm.s32 $0x1  }
0x82: {  	_ =	swait.ge [sflag:s30], $0x2000  }
0x83: {  	s12 =	simm.s32 $0x14440;
	[sflag:s30] =	ssyncset.done $0x0  }
0x84: {  	s0 =	simm.s32 $0x14040;
	p0 =	seq.s32 s10, $0x0;
	[sflag:s30] =	ssyncadd.s32 $0xFFFFE000  }
0x85: {  	[spmem:s1] =	stream.indirect.scatter.add.f32 [tilespmem:s12], [sflag:$0x5], $0x40, s0, s13, $0xb8;
	[tilespmem:$0x1C440] =	vst v63  }
0x86: {  	s0 =	simm.s32 @!p0 $0x8  }
0x87: {  	_ =	swait.ge @!p0 [sflag:s0], $0x2000  }
0x88: {  	s15 =	simm.s32 $0x13EC0;
	s14 =	rddreg [dreg:$0x1a]  }
0x89: {  	[sflag:s0] =	ssyncset.done @!p0 $0x0;
	s9 =	rddreg [dreg:$0x19];
	s11 =	sadd.s32 s10, s14  }
0x8a: {  	[sflag:s0] =	ssyncadd.s32 @!p0 $0xFFFFE000;
	s19 =	sadd.s32 s10, s9;
	s29 =	sadd.s32 $0x50, s11  }
0x8b: {  	[tilespmem:s15], [sflag:$0xE] =	stream.linear.gather [hbm4b:s29+s4], $0x80, $0x38;
	[tilespmem:$0x1C440] =	vst v63  }
0x8c: {  	s3 =	simm.s32 $0xC;
	s31 =	sadd.s32 $0x50, s19  }
0x8d: {  	[tilespmem:s16], [sflag:$0xE] =	stream.linear.gather [hbm4b:s31+s4], $0x80, $0x38;
	[tilespmem:$0x1C440] =	vst v63  }
0x8e: {  	_ =	swait.ge [sflag:s3], $0x80  }
0x8f: {  	[sflag:s3] =	ssyncset.done $0x0  }
0x90: {  	[sflag:s3] =	ssyncadd.s32 $0xFFFFFF80  }
0x91: {  	_ =	swait.ge [sflag:s3], $0x80  }
0x92: {  	[sflag:s3] =	ssyncset.done $0x0  }
0x93: {  	s17 =	simm.s32 $0x13DC0;
	[sflag:s3] =	ssyncadd.s32 $0xFFFFFF80  }
0x94: {  	[tilespmem:s18], [sflag:$0x4] =	stream.indirect.gather [spmem:s2], $0x40, s17, s13, $0xb8;
	[tilespmem:$0x1C440] =	vst v63  }
0x95: {  	_ =	swait.ge [sflag:s25], $0x2000  }
0x96: {  	[sflag:s25] =	ssyncset.done $0x0  }
0x97: {  	s29 =	simm.s32 $0x140C0;
	[sflag:s25] =	ssyncadd.s32 $0xFFFFE000  }
0x98: {  	[spmem:s1] =	stream.indirect.scatter.add.f32 [tilespmem:s22], [sflag:$0x6], $0x40, s29, s13, $0xb8;
	[tilespmem:$0x1C440] =	vst v63  }
0x99: {  	_ =	swait.ge [sflag:s5], $0x2000  }
0x9a: {  	[sflag:s5] =	ssyncset.done $0x0  }
0x9b: {  	s31 =	sadd.s32 $0x60, s11;
	[sflag:s5] =	ssyncadd.s32 $0xFFFFE000  }
0x9c: {  	[tilespmem:s23], [sflag:$0xF] =	stream.linear.gather [hbm4b:s31+s4], $0x80, $0x38;
	[tilespmem:$0x1C440] =	vst v63  }
0x9d: {  	s3 =	sadd.s32 $0x60, s19;
	s17 =	simm.s32 $0x14340  }
0x9e: {  	[tilespmem:s17], [sflag:$0xF] =	stream.linear.gather [hbm4b:s3+s4], $0x80, $0x38;
	[tilespmem:$0x1C440] =	vst v63  }
0x9f: {  	s17 =	simm.s32 $0xD  }
0xa0: {  	_ =	swait.ge [sflag:s17], $0x80  }
0xa1: {  	[sflag:s17] =	ssyncset.done $0x0  }
0xa2: {  	[sflag:s17] =	ssyncadd.s32 $0xFFFFFF80  }
0xa3: {  	_ =	swait.ge [sflag:s17], $0x80  }
0xa4: {  	[sflag:s17] =	ssyncset.done $0x0  }
0xa5: {  	[sflag:s17] =	ssyncadd.s32 $0xFFFFFF80  }
0xa6: {  	[tilespmem:s12], [sflag:$0x1] =	stream.indirect.gather [spmem:s2], $0x40, s20, s13, $0xb8;
	[tilespmem:$0x1C440] =	vst v63  }
0xa7: {  	s20 =	simm.s32 $0x3  }
0xa8: {  	_ =	swait.ge [sflag:s20], $0x2000  }
0xa9: {  	[sflag:s20] =	ssyncset.done $0x0  }
0xaa: {  	s29 =	simm.s32 $0x14140;
	s31 =	simm.s32 $0x6;
	[sflag:s20] =	ssyncadd.s32 $0xFFFFE000  }
0xab: {  	[spmem:s1] =	stream.indirect.scatter.add.f32 [tilespmem:s21], [sflag:$0x7], $0x40, s29, s13, $0xb8;
	[tilespmem:$0x1C440] =	vst v63  }
0xac: {  	_ =	swait.ge [sflag:s31], $0x2000  }
0xad: {  	[sflag:s31] =	ssyncset.done $0x0  }
0xae: {  	s3 =	sadd.s32 $0x70, s11;
	[sflag:s31] =	ssyncadd.s32 $0xFFFFE000  }
0xaf: {  	[tilespmem:s24], [sflag:$0x10] =	stream.linear.gather [hbm4b:s3+s4], $0x80, $0x38;
	[tilespmem:$0x1C440] =	vst v63  }
0xb0: {  	s17 =	sadd.s32 $0x70, s19;
	s20 =	simm.s32 $0xE;
	s3 =	simm.s32 $0x143C0  }
0xb1: {  	[tilespmem:s3], [sflag:$0x10] =	stream.linear.gather [hbm4b:s17+s4], $0x80, $0x38;
	[tilespmem:$0x1C440] =	vst v63  }
0xb2: {  	_ =	swait.ge [sflag:s20], $0x80  }
0xb3: {  	[sflag:s20] =	ssyncset.done $0x0  }
0xb4: {  	[sflag:s20] =	ssyncadd.s32 $0xFFFFFF80  }
0xb5: {  	_ =	swait.ge [sflag:s20], $0x80  }
0xb6: {  	[sflag:s20] =	ssyncset.done $0x0  }
0xb7: {  	[sflag:s20] =	ssyncadd.s32 $0xFFFFFF80  }
0xb8: {  	[tilespmem:s22], [sflag:$0x2] =	stream.indirect.gather [spmem:s2], $0x40, s15, s13, $0xb8;
	[tilespmem:$0x1C440] =	vst v63  }
0xb9: {  	_ =	swait.ge [sflag:s6], $0x2000  }
0xba: {  	[sflag:s6] =	ssyncset.done $0x0  }
0xbb: {  	s29 =	simm.s32 $0x141C0;
	[sflag:s6] =	ssyncadd.s32 $0xFFFFE000  }
0xbc: {  	[spmem:s1] =	stream.indirect.scatter.add.f32 [tilespmem:s18], [sflag:$0x8], $0x40, s29, s13, $0xb8;
	[tilespmem:$0x1C440] =	vst v63  }
0xbd: {  	p0 =	seq.s32 s10, $0x980;
	_ =	swait.ge [sflag:s7], $0x2000  }
0xbe: {  	s0 =	sadd.s32 @!p0 s10, s14;
	s17 =	simm.s32 @!p0 $0x13C40;
	[sflag:s7] =	ssyncset.done $0x0  }
0xbf: {  	s20 =	simm.s32 @!p0 $0x0;
	s29 =	sadd.s32 @!p0 $0x80, s0;
	[sflag:s7] =	ssyncadd.s32 $0xFFFFE000  }
0xc0: {  	[tilespmem:s17], [sflag:$0x9] =	stream.linear.gather @!p0 [hbm4b:s29+s20], $0x80, $0x38;
	[tilespmem:$0x1C440] =	vst v63  }
0xc1: {  	s29 =	sadd.s32 @!p0 s10, s9  }
0xc2: {  	s15 =	simm.s32 @!p0 $0x14040;
	s31 =	sadd.s32 @!p0 $0x80, s29  }
0xc3: {  	[tilespmem:s15], [sflag:$0x9] =	stream.linear.gather @!p0 [hbm4b:s31+s20], $0x80, $0x38;
	[tilespmem:$0x1C440] =	vst v63  }
0xc4: {  	_ =	swait.ge [sflag:s8], $0x80  }
0xc5: {  	[sflag:s8] =	ssyncset.done $0x0  }
0xc6: {  	[sflag:s8] =	ssyncadd.s32 $0xFFFFFF80  }
0xc7: {  	_ =	swait.ge [sflag:s8], $0x80  }
0xc8: {  	[sflag:s8] =	ssyncset.done $0x0  }
0xc9: {  	[sflag:s8] =	ssyncadd.s32 $0xFFFFFF80  }
0xca: {  	[tilespmem:s21], [sflag:$0x3] =	stream.indirect.gather [spmem:s2], $0x40, s23, s13, $0xb8;
	[tilespmem:$0x1C440] =	vst v63  }
0xcb: {  	_ =	swait.ge [sflag:s30], $0x2000  }
0xcc: {  	[sflag:s30] =	ssyncset.done $0x0  }
0xcd: {  	s31 =	simm.s32 $0x8;
	[sflag:s30] =	ssyncadd.s32 $0xFFFFE000  }
0xce: {  	[spmem:s1] =	stream.indirect.scatter.add.f32 [tilespmem:s12], [sflag:$0x5], $0x40, s28, s13, $0xb8;
	[tilespmem:$0x1C440] =	vst v63  }
0xcf: {  	_ =	swait.ge [sflag:s31], $0x2000  }
0xd0: {  	[sflag:s31] =	ssyncset.done $0x0  }
0xd1: {  	s15 =	sadd.s32 @!p0 $0x90, s0;
	[sflag:s31] =	ssyncadd.s32 $0xFFFFE000;
	s31 =	simm.s32 @!p0 $0x13CC0  }
0xd2: {  	[tilespmem:s31], [sflag:$0xA] =	stream.linear.gather @!p0 [hbm4b:s15+s20], $0x80, $0x38;
	[tilespmem:$0x1C440] =	vst v63  }
0xd3: {  	s28 =	simm.s32 @!p0 $0x140C0;
	s15 =	sadd.s32 @!p0 $0x90, s29  }
0xd4: {  	[tilespmem:s28], [sflag:$0xA] =	stream.linear.gather @!p0 [hbm4b:s15+s20], $0x80, $0x38;
	[tilespmem:$0x1C440] =	vst v63  }
0xd5: {  	_ =	swait.ge [sflag:s26], $0x80  }
0xd6: {  	[sflag:s26] =	ssyncset.done $0x0  }
0xd7: {  	[sflag:s26] =	ssyncadd.s32 $0xFFFFFF80  }
0xd8: {  	_ =	swait.ge [sflag:s26], $0x80  }
0xd9: {  	[sflag:s26] =	ssyncset.done $0x0  }
0xda: {  	[sflag:s26] =	ssyncadd.s32 $0xFFFFFF80  }
0xdb: {  	[tilespmem:s18], [sflag:$0x4] =	stream.indirect.gather [spmem:s2], $0x40, s24, s13, $0xb8;
	[tilespmem:$0x1C440] =	vst v63  }
0xdc: {  	_ =	swait.ge [sflag:s25], $0x2000  }
0xdd: {  	[sflag:s25] =	ssyncset.done $0x0  }
0xde: {  	[sflag:s25] =	ssyncadd.s32 $0xFFFFE000  }
0xdf: {  	[spmem:s1] =	stream.indirect.scatter.add.f32 [tilespmem:s22], [sflag:$0x6], $0x40, s16, s13, $0xb8;
	[tilespmem:$0x1C440] =	vst v63  }
0xe0: {  	_ =	swait.ge [sflag:s5], $0x2000  }
0xe1: {  	[sflag:s5] =	ssyncset.done $0x0  }
0xe2: {  	s15 =	simm.s32 @p0 $0x3;
	[sflag:s5] =	ssyncadd.s32 $0xFFFFE000  }
0xe3: {  	_ =	swait.ge @p0 [sflag:s15], $0x2000  }
0xe4: {  	s12 =	simm.s32 @p0 $0x18440;
	[sflag:s15] =	ssyncset.done @p0 $0x0  }
0xe5: {  	s28 =	simm.s32 @p0 $0x14340;
	[sflag:s15] =	ssyncadd.s32 @p0 $0xFFFFE000;
	s15 =	simm.s32 @p0 $0x80  }
0xe6: {  	[spmem:s1] =	stream.indirect.scatter.add.f32 @p0 [tilespmem:s12], [sflag:$0x7], $0x40, s28, s15, $0xb8;
	[tilespmem:$0x1C440] =	vst v63  }
0xe7: {  	s12 =	simm.s32 @p0 $0x6  }
0xe8: {  	_ =	swait.ge @p0 [sflag:s12], $0x2000  }
0xe9: {  	[sflag:s12] =	ssyncset.done @p0 $0x0  }
0xea: {  	s15 =	simm.s32 @!p0 $0x13D40;
	[sflag:s12] =	ssyncadd.s32 @p0 $0xFFFFE000;
	s12 =	sadd.s32 @!p0 $0xA0, s0  }
0xeb: {  	[tilespmem:s15], [sflag:$0xB] =	stream.linear.gather @!p0 [hbm4b:s12+s20], $0x80, $0x38;
	[tilespmem:$0x1C440] =	vst v63  }
0xec: {  	s12 =	sadd.s32 @!p0 $0xA0, s29;
	s15 =	simm.s32 @!p0 $0x14140  }
0xed: {  	[tilespmem:s15], [sflag:$0xB] =	stream.linear.gather @!p0 [hbm4b:s12+s20], $0x80, $0x38;
	[tilespmem:$0x1C440] =	vst v63  }
0xee: {  	s12 =	simm.s32 @!p0 $0x9  }
0xef: {  	_ =	swait.ge @!p0 [sflag:s12], $0x80  }
0xf0: {  	[sflag:s12] =	ssyncset.done @!p0 $0x0  }
0xf1: {  	[sflag:s12] =	ssyncadd.s32 @!p0 $0xFFFFFF80  }
0xf2: {  	_ =	swait.ge @!p0 [sflag:s12], $0x80  }
0xf3: {  	[sflag:s12] =	ssyncset.done @!p0 $0x0  }
0xf4: {  	s15 =	simm.s32 @!p0 $0x14440;
	[sflag:s12] =	ssyncadd.s32 @!p0 $0xFFFFFF80;
	s12 =	simm.s32 @!p0 $0x80  }
0xf5: {  	[tilespmem:s15], [sflag:$0x1] =	stream.indirect.gather @!p0 [spmem:s2], $0x40, s17, s12, $0xb8;
	[tilespmem:$0x1C440] =	vst v63  }
0xf6: {  	s15 =	simm.s32 @!p0 $0x3  }
0xf7: {  	_ =	swait.ge @!p0 [sflag:s15], $0x2000  }
0xf8: {  	[sflag:s15] =	ssyncset.done @!p0 $0x0  }
0xf9: {  	s17 =	simm.s32 @!p0 $0x18440;
	[sflag:s15] =	ssyncadd.s32 @!p0 $0xFFFFE000;
	s15 =	simm.s32 @!p0 $0x14340  }
0xfa: {  	[spmem:s1] =	stream.indirect.scatter.add.f32 @!p0 [tilespmem:s17], [sflag:$0x7], $0x40, s15, s12, $0xb8;
	[tilespmem:$0x1C440] =	vst v63  }
0xfb: {  	s15 =	simm.s32 @!p0 $0x6  }
0xfc: {  	_ =	swait.ge @!p0 [sflag:s15], $0x2000  }
0xfd: {  	[sflag:s15] =	ssyncset.done @!p0 $0x0  }
0xfe: {  	s0 =	sadd.s32 @!p0 $0xB0, s0;
	[sflag:s15] =	ssyncadd.s32 @!p0 $0xFFFFE000;
	s15 =	simm.s32 @!p0 $0x13DC0  }
0xff: {  	[tilespmem:s15], [sflag:$0xC] =	stream.linear.gather @!p0 [hbm4b:s0+s20], $0x80, $0x38;
	[tilespmem:$0x1C440] =	vst v63  }
0x100: {  	s0 =	sadd.s32 @!p0 $0xB0, s29;
	s15 =	simm.s32 @!p0 $0x141C0  }
0x101: {  	[tilespmem:s15], [sflag:$0xC] =	stream.linear.gather @!p0 [hbm4b:s0+s20], $0x80, $0x38;
	[tilespmem:$0x1C440] =	vst v63  }
0x102: {  	s0 =	simm.s32 @!p0 $0xA  }
0x103: {  	_ =	swait.ge @!p0 [sflag:s0], $0x80  }
0x104: {  	[sflag:s0] =	ssyncset.done @!p0 $0x0  }
0x105: {  	[sflag:s0] =	ssyncadd.s32 @!p0 $0xFFFFFF80  }
0x106: {  	_ =	swait.ge @!p0 [sflag:s0], $0x80  }
0x107: {  	[sflag:s0] =	ssyncset.done @!p0 $0x0  }
0x108: {  	[sflag:s0] =	ssyncadd.s32 @!p0 $0xFFFFFF80;
	s0 =	simm.s32 @!p0 $0x16440  }
0x109: {  	[tilespmem:s0], [sflag:$0x2] =	stream.indirect.gather @!p0 [spmem:s2], $0x40, s31, s12, $0xb8;
	[tilespmem:$0x1C440] =	vst v63  }
0x10a: {  	_ =	swait.ge [sflag:s6], $0x2000  }
0x10b: {  	[sflag:s6] =	ssyncset.done $0x0  }
.Ltmp3:
0x10c: {  	[sflag:s6] =	ssyncadd.s32 $0xFFFFE000;
	(pc) =	sbr.rel @p0 .LBB2_6-.Ltmp3, $4  }
0x10d: {  	[spmem:s1] =	stream.indirect.scatter.add.f32 [tilespmem:s18], [sflag:$0x8], $0x40, s3, s13, $0xb8;
	[tilespmem:$0x1C440] =	vst v63  }
0x10e: {  	_ =	swait.ge [sflag:s7], $0x2000  }
0x10f: {  	s14 =	simm.s32 $0x13E40;
	s9 =	simm.s32 $0x14240;
	[sflag:s7] =	ssyncset.done $0x0  }
0x110: {  	s21 =	simm.s32 $0x16440;
	s30 =	simm.s32 $0x18440;
	[sflag:s7] =	ssyncadd.s32 $0xFFFFE000  }
0x111: {  	s0 =	sadd.s32 $0xC0, s11  }
0x112: {  	[tilespmem:s14], [sflag:$0xD] =	stream.linear.gather [hbm4b:s0+s4], $0x80, $0x38;
	[tilespmem:$0x1C440] =	vst v63  }
0x113: {  	s21 =	sadd.s32 $0xC0, s19;
	s29 =	simm.s32 $0xB  }
0x114: {  	[tilespmem:s9], [sflag:$0xD] =	stream.linear.gather [hbm4b:s21+s4], $0x80, $0x38;
	[tilespmem:$0x1C440] =	vst v63  }
0x115: {  	_ =	swait.ge [sflag:s29], $0x80  }
0x116: {  	[sflag:s29] =	ssyncset.done $0x0  }
.Ltmp4:
0x117: {  	[sflag:s29] =	ssyncadd.s32 $0xFFFFFF80;
	(pc) =	sbr.rel .LBB2_4-.Ltmp4, $4  }
0x118: {  	s31 =	simm.s32 $0x13D40;
	_ =	swait.ge [sflag:s29], $0x80  }
0x119: {  	s10 =	sadd.s32 $0x80, s10;
	s20 =	simm.s32 $0x13E40;
	[sflag:s29] =	ssyncset.done $0x0  }
0x11a: {  	s28 =	simm.s32 $0x14240;
	s21 =	simm.s32 $0x18440;
	[sflag:s29] =	ssyncadd.s32 $0xFFFFFF80  }
0x11b: {  	[tilespmem:s30], [sflag:$0x3] =	stream.indirect.gather [spmem:s2], $0x40, s31, s13, $0xb8;
	[tilespmem:$0x1C440] =	vst v63  }
.LBB2_7:
0x11c: {  	_ =	sfence.sel $0x180000  }
0x11d: {  	[bflag:$0x0] =	sbarrier.arrive $0xFFFF  }
0x11e: {  	_ =	strace $0x9000004A  }
0x11f: {  	s0 =	stileid.u32;
	[bflag:$0x2] =	sbarrier.arrive $0xFFFF  }
0x120: {  	p0 =	sne.s32 s0, $0x0;
	s0 =	rddreg [dreg:$0x4]  }
0x121: {  	s0 =	sadd.s32 @!p0 $0x100000, s0  }
0x122: {  	[sflag:s0] =	ssyncadd.tile.s32 @!p0 $0x1;
	_ =	shalt  }
.Lfunc_end2:
_tile_overlayer_lowered:
.L_overlay_start_2:
0x123: {  	(tag) =	ssettag $0x2  }
0x124: {  	s0 =	rddreg [dreg:$0x0];
	s2 =	stileid.u32  }
0x125: {  	s1 =	rddreg [dreg:$0x1];
	p0 =	sne.s32 s2, $0x0  }
0x126: {  	s3 =	rddreg [dreg:$0x2];
	[bflag:$0x3] =	sbarrier.arrive $0xFFFF;
	s2 =	simm.s32 @!p0 $0x1C11  }
0x127: {  	[timem:s3], [sflag:s2] =	dma.local @!p0 [hbm:s0], s1  }
0x128: {  	s0 =	simm.s32 @!p0 $0x11  }
0x129: {  	_ =	swait.ge @!p0 [sflag:s0], s1  }
0x12a: {  	s1 =	ssub.s32 @!p0 $0x0, s1;
	[sflag:s0] =	ssyncset.done @!p0 $0x0  }
0x12b: {  	[sflag:s0] =	ssyncadd.s32 @!p0 s1  }
0x12c: {  	[bflag:$0x3] =	sbarrier.arrive $0xFFFF  }
0x12d: {  	_ =	shalt  }

</sc_bundles>
